<compile_context>
chip_gen: v7x
topology: tpu7x:2x2x1
jax: 0.10.2.dev20260603
libtpu: 0.0.44.dev20260713+nightly
codegen_flags: <defaults>
</compile_context>

<pallas_src>
import functools

import jax
import jax.numpy as jnp
from jax import lax
from jax.experimental import pallas as pl
from jax.experimental.pallas import tpu as pltpu
from jax.experimental.pallas import tpu_sc as plsc

B = 16384
N_COND = 4
SUB = 32
D = SUB * N_COND
CD = 512
VOCAB = 1000000

NC, NS = 2, 16
NW = NC * NS
BPW = B // NW

GR = 2
NSLOT = N_COND * GR
NG = BPW // GR
HROWS = 128


@functools.cache
def _build_gather_sc():
    mesh = plsc.VectorSubcoreMesh(core_axis_name="c", subcore_axis_name="s")

    @functools.partial(
        pl.kernel,
        mesh=mesh,
        compiler_params=pltpu.CompilerParams(needs_layout_passes=False),
        out_type=jax.ShapeDtypeStruct((B, D), jnp.float32),
        scratch_types=[
            pltpu.VMEM((BPW + 16,), jnp.int32),
            pltpu.VMEM((BPW + 16,), jnp.int32),
            pltpu.VMEM((BPW + 16,), jnp.int32),
            pltpu.VMEM((BPW + 16,), jnp.int32),
            pltpu.VMEM((NSLOT, SUB, 128), jnp.float32),
            pltpu.VMEM((NSLOT, SUB, 128), jnp.float32),
            pltpu.VMEM((NSLOT, SUB, 128), jnp.float32),
            pltpu.VMEM((HROWS, D), jnp.float32),
            pltpu.SemaphoreType.DMA,
            pltpu.SemaphoreType.DMA,
            pltpu.SemaphoreType.DMA,
        ],
    )
    def _gather_sc(i0, i1, i2, i3, e0, e1, e2, e3, out,
                   v0, v1, v2, v3, ring0, ring1, ring2, h,
                   sem0, sem1, sem2):
        wid = lax.axis_index("s") * NC + lax.axis_index("c")
        base = wid * BPW
        idx_v = (v0, v1, v2, v3)
        tables = (e0, e1, e2, e3)
        rings = (ring0, ring1, ring2)
        sems = (sem0, sem1, sem2)
        idx_hbm = (i0, i1, i2, i3)
        lanes = lax.iota(jnp.int32, 16)
        idx_cps = [
            pltpu.async_copy(idx_hbm[f].at[pl.ds(base, BPW)],
                             idx_v[f].at[pl.ds(0, BPW)], sem0)
            for f in range(N_COND)
        ]
        for cp in idx_cps:
            cp.wait()

        def issue(g, p):
            for f in range(N_COND):
                vec = idx_v[f][pl.ds(g * GR, 16)]
                for bb in range(GR):
                    idx = vec[bb]
                    col0 = pl.multiple_of(jnp.bitwise_and(idx, -128), 128)
                    pltpu.async_copy(
                        tables[f].at[:, pl.ds(col0, 128)],
                        rings[p].at[f * GR + bb], sems[p])

        def drain(p):
            for _ in range(NSLOT):
                pltpu.make_async_copy(
                    tables[0].at[:, pl.ds(0, 128)], rings[p].at[0],
                    sems[p]).wait()

        def extract(g, p):
            for f in range(N_COND):
                vec = idx_v[f][pl.ds(g * GR, 16)]
                for bb in range(GR):
                    r = g * GR + bb
                    lane = jnp.full((16,), jnp.bitwise_and(vec[bb], 127),
                                    jnp.int32)
                    slot = f * GR + bb
                    lo = plsc.load_gather(rings[p].at[slot], [lanes, lane])
                    hi = plsc.load_gather(rings[p].at[slot],
                                          [lanes + 16, lane])
                    hr = jnp.bitwise_and(r, HROWS - 1)
                    h[hr, pl.ds(f * SUB, 16)] = lo
                    h[hr, pl.ds(f * SUB + 16, 16)] = hi

        def flush_after(g):
            @pl.when(jnp.bitwise_and(g, HROWS // GR - 1) == HROWS // GR - 1)
            def _():
                row0 = pl.multiple_of(base + (GR * (g + 1) - HROWS), HROWS)
                pltpu.sync_copy(h, out.at[pl.ds(row0, HROWS), :])

        def step(g, p):
            drain(p)
            extract(g, p)
            flush_after(g)

            @pl.when(g + 3 < NG)
            def _():
                issue(g + 3, p)

        issue(0, 0)
        issue(1, 1)
        issue(2, 2)

        def tri_body(i, carry):
            g = 3 * i
            step(g, 0)
            step(g + 1, 1)
            step(g + 2, 2)
            return carry

        lax.fori_loop(0, NG // 3, tri_body, 0)
        drain(0)
        extract(NG - 1, 0)
        flush_after(NG - 1)

    return _gather_sc


def _mlp_body(h_ref, w_ref, b_ref, o_ref):
    y = jnp.dot(h_ref[...], w_ref[...], preferred_element_type=jnp.float32)
    y = y + b_ref[...]
    o_ref[...] = y * jax.nn.sigmoid(y)


_MLP_BLK = 4096

_mlp = pl.pallas_call(
    _mlp_body,
    grid=(B // _MLP_BLK,),
    in_specs=[
        pl.BlockSpec((_MLP_BLK, D), lambda i: (i, 0)),
        pl.BlockSpec((D, CD), lambda i: (0, 0)),
        pl.BlockSpec((1, CD), lambda i: (0, 0)),
    ],
    out_specs=pl.BlockSpec((_MLP_BLK, CD), lambda i: (i, 0)),
    out_shape=jax.ShapeDtypeStruct((B, CD), jnp.float32),
)


def kernel(cond, E0, E1, E2, E3, W, b):
    cond = cond.astype(jnp.int32)
    h = _build_gather_sc()(
        cond[:, 0], cond[:, 1], cond[:, 2], cond[:, 3],
        E0.T, E1.T, E2.T, E3.T)
    return _mlp(h, W, b.reshape(1, CD))

# --- scband reference (transcript-rebuilt; emitter-appended) ---
"""Pipeline reference for scband-integer-condition-embed-32976758898779 (READ-ONLY COPY).

The authoritative reference and input builder live on the scoring server;
editing this copy changes nothing except your own understanding.
"""

import jax, jax.numpy as jnp
import numpy as np

BATCH = 16384
N_COND = 4
VOCAB = 1000000
SUB_DIM = 32   # (512 // 4) rounded to multiple of n_cond, then / n_cond -> 128/4 = 32
DIM = SUB_DIM * N_COND      # 128
COND_DIM = DIM * 4          # 512


def setup_inputs(seed: int = 0) -> dict:
    key = jax.random.key(seed)
    k_idx, k0, k1, k2, k3, kw, kb = jax.random.split(key, 7)
    cond = jax.random.randint(k_idx, (BATCH, N_COND), 0, VOCAB, dtype=jnp.int64)
    E0 = jax.random.normal(k0, (VOCAB, SUB_DIM), dtype=jnp.float32) * 0.02
    E1 = jax.random.normal(k1, (VOCAB, SUB_DIM), dtype=jnp.float32) * 0.02
    E2 = jax.random.normal(k2, (VOCAB, SUB_DIM), dtype=jnp.float32) * 0.02
    E3 = jax.random.normal(k3, (VOCAB, SUB_DIM), dtype=jnp.float32) * 0.02
    W = jax.random.normal(kw, (DIM, COND_DIM), dtype=jnp.float32) * (1.0 / np.sqrt(DIM))
    b = jnp.zeros((COND_DIM,), dtype=jnp.float32)
    return {"cond": cond, "E0": E0, "E1": E1, "E2": E2, "E3": E3, "W": W, "b": b}


def reference(cond, E0, E1, E2, E3, W, b):
    # cond: int64[B, n_cond]; per-field embedding lookup then concat
    tables = [E0, E1, E2, E3]
    parts = [jnp.take(tables[i], cond[:, i], axis=0) for i in range(N_COND)]
    h = jnp.concatenate(parts, axis=-1)        # [B, DIM]
    # mlp: Linear(dim, cond_dim) + SiLU
    y = h @ W + b                              # [B, COND_DIM]
    return y * jax.nn.sigmoid(y)

if __name__ == "__main__":
    import jax
    _d = setup_inputs()
    print(jax.jit(kernel)(*tuple(_d.values())))

</pallas_src>

<mosaic_0001>
#map = affine_map<(d0, d1) -> (0)>
#map1 = affine_map<(d0, d1) -> (0, 0)>
module attributes {stable_mosaic.version = 14 : i64} {
  func.func @_gather_sc(%arg0: i32, %arg1: i32, %arg2: memref<16384xi32, #tpu.memory_space<hbm>>, %arg3: memref<16384xi32, #tpu.memory_space<hbm>>, %arg4: memref<16384xi32, #tpu.memory_space<hbm>>, %arg5: memref<16384xi32, #tpu.memory_space<hbm>>, %arg6: memref<32x1000000xf32, #tpu.memory_space<hbm>>, %arg7: memref<32x1000000xf32, #tpu.memory_space<hbm>>, %arg8: memref<32x1000000xf32, #tpu.memory_space<hbm>>, %arg9: memref<32x1000000xf32, #tpu.memory_space<hbm>>, %arg10: memref<16384x128xf32, #tpu.memory_space<hbm>>, %arg11: memref<528xi32, #tpu.memory_space<vmem>>, %arg12: memref<528xi32, #tpu.memory_space<vmem>>, %arg13: memref<528xi32, #tpu.memory_space<vmem>>, %arg14: memref<528xi32, #tpu.memory_space<vmem>>, %arg15: memref<8x32x128xf32, #tpu.memory_space<vmem>>, %arg16: memref<8x32x128xf32, #tpu.memory_space<vmem>>, %arg17: memref<8x32x128xf32, #tpu.memory_space<vmem>>, %arg18: memref<128x128xf32, #tpu.memory_space<vmem>>, %arg19: memref<!tpu.dma_semaphore, #tpu.memory_space<semaphore_mem>>, %arg20: memref<!tpu.dma_semaphore, #tpu.memory_space<semaphore_mem>>, %arg21: memref<!tpu.dma_semaphore, #tpu.memory_space<semaphore_mem>>) attributes {dimension_semantics = [#tpu.dimension_semantics<core_parallel>, #tpu.dimension_semantics<subcore_parallel>], iteration_bounds = array<i64: 2, 16>, scalar_prefetch = 0 : i64, scratch_operands = 11 : i64, tpu.core_type = #tpu.core_type<sc_vector_subcore>, window_params = [{transform_indices = #map}, {transform_indices = #map}, {transform_indices = #map}, {transform_indices = #map}, {transform_indices = #map1}, {transform_indices = #map1}, {transform_indices = #map1}, {transform_indices = #map1}, {transform_indices = #map1}]} {
    %mul3A = arith.constant 2 : i32
    %mul3A_0 = arith.muli %arg1, %mul3A : i32
    %add3A = arith.addi %mul3A_0, %arg0 : i32
    %mul3A_1 = arith.constant 512 : i32
    %mul3A_2 = arith.muli %add3A, %mul3A_1 : i32
    %iota3A = tpu.iota {dimensions = array<i32: 0>} : vector<16xi32>
    %dma_start3A = arith.constant 0 : i32
    %dma_start3A_3 = tpu.memref_slice %arg11[%dma_start3A] : memref<528xi32, #tpu.memory_space<vmem>> -> memref<512xi32, #tpu.memory_space<vmem>>
    %dma_start3A_4 = tpu.memref_slice %arg2[%mul3A_2] : memref<16384xi32, #tpu.memory_space<hbm>> -> memref<512xi32, #tpu.memory_space<hbm>>
    %dma_start3A_5 = arith.constant 0 : i32
    %dma_start3A_6 = tpu.memref_slice %arg11[%dma_start3A_5] : memref<528xi32, #tpu.memory_space<vmem>> -> memref<512xi32, #tpu.memory_space<vmem>>
    %dma_start3A_7 = tpu.memref_slice %arg2[%mul3A_2] : memref<16384xi32, #tpu.memory_space<hbm>> -> memref<512xi32, #tpu.memory_space<hbm>>
    tpu.enqueue_dma source(%dma_start3A_7 : memref<512xi32, #tpu.memory_space<hbm>>) target(%dma_start3A_6 : memref<512xi32, #tpu.memory_space<vmem>>) target_semaphore(%arg19 : memref<!tpu.dma_semaphore, #tpu.memory_space<semaphore_mem>>)
    %dma_start3A_8 = arith.constant 0 : i32
    %dma_start3A_9 = tpu.memref_slice %arg12[%dma_start3A_8] : memref<528xi32, #tpu.memory_space<vmem>> -> memref<512xi32, #tpu.memory_space<vmem>>
    %dma_start3A_10 = tpu.memref_slice %arg3[%mul3A_2] : memref<16384xi32, #tpu.memory_space<hbm>> -> memref<512xi32, #tpu.memory_space<hbm>>
    %dma_start3A_11 = arith.constant 0 : i32
    %dma_start3A_12 = tpu.memref_slice %arg12[%dma_start3A_11] : memref<528xi32, #tpu.memory_space<vmem>> -> memref<512xi32, #tpu.memory_space<vmem>>
    %dma_start3A_13 = tpu.memref_slice %arg3[%mul3A_2] : memref<16384xi32, #tpu.memory_space<hbm>> -> memref<512xi32, #tpu.memory_space<hbm>>
    tpu.enqueue_dma source(%dma_start3A_13 : memref<512xi32, #tpu.memory_space<hbm>>) target(%dma_start3A_12 : memref<512xi32, #tpu.memory_space<vmem>>) target_semaphore(%arg19 : memref<!tpu.dma_semaphore, #tpu.memory_space<semaphore_mem>>)
    %dma_start3A_14 = arith.constant 0 : i32
    %dma_start3A_15 = tpu.memref_slice %arg13[%dma_start3A_14] : memref<528xi32, #tpu.memory_space<vmem>> -> memref<512xi32, #tpu.memory_space<vmem>>
    %dma_start3A_16 = tpu.memref_slice %arg4[%mul3A_2] : memref<16384xi32, #tpu.memory_space<hbm>> -> memref<512xi32, #tpu.memory_space<hbm>>
    %dma_start3A_17 = arith.constant 0 : i32
    %dma_start3A_18 = tpu.memref_slice %arg13[%dma_start3A_17] : memref<528xi32, #tpu.memory_space<vmem>> -> memref<512xi32, #tpu.memory_space<vmem>>
    %dma_start3A_19 = tpu.memref_slice %arg4[%mul3A_2] : memref<16384xi32, #tpu.memory_space<hbm>> -> memref<512xi32, #tpu.memory_space<hbm>>
    tpu.enqueue_dma source(%dma_start3A_19 : memref<512xi32, #tpu.memory_space<hbm>>) target(%dma_start3A_18 : memref<512xi32, #tpu.memory_space<vmem>>) target_semaphore(%arg19 : memref<!tpu.dma_semaphore, #tpu.memory_space<semaphore_mem>>)
    %dma_start3A_20 = arith.constant 0 : i32
    %dma_start3A_21 = tpu.memref_slice %arg14[%dma_start3A_20] : memref<528xi32, #tpu.memory_space<vmem>> -> memref<512xi32, #tpu.memory_space<vmem>>
    %dma_start3A_22 = tpu.memref_slice %arg5[%mul3A_2] : memref<16384xi32, #tpu.memory_space<hbm>> -> memref<512xi32, #tpu.memory_space<hbm>>
    %dma_start3A_23 = arith.constant 0 : i32
    %dma_start3A_24 = tpu.memref_slice %arg14[%dma_start3A_23] : memref<528xi32, #tpu.memory_space<vmem>> -> memref<512xi32, #tpu.memory_space<vmem>>
    %dma_start3A_25 = tpu.memref_slice %arg5[%mul3A_2] : memref<16384xi32, #tpu.memory_space<hbm>> -> memref<512xi32, #tpu.memory_space<hbm>>
    tpu.enqueue_dma source(%dma_start3A_25 : memref<512xi32, #tpu.memory_space<hbm>>) target(%dma_start3A_24 : memref<512xi32, #tpu.memory_space<vmem>>) target_semaphore(%arg19 : memref<!tpu.dma_semaphore, #tpu.memory_space<semaphore_mem>>)
    %dma_wait3A = arith.constant 0 : i32
    %dma_wait3A_26 = tpu.memref_slice %arg11[%dma_wait3A] : memref<528xi32, #tpu.memory_space<vmem>> -> memref<512xi32, #tpu.memory_space<vmem>>
    %dma_wait3A_27 = tpu.memref_slice %arg2[%mul3A_2] : memref<16384xi32, #tpu.memory_space<hbm>> -> memref<512xi32, #tpu.memory_space<hbm>>
    %dma_wait3A_28 = arith.constant 0 : i32
    %dma_wait3A_29 = tpu.memref_slice %arg11[%dma_wait3A_28] : memref<528xi32, #tpu.memory_space<vmem>> -> memref<512xi32, #tpu.memory_space<vmem>>
    %dma_wait3A_30 = tpu.memref_slice %arg2[%mul3A_2] : memref<16384xi32, #tpu.memory_space<hbm>> -> memref<512xi32, #tpu.memory_space<hbm>>
    tpu.wait_dma2 semaphore(%arg19 : memref<!tpu.dma_semaphore, #tpu.memory_space<semaphore_mem>>) src(%dma_wait3A_30 : memref<512xi32, #tpu.memory_space<hbm>>) dst(%dma_wait3A_29 : memref<512xi32, #tpu.memory_space<vmem>>)
    %dma_wait3A_31 = arith.constant 0 : i32
    %dma_wait3A_32 = tpu.memref_slice %arg12[%dma_wait3A_31] : memref<528xi32, #tpu.memory_space<vmem>> -> memref<512xi32, #tpu.memory_space<vmem>>
    %dma_wait3A_33 = tpu.memref_slice %arg3[%mul3A_2] : memref<16384xi32, #tpu.memory_space<hbm>> -> memref<512xi32, #tpu.memory_space<hbm>>
    %dma_wait3A_34 = arith.constant 0 : i32
    %dma_wait3A_35 = tpu.memref_slice %arg12[%dma_wait3A_34] : memref<528xi32, #tpu.memory_space<vmem>> -> memref<512xi32, #tpu.memory_space<vmem>>
    %dma_wait3A_36 = tpu.memref_slice %arg3[%mul3A_2] : memref<16384xi32, #tpu.memory_space<hbm>> -> memref<512xi32, #tpu.memory_space<hbm>>
    tpu.wait_dma2 semaphore(%arg19 : memref<!tpu.dma_semaphore, #tpu.memory_space<semaphore_mem>>) src(%dma_wait3A_36 : memref<512xi32, #tpu.memory_space<hbm>>) dst(%dma_wait3A_35 : memref<512xi32, #tpu.memory_space<vmem>>)
    %dma_wait3A_37 = arith.constant 0 : i32
    %dma_wait3A_38 = tpu.memref_slice %arg13[%dma_wait3A_37] : memref<528xi32, #tpu.memory_space<vmem>> -> memref<512xi32, #tpu.memory_space<vmem>>
    %dma_wait3A_39 = tpu.memref_slice %arg4[%mul3A_2] : memref<16384xi32, #tpu.memory_space<hbm>> -> memref<512xi32, #tpu.memory_space<hbm>>
    %dma_wait3A_40 = arith.constant 0 : i32
    %dma_wait3A_41 = tpu.memref_slice %arg13[%dma_wait3A_40] : memref<528xi32, #tpu.memory_space<vmem>> -> memref<512xi32, #tpu.memory_space<vmem>>
    %dma_wait3A_42 = tpu.memref_slice %arg4[%mul3A_2] : memref<16384xi32, #tpu.memory_space<hbm>> -> memref<512xi32, #tpu.memory_space<hbm>>
    tpu.wait_dma2 semaphore(%arg19 : memref<!tpu.dma_semaphore, #tpu.memory_space<semaphore_mem>>) src(%dma_wait3A_42 : memref<512xi32, #tpu.memory_space<hbm>>) dst(%dma_wait3A_41 : memref<512xi32, #tpu.memory_space<vmem>>)
    %dma_wait3A_43 = arith.constant 0 : i32
    %dma_wait3A_44 = tpu.memref_slice %arg14[%dma_wait3A_43] : memref<528xi32, #tpu.memory_space<vmem>> -> memref<512xi32, #tpu.memory_space<vmem>>
    %dma_wait3A_45 = tpu.memref_slice %arg5[%mul3A_2] : memref<16384xi32, #tpu.memory_space<hbm>> -> memref<512xi32, #tpu.memory_space<hbm>>
    %dma_wait3A_46 = arith.constant 0 : i32
    %dma_wait3A_47 = tpu.memref_slice %arg14[%dma_wait3A_46] : memref<528xi32, #tpu.memory_space<vmem>> -> memref<512xi32, #tpu.memory_space<vmem>>
    %dma_wait3A_48 = tpu.memref_slice %arg5[%mul3A_2] : memref<16384xi32, #tpu.memory_space<hbm>> -> memref<512xi32, #tpu.memory_space<hbm>>
    tpu.wait_dma2 semaphore(%arg19 : memref<!tpu.dma_semaphore, #tpu.memory_space<semaphore_mem>>) src(%dma_wait3A_48 : memref<512xi32, #tpu.memory_space<hbm>>) dst(%dma_wait3A_47 : memref<512xi32, #tpu.memory_space<vmem>>)
    %get3A = arith.constant 0 : index
    %get3A_49 = tpu.vector_load %arg11[%get3A] {strides = array<i32>} : memref<528xi32, #tpu.memory_space<vmem>>, vector<16xi32>,
    %slice3A = vector.extract_strided_slice %get3A_49 {offsets = [0], sizes = [1], strides = [1]} : vector<16xi32> to vector<1xi32>
    %squeeze3A = vector.extract %slice3A[0] : i32 from vector<1xi32>
    %and3A = arith.constant -128 : i32
    %and3A_50 = arith.andi %squeeze3A, %and3A : i32
    %multiple_of3A = tpu.assume_multiple %and3A_50, 128 : i32
    %dma_start3A_51 = arith.constant 0 : i32
    %dma_start3A_52 = arith.constant 0 : i32
    %dma_start3A_53 = arith.constant 0 : i32
    %dma_start3A_54 = tpu.memref_slice %arg15[%dma_start3A_51, %dma_start3A_52, %dma_start3A_53] : memref<8x32x128xf32, #tpu.memory_space<vmem>> -> memref<1x32x128xf32, #tpu.memory_space<vmem>>
    %dma_start3A_55 = tpu.memref_squeeze %dma_start3A_54 : memref<1x32x128xf32, #tpu.memory_space<vmem>> -> memref<32x128xf32, #tpu.memory_space<vmem>>
    %dma_start3A_56 = arith.constant 0 : i32
    %dma_start3A_57 = tpu.memref_slice %arg6[%dma_start3A_56, %multiple_of3A] : memref<32x1000000xf32, #tpu.memory_space<hbm>> -> memref<32x128xf32, #tpu.memory_space<hbm>>
    %dma_start3A_58 = arith.constant 0 : i32
    %dma_start3A_59 = arith.constant 0 : i32
    %dma_start3A_60 = tpu.memref_slice %arg15[%dma_start3A_51, %dma_start3A_58, %dma_start3A_59] : memref<8x32x128xf32, #tpu.memory_space<vmem>> -> memref<1x32x128xf32, #tpu.memory_space<vmem>>
    %dma_start3A_61 = tpu.memref_squeeze %dma_start3A_60 : memref<1x32x128xf32, #tpu.memory_space<vmem>> -> memref<32x128xf32, #tpu.memory_space<vmem>>
    %dma_start3A_62 = arith.constant 0 : i32
    %dma_start3A_63 = tpu.memref_slice %arg6[%dma_start3A_62, %multiple_of3A] : memref<32x1000000xf32, #tpu.memory_space<hbm>> -> memref<32x128xf32, #tpu.memory_space<hbm>>
    tpu.enqueue_dma source(%dma_start3A_63 : memref<32x128xf32, #tpu.memory_space<hbm>>) target(%dma_start3A_61 : memref<32x128xf32, #tpu.memory_space<vmem>>) target_semaphore(%arg19 : memref<!tpu.dma_semaphore, #tpu.memory_space<semaphore_mem>>)
    %slice3A_64 = vector.extract_strided_slice %get3A_49 {offsets = [1], sizes = [1], strides = [1]} : vector<16xi32> to vector<1xi32>
    %squeeze3A_65 = vector.extract %slice3A_64[0] : i32 from vector<1xi32>
    %and3A_66 = arith.constant -128 : i32
    %and3A_67 = arith.andi %squeeze3A_65, %and3A_66 : i32
    %multiple_of3A_68 = tpu.assume_multiple %and3A_67, 128 : i32
    %dma_start3A_69 = arith.constant 1 : i32
    %dma_start3A_70 = arith.constant 0 : i32
    %dma_start3A_71 = arith.constant 0 : i32
    %dma_start3A_72 = tpu.memref_slice %arg15[%dma_start3A_69, %dma_start3A_70, %dma_start3A_71] : memref<8x32x128xf32, #tpu.memory_space<vmem>> -> memref<1x32x128xf32, #tpu.memory_space<vmem>>
    %dma_start3A_73 = tpu.memref_squeeze %dma_start3A_72 : memref<1x32x128xf32, #tpu.memory_space<vmem>> -> memref<32x128xf32, #tpu.memory_space<vmem>>
    %dma_start3A_74 = arith.constant 0 : i32
    %dma_start3A_75 = tpu.memref_slice %arg6[%dma_start3A_74, %multiple_of3A_68] : memref<32x1000000xf32, #tpu.memory_space<hbm>> -> memref<32x128xf32, #tpu.memory_space<hbm>>
    %dma_start3A_76 = arith.constant 0 : i32
    %dma_start3A_77 = arith.constant 0 : i32
    %dma_start3A_78 = tpu.memref_slice %arg15[%dma_start3A_69, %dma_start3A_76, %dma_start3A_77] : memref<8x32x128xf32, #tpu.memory_space<vmem>> -> memref<1x32x128xf32, #tpu.memory_space<vmem>>
    %dma_start3A_79 = tpu.memref_squeeze %dma_start3A_78 : memref<1x32x128xf32, #tpu.memory_space<vmem>> -> memref<32x128xf32, #tpu.memory_space<vmem>>
    %dma_start3A_80 = arith.constant 0 : i32
    %dma_start3A_81 = tpu.memref_slice %arg6[%dma_start3A_80, %multiple_of3A_68] : memref<32x1000000xf32, #tpu.memory_space<hbm>> -> memref<32x128xf32, #tpu.memory_space<hbm>>
    tpu.enqueue_dma source(%dma_start3A_81 : memref<32x128xf32, #tpu.memory_space<hbm>>) target(%dma_start3A_79 : memref<32x128xf32, #tpu.memory_space<vmem>>) target_semaphore(%arg19 : memref<!tpu.dma_semaphore, #tpu.memory_space<semaphore_mem>>)
    %get3A_82 = arith.constant 0 : index
    %get3A_83 = tpu.vector_load %arg12[%get3A_82] {strides = array<i32>} : memref<528xi32, #tpu.memory_space<vmem>>, vector<16xi32>,
    %slice3A_84 = vector.extract_strided_slice %get3A_83 {offsets = [0], sizes = [1], strides = [1]} : vector<16xi32> to vector<1xi32>
    %squeeze3A_85 = vector.extract %slice3A_84[0] : i32 from vector<1xi32>
    %and3A_86 = arith.constant -128 : i32
    %and3A_87 = arith.andi %squeeze3A_85, %and3A_86 : i32
    %multiple_of3A_88 = tpu.assume_multiple %and3A_87, 128 : i32
    %dma_start3A_89 = arith.constant 2 : i32
    %dma_start3A_90 = arith.constant 0 : i32
    %dma_start3A_91 = arith.constant 0 : i32
    %dma_start3A_92 = tpu.memref_slice %arg15[%dma_start3A_89, %dma_start3A_90, %dma_start3A_91] : memref<8x32x128xf32, #tpu.memory_space<vmem>> -> memref<1x32x128xf32, #tpu.memory_space<vmem>>
    %dma_start3A_93 = tpu.memref_squeeze %dma_start3A_92 : memref<1x32x128xf32, #tpu.memory_space<vmem>> -> memref<32x128xf32, #tpu.memory_space<vmem>>
    %dma_start3A_94 = arith.constant 0 : i32
    %dma_start3A_95 = tpu.memref_slice %arg7[%dma_start3A_94, %multiple_of3A_88] : memref<32x1000000xf32, #tpu.memory_space<hbm>> -> memref<32x128xf32, #tpu.memory_space<hbm>>
    %dma_start3A_96 = arith.constant 0 : i32
    %dma_start3A_97 = arith.constant 0 : i32
    %dma_start3A_98 = tpu.memref_slice %arg15[%dma_start3A_89, %dma_start3A_96, %dma_start3A_97] : memref<8x32x128xf32, #tpu.memory_space<vmem>> -> memref<1x32x128xf32, #tpu.memory_space<vmem>>
    %dma_start3A_99 = tpu.memref_squeeze %dma_start3A_98 : memref<1x32x128xf32, #tpu.memory_space<vmem>> -> memref<32x128xf32, #tpu.memory_space<vmem>>
    %dma_start3A_100 = arith.constant 0 : i32
    %dma_start3A_101 = tpu.memref_slice %arg7[%dma_start3A_100, %multiple_of3A_88] : memref<32x1000000xf32, #tpu.memory_space<hbm>> -> memref<32x128xf32, #tpu.memory_space<hbm>>
    tpu.enqueue_dma source(%dma_start3A_101 : memref<32x128xf32, #tpu.memory_space<hbm>>) target(%dma_start3A_99 : memref<32x128xf32, #tpu.memory_space<vmem>>) target_semaphore(%arg19 : memref<!tpu.dma_semaphore, #tpu.memory_space<semaphore_mem>>)
    %slice3A_102 = vector.extract_strided_slice %get3A_83 {offsets = [1], sizes = [1], strides = [1]} : vector<16xi32> to vector<1xi32>
    %squeeze3A_103 = vector.extract %slice3A_102[0] : i32 from vector<1xi32>
    %and3A_104 = arith.constant -128 : i32
    %and3A_105 = arith.andi %squeeze3A_103, %and3A_104 : i32
    %multiple_of3A_106 = tpu.assume_multiple %and3A_105, 128 : i32
    %dma_start3A_107 = arith.constant 3 : i32
    %dma_start3A_108 = arith.constant 0 : i32
    %dma_start3A_109 = arith.constant 0 : i32
    %dma_start3A_110 = tpu.memref_slice %arg15[%dma_start3A_107, %dma_start3A_108, %dma_start3A_109] : memref<8x32x128xf32, #tpu.memory_space<vmem>> -> memref<1x32x128xf32, #tpu.memory_space<vmem>>
    %dma_start3A_111 = tpu.memref_squeeze %dma_start3A_110 : memref<1x32x128xf32, #tpu.memory_space<vmem>> -> memref<32x128xf32, #tpu.memory_space<vmem>>
    %dma_start3A_112 = arith.constant 0 : i32
    %dma_start3A_113 = tpu.memref_slice %arg7[%dma_start3A_112, %multiple_of3A_106] : memref<32x1000000xf32, #tpu.memory_space<hbm>> -> memref<32x128xf32, #tpu.memory_space<hbm>>
    %dma_start3A_114 = arith.constant 0 : i32
    %dma_start3A_115 = arith.constant 0 : i32
    %dma_start3A_116 = tpu.memref_slice %arg15[%dma_start3A_107, %dma_start3A_114, %dma_start3A_115] : memref<8x32x128xf32, #tpu.memory_space<vmem>> -> memref<1x32x128xf32, #tpu.memory_space<vmem>>
    %dma_start3A_117 = tpu.memref_squeeze %dma_start3A_116 : memref<1x32x128xf32, #tpu.memory_space<vmem>> -> memref<32x128xf32, #tpu.memory_space<vmem>>
    %dma_start3A_118 = arith.constant 0 : i32
    %dma_start3A_119 = tpu.memref_slice %arg7[%dma_start3A_118, %multiple_of3A_106] : memref<32x1000000xf32, #tpu.memory_space<hbm>> -> memref<32x128xf32, #tpu.memory_space<hbm>>
    tpu.enqueue_dma source(%dma_start3A_119 : memref<32x128xf32, #tpu.memory_space<hbm>>) target(%dma_start3A_117 : memref<32x128xf32, #tpu.memory_space<vmem>>) target_semaphore(%arg19 : memref<!tpu.dma_semaphore, #tpu.memory_space<semaphore_mem>>)
    %get3A_120 = arith.constant 0 : index
    %get3A_121 = tpu.vector_load %arg13[%get3A_120] {strides = array<i32>} : memref<528xi32, #tpu.memory_space<vmem>>, vector<16xi32>,
    %slice3A_122 = vector.extract_strided_slice %get3A_121 {offsets = [0], sizes = [1], strides = [1]} : vector<16xi32> to vector<1xi32>
    %squeeze3A_123 = vector.extract %slice3A_122[0] : i32 from vector<1xi32>
    %and3A_124 = arith.constant -128 : i32
    %and3A_125 = arith.andi %squeeze3A_123, %and3A_124 : i32
    %multiple_of3A_126 = tpu.assume_multiple %and3A_125, 128 : i32
    %dma_start3A_127 = arith.constant 4 : i32
    %dma_start3A_128 = arith.constant 0 : i32
    %dma_start3A_129 = arith.constant 0 : i32
    %dma_start3A_130 = tpu.memref_slice %arg15[%dma_start3A_127, %dma_start3A_128, %dma_start3A_129] : memref<8x32x128xf32, #tpu.memory_space<vmem>> -> memref<1x32x128xf32, #tpu.memory_space<vmem>>
    %dma_start3A_131 = tpu.memref_squeeze %dma_start3A_130 : memref<1x32x128xf32, #tpu.memory_space<vmem>> -> memref<32x128xf32, #tpu.memory_space<vmem>>
    %dma_start3A_132 = arith.constant 0 : i32
    %dma_start3A_133 = tpu.memref_slice %arg8[%dma_start3A_132, %multiple_of3A_126] : memref<32x1000000xf32, #tpu.memory_space<hbm>> -> memref<32x128xf32, #tpu.memory_space<hbm>>
    %dma_start3A_134 = arith.constant 0 : i32
    %dma_start3A_135 = arith.constant 0 : i32
    %dma_start3A_136 = tpu.memref_slice %arg15[%dma_start3A_127, %dma_start3A_134, %dma_start3A_135] : memref<8x32x128xf32, #tpu.memory_space<vmem>> -> memref<1x32x128xf32, #tpu.memory_space<vmem>>
    %dma_start3A_137 = tpu.memref_squeeze %dma_start3A_136 : memref<1x32x128xf32, #tpu.memory_space<vmem>> -> memref<32x128xf32, #tpu.memory_space<vmem>>
    %dma_start3A_138 = arith.constant 0 : i32
    %dma_start3A_139 = tpu.memref_slice %arg8[%dma_start3A_138, %multiple_of3A_126] : memref<32x1000000xf32, #tpu.memory_space<hbm>> -> memref<32x128xf32, #tpu.memory_space<hbm>>
    tpu.enqueue_dma source(%dma_start3A_139 : memref<32x128xf32, #tpu.memory_space<hbm>>) target(%dma_start3A_137 : memref<32x128xf32, #tpu.memory_space<vmem>>) target_semaphore(%arg19 : memref<!tpu.dma_semaphore, #tpu.memory_space<semaphore_mem>>)
    %slice3A_140 = vector.extract_strided_slice %get3A_121 {offsets = [1], sizes = [1], strides = [1]} : vector<16xi32> to vector<1xi32>
    %squeeze3A_141 = vector.extract %slice3A_140[0] : i32 from vector<1xi32>
    %and3A_142 = arith.constant -128 : i32
    %and3A_143 = arith.andi %squeeze3A_141, %and3A_142 : i32
    %multiple_of3A_144 = tpu.assume_multiple %and3A_143, 128 : i32
    %dma_start3A_145 = arith.constant 5 : i32
    %dma_start3A_146 = arith.constant 0 : i32
    %dma_start3A_147 = arith.constant 0 : i32
    %dma_start3A_148 = tpu.memref_slice %arg15[%dma_start3A_145, %dma_start3A_146, %dma_start3A_147] : memref<8x32x128xf32, #tpu.memory_space<vmem>> -> memref<1x32x128xf32, #tpu.memory_space<vmem>>
    %dma_start3A_149 = tpu.memref_squeeze %dma_start3A_148 : memref<1x32x128xf32, #tpu.memory_space<vmem>> -> memref<32x128xf32, #tpu.memory_space<vmem>>
    %dma_start3A_150 = arith.constant 0 : i32
    %dma_start3A_151 = tpu.memref_slice %arg8[%dma_start3A_150, %multiple_of3A_144] : memref<32x1000000xf32, #tpu.memory_space<hbm>> -> memref<32x128xf32, #tpu.memory_space<hbm>>
    %dma_start3A_152 = arith.constant 0 : i32
    %dma_start3A_153 = arith.constant 0 : i32
    %dma_start3A_154 = tpu.memref_slice %arg15[%dma_start3A_145, %dma_start3A_152, %dma_start3A_153] : memref<8x32x128xf32, #tpu.memory_space<vmem>> -> memref<1x32x128xf32, #tpu.memory_space<vmem>>
    %dma_start3A_155 = tpu.memref_squeeze %dma_start3A_154 : memref<1x32x128xf32, #tpu.memory_space<vmem>> -> memref<32x128xf32, #tpu.memory_space<vmem>>
    %dma_start3A_156 = arith.constant 0 : i32
    %dma_start3A_157 = tpu.memref_slice %arg8[%dma_start3A_156, %multiple_of3A_144] : memref<32x1000000xf32, #tpu.memory_space<hbm>> -> memref<32x128xf32, #tpu.memory_space<hbm>>
    tpu.enqueue_dma source(%dma_start3A_157 : memref<32x128xf32, #tpu.memory_space<hbm>>) target(%dma_start3A_155 : memref<32x128xf32, #tpu.memory_space<vmem>>) target_semaphore(%arg19 : memref<!tpu.dma_semaphore, #tpu.memory_space<semaphore_mem>>)
    %get3A_158 = arith.constant 0 : index
    %get3A_159 = tpu.vector_load %arg14[%get3A_158] {strides = array<i32>} : memref<528xi32, #tpu.memory_space<vmem>>, vector<16xi32>,
    %slice3A_160 = vector.extract_strided_slice %get3A_159 {offsets = [0], sizes = [1], strides = [1]} : vector<16xi32> to vector<1xi32>
    %squeeze3A_161 = vector.extract %slice3A_160[0] : i32 from vector<1xi32>
    %and3A_162 = arith.constant -128 : i32
    %and3A_163 = arith.andi %squeeze3A_161, %and3A_162 : i32
    %multiple_of3A_164 = tpu.assume_multiple %and3A_163, 128 : i32
    %dma_start3A_165 = arith.constant 6 : i32
    %dma_start3A_166 = arith.constant 0 : i32
    %dma_start3A_167 = arith.constant 0 : i32
    %dma_start3A_168 = tpu.memref_slice %arg15[%dma_start3A_165, %dma_start3A_166, %dma_start3A_167] : memref<8x32x128xf32, #tpu.memory_space<vmem>> -> memref<1x32x128xf32, #tpu.memory_space<vmem>>
    %dma_start3A_169 = tpu.memref_squeeze %dma_start3A_168 : memref<1x32x128xf32, #tpu.memory_space<vmem>> -> memref<32x128xf32, #tpu.memory_space<vmem>>
    %dma_start3A_170 = arith.constant 0 : i32
    %dma_start3A_171 = tpu.memref_slice %arg9[%dma_start3A_170, %multiple_of3A_164] : memref<32x1000000xf32, #tpu.memory_space<hbm>> -> memref<32x128xf32, #tpu.memory_space<hbm>>
    %dma_start3A_172 = arith.constant 0 : i32
    %dma_start3A_173 = arith.constant 0 : i32
    %dma_start3A_174 = tpu.memref_slice %arg15[%dma_start3A_165, %dma_start3A_172, %dma_start3A_173] : memref<8x32x128xf32, #tpu.memory_space<vmem>> -> memref<1x32x128xf32, #tpu.memory_space<vmem>>
    %dma_start3A_175 = tpu.memref_squeeze %dma_start3A_174 : memref<1x32x128xf32, #tpu.memory_space<vmem>> -> memref<32x128xf32, #tpu.memory_space<vmem>>
    %dma_start3A_176 = arith.constant 0 : i32
    %dma_start3A_177 = tpu.memref_slice %arg9[%dma_start3A_176, %multiple_of3A_164] : memref<32x1000000xf32, #tpu.memory_space<hbm>> -> memref<32x128xf32, #tpu.memory_space<hbm>>
    tpu.enqueue_dma source(%dma_start3A_177 : memref<32x128xf32, #tpu.memory_space<hbm>>) target(%dma_start3A_175 : memref<32x128xf32, #tpu.memory_space<vmem>>) target_semaphore(%arg19 : memref<!tpu.dma_semaphore, #tpu.memory_space<semaphore_mem>>)
    %slice3A_178 = vector.extract_strided_slice %get3A_159 {offsets = [1], sizes = [1], strides = [1]} : vector<16xi32> to vector<1xi32>
    %squeeze3A_179 = vector.extract %slice3A_178[0] : i32 from vector<1xi32>
    %and3A_180 = arith.constant -128 : i32
    %and3A_181 = arith.andi %squeeze3A_179, %and3A_180 : i32
    %multiple_of3A_182 = tpu.assume_multiple %and3A_181, 128 : i32
    %dma_start3A_183 = arith.constant 7 : i32
    %dma_start3A_184 = arith.constant 0 : i32
    %dma_start3A_185 = arith.constant 0 : i32
    %dma_start3A_186 = tpu.memref_slice %arg15[%dma_start3A_183, %dma_start3A_184, %dma_start3A_185] : memref<8x32x128xf32, #tpu.memory_space<vmem>> -> memref<1x32x128xf32, #tpu.memory_space<vmem>>
    %dma_start3A_187 = tpu.memref_squeeze %dma_start3A_186 : memref<1x32x128xf32, #tpu.memory_space<vmem>> -> memref<32x128xf32, #tpu.memory_space<vmem>>
    %dma_start3A_188 = arith.constant 0 : i32
    %dma_start3A_189 = tpu.memref_slice %arg9[%dma_start3A_188, %multiple_of3A_182] : memref<32x1000000xf32, #tpu.memory_space<hbm>> -> memref<32x128xf32, #tpu.memory_space<hbm>>
    %dma_start3A_190 = arith.constant 0 : i32
    %dma_start3A_191 = arith.constant 0 : i32
    %dma_start3A_192 = tpu.memref_slice %arg15[%dma_start3A_183, %dma_start3A_190, %dma_start3A_191] : memref<8x32x128xf32, #tpu.memory_space<vmem>> -> memref<1x32x128xf32, #tpu.memory_space<vmem>>
    %dma_start3A_193 = tpu.memref_squeeze %dma_start3A_192 : memref<1x32x128xf32, #tpu.memory_space<vmem>> -> memref<32x128xf32, #tpu.memory_space<vmem>>
    %dma_start3A_194 = arith.constant 0 : i32
    %dma_start3A_195 = tpu.memref_slice %arg9[%dma_start3A_194, %multiple_of3A_182] : memref<32x1000000xf32, #tpu.memory_space<hbm>> -> memref<32x128xf32, #tpu.memory_space<hbm>>
    tpu.enqueue_dma source(%dma_start3A_195 : memref<32x128xf32, #tpu.memory_space<hbm>>) target(%dma_start3A_193 : memref<32x128xf32, #tpu.memory_space<vmem>>) target_semaphore(%arg19 : memref<!tpu.dma_semaphore, #tpu.memory_space<semaphore_mem>>)
    %get3A_196 = arith.constant 2 : index
    %get3A_197 = tpu.vector_load %arg11[%get3A_196] {strides = array<i32>} : memref<528xi32, #tpu.memory_space<vmem>>, vector<16xi32>,
    %slice3A_198 = vector.extract_strided_slice %get3A_197 {offsets = [0], sizes = [1], strides = [1]} : vector<16xi32> to vector<1xi32>
    %squeeze3A_199 = vector.extract %slice3A_198[0] : i32 from vector<1xi32>
    %and3A_200 = arith.constant -128 : i32
    %and3A_201 = arith.andi %squeeze3A_199, %and3A_200 : i32
    %multiple_of3A_202 = tpu.assume_multiple %and3A_201, 128 : i32
    %dma_start3A_203 = arith.constant 0 : i32
    %dma_start3A_204 = arith.constant 0 : i32
    %dma_start3A_205 = arith.constant 0 : i32
    %dma_start3A_206 = tpu.memref_slice %arg16[%dma_start3A_203, %dma_start3A_204, %dma_start3A_205] : memref<8x32x128xf32, #tpu.memory_space<vmem>> -> memref<1x32x128xf32, #tpu.memory_space<vmem>>
    %dma_start3A_207 = tpu.memref_squeeze %dma_start3A_206 : memref<1x32x128xf32, #tpu.memory_space<vmem>> -> memref<32x128xf32, #tpu.memory_space<vmem>>
    %dma_start3A_208 = arith.constant 0 : i32
    %dma_start3A_209 = tpu.memref_slice %arg6[%dma_start3A_208, %multiple_of3A_202] : memref<32x1000000xf32, #tpu.memory_space<hbm>> -> memref<32x128xf32, #tpu.memory_space<hbm>>
    %dma_start3A_210 = arith.constant 0 : i32
    %dma_start3A_211 = arith.constant 0 : i32
    %dma_start3A_212 = tpu.memref_slice %arg16[%dma_start3A_203, %dma_start3A_210, %dma_start3A_211] : memref<8x32x128xf32, #tpu.memory_space<vmem>> -> memref<1x32x128xf32, #tpu.memory_space<vmem>>
    %dma_start3A_213 = tpu.memref_squeeze %dma_start3A_212 : memref<1x32x128xf32, #tpu.memory_space<vmem>> -> memref<32x128xf32, #tpu.memory_space<vmem>>
    %dma_start3A_214 = arith.constant 0 : i32
    %dma_start3A_215 = tpu.memref_slice %arg6[%dma_start3A_214, %multiple_of3A_202] : memref<32x1000000xf32, #tpu.memory_space<hbm>> -> memref<32x128xf32, #tpu.memory_space<hbm>>
    tpu.enqueue_dma source(%dma_start3A_215 : memref<32x128xf32, #tpu.memory_space<hbm>>) target(%dma_start3A_213 : memref<32x128xf32, #tpu.memory_space<vmem>>) target_semaphore(%arg20 : memref<!tpu.dma_semaphore, #tpu.memory_space<semaphore_mem>>)
    %slice3A_216 = vector.extract_strided_slice %get3A_197 {offsets = [1], sizes = [1], strides = [1]} : vector<16xi32> to vector<1xi32>
    %squeeze3A_217 = vector.extract %slice3A_216[0] : i32 from vector<1xi32>
    %and3A_218 = arith.constant -128 : i32
    %and3A_219 = arith.andi %squeeze3A_217, %and3A_218 : i32
    %multiple_of3A_220 = tpu.assume_multiple %and3A_219, 128 : i32
    %dma_start3A_221 = arith.constant 1 : i32
    %dma_start3A_222 = arith.constant 0 : i32
    %dma_start3A_223 = arith.constant 0 : i32
    %dma_start3A_224 = tpu.memref_slice %arg16[%dma_start3A_221, %dma_start3A_222, %dma_start3A_223] : memref<8x32x128xf32, #tpu.memory_space<vmem>> -> memref<1x32x128xf32, #tpu.memory_space<vmem>>
    %dma_start3A_225 = tpu.memref_squeeze %dma_start3A_224 : memref<1x32x128xf32, #tpu.memory_space<vmem>> -> memref<32x128xf32, #tpu.memory_space<vmem>>
    %dma_start3A_226 = arith.constant 0 : i32
    %dma_start3A_227 = tpu.memref_slice %arg6[%dma_start3A_226, %multiple_of3A_220] : memref<32x1000000xf32, #tpu.memory_space<hbm>> -> memref<32x128xf32, #tpu.memory_space<hbm>>
    %dma_start3A_228 = arith.constant 0 : i32
    %dma_start3A_229 = arith.constant 0 : i32
    %dma_start3A_230 = tpu.memref_slice %arg16[%dma_start3A_221, %dma_start3A_228, %dma_start3A_229] : memref<8x32x128xf32, #tpu.memory_space<vmem>> -> memref<1x32x128xf32, #tpu.memory_space<vmem>>
    %dma_start3A_231 = tpu.memref_squeeze %dma_start3A_230 : memref<1x32x128xf32, #tpu.memory_space<vmem>> -> memref<32x128xf32, #tpu.memory_space<vmem>>
    %dma_start3A_232 = arith.constant 0 : i32
    %dma_start3A_233 = tpu.memref_slice %arg6[%dma_start3A_232, %multiple_of3A_220] : memref<32x1000000xf32, #tpu.memory_space<hbm>> -> memref<32x128xf32, #tpu.memory_space<hbm>>
    tpu.enqueue_dma source(%dma_start3A_233 : memref<32x128xf32, #tpu.memory_space<hbm>>) target(%dma_start3A_231 : memref<32x128xf32, #tpu.memory_space<vmem>>) target_semaphore(%arg20 : memref<!tpu.dma_semaphore, #tpu.memory_space<semaphore_mem>>)
    %get3A_234 = arith.constant 2 : index
    %get3A_235 = tpu.vector_load %arg12[%get3A_234] {strides = array<i32>} : memref<528xi32, #tpu.memory_space<vmem>>, vector<16xi32>,
    %slice3A_236 = vector.extract_strided_slice %get3A_235 {offsets = [0], sizes = [1], strides = [1]} : vector<16xi32> to vector<1xi32>
    %squeeze3A_237 = vector.extract %slice3A_236[0] : i32 from vector<1xi32>
    %and3A_238 = arith.constant -128 : i32
    %and3A_239 = arith.andi %squeeze3A_237, %and3A_238 : i32
    %multiple_of3A_240 = tpu.assume_multiple %and3A_239, 128 : i32
    %dma_start3A_241 = arith.constant 2 : i32
    %dma_start3A_242 = arith.constant 0 : i32
    %dma_start3A_243 = arith.constant 0 : i32
    %dma_start3A_244 = tpu.memref_slice %arg16[%dma_start3A_241, %dma_start3A_242, %dma_start3A_243] : memref<8x32x128xf32, #tpu.memory_space<vmem>> -> memref<1x32x128xf32, #tpu.memory_space<vmem>>
    %dma_start3A_245 = tpu.memref_squeeze %dma_start3A_244 : memref<1x32x128xf32, #tpu.memory_space<vmem>> -> memref<32x128xf32, #tpu.memory_space<vmem>>
    %dma_start3A_246 = arith.constant 0 : i32
    %dma_start3A_247 = tpu.memref_slice %arg7[%dma_start3A_246, %multiple_of3A_240] : memref<32x1000000xf32, #tpu.memory_space<hbm>> -> memref<32x128xf32, #tpu.memory_space<hbm>>
    %dma_start3A_248 = arith.constant 0 : i32
    %dma_start3A_249 = arith.constant 0 : i32
    %dma_start3A_250 = tpu.memref_slice %arg16[%dma_start3A_241, %dma_start3A_248, %dma_start3A_249] : memref<8x32x128xf32, #tpu.memory_space<vmem>> -> memref<1x32x128xf32, #tpu.memory_space<vmem>>
    %dma_start3A_251 = tpu.memref_squeeze %dma_start3A_250 : memref<1x32x128xf32, #tpu.memory_space<vmem>> -> memref<32x128xf32, #tpu.memory_space<vmem>>
    %dma_start3A_252 = arith.constant 0 : i32
    %dma_start3A_253 = tpu.memref_slice %arg7[%dma_start3A_252, %multiple_of3A_240] : memref<32x1000000xf32, #tpu.memory_space<hbm>> -> memref<32x128xf32, #tpu.memory_space<hbm>>
    tpu.enqueue_dma source(%dma_start3A_253 : memref<32x128xf32, #tpu.memory_space<hbm>>) target(%dma_start3A_251 : memref<32x128xf32, #tpu.memory_space<vmem>>) target_semaphore(%arg20 : memref<!tpu.dma_semaphore, #tpu.memory_space<semaphore_mem>>)
    %slice3A_254 = vector.extract_strided_slice %get3A_235 {offsets = [1], sizes = [1], strides = [1]} : vector<16xi32> to vector<1xi32>
    %squeeze3A_255 = vector.extract %slice3A_254[0] : i32 from vector<1xi32>
    %and3A_256 = arith.constant -128 : i32
    %and3A_257 = arith.andi %squeeze3A_255, %and3A_256 : i32
    %multiple_of3A_258 = tpu.assume_multiple %and3A_257, 128 : i32
    %dma_start3A_259 = arith.constant 3 : i32
    %dma_start3A_260 = arith.constant 0 : i32
    %dma_start3A_261 = arith.constant 0 : i32
    %dma_start3A_262 = tpu.memref_slice %arg16[%dma_start3A_259, %dma_start3A_260, %dma_start3A_261] : memref<8x32x128xf32, #tpu.memory_space<vmem>> -> memref<1x32x128xf32, #tpu.memory_space<vmem>>
    %dma_start3A_263 = tpu.memref_squeeze %dma_start3A_262 : memref<1x32x128xf32, #tpu.memory_space<vmem>> -> memref<32x128xf32, #tpu.memory_space<vmem>>
    %dma_start3A_264 = arith.constant 0 : i32
    %dma_start3A_265 = tpu.memref_slice %arg7[%dma_start3A_264, %multiple_of3A_258] : memref<32x1000000xf32, #tpu.memory_space<hbm>> -> memref<32x128xf32, #tpu.memory_space<hbm>>
    %dma_start3A_266 = arith.constant 0 : i32
    %dma_start3A_267 = arith.constant 0 : i32
    %dma_start3A_268 = tpu.memref_slice %arg16[%dma_start3A_259, %dma_start3A_266, %dma_start3A_267] : memref<8x32x128xf32, #tpu.memory_space<vmem>> -> memref<1x32x128xf32, #tpu.memory_space<vmem>>
    %dma_start3A_269 = tpu.memref_squeeze %dma_start3A_268 : memref<1x32x128xf32, #tpu.memory_space<vmem>> -> memref<32x128xf32, #tpu.memory_space<vmem>>
    %dma_start3A_270 = arith.constant 0 : i32
    %dma_start3A_271 = tpu.memref_slice %arg7[%dma_start3A_270, %multiple_of3A_258] : memref<32x1000000xf32, #tpu.memory_space<hbm>> -> memref<32x128xf32, #tpu.memory_space<hbm>>
    tpu.enqueue_dma source(%dma_start3A_271 : memref<32x128xf32, #tpu.memory_space<hbm>>) target(%dma_start3A_269 : memref<32x128xf32, #tpu.memory_space<vmem>>) target_semaphore(%arg20 : memref<!tpu.dma_semaphore, #tpu.memory_space<semaphore_mem>>)
    %get3A_272 = arith.constant 2 : index
    %get3A_273 = tpu.vector_load %arg13[%get3A_272] {strides = array<i32>} : memref<528xi32, #tpu.memory_space<vmem>>, vector<16xi32>,
    %slice3A_274 = vector.extract_strided_slice %get3A_273 {offsets = [0], sizes = [1], strides = [1]} : vector<16xi32> to vector<1xi32>
    %squeeze3A_275 = vector.extract %slice3A_274[0] : i32 from vector<1xi32>
    %and3A_276 = arith.constant -128 : i32
    %and3A_277 = arith.andi %squeeze3A_275, %and3A_276 : i32
    %multiple_of3A_278 = tpu.assume_multiple %and3A_277, 128 : i32
    %dma_start3A_279 = arith.constant 4 : i32
    %dma_start3A_280 = arith.constant 0 : i32
    %dma_start3A_281 = arith.constant 0 : i32
    %dma_start3A_282 = tpu.memref_slice %arg16[%dma_start3A_279, %dma_start3A_280, %dma_start3A_281] : memref<8x32x128xf32, #tpu.memory_space<vmem>> -> memref<1x32x128xf32, #tpu.memory_space<vmem>>
    %dma_start3A_283 = tpu.memref_squeeze %dma_start3A_282 : memref<1x32x128xf32, #tpu.memory_space<vmem>> -> memref<32x128xf32, #tpu.memory_space<vmem>>
    %dma_start3A_284 = arith.constant 0 : i32
    %dma_start3A_285 = tpu.memref_slice %arg8[%dma_start3A_284, %multiple_of3A_278] : memref<32x1000000xf32, #tpu.memory_space<hbm>> -> memref<32x128xf32, #tpu.memory_space<hbm>>
    %dma_start3A_286 = arith.constant 0 : i32
    %dma_start3A_287 = arith.constant 0 : i32
    %dma_start3A_288 = tpu.memref_slice %arg16[%dma_start3A_279, %dma_start3A_286, %dma_start3A_287] : memref<8x32x128xf32, #tpu.memory_space<vmem>> -> memref<1x32x128xf32, #tpu.memory_space<vmem>>
    %dma_start3A_289 = tpu.memref_squeeze %dma_start3A_288 : memref<1x32x128xf32, #tpu.memory_space<vmem>> -> memref<32x128xf32, #tpu.memory_space<vmem>>
    %dma_start3A_290 = arith.constant 0 : i32
    %dma_start3A_291 = tpu.memref_slice %arg8[%dma_start3A_290, %multiple_of3A_278] : memref<32x1000000xf32, #tpu.memory_space<hbm>> -> memref<32x128xf32, #tpu.memory_space<hbm>>
    tpu.enqueue_dma source(%dma_start3A_291 : memref<32x128xf32, #tpu.memory_space<hbm>>) target(%dma_start3A_289 : memref<32x128xf32, #tpu.memory_space<vmem>>) target_semaphore(%arg20 : memref<!tpu.dma_semaphore, #tpu.memory_space<semaphore_mem>>)
    %slice3A_292 = vector.extract_strided_slice %get3A_273 {offsets = [1], sizes = [1], strides = [1]} : vector<16xi32> to vector<1xi32>
    %squeeze3A_293 = vector.extract %slice3A_292[0] : i32 from vector<1xi32>
    %and3A_294 = arith.constant -128 : i32
    %and3A_295 = arith.andi %squeeze3A_293, %and3A_294 : i32
    %multiple_of3A_296 = tpu.assume_multiple %and3A_295, 128 : i32
    %dma_start3A_297 = arith.constant 5 : i32
    %dma_start3A_298 = arith.constant 0 : i32
    %dma_start3A_299 = arith.constant 0 : i32
    %dma_start3A_300 = tpu.memref_slice %arg16[%dma_start3A_297, %dma_start3A_298, %dma_start3A_299] : memref<8x32x128xf32, #tpu.memory_space<vmem>> -> memref<1x32x128xf32, #tpu.memory_space<vmem>>
    %dma_start3A_301 = tpu.memref_squeeze %dma_start3A_300 : memref<1x32x128xf32, #tpu.memory_space<vmem>> -> memref<32x128xf32, #tpu.memory_space<vmem>>
    %dma_start3A_302 = arith.constant 0 : i32
    %dma_start3A_303 = tpu.memref_slice %arg8[%dma_start3A_302, %multiple_of3A_296] : memref<32x1000000xf32, #tpu.memory_space<hbm>> -> memref<32x128xf32, #tpu.memory_space<hbm>>
    %dma_start3A_304 = arith.constant 0 : i32
    %dma_start3A_305 = arith.constant 0 : i32
    %dma_start3A_306 = tpu.memref_slice %arg16[%dma_start3A_297, %dma_start3A_304, %dma_start3A_305] : memref<8x32x128xf32, #tpu.memory_space<vmem>> -> memref<1x32x128xf32, #tpu.memory_space<vmem>>
    %dma_start3A_307 = tpu.memref_squeeze %dma_start3A_306 : memref<1x32x128xf32, #tpu.memory_space<vmem>> -> memref<32x128xf32, #tpu.memory_space<vmem>>
    %dma_start3A_308 = arith.constant 0 : i32
    %dma_start3A_309 = tpu.memref_slice %arg8[%dma_start3A_308, %multiple_of3A_296] : memref<32x1000000xf32, #tpu.memory_space<hbm>> -> memref<32x128xf32, #tpu.memory_space<hbm>>
    tpu.enqueue_dma source(%dma_start3A_309 : memref<32x128xf32, #tpu.memory_space<hbm>>) target(%dma_start3A_307 : memref<32x128xf32, #tpu.memory_space<vmem>>) target_semaphore(%arg20 : memref<!tpu.dma_semaphore, #tpu.memory_space<semaphore_mem>>)
    %get3A_310 = arith.constant 2 : index
    %get3A_311 = tpu.vector_load %arg14[%get3A_310] {strides = array<i32>} : memref<528xi32, #tpu.memory_space<vmem>>, vector<16xi32>,
    %slice3A_312 = vector.extract_strided_slice %get3A_311 {offsets = [0], sizes = [1], strides = [1]} : vector<16xi32> to vector<1xi32>
    %squeeze3A_313 = vector.extract %slice3A_312[0] : i32 from vector<1xi32>
    %and3A_314 = arith.constant -128 : i32
    %and3A_315 = arith.andi %squeeze3A_313, %and3A_314 : i32
    %multiple_of3A_316 = tpu.assume_multiple %and3A_315, 128 : i32
    %dma_start3A_317 = arith.constant 6 : i32
    %dma_start3A_318 = arith.constant 0 : i32
    %dma_start3A_319 = arith.constant 0 : i32
    %dma_start3A_320 = tpu.memref_slice %arg16[%dma_start3A_317, %dma_start3A_318, %dma_start3A_319] : memref<8x32x128xf32, #tpu.memory_space<vmem>> -> memref<1x32x128xf32, #tpu.memory_space<vmem>>
    %dma_start3A_321 = tpu.memref_squeeze %dma_start3A_320 : memref<1x32x128xf32, #tpu.memory_space<vmem>> -> memref<32x128xf32, #tpu.memory_space<vmem>>
    %dma_start3A_322 = arith.constant 0 : i32
    %dma_start3A_323 = tpu.memref_slice %arg9[%dma_start3A_322, %multiple_of3A_316] : memref<32x1000000xf32, #tpu.memory_space<hbm>> -> memref<32x128xf32, #tpu.memory_space<hbm>>
    %dma_start3A_324 = arith.constant 0 : i32
    %dma_start3A_325 = arith.constant 0 : i32
    %dma_start3A_326 = tpu.memref_slice %arg16[%dma_start3A_317, %dma_start3A_324, %dma_start3A_325] : memref<8x32x128xf32, #tpu.memory_space<vmem>> -> memref<1x32x128xf32, #tpu.memory_space<vmem>>
    %dma_start3A_327 = tpu.memref_squeeze %dma_start3A_326 : memref<1x32x128xf32, #tpu.memory_space<vmem>> -> memref<32x128xf32, #tpu.memory_space<vmem>>
    %dma_start3A_328 = arith.constant 0 : i32
    %dma_start3A_329 = tpu.memref_slice %arg9[%dma_start3A_328, %multiple_of3A_316] : memref<32x1000000xf32, #tpu.memory_space<hbm>> -> memref<32x128xf32, #tpu.memory_space<hbm>>
    tpu.enqueue_dma source(%dma_start3A_329 : memref<32x128xf32, #tpu.memory_space<hbm>>) target(%dma_start3A_327 : memref<32x128xf32, #tpu.memory_space<vmem>>) target_semaphore(%arg20 : memref<!tpu.dma_semaphore, #tpu.memory_space<semaphore_mem>>)
    %slice3A_330 = vector.extract_strided_slice %get3A_311 {offsets = [1], sizes = [1], strides = [1]} : vector<16xi32> to vector<1xi32>
    %squeeze3A_331 = vector.extract %slice3A_330[0] : i32 from vector<1xi32>
    %and3A_332 = arith.constant -128 : i32
    %and3A_333 = arith.andi %squeeze3A_331, %and3A_332 : i32
    %multiple_of3A_334 = tpu.assume_multiple %and3A_333, 128 : i32
    %dma_start3A_335 = arith.constant 7 : i32
    %dma_start3A_336 = arith.constant 0 : i32
    %dma_start3A_337 = arith.constant 0 : i32
    %dma_start3A_338 = tpu.memref_slice %arg16[%dma_start3A_335, %dma_start3A_336, %dma_start3A_337] : memref<8x32x128xf32, #tpu.memory_space<vmem>> -> memref<1x32x128xf32, #tpu.memory_space<vmem>>
    %dma_start3A_339 = tpu.memref_squeeze %dma_start3A_338 : memref<1x32x128xf32, #tpu.memory_space<vmem>> -> memref<32x128xf32, #tpu.memory_space<vmem>>
    %dma_start3A_340 = arith.constant 0 : i32
    %dma_start3A_341 = tpu.memref_slice %arg9[%dma_start3A_340, %multiple_of3A_334] : memref<32x1000000xf32, #tpu.memory_space<hbm>> -> memref<32x128xf32, #tpu.memory_space<hbm>>
    %dma_start3A_342 = arith.constant 0 : i32
    %dma_start3A_343 = arith.constant 0 : i32
    %dma_start3A_344 = tpu.memref_slice %arg16[%dma_start3A_335, %dma_start3A_342, %dma_start3A_343] : memref<8x32x128xf32, #tpu.memory_space<vmem>> -> memref<1x32x128xf32, #tpu.memory_space<vmem>>
    %dma_start3A_345 = tpu.memref_squeeze %dma_start3A_344 : memref<1x32x128xf32, #tpu.memory_space<vmem>> -> memref<32x128xf32, #tpu.memory_space<vmem>>
    %dma_start3A_346 = arith.constant 0 : i32
    %dma_start3A_347 = tpu.memref_slice %arg9[%dma_start3A_346, %multiple_of3A_334] : memref<32x1000000xf32, #tpu.memory_space<hbm>> -> memref<32x128xf32, #tpu.memory_space<hbm>>
    tpu.enqueue_dma source(%dma_start3A_347 : memref<32x128xf32, #tpu.memory_space<hbm>>) target(%dma_start3A_345 : memref<32x128xf32, #tpu.memory_space<vmem>>) target_semaphore(%arg20 : memref<!tpu.dma_semaphore, #tpu.memory_space<semaphore_mem>>)
    %get3A_348 = arith.constant 4 : index
    %get3A_349 = tpu.vector_load %arg11[%get3A_348] {strides = array<i32>} : memref<528xi32, #tpu.memory_space<vmem>>, vector<16xi32>,
    %slice3A_350 = vector.extract_strided_slice %get3A_349 {offsets = [0], sizes = [1], strides = [1]} : vector<16xi32> to vector<1xi32>
    %squeeze3A_351 = vector.extract %slice3A_350[0] : i32 from vector<1xi32>
    %and3A_352 = arith.constant -128 : i32
    %and3A_353 = arith.andi %squeeze3A_351, %and3A_352 : i32
    %multiple_of3A_354 = tpu.assume_multiple %and3A_353, 128 : i32
    %dma_start3A_355 = arith.constant 0 : i32
    %dma_start3A_356 = arith.constant 0 : i32
    %dma_start3A_357 = arith.constant 0 : i32
    %dma_start3A_358 = tpu.memref_slice %arg17[%dma_start3A_355, %dma_start3A_356, %dma_start3A_357] : memref<8x32x128xf32, #tpu.memory_space<vmem>> -> memref<1x32x128xf32, #tpu.memory_space<vmem>>
    %dma_start3A_359 = tpu.memref_squeeze %dma_start3A_358 : memref<1x32x128xf32, #tpu.memory_space<vmem>> -> memref<32x128xf32, #tpu.memory_space<vmem>>
    %dma_start3A_360 = arith.constant 0 : i32
    %dma_start3A_361 = tpu.memref_slice %arg6[%dma_start3A_360, %multiple_of3A_354] : memref<32x1000000xf32, #tpu.memory_space<hbm>> -> memref<32x128xf32, #tpu.memory_space<hbm>>
    %dma_start3A_362 = arith.constant 0 : i32
    %dma_start3A_363 = arith.constant 0 : i32
    %dma_start3A_364 = tpu.memref_slice %arg17[%dma_start3A_355, %dma_start3A_362, %dma_start3A_363] : memref<8x32x128xf32, #tpu.memory_space<vmem>> -> memref<1x32x128xf32, #tpu.memory_space<vmem>>
    %dma_start3A_365 = tpu.memref_squeeze %dma_start3A_364 : memref<1x32x128xf32, #tpu.memory_space<vmem>> -> memref<32x128xf32, #tpu.memory_space<vmem>>
    %dma_start3A_366 = arith.constant 0 : i32
    %dma_start3A_367 = tpu.memref_slice %arg6[%dma_start3A_366, %multiple_of3A_354] : memref<32x1000000xf32, #tpu.memory_space<hbm>> -> memref<32x128xf32, #tpu.memory_space<hbm>>
    tpu.enqueue_dma source(%dma_start3A_367 : memref<32x128xf32, #tpu.memory_space<hbm>>) target(%dma_start3A_365 : memref<32x128xf32, #tpu.memory_space<vmem>>) target_semaphore(%arg21 : memref<!tpu.dma_semaphore, #tpu.memory_space<semaphore_mem>>)
    %slice3A_368 = vector.extract_strided_slice %get3A_349 {offsets = [1], sizes = [1], strides = [1]} : vector<16xi32> to vector<1xi32>
    %squeeze3A_369 = vector.extract %slice3A_368[0] : i32 from vector<1xi32>
    %and3A_370 = arith.constant -128 : i32
    %and3A_371 = arith.andi %squeeze3A_369, %and3A_370 : i32
    %multiple_of3A_372 = tpu.assume_multiple %and3A_371, 128 : i32
    %dma_start3A_373 = arith.constant 1 : i32
    %dma_start3A_374 = arith.constant 0 : i32
    %dma_start3A_375 = arith.constant 0 : i32
    %dma_start3A_376 = tpu.memref_slice %arg17[%dma_start3A_373, %dma_start3A_374, %dma_start3A_375] : memref<8x32x128xf32, #tpu.memory_space<vmem>> -> memref<1x32x128xf32, #tpu.memory_space<vmem>>
    %dma_start3A_377 = tpu.memref_squeeze %dma_start3A_376 : memref<1x32x128xf32, #tpu.memory_space<vmem>> -> memref<32x128xf32, #tpu.memory_space<vmem>>
    %dma_start3A_378 = arith.constant 0 : i32
    %dma_start3A_379 = tpu.memref_slice %arg6[%dma_start3A_378, %multiple_of3A_372] : memref<32x1000000xf32, #tpu.memory_space<hbm>> -> memref<32x128xf32, #tpu.memory_space<hbm>>
    %dma_start3A_380 = arith.constant 0 : i32
    %dma_start3A_381 = arith.constant 0 : i32
    %dma_start3A_382 = tpu.memref_slice %arg17[%dma_start3A_373, %dma_start3A_380, %dma_start3A_381] : memref<8x32x128xf32, #tpu.memory_space<vmem>> -> memref<1x32x128xf32, #tpu.memory_space<vmem>>
    %dma_start3A_383 = tpu.memref_squeeze %dma_start3A_382 : memref<1x32x128xf32, #tpu.memory_space<vmem>> -> memref<32x128xf32, #tpu.memory_space<vmem>>
    %dma_start3A_384 = arith.constant 0 : i32
    %dma_start3A_385 = tpu.memref_slice %arg6[%dma_start3A_384, %multiple_of3A_372] : memref<32x1000000xf32, #tpu.memory_space<hbm>> -> memref<32x128xf32, #tpu.memory_space<hbm>>
    tpu.enqueue_dma source(%dma_start3A_385 : memref<32x128xf32, #tpu.memory_space<hbm>>) target(%dma_start3A_383 : memref<32x128xf32, #tpu.memory_space<vmem>>) target_semaphore(%arg21 : memref<!tpu.dma_semaphore, #tpu.memory_space<semaphore_mem>>)
    %get3A_386 = arith.constant 4 : index
    %get3A_387 = tpu.vector_load %arg12[%get3A_386] {strides = array<i32>} : memref<528xi32, #tpu.memory_space<vmem>>, vector<16xi32>,
    %slice3A_388 = vector.extract_strided_slice %get3A_387 {offsets = [0], sizes = [1], strides = [1]} : vector<16xi32> to vector<1xi32>
    %squeeze3A_389 = vector.extract %slice3A_388[0] : i32 from vector<1xi32>
    %and3A_390 = arith.constant -128 : i32
    %and3A_391 = arith.andi %squeeze3A_389, %and3A_390 : i32
    %multiple_of3A_392 = tpu.assume_multiple %and3A_391, 128 : i32
    %dma_start3A_393 = arith.constant 2 : i32
    %dma_start3A_394 = arith.constant 0 : i32
    %dma_start3A_395 = arith.constant 0 : i32
    %dma_start3A_396 = tpu.memref_slice %arg17[%dma_start3A_393, %dma_start3A_394, %dma_start3A_395] : memref<8x32x128xf32, #tpu.memory_space<vmem>> -> memref<1x32x128xf32, #tpu.memory_space<vmem>>
    %dma_start3A_397 = tpu.memref_squeeze %dma_start3A_396 : memref<1x32x128xf32, #tpu.memory_space<vmem>> -> memref<32x128xf32, #tpu.memory_space<vmem>>
    %dma_start3A_398 = arith.constant 0 : i32
    %dma_start3A_399 = tpu.memref_slice %arg7[%dma_start3A_398, %multiple_of3A_392] : memref<32x1000000xf32, #tpu.memory_space<hbm>> -> memref<32x128xf32, #tpu.memory_space<hbm>>
    %dma_start3A_400 = arith.constant 0 : i32
    %dma_start3A_401 = arith.constant 0 : i32
    %dma_start3A_402 = tpu.memref_slice %arg17[%dma_start3A_393, %dma_start3A_400, %dma_start3A_401] : memref<8x32x128xf32, #tpu.memory_space<vmem>> -> memref<1x32x128xf32, #tpu.memory_space<vmem>>
    %dma_start3A_403 = tpu.memref_squeeze %dma_start3A_402 : memref<1x32x128xf32, #tpu.memory_space<vmem>> -> memref<32x128xf32, #tpu.memory_space<vmem>>
    %dma_start3A_404 = arith.constant 0 : i32
    %dma_start3A_405 = tpu.memref_slice %arg7[%dma_start3A_404, %multiple_of3A_392] : memref<32x1000000xf32, #tpu.memory_space<hbm>> -> memref<32x128xf32, #tpu.memory_space<hbm>>
    tpu.enqueue_dma source(%dma_start3A_405 : memref<32x128xf32, #tpu.memory_space<hbm>>) target(%dma_start3A_403 : memref<32x128xf32, #tpu.memory_space<vmem>>) target_semaphore(%arg21 : memref<!tpu.dma_semaphore, #tpu.memory_space<semaphore_mem>>)
    %slice3A_406 = vector.extract_strided_slice %get3A_387 {offsets = [1], sizes = [1], strides = [1]} : vector<16xi32> to vector<1xi32>
    %squeeze3A_407 = vector.extract %slice3A_406[0] : i32 from vector<1xi32>
    %and3A_408 = arith.constant -128 : i32
    %and3A_409 = arith.andi %squeeze3A_407, %and3A_408 : i32
    %multiple_of3A_410 = tpu.assume_multiple %and3A_409, 128 : i32
    %dma_start3A_411 = arith.constant 3 : i32
    %dma_start3A_412 = arith.constant 0 : i32
    %dma_start3A_413 = arith.constant 0 : i32
    %dma_start3A_414 = tpu.memref_slice %arg17[%dma_start3A_411, %dma_start3A_412, %dma_start3A_413] : memref<8x32x128xf32, #tpu.memory_space<vmem>> -> memref<1x32x128xf32, #tpu.memory_space<vmem>>
    %dma_start3A_415 = tpu.memref_squeeze %dma_start3A_414 : memref<1x32x128xf32, #tpu.memory_space<vmem>> -> memref<32x128xf32, #tpu.memory_space<vmem>>
    %dma_start3A_416 = arith.constant 0 : i32
    %dma_start3A_417 = tpu.memref_slice %arg7[%dma_start3A_416, %multiple_of3A_410] : memref<32x1000000xf32, #tpu.memory_space<hbm>> -> memref<32x128xf32, #tpu.memory_space<hbm>>
    %dma_start3A_418 = arith.constant 0 : i32
    %dma_start3A_419 = arith.constant 0 : i32
    %dma_start3A_420 = tpu.memref_slice %arg17[%dma_start3A_411, %dma_start3A_418, %dma_start3A_419] : memref<8x32x128xf32, #tpu.memory_space<vmem>> -> memref<1x32x128xf32, #tpu.memory_space<vmem>>
    %dma_start3A_421 = tpu.memref_squeeze %dma_start3A_420 : memref<1x32x128xf32, #tpu.memory_space<vmem>> -> memref<32x128xf32, #tpu.memory_space<vmem>>
    %dma_start3A_422 = arith.constant 0 : i32
    %dma_start3A_423 = tpu.memref_slice %arg7[%dma_start3A_422, %multiple_of3A_410] : memref<32x1000000xf32, #tpu.memory_space<hbm>> -> memref<32x128xf32, #tpu.memory_space<hbm>>
    tpu.enqueue_dma source(%dma_start3A_423 : memref<32x128xf32, #tpu.memory_space<hbm>>) target(%dma_start3A_421 : memref<32x128xf32, #tpu.memory_space<vmem>>) target_semaphore(%arg21 : memref<!tpu.dma_semaphore, #tpu.memory_space<semaphore_mem>>)
    %get3A_424 = arith.constant 4 : index
    %get3A_425 = tpu.vector_load %arg13[%get3A_424] {strides = array<i32>} : memref<528xi32, #tpu.memory_space<vmem>>, vector<16xi32>,
    %slice3A_426 = vector.extract_strided_slice %get3A_425 {offsets = [0], sizes = [1], strides = [1]} : vector<16xi32> to vector<1xi32>
    %squeeze3A_427 = vector.extract %slice3A_426[0] : i32 from vector<1xi32>
    %and3A_428 = arith.constant -128 : i32
    %and3A_429 = arith.andi %squeeze3A_427, %and3A_428 : i32
    %multiple_of3A_430 = tpu.assume_multiple %and3A_429, 128 : i32
    %dma_start3A_431 = arith.constant 4 : i32
    %dma_start3A_432 = arith.constant 0 : i32
    %dma_start3A_433 = arith.constant 0 : i32
    %dma_start3A_434 = tpu.memref_slice %arg17[%dma_start3A_431, %dma_start3A_432, %dma_start3A_433] : memref<8x32x128xf32, #tpu.memory_space<vmem>> -> memref<1x32x128xf32, #tpu.memory_space<vmem>>
    %dma_start3A_435 = tpu.memref_squeeze %dma_start3A_434 : memref<1x32x128xf32, #tpu.memory_space<vmem>> -> memref<32x128xf32, #tpu.memory_space<vmem>>
    %dma_start3A_436 = arith.constant 0 : i32
    %dma_start3A_437 = tpu.memref_slice %arg8[%dma_start3A_436, %multiple_of3A_430] : memref<32x1000000xf32, #tpu.memory_space<hbm>> -> memref<32x128xf32, #tpu.memory_space<hbm>>
    %dma_start3A_438 = arith.constant 0 : i32
    %dma_start3A_439 = arith.constant 0 : i32
    %dma_start3A_440 = tpu.memref_slice %arg17[%dma_start3A_431, %dma_start3A_438, %dma_start3A_439] : memref<8x32x128xf32, #tpu.memory_space<vmem>> -> memref<1x32x128xf32, #tpu.memory_space<vmem>>
    %dma_start3A_441 = tpu.memref_squeeze %dma_start3A_440 : memref<1x32x128xf32, #tpu.memory_space<vmem>> -> memref<32x128xf32, #tpu.memory_space<vmem>>
    %dma_start3A_442 = arith.constant 0 : i32
    %dma_start3A_443 = tpu.memref_slice %arg8[%dma_start3A_442, %multiple_of3A_430] : memref<32x1000000xf32, #tpu.memory_space<hbm>> -> memref<32x128xf32, #tpu.memory_space<hbm>>
    tpu.enqueue_dma source(%dma_start3A_443 : memref<32x128xf32, #tpu.memory_space<hbm>>) target(%dma_start3A_441 : memref<32x128xf32, #tpu.memory_space<vmem>>) target_semaphore(%arg21 : memref<!tpu.dma_semaphore, #tpu.memory_space<semaphore_mem>>)
    %slice3A_444 = vector.extract_strided_slice %get3A_425 {offsets = [1], sizes = [1], strides = [1]} : vector<16xi32> to vector<1xi32>
    %squeeze3A_445 = vector.extract %slice3A_444[0] : i32 from vector<1xi32>
    %and3A_446 = arith.constant -128 : i32
    %and3A_447 = arith.andi %squeeze3A_445, %and3A_446 : i32
    %multiple_of3A_448 = tpu.assume_multiple %and3A_447, 128 : i32
    %dma_start3A_449 = arith.constant 5 : i32
    %dma_start3A_450 = arith.constant 0 : i32
    %dma_start3A_451 = arith.constant 0 : i32
    %dma_start3A_452 = tpu.memref_slice %arg17[%dma_start3A_449, %dma_start3A_450, %dma_start3A_451] : memref<8x32x128xf32, #tpu.memory_space<vmem>> -> memref<1x32x128xf32, #tpu.memory_space<vmem>>
    %dma_start3A_453 = tpu.memref_squeeze %dma_start3A_452 : memref<1x32x128xf32, #tpu.memory_space<vmem>> -> memref<32x128xf32, #tpu.memory_space<vmem>>
    %dma_start3A_454 = arith.constant 0 : i32
    %dma_start3A_455 = tpu.memref_slice %arg8[%dma_start3A_454, %multiple_of3A_448] : memref<32x1000000xf32, #tpu.memory_space<hbm>> -> memref<32x128xf32, #tpu.memory_space<hbm>>
    %dma_start3A_456 = arith.constant 0 : i32
    %dma_start3A_457 = arith.constant 0 : i32
    %dma_start3A_458 = tpu.memref_slice %arg17[%dma_start3A_449, %dma_start3A_456, %dma_start3A_457] : memref<8x32x128xf32, #tpu.memory_space<vmem>> -> memref<1x32x128xf32, #tpu.memory_space<vmem>>
    %dma_start3A_459 = tpu.memref_squeeze %dma_start3A_458 : memref<1x32x128xf32, #tpu.memory_space<vmem>> -> memref<32x128xf32, #tpu.memory_space<vmem>>
    %dma_start3A_460 = arith.constant 0 : i32
    %dma_start3A_461 = tpu.memref_slice %arg8[%dma_start3A_460, %multiple_of3A_448] : memref<32x1000000xf32, #tpu.memory_space<hbm>> -> memref<32x128xf32, #tpu.memory_space<hbm>>
    tpu.enqueue_dma source(%dma_start3A_461 : memref<32x128xf32, #tpu.memory_space<hbm>>) target(%dma_start3A_459 : memref<32x128xf32, #tpu.memory_space<vmem>>) target_semaphore(%arg21 : memref<!tpu.dma_semaphore, #tpu.memory_space<semaphore_mem>>)
    %get3A_462 = arith.constant 4 : index
    %get3A_463 = tpu.vector_load %arg14[%get3A_462] {strides = array<i32>} : memref<528xi32, #tpu.memory_space<vmem>>, vector<16xi32>,
    %slice3A_464 = vector.extract_strided_slice %get3A_463 {offsets = [0], sizes = [1], strides = [1]} : vector<16xi32> to vector<1xi32>
    %squeeze3A_465 = vector.extract %slice3A_464[0] : i32 from vector<1xi32>
    %and3A_466 = arith.constant -128 : i32
    %and3A_467 = arith.andi %squeeze3A_465, %and3A_466 : i32
    %multiple_of3A_468 = tpu.assume_multiple %and3A_467, 128 : i32
    %dma_start3A_469 = arith.constant 6 : i32
    %dma_start3A_470 = arith.constant 0 : i32
    %dma_start3A_471 = arith.constant 0 : i32
    %dma_start3A_472 = tpu.memref_slice %arg17[%dma_start3A_469, %dma_start3A_470, %dma_start3A_471] : memref<8x32x128xf32, #tpu.memory_space<vmem>> -> memref<1x32x128xf32, #tpu.memory_space<vmem>>
    %dma_start3A_473 = tpu.memref_squeeze %dma_start3A_472 : memref<1x32x128xf32, #tpu.memory_space<vmem>> -> memref<32x128xf32, #tpu.memory_space<vmem>>
    %dma_start3A_474 = arith.constant 0 : i32
    %dma_start3A_475 = tpu.memref_slice %arg9[%dma_start3A_474, %multiple_of3A_468] : memref<32x1000000xf32, #tpu.memory_space<hbm>> -> memref<32x128xf32, #tpu.memory_space<hbm>>
    %dma_start3A_476 = arith.constant 0 : i32
    %dma_start3A_477 = arith.constant 0 : i32
    %dma_start3A_478 = tpu.memref_slice %arg17[%dma_start3A_469, %dma_start3A_476, %dma_start3A_477] : memref<8x32x128xf32, #tpu.memory_space<vmem>> -> memref<1x32x128xf32, #tpu.memory_space<vmem>>
    %dma_start3A_479 = tpu.memref_squeeze %dma_start3A_478 : memref<1x32x128xf32, #tpu.memory_space<vmem>> -> memref<32x128xf32, #tpu.memory_space<vmem>>
    %dma_start3A_480 = arith.constant 0 : i32
    %dma_start3A_481 = tpu.memref_slice %arg9[%dma_start3A_480, %multiple_of3A_468] : memref<32x1000000xf32, #tpu.memory_space<hbm>> -> memref<32x128xf32, #tpu.memory_space<hbm>>
    tpu.enqueue_dma source(%dma_start3A_481 : memref<32x128xf32, #tpu.memory_space<hbm>>) target(%dma_start3A_479 : memref<32x128xf32, #tpu.memory_space<vmem>>) target_semaphore(%arg21 : memref<!tpu.dma_semaphore, #tpu.memory_space<semaphore_mem>>)
    %slice3A_482 = vector.extract_strided_slice %get3A_463 {offsets = [1], sizes = [1], strides = [1]} : vector<16xi32> to vector<1xi32>
    %squeeze3A_483 = vector.extract %slice3A_482[0] : i32 from vector<1xi32>
    %and3A_484 = arith.constant -128 : i32
    %and3A_485 = arith.andi %squeeze3A_483, %and3A_484 : i32
    %multiple_of3A_486 = tpu.assume_multiple %and3A_485, 128 : i32
    %dma_start3A_487 = arith.constant 7 : i32
    %dma_start3A_488 = arith.constant 0 : i32
    %dma_start3A_489 = arith.constant 0 : i32
    %dma_start3A_490 = tpu.memref_slice %arg17[%dma_start3A_487, %dma_start3A_488, %dma_start3A_489] : memref<8x32x128xf32, #tpu.memory_space<vmem>> -> memref<1x32x128xf32, #tpu.memory_space<vmem>>
    %dma_start3A_491 = tpu.memref_squeeze %dma_start3A_490 : memref<1x32x128xf32, #tpu.memory_space<vmem>> -> memref<32x128xf32, #tpu.memory_space<vmem>>
    %dma_start3A_492 = arith.constant 0 : i32
    %dma_start3A_493 = tpu.memref_slice %arg9[%dma_start3A_492, %multiple_of3A_486] : memref<32x1000000xf32, #tpu.memory_space<hbm>> -> memref<32x128xf32, #tpu.memory_space<hbm>>
    %dma_start3A_494 = arith.constant 0 : i32
    %dma_start3A_495 = arith.constant 0 : i32
    %dma_start3A_496 = tpu.memref_slice %arg17[%dma_start3A_487, %dma_start3A_494, %dma_start3A_495] : memref<8x32x128xf32, #tpu.memory_space<vmem>> -> memref<1x32x128xf32, #tpu.memory_space<vmem>>
    %dma_start3A_497 = tpu.memref_squeeze %dma_start3A_496 : memref<1x32x128xf32, #tpu.memory_space<vmem>> -> memref<32x128xf32, #tpu.memory_space<vmem>>
    %dma_start3A_498 = arith.constant 0 : i32
    %dma_start3A_499 = tpu.memref_slice %arg9[%dma_start3A_498, %multiple_of3A_486] : memref<32x1000000xf32, #tpu.memory_space<hbm>> -> memref<32x128xf32, #tpu.memory_space<hbm>>
    tpu.enqueue_dma source(%dma_start3A_499 : memref<32x128xf32, #tpu.memory_space<hbm>>) target(%dma_start3A_497 : memref<32x128xf32, #tpu.memory_space<vmem>>) target_semaphore(%arg21 : memref<!tpu.dma_semaphore, #tpu.memory_space<semaphore_mem>>)
    %scan3A = arith.constant 0 : i32
    %scan3A_500 = arith.constant 0 : i32
    %scan3A_501 = arith.constant 85 : i32
    %scan3A_502 = arith.addi %scan3A_500, %scan3A_501 : i32
    %scan3A_503 = arith.constant 1 : i32
    scf.for %scan3A_867 = %scan3A_500 to %scan3A_502 step %scan3A_503  : i32 {
      %mul3A_868 = arith.constant 3 : i32
      %mul3A_869 = arith.muli %mul3A_868, %scan3A_867 : i32
      %dma_wait3A_870 = arith.constant 0 : i32
      %dma_wait3A_871 = arith.constant 0 : i32
      %dma_wait3A_872 = arith.constant 0 : i32
      %dma_wait3A_873 = tpu.memref_slice %arg15[%dma_wait3A_870, %dma_wait3A_871, %dma_wait3A_872] : memref<8x32x128xf32, #tpu.memory_space<vmem>> -> memref<1x32x128xf32, #tpu.memory_space<vmem>>
      %dma_wait3A_874 = tpu.memref_squeeze %dma_wait3A_873 : memref<1x32x128xf32, #tpu.memory_space<vmem>> -> memref<32x128xf32, #tpu.memory_space<vmem>>
      %dma_wait3A_875 = arith.constant 0 : i32
      %dma_wait3A_876 = arith.constant 0 : i32
      %dma_wait3A_877 = tpu.memref_slice %arg6[%dma_wait3A_875, %dma_wait3A_876] : memref<32x1000000xf32, #tpu.memory_space<hbm>> -> memref<32x128xf32, #tpu.memory_space<hbm>>
      %dma_wait3A_878 = arith.constant 0 : i32
      %dma_wait3A_879 = arith.constant 0 : i32
      %dma_wait3A_880 = tpu.memref_slice %arg15[%dma_wait3A_870, %dma_wait3A_878, %dma_wait3A_879] : memref<8x32x128xf32, #tpu.memory_space<vmem>> -> memref<1x32x128xf32, #tpu.memory_space<vmem>>
      %dma_wait3A_881 = tpu.memref_squeeze %dma_wait3A_880 : memref<1x32x128xf32, #tpu.memory_space<vmem>> -> memref<32x128xf32, #tpu.memory_space<vmem>>
      %dma_wait3A_882 = arith.constant 0 : i32
      %dma_wait3A_883 = arith.constant 0 : i32
      %dma_wait3A_884 = tpu.memref_slice %arg6[%dma_wait3A_882, %dma_wait3A_883] : memref<32x1000000xf32, #tpu.memory_space<hbm>> -> memref<32x128xf32, #tpu.memory_space<hbm>>
      tpu.wait_dma2 semaphore(%arg19 : memref<!tpu.dma_semaphore, #tpu.memory_space<semaphore_mem>>) src(%dma_wait3A_884 : memref<32x128xf32, #tpu.memory_space<hbm>>) dst(%dma_wait3A_881 : memref<32x128xf32, #tpu.memory_space<vmem>>)
      %dma_wait3A_885 = arith.constant 0 : i32
      %dma_wait3A_886 = arith.constant 0 : i32
      %dma_wait3A_887 = arith.constant 0 : i32
      %dma_wait3A_888 = tpu.memref_slice %arg15[%dma_wait3A_885, %dma_wait3A_886, %dma_wait3A_887] : memref<8x32x128xf32, #tpu.memory_space<vmem>> -> memref<1x32x128xf32, #tpu.memory_space<vmem>>
      %dma_wait3A_889 = tpu.memref_squeeze %dma_wait3A_888 : memref<1x32x128xf32, #tpu.memory_space<vmem>> -> memref<32x128xf32, #tpu.memory_space<vmem>>
      %dma_wait3A_890 = arith.constant 0 : i32
      %dma_wait3A_891 = arith.constant 0 : i32
      %dma_wait3A_892 = tpu.memref_slice %arg6[%dma_wait3A_890, %dma_wait3A_891] : memref<32x1000000xf32, #tpu.memory_space<hbm>> -> memref<32x128xf32, #tpu.memory_space<hbm>>
      %dma_wait3A_893 = arith.constant 0 : i32
      %dma_wait3A_894 = arith.constant 0 : i32
      %dma_wait3A_895 = tpu.memref_slice %arg15[%dma_wait3A_885, %dma_wait3A_893, %dma_wait3A_894] : memref<8x32x128xf32, #tpu.memory_space<vmem>> -> memref<1x32x128xf32, #tpu.memory_space<vmem>>
      %dma_wait3A_896 = tpu.memref_squeeze %dma_wait3A_895 : memref<1x32x128xf32, #tpu.memory_space<vmem>> -> memref<32x128xf32, #tpu.memory_space<vmem>>
      %dma_wait3A_897 = arith.constant 0 : i32
      %dma_wait3A_898 = arith.constant 0 : i32
      %dma_wait3A_899 = tpu.memref_slice %arg6[%dma_wait3A_897, %dma_wait3A_898] : memref<32x1000000xf32, #tpu.memory_space<hbm>> -> memref<32x128xf32, #tpu.memory_space<hbm>>
      tpu.wait_dma2 semaphore(%arg19 : memref<!tpu.dma_semaphore, #tpu.memory_space<semaphore_mem>>) src(%dma_wait3A_899 : memref<32x128xf32, #tpu.memory_space<hbm>>) dst(%dma_wait3A_896 : memref<32x128xf32, #tpu.memory_space<vmem>>)
      %dma_wait3A_900 = arith.constant 0 : i32
      %dma_wait3A_901 = arith.constant 0 : i32
      %dma_wait3A_902 = arith.constant 0 : i32
      %dma_wait3A_903 = tpu.memref_slice %arg15[%dma_wait3A_900, %dma_wait3A_901, %dma_wait3A_902] : memref<8x32x128xf32, #tpu.memory_space<vmem>> -> memref<1x32x128xf32, #tpu.memory_space<vmem>>
      %dma_wait3A_904 = tpu.memref_squeeze %dma_wait3A_903 : memref<1x32x128xf32, #tpu.memory_space<vmem>> -> memref<32x128xf32, #tpu.memory_space<vmem>>
      %dma_wait3A_905 = arith.constant 0 : i32
      %dma_wait3A_906 = arith.constant 0 : i32
      %dma_wait3A_907 = tpu.memref_slice %arg6[%dma_wait3A_905, %dma_wait3A_906] : memref<32x1000000xf32, #tpu.memory_space<hbm>> -> memref<32x128xf32, #tpu.memory_space<hbm>>
      %dma_wait3A_908 = arith.constant 0 : i32
      %dma_wait3A_909 = arith.constant 0 : i32
      %dma_wait3A_910 = tpu.memref_slice %arg15[%dma_wait3A_900, %dma_wait3A_908, %dma_wait3A_909] : memref<8x32x128xf32, #tpu.memory_space<vmem>> -> memref<1x32x128xf32, #tpu.memory_space<vmem>>
      %dma_wait3A_911 = tpu.memref_squeeze %dma_wait3A_910 : memref<1x32x128xf32, #tpu.memory_space<vmem>> -> memref<32x128xf32, #tpu.memory_space<vmem>>
      %dma_wait3A_912 = arith.constant 0 : i32
      %dma_wait3A_913 = arith.constant 0 : i32
      %dma_wait3A_914 = tpu.memref_slice %arg6[%dma_wait3A_912, %dma_wait3A_913] : memref<32x1000000xf32, #tpu.memory_space<hbm>> -> memref<32x128xf32, #tpu.memory_space<hbm>>
      tpu.wait_dma2 semaphore(%arg19 : memref<!tpu.dma_semaphore, #tpu.memory_space<semaphore_mem>>) src(%dma_wait3A_914 : memref<32x128xf32, #tpu.memory_space<hbm>>) dst(%dma_wait3A_911 : memref<32x128xf32, #tpu.memory_space<vmem>>)
      %dma_wait3A_915 = arith.constant 0 : i32
      %dma_wait3A_916 = arith.constant 0 : i32
      %dma_wait3A_917 = arith.constant 0 : i32
      %dma_wait3A_918 = tpu.memref_slice %arg15[%dma_wait3A_915, %dma_wait3A_916, %dma_wait3A_917] : memref<8x32x128xf32, #tpu.memory_space<vmem>> -> memref<1x32x128xf32, #tpu.memory_space<vmem>>
      %dma_wait3A_919 = tpu.memref_squeeze %dma_wait3A_918 : memref<1x32x128xf32, #tpu.memory_space<vmem>> -> memref<32x128xf32, #tpu.memory_space<vmem>>
      %dma_wait3A_920 = arith.constant 0 : i32
      %dma_wait3A_921 = arith.constant 0 : i32
      %dma_wait3A_922 = tpu.memref_slice %arg6[%dma_wait3A_920, %dma_wait3A_921] : memref<32x1000000xf32, #tpu.memory_space<hbm>> -> memref<32x128xf32, #tpu.memory_space<hbm>>
      %dma_wait3A_923 = arith.constant 0 : i32
      %dma_wait3A_924 = arith.constant 0 : i32
      %dma_wait3A_925 = tpu.memref_slice %arg15[%dma_wait3A_915, %dma_wait3A_923, %dma_wait3A_924] : memref<8x32x128xf32, #tpu.memory_space<vmem>> -> memref<1x32x128xf32, #tpu.memory_space<vmem>>
      %dma_wait3A_926 = tpu.memref_squeeze %dma_wait3A_925 : memref<1x32x128xf32, #tpu.memory_space<vmem>> -> memref<32x128xf32, #tpu.memory_space<vmem>>
      %dma_wait3A_927 = arith.constant 0 : i32
      %dma_wait3A_928 = arith.constant 0 : i32
      %dma_wait3A_929 = tpu.memref_slice %arg6[%dma_wait3A_927, %dma_wait3A_928] : memref<32x1000000xf32, #tpu.memory_space<hbm>> -> memref<32x128xf32, #tpu.memory_space<hbm>>
      tpu.wait_dma2 semaphore(%arg19 : memref<!tpu.dma_semaphore, #tpu.memory_space<semaphore_mem>>) src(%dma_wait3A_929 : memref<32x128xf32, #tpu.memory_space<hbm>>) dst(%dma_wait3A_926 : memref<32x128xf32, #tpu.memory_space<vmem>>)
      %dma_wait3A_930 = arith.constant 0 : i32
      %dma_wait3A_931 = arith.constant 0 : i32
      %dma_wait3A_932 = arith.constant 0 : i32
      %dma_wait3A_933 = tpu.memref_slice %arg15[%dma_wait3A_930, %dma_wait3A_931, %dma_wait3A_932] : memref<8x32x128xf32, #tpu.memory_space<vmem>> -> memref<1x32x128xf32, #tpu.memory_space<vmem>>
      %dma_wait3A_934 = tpu.memref_squeeze %dma_wait3A_933 : memref<1x32x128xf32, #tpu.memory_space<vmem>> -> memref<32x128xf32, #tpu.memory_space<vmem>>
      %dma_wait3A_935 = arith.constant 0 : i32
      %dma_wait3A_936 = arith.constant 0 : i32
      %dma_wait3A_937 = tpu.memref_slice %arg6[%dma_wait3A_935, %dma_wait3A_936] : memref<32x1000000xf32, #tpu.memory_space<hbm>> -> memref<32x128xf32, #tpu.memory_space<hbm>>
      %dma_wait3A_938 = arith.constant 0 : i32
      %dma_wait3A_939 = arith.constant 0 : i32
      %dma_wait3A_940 = tpu.memref_slice %arg15[%dma_wait3A_930, %dma_wait3A_938, %dma_wait3A_939] : memref<8x32x128xf32, #tpu.memory_space<vmem>> -> memref<1x32x128xf32, #tpu.memory_space<vmem>>
      %dma_wait3A_941 = tpu.memref_squeeze %dma_wait3A_940 : memref<1x32x128xf32, #tpu.memory_space<vmem>> -> memref<32x128xf32, #tpu.memory_space<vmem>>
      %dma_wait3A_942 = arith.constant 0 : i32
      %dma_wait3A_943 = arith.constant 0 : i32
      %dma_wait3A_944 = tpu.memref_slice %arg6[%dma_wait3A_942, %dma_wait3A_943] : memref<32x1000000xf32, #tpu.memory_space<hbm>> -> memref<32x128xf32, #tpu.memory_space<hbm>>
      tpu.wait_dma2 semaphore(%arg19 : memref<!tpu.dma_semaphore, #tpu.memory_space<semaphore_mem>>) src(%dma_wait3A_944 : memref<32x128xf32, #tpu.memory_space<hbm>>) dst(%dma_wait3A_941 : memref<32x128xf32, #tpu.memory_space<vmem>>)
      %dma_wait3A_945 = arith.constant 0 : i32
      %dma_wait3A_946 = arith.constant 0 : i32
      %dma_wait3A_947 = arith.constant 0 : i32
      %dma_wait3A_948 = tpu.memref_slice %arg15[%dma_wait3A_945, %dma_wait3A_946, %dma_wait3A_947] : memref<8x32x128xf32, #tpu.memory_space<vmem>> -> memref<1x32x128xf32, #tpu.memory_space<vmem>>
      %dma_wait3A_949 = tpu.memref_squeeze %dma_wait3A_948 : memref<1x32x128xf32, #tpu.memory_space<vmem>> -> memref<32x128xf32, #tpu.memory_space<vmem>>
      %dma_wait3A_950 = arith.constant 0 : i32
      %dma_wait3A_951 = arith.constant 0 : i32
      %dma_wait3A_952 = tpu.memref_slice %arg6[%dma_wait3A_950, %dma_wait3A_951] : memref<32x1000000xf32, #tpu.memory_space<hbm>> -> memref<32x128xf32, #tpu.memory_space<hbm>>
      %dma_wait3A_953 = arith.constant 0 : i32
      %dma_wait3A_954 = arith.constant 0 : i32
      %dma_wait3A_955 = tpu.memref_slice %arg15[%dma_wait3A_945, %dma_wait3A_953, %dma_wait3A_954] : memref<8x32x128xf32, #tpu.memory_space<vmem>> -> memref<1x32x128xf32, #tpu.memory_space<vmem>>
      %dma_wait3A_956 = tpu.memref_squeeze %dma_wait3A_955 : memref<1x32x128xf32, #tpu.memory_space<vmem>> -> memref<32x128xf32, #tpu.memory_space<vmem>>
      %dma_wait3A_957 = arith.constant 0 : i32
      %dma_wait3A_958 = arith.constant 0 : i32
      %dma_wait3A_959 = tpu.memref_slice %arg6[%dma_wait3A_957, %dma_wait3A_958] : memref<32x1000000xf32, #tpu.memory_space<hbm>> -> memref<32x128xf32, #tpu.memory_space<hbm>>
      tpu.wait_dma2 semaphore(%arg19 : memref<!tpu.dma_semaphore, #tpu.memory_space<semaphore_mem>>) src(%dma_wait3A_959 : memref<32x128xf32, #tpu.memory_space<hbm>>) dst(%dma_wait3A_956 : memref<32x128xf32, #tpu.memory_space<vmem>>)
      %dma_wait3A_960 = arith.constant 0 : i32
      %dma_wait3A_961 = arith.constant 0 : i32
      %dma_wait3A_962 = arith.constant 0 : i32
      %dma_wait3A_963 = tpu.memref_slice %arg15[%dma_wait3A_960, %dma_wait3A_961, %dma_wait3A_962] : memref<8x32x128xf32, #tpu.memory_space<vmem>> -> memref<1x32x128xf32, #tpu.memory_space<vmem>>
      %dma_wait3A_964 = tpu.memref_squeeze %dma_wait3A_963 : memref<1x32x128xf32, #tpu.memory_space<vmem>> -> memref<32x128xf32, #tpu.memory_space<vmem>>
      %dma_wait3A_965 = arith.constant 0 : i32
      %dma_wait3A_966 = arith.constant 0 : i32
      %dma_wait3A_967 = tpu.memref_slice %arg6[%dma_wait3A_965, %dma_wait3A_966] : memref<32x1000000xf32, #tpu.memory_space<hbm>> -> memref<32x128xf32, #tpu.memory_space<hbm>>
      %dma_wait3A_968 = arith.constant 0 : i32
      %dma_wait3A_969 = arith.constant 0 : i32
      %dma_wait3A_970 = tpu.memref_slice %arg15[%dma_wait3A_960, %dma_wait3A_968, %dma_wait3A_969] : memref<8x32x128xf32, #tpu.memory_space<vmem>> -> memref<1x32x128xf32, #tpu.memory_space<vmem>>
      %dma_wait3A_971 = tpu.memref_squeeze %dma_wait3A_970 : memref<1x32x128xf32, #tpu.memory_space<vmem>> -> memref<32x128xf32, #tpu.memory_space<vmem>>
      %dma_wait3A_972 = arith.constant 0 : i32
      %dma_wait3A_973 = arith.constant 0 : i32
      %dma_wait3A_974 = tpu.memref_slice %arg6[%dma_wait3A_972, %dma_wait3A_973] : memref<32x1000000xf32, #tpu.memory_space<hbm>> -> memref<32x128xf32, #tpu.memory_space<hbm>>
      tpu.wait_dma2 semaphore(%arg19 : memref<!tpu.dma_semaphore, #tpu.memory_space<semaphore_mem>>) src(%dma_wait3A_974 : memref<32x128xf32, #tpu.memory_space<hbm>>) dst(%dma_wait3A_971 : memref<32x128xf32, #tpu.memory_space<vmem>>)
      %dma_wait3A_975 = arith.constant 0 : i32
      %dma_wait3A_976 = arith.constant 0 : i32
      %dma_wait3A_977 = arith.constant 0 : i32
      %dma_wait3A_978 = tpu.memref_slice %arg15[%dma_wait3A_975, %dma_wait3A_976, %dma_wait3A_977] : memref<8x32x128xf32, #tpu.memory_space<vmem>> -> memref<1x32x128xf32, #tpu.memory_space<vmem>>
      %dma_wait3A_979 = tpu.memref_squeeze %dma_wait3A_978 : memref<1x32x128xf32, #tpu.memory_space<vmem>> -> memref<32x128xf32, #tpu.memory_space<vmem>>
      %dma_wait3A_980 = arith.constant 0 : i32
      %dma_wait3A_981 = arith.constant 0 : i32
      %dma_wait3A_982 = tpu.memref_slice %arg6[%dma_wait3A_980, %dma_wait3A_981] : memref<32x1000000xf32, #tpu.memory_space<hbm>> -> memref<32x128xf32, #tpu.memory_space<hbm>>
      %dma_wait3A_983 = arith.constant 0 : i32
      %dma_wait3A_984 = arith.constant 0 : i32
      %dma_wait3A_985 = tpu.memref_slice %arg15[%dma_wait3A_975, %dma_wait3A_983, %dma_wait3A_984] : memref<8x32x128xf32, #tpu.memory_space<vmem>> -> memref<1x32x128xf32, #tpu.memory_space<vmem>>
      %dma_wait3A_986 = tpu.memref_squeeze %dma_wait3A_985 : memref<1x32x128xf32, #tpu.memory_space<vmem>> -> memref<32x128xf32, #tpu.memory_space<vmem>>
      %dma_wait3A_987 = arith.constant 0 : i32
      %dma_wait3A_988 = arith.constant 0 : i32
      %dma_wait3A_989 = tpu.memref_slice %arg6[%dma_wait3A_987, %dma_wait3A_988] : memref<32x1000000xf32, #tpu.memory_space<hbm>> -> memref<32x128xf32, #tpu.memory_space<hbm>>
      tpu.wait_dma2 semaphore(%arg19 : memref<!tpu.dma_semaphore, #tpu.memory_space<semaphore_mem>>) src(%dma_wait3A_989 : memref<32x128xf32, #tpu.memory_space<hbm>>) dst(%dma_wait3A_986 : memref<32x128xf32, #tpu.memory_space<vmem>>)
      %mul3A_990 = arith.constant 2 : i32
      %mul3A_991 = arith.muli %mul3A_869, %mul3A_990 : i32
      %get3A_992 = arith.index_cast %mul3A_991 : i32 to index
      %get3A_993 = tpu.vector_load %arg11[%get3A_992] {strides = array<i32>} : memref<528xi32, #tpu.memory_space<vmem>>, vector<16xi32>,
      %mul3A_994 = arith.constant 2 : i32
      %mul3A_995 = arith.muli %mul3A_869, %mul3A_994 : i32
      %add3A_996 = arith.constant 0 : i32
      %add3A_997 = arith.addi %mul3A_995, %add3A_996 : i32
      %slice3A_998 = vector.extract_strided_slice %get3A_993 {offsets = [0], sizes = [1], strides = [1]} : vector<16xi32> to vector<1xi32>
      %squeeze3A_999 = vector.extract %slice3A_998[0] : i32 from vector<1xi32>
      %and3A_1000 = arith.constant 127 : i32
      %and3A_1001 = arith.andi %squeeze3A_999, %and3A_1000 : i32
      %broadcast_in_dim3A_1002 = vector.broadcast %and3A_1001 : i32 to vector<16xi32>
      %gather3A_1003 = arith.constant 0 : i32
      %gather3A_1004 = arith.constant 0 : i32
      %gather3A_1005 = arith.constant 0 : i32
      %gather3A_1006 = tpu.memref_slice %arg15[%gather3A_1003, %gather3A_1004, %gather3A_1005] : memref<8x32x128xf32, #tpu.memory_space<vmem>> -> memref<1x32x128xf32, #tpu.memory_space<vmem>>
      %gather3A_1007 = tpu.memref_squeeze %gather3A_1006 : memref<1x32x128xf32, #tpu.memory_space<vmem>> -> memref<32x128xf32, #tpu.memory_space<vmem>>
      %gather3A_1008 = tpu.vector_load_idx %gather3A_1007[%iota3A, %broadcast_in_dim3A_1002] : memref<32x128xf32, #tpu.memory_space<vmem>>[vector<16xi32>, vector<16xi32>], vector<16xf32>,
      %add3A_1009 = arith.constant 16 : i32
      %add3A_1010 = vector.broadcast %add3A_1009 : i32 to vector<16xi32>
      %add3A_1011 = arith.addi %iota3A, %add3A_1010 : vector<16xi32>
      %gather3A_1012 = arith.constant 0 : i32
      %gather3A_1013 = arith.constant 0 : i32
      %gather3A_1014 = arith.constant 0 : i32
      %gather3A_1015 = tpu.memref_slice %arg15[%gather3A_1012, %gather3A_1013, %gather3A_1014] : memref<8x32x128xf32, #tpu.memory_space<vmem>> -> memref<1x32x128xf32, #tpu.memory_space<vmem>>
      %gather3A_1016 = tpu.memref_squeeze %gather3A_1015 : memref<1x32x128xf32, #tpu.memory_space<vmem>> -> memref<32x128xf32, #tpu.memory_space<vmem>>
      %gather3A_1017 = tpu.vector_load_idx %gather3A_1016[%add3A_1011, %broadcast_in_dim3A_1002] : memref<32x128xf32, #tpu.memory_space<vmem>>[vector<16xi32>, vector<16xi32>], vector<16xf32>,
      %and3A_1018 = arith.constant 127 : i32
      %and3A_1019 = arith.andi %add3A_997, %and3A_1018 : i32
      %swap3A_1020 = arith.index_cast %and3A_1019 : i32 to index
      %swap3A_1021 = arith.constant 0 : index
      %swap3A_1022 = tpu.vector_load %arg18[%swap3A_1020, %swap3A_1021] {strides = array<i32>} : memref<128x128xf32, #tpu.memory_space<vmem>>, vector<16xf32>,
      tpu.vector_store %arg18[%swap3A_1020, %swap3A_1021], %gather3A_1008 {strides = array<i32>} : memref<128x128xf32, #tpu.memory_space<vmem>>, vector<16xf32>,
      %swap3A_1023 = arith.index_cast %and3A_1019 : i32 to index
      %swap3A_1024 = arith.constant 16 : index
      %swap3A_1025 = tpu.vector_load %arg18[%swap3A_1023, %swap3A_1024] {strides = array<i32>} : memref<128x128xf32, #tpu.memory_space<vmem>>, vector<16xf32>,
      tpu.vector_store %arg18[%swap3A_1023, %swap3A_1024], %gather3A_1017 {strides = array<i32>} : memref<128x128xf32, #tpu.memory_space<vmem>>, vector<16xf32>,
      %mul3A_1026 = arith.constant 2 : i32
      %mul3A_1027 = arith.muli %mul3A_869, %mul3A_1026 : i32
      %add3A_1028 = arith.constant 1 : i32
      %add3A_1029 = arith.addi %mul3A_1027, %add3A_1028 : i32
      %slice3A_1030 = vector.extract_strided_slice %get3A_993 {offsets = [1], sizes = [1], strides = [1]} : vector<16xi32> to vector<1xi32>
      %squeeze3A_1031 = vector.extract %slice3A_1030[0] : i32 from vector<1xi32>
      %and3A_1032 = arith.constant 127 : i32
      %and3A_1033 = arith.andi %squeeze3A_1031, %and3A_1032 : i32
      %broadcast_in_dim3A_1034 = vector.broadcast %and3A_1033 : i32 to vector<16xi32>
      %gather3A_1035 = arith.constant 1 : i32
      %gather3A_1036 = arith.constant 0 : i32
      %gather3A_1037 = arith.constant 0 : i32
      %gather3A_1038 = tpu.memref_slice %arg15[%gather3A_1035, %gather3A_1036, %gather3A_1037] : memref<8x32x128xf32, #tpu.memory_space<vmem>> -> memref<1x32x128xf32, #tpu.memory_space<vmem>>
      %gather3A_1039 = tpu.memref_squeeze %gather3A_1038 : memref<1x32x128xf32, #tpu.memory_space<vmem>> -> memref<32x128xf32, #tpu.memory_space<vmem>>
      %gather3A_1040 = tpu.vector_load_idx %gather3A_1039[%iota3A, %broadcast_in_dim3A_1034] : memref<32x128xf32, #tpu.memory_space<vmem>>[vector<16xi32>, vector<16xi32>], vector<16xf32>,
      %add3A_1041 = arith.constant 16 : i32
      %add3A_1042 = vector.broadcast %add3A_1041 : i32 to vector<16xi32>
      %add3A_1043 = arith.addi %iota3A, %add3A_1042 : vector<16xi32>
      %gather3A_1044 = arith.constant 1 : i32
      %gather3A_1045 = arith.constant 0 : i32
      %gather3A_1046 = arith.constant 0 : i32
      %gather3A_1047 = tpu.memref_slice %arg15[%gather3A_1044, %gather3A_1045, %gather3A_1046] : memref<8x32x128xf32, #tpu.memory_space<vmem>> -> memref<1x32x128xf32, #tpu.memory_space<vmem>>
      %gather3A_1048 = tpu.memref_squeeze %gather3A_1047 : memref<1x32x128xf32, #tpu.memory_space<vmem>> -> memref<32x128xf32, #tpu.memory_space<vmem>>
      %gather3A_1049 = tpu.vector_load_idx %gather3A_1048[%add3A_1043, %broadcast_in_dim3A_1034] : memref<32x128xf32, #tpu.memory_space<vmem>>[vector<16xi32>, vector<16xi32>], vector<16xf32>,
      %and3A_1050 = arith.constant 127 : i32
      %and3A_1051 = arith.andi %add3A_1029, %and3A_1050 : i32
      %swap3A_1052 = arith.index_cast %and3A_1051 : i32 to index
      %swap3A_1053 = arith.constant 0 : index
      %swap3A_1054 = tpu.vector_load %arg18[%swap3A_1052, %swap3A_1053] {strides = array<i32>} : memref<128x128xf32, #tpu.memory_space<vmem>>, vector<16xf32>,
      tpu.vector_store %arg18[%swap3A_1052, %swap3A_1053], %gather3A_1040 {strides = array<i32>} : memref<128x128xf32, #tpu.memory_space<vmem>>, vector<16xf32>,
      %swap3A_1055 = arith.index_cast %and3A_1051 : i32 to index
      %swap3A_1056 = arith.constant 16 : index
      %swap3A_1057 = tpu.vector_load %arg18[%swap3A_1055, %swap3A_1056] {strides = array<i32>} : memref<128x128xf32, #tpu.memory_space<vmem>>, vector<16xf32>,
      tpu.vector_store %arg18[%swap3A_1055, %swap3A_1056], %gather3A_1049 {strides = array<i32>} : memref<128x128xf32, #tpu.memory_space<vmem>>, vector<16xf32>,
      %mul3A_1058 = arith.constant 2 : i32
      %mul3A_1059 = arith.muli %mul3A_869, %mul3A_1058 : i32
      %get3A_1060 = arith.index_cast %mul3A_1059 : i32 to index
      %get3A_1061 = tpu.vector_load %arg12[%get3A_1060] {strides = array<i32>} : memref<528xi32, #tpu.memory_space<vmem>>, vector<16xi32>,
      %mul3A_1062 = arith.constant 2 : i32
      %mul3A_1063 = arith.muli %mul3A_869, %mul3A_1062 : i32
      %add3A_1064 = arith.constant 0 : i32
      %add3A_1065 = arith.addi %mul3A_1063, %add3A_1064 : i32
      %slice3A_1066 = vector.extract_strided_slice %get3A_1061 {offsets = [0], sizes = [1], strides = [1]} : vector<16xi32> to vector<1xi32>
      %squeeze3A_1067 = vector.extract %slice3A_1066[0] : i32 from vector<1xi32>
      %and3A_1068 = arith.constant 127 : i32
      %and3A_1069 = arith.andi %squeeze3A_1067, %and3A_1068 : i32
      %broadcast_in_dim3A_1070 = vector.broadcast %and3A_1069 : i32 to vector<16xi32>
      %gather3A_1071 = arith.constant 2 : i32
      %gather3A_1072 = arith.constant 0 : i32
      %gather3A_1073 = arith.constant 0 : i32
      %gather3A_1074 = tpu.memref_slice %arg15[%gather3A_1071, %gather3A_1072, %gather3A_1073] : memref<8x32x128xf32, #tpu.memory_space<vmem>> -> memref<1x32x128xf32, #tpu.memory_space<vmem>>
      %gather3A_1075 = tpu.memref_squeeze %gather3A_1074 : memref<1x32x128xf32, #tpu.memory_space<vmem>> -> memref<32x128xf32, #tpu.memory_space<vmem>>
      %gather3A_1076 = tpu.vector_load_idx %gather3A_1075[%iota3A, %broadcast_in_dim3A_1070] : memref<32x128xf32, #tpu.memory_space<vmem>>[vector<16xi32>, vector<16xi32>], vector<16xf32>,
      %add3A_1077 = arith.constant 16 : i32
      %add3A_1078 = vector.broadcast %add3A_1077 : i32 to vector<16xi32>
      %add3A_1079 = arith.addi %iota3A, %add3A_1078 : vector<16xi32>
      %gather3A_1080 = arith.constant 2 : i32
      %gather3A_1081 = arith.constant 0 : i32
      %gather3A_1082 = arith.constant 0 : i32
      %gather3A_1083 = tpu.memref_slice %arg15[%gather3A_1080, %gather3A_1081, %gather3A_1082] : memref<8x32x128xf32, #tpu.memory_space<vmem>> -> memref<1x32x128xf32, #tpu.memory_space<vmem>>
      %gather3A_1084 = tpu.memref_squeeze %gather3A_1083 : memref<1x32x128xf32, #tpu.memory_space<vmem>> -> memref<32x128xf32, #tpu.memory_space<vmem>>
      %gather3A_1085 = tpu.vector_load_idx %gather3A_1084[%add3A_1079, %broadcast_in_dim3A_1070] : memref<32x128xf32, #tpu.memory_space<vmem>>[vector<16xi32>, vector<16xi32>], vector<16xf32>,
      %and3A_1086 = arith.constant 127 : i32
      %and3A_1087 = arith.andi %add3A_1065, %and3A_1086 : i32
      %swap3A_1088 = arith.index_cast %and3A_1087 : i32 to index
      %swap3A_1089 = arith.constant 32 : index
      %swap3A_1090 = tpu.vector_load %arg18[%swap3A_1088, %swap3A_1089] {strides = array<i32>} : memref<128x128xf32, #tpu.memory_space<vmem>>, vector<16xf32>,
      tpu.vector_store %arg18[%swap3A_1088, %swap3A_1089], %gather3A_1076 {strides = array<i32>} : memref<128x128xf32, #tpu.memory_space<vmem>>, vector<16xf32>,
      %swap3A_1091 = arith.index_cast %and3A_1087 : i32 to index
      %swap3A_1092 = arith.constant 48 : index
      %swap3A_1093 = tpu.vector_load %arg18[%swap3A_1091, %swap3A_1092] {strides = array<i32>} : memref<128x128xf32, #tpu.memory_space<vmem>>, vector<16xf32>,
      tpu.vector_store %arg18[%swap3A_1091, %swap3A_1092], %gather3A_1085 {strides = array<i32>} : memref<128x128xf32, #tpu.memory_space<vmem>>, vector<16xf32>,
      %mul3A_1094 = arith.constant 2 : i32
      %mul3A_1095 = arith.muli %mul3A_869, %mul3A_1094 : i32
      %add3A_1096 = arith.constant 1 : i32
      %add3A_1097 = arith.addi %mul3A_1095, %add3A_1096 : i32
      %slice3A_1098 = vector.extract_strided_slice %get3A_1061 {offsets = [1], sizes = [1], strides = [1]} : vector<16xi32> to vector<1xi32>
      %squeeze3A_1099 = vector.extract %slice3A_1098[0] : i32 from vector<1xi32>
      %and3A_1100 = arith.constant 127 : i32
      %and3A_1101 = arith.andi %squeeze3A_1099, %and3A_1100 : i32
      %broadcast_in_dim3A_1102 = vector.broadcast %and3A_1101 : i32 to vector<16xi32>
      %gather3A_1103 = arith.constant 3 : i32
      %gather3A_1104 = arith.constant 0 : i32
      %gather3A_1105 = arith.constant 0 : i32
      %gather3A_1106 = tpu.memref_slice %arg15[%gather3A_1103, %gather3A_1104, %gather3A_1105] : memref<8x32x128xf32, #tpu.memory_space<vmem>> -> memref<1x32x128xf32, #tpu.memory_space<vmem>>
      %gather3A_1107 = tpu.memref_squeeze %gather3A_1106 : memref<1x32x128xf32, #tpu.memory_space<vmem>> -> memref<32x128xf32, #tpu.memory_space<vmem>>
      %gather3A_1108 = tpu.vector_load_idx %gather3A_1107[%iota3A, %broadcast_in_dim3A_1102] : memref<32x128xf32, #tpu.memory_space<vmem>>[vector<16xi32>, vector<16xi32>], vector<16xf32>,
      %add3A_1109 = arith.constant 16 : i32
      %add3A_1110 = vector.broadcast %add3A_1109 : i32 to vector<16xi32>
      %add3A_1111 = arith.addi %iota3A, %add3A_1110 : vector<16xi32>
      %gather3A_1112 = arith.constant 3 : i32
      %gather3A_1113 = arith.constant 0 : i32
      %gather3A_1114 = arith.constant 0 : i32
      %gather3A_1115 = tpu.memref_slice %arg15[%gather3A_1112, %gather3A_1113, %gather3A_1114] : memref<8x32x128xf32, #tpu.memory_space<vmem>> -> memref<1x32x128xf32, #tpu.memory_space<vmem>>
      %gather3A_1116 = tpu.memref_squeeze %gather3A_1115 : memref<1x32x128xf32, #tpu.memory_space<vmem>> -> memref<32x128xf32, #tpu.memory_space<vmem>>
      %gather3A_1117 = tpu.vector_load_idx %gather3A_1116[%add3A_1111, %broadcast_in_dim3A_1102] : memref<32x128xf32, #tpu.memory_space<vmem>>[vector<16xi32>, vector<16xi32>], vector<16xf32>,
      %and3A_1118 = arith.constant 127 : i32
      %and3A_1119 = arith.andi %add3A_1097, %and3A_1118 : i32
      %swap3A_1120 = arith.index_cast %and3A_1119 : i32 to index
      %swap3A_1121 = arith.constant 32 : index
      %swap3A_1122 = tpu.vector_load %arg18[%swap3A_1120, %swap3A_1121] {strides = array<i32>} : memref<128x128xf32, #tpu.memory_space<vmem>>, vector<16xf32>,
      tpu.vector_store %arg18[%swap3A_1120, %swap3A_1121], %gather3A_1108 {strides = array<i32>} : memref<128x128xf32, #tpu.memory_space<vmem>>, vector<16xf32>,
      %swap3A_1123 = arith.index_cast %and3A_1119 : i32 to index
      %swap3A_1124 = arith.constant 48 : index
      %swap3A_1125 = tpu.vector_load %arg18[%swap3A_1123, %swap3A_1124] {strides = array<i32>} : memref<128x128xf32, #tpu.memory_space<vmem>>, vector<16xf32>,
      tpu.vector_store %arg18[%swap3A_1123, %swap3A_1124], %gather3A_1117 {strides = array<i32>} : memref<128x128xf32, #tpu.memory_space<vmem>>, vector<16xf32>,
      %mul3A_1126 = arith.constant 2 : i32
      %mul3A_1127 = arith.muli %mul3A_869, %mul3A_1126 : i32
      %get3A_1128 = arith.index_cast %mul3A_1127 : i32 to index
      %get3A_1129 = tpu.vector_load %arg13[%get3A_1128] {strides = array<i32>} : memref<528xi32, #tpu.memory_space<vmem>>, vector<16xi32>,
      %mul3A_1130 = arith.constant 2 : i32
      %mul3A_1131 = arith.muli %mul3A_869, %mul3A_1130 : i32
      %add3A_1132 = arith.constant 0 : i32
      %add3A_1133 = arith.addi %mul3A_1131, %add3A_1132 : i32
      %slice3A_1134 = vector.extract_strided_slice %get3A_1129 {offsets = [0], sizes = [1], strides = [1]} : vector<16xi32> to vector<1xi32>
      %squeeze3A_1135 = vector.extract %slice3A_1134[0] : i32 from vector<1xi32>
      %and3A_1136 = arith.constant 127 : i32
      %and3A_1137 = arith.andi %squeeze3A_1135, %and3A_1136 : i32
      %broadcast_in_dim3A_1138 = vector.broadcast %and3A_1137 : i32 to vector<16xi32>
      %gather3A_1139 = arith.constant 4 : i32
      %gather3A_1140 = arith.constant 0 : i32
      %gather3A_1141 = arith.constant 0 : i32
      %gather3A_1142 = tpu.memref_slice %arg15[%gather3A_1139, %gather3A_1140, %gather3A_1141] : memref<8x32x128xf32, #tpu.memory_space<vmem>> -> memref<1x32x128xf32, #tpu.memory_space<vmem>>
      %gather3A_1143 = tpu.memref_squeeze %gather3A_1142 : memref<1x32x128xf32, #tpu.memory_space<vmem>> -> memref<32x128xf32, #tpu.memory_space<vmem>>
      %gather3A_1144 = tpu.vector_load_idx %gather3A_1143[%iota3A, %broadcast_in_dim3A_1138] : memref<32x128xf32, #tpu.memory_space<vmem>>[vector<16xi32>, vector<16xi32>], vector<16xf32>,
      %add3A_1145 = arith.constant 16 : i32
      %add3A_1146 = vector.broadcast %add3A_1145 : i32 to vector<16xi32>
      %add3A_1147 = arith.addi %iota3A, %add3A_1146 : vector<16xi32>
      %gather3A_1148 = arith.constant 4 : i32
      %gather3A_1149 = arith.constant 0 : i32
      %gather3A_1150 = arith.constant 0 : i32
      %gather3A_1151 = tpu.memref_slice %arg15[%gather3A_1148, %gather3A_1149, %gather3A_1150] : memref<8x32x128xf32, #tpu.memory_space<vmem>> -> memref<1x32x128xf32, #tpu.memory_space<vmem>>
      %gather3A_1152 = tpu.memref_squeeze %gather3A_1151 : memref<1x32x128xf32, #tpu.memory_space<vmem>> -> memref<32x128xf32, #tpu.memory_space<vmem>>
      %gather3A_1153 = tpu.vector_load_idx %gather3A_1152[%add3A_1147, %broadcast_in_dim3A_1138] : memref<32x128xf32, #tpu.memory_space<vmem>>[vector<16xi32>, vector<16xi32>], vector<16xf32>,
      %and3A_1154 = arith.constant 127 : i32
      %and3A_1155 = arith.andi %add3A_1133, %and3A_1154 : i32
      %swap3A_1156 = arith.index_cast %and3A_1155 : i32 to index
      %swap3A_1157 = arith.constant 64 : index
      %swap3A_1158 = tpu.vector_load %arg18[%swap3A_1156, %swap3A_1157] {strides = array<i32>} : memref<128x128xf32, #tpu.memory_space<vmem>>, vector<16xf32>,
      tpu.vector_store %arg18[%swap3A_1156, %swap3A_1157], %gather3A_1144 {strides = array<i32>} : memref<128x128xf32, #tpu.memory_space<vmem>>, vector<16xf32>,
      %swap3A_1159 = arith.index_cast %and3A_1155 : i32 to index
      %swap3A_1160 = arith.constant 80 : index
      %swap3A_1161 = tpu.vector_load %arg18[%swap3A_1159, %swap3A_1160] {strides = array<i32>} : memref<128x128xf32, #tpu.memory_space<vmem>>, vector<16xf32>,
      tpu.vector_store %arg18[%swap3A_1159, %swap3A_1160], %gather3A_1153 {strides = array<i32>} : memref<128x128xf32, #tpu.memory_space<vmem>>, vector<16xf32>,
      %mul3A_1162 = arith.constant 2 : i32
      %mul3A_1163 = arith.muli %mul3A_869, %mul3A_1162 : i32
      %add3A_1164 = arith.constant 1 : i32
      %add3A_1165 = arith.addi %mul3A_1163, %add3A_1164 : i32
      %slice3A_1166 = vector.extract_strided_slice %get3A_1129 {offsets = [1], sizes = [1], strides = [1]} : vector<16xi32> to vector<1xi32>
      %squeeze3A_1167 = vector.extract %slice3A_1166[0] : i32 from vector<1xi32>
      %and3A_1168 = arith.constant 127 : i32
      %and3A_1169 = arith.andi %squeeze3A_1167, %and3A_1168 : i32
      %broadcast_in_dim3A_1170 = vector.broadcast %and3A_1169 : i32 to vector<16xi32>
      %gather3A_1171 = arith.constant 5 : i32
      %gather3A_1172 = arith.constant 0 : i32
      %gather3A_1173 = arith.constant 0 : i32
      %gather3A_1174 = tpu.memref_slice %arg15[%gather3A_1171, %gather3A_1172, %gather3A_1173] : memref<8x32x128xf32, #tpu.memory_space<vmem>> -> memref<1x32x128xf32, #tpu.memory_space<vmem>>
      %gather3A_1175 = tpu.memref_squeeze %gather3A_1174 : memref<1x32x128xf32, #tpu.memory_space<vmem>> -> memref<32x128xf32, #tpu.memory_space<vmem>>
      %gather3A_1176 = tpu.vector_load_idx %gather3A_1175[%iota3A, %broadcast_in_dim3A_1170] : memref<32x128xf32, #tpu.memory_space<vmem>>[vector<16xi32>, vector<16xi32>], vector<16xf32>,
      %add3A_1177 = arith.constant 16 : i32
      %add3A_1178 = vector.broadcast %add3A_1177 : i32 to vector<16xi32>
      %add3A_1179 = arith.addi %iota3A, %add3A_1178 : vector<16xi32>
      %gather3A_1180 = arith.constant 5 : i32
      %gather3A_1181 = arith.constant 0 : i32
      %gather3A_1182 = arith.constant 0 : i32
      %gather3A_1183 = tpu.memref_slice %arg15[%gather3A_1180, %gather3A_1181, %gather3A_1182] : memref<8x32x128xf32, #tpu.memory_space<vmem>> -> memref<1x32x128xf32, #tpu.memory_space<vmem>>
      %gather3A_1184 = tpu.memref_squeeze %gather3A_1183 : memref<1x32x128xf32, #tpu.memory_space<vmem>> -> memref<32x128xf32, #tpu.memory_space<vmem>>
      %gather3A_1185 = tpu.vector_load_idx %gather3A_1184[%add3A_1179, %broadcast_in_dim3A_1170] : memref<32x128xf32, #tpu.memory_space<vmem>>[vector<16xi32>, vector<16xi32>], vector<16xf32>,
      %and3A_1186 = arith.constant 127 : i32
      %and3A_1187 = arith.andi %add3A_1165, %and3A_1186 : i32
      %swap3A_1188 = arith.index_cast %and3A_1187 : i32 to index
      %swap3A_1189 = arith.constant 64 : index
      %swap3A_1190 = tpu.vector_load %arg18[%swap3A_1188, %swap3A_1189] {strides = array<i32>} : memref<128x128xf32, #tpu.memory_space<vmem>>, vector<16xf32>,
      tpu.vector_store %arg18[%swap3A_1188, %swap3A_1189], %gather3A_1176 {strides = array<i32>} : memref<128x128xf32, #tpu.memory_space<vmem>>, vector<16xf32>,
      %swap3A_1191 = arith.index_cast %and3A_1187 : i32 to index
      %swap3A_1192 = arith.constant 80 : index
      %swap3A_1193 = tpu.vector_load %arg18[%swap3A_1191, %swap3A_1192] {strides = array<i32>} : memref<128x128xf32, #tpu.memory_space<vmem>>, vector<16xf32>,
      tpu.vector_store %arg18[%swap3A_1191, %swap3A_1192], %gather3A_1185 {strides = array<i32>} : memref<128x128xf32, #tpu.memory_space<vmem>>, vector<16xf32>,
      %mul3A_1194 = arith.constant 2 : i32
      %mul3A_1195 = arith.muli %mul3A_869, %mul3A_1194 : i32
      %get3A_1196 = arith.index_cast %mul3A_1195 : i32 to index
      %get3A_1197 = tpu.vector_load %arg14[%get3A_1196] {strides = array<i32>} : memref<528xi32, #tpu.memory_space<vmem>>, vector<16xi32>,
      %mul3A_1198 = arith.constant 2 : i32
      %mul3A_1199 = arith.muli %mul3A_869, %mul3A_1198 : i32
      %add3A_1200 = arith.constant 0 : i32
      %add3A_1201 = arith.addi %mul3A_1199, %add3A_1200 : i32
      %slice3A_1202 = vector.extract_strided_slice %get3A_1197 {offsets = [0], sizes = [1], strides = [1]} : vector<16xi32> to vector<1xi32>
      %squeeze3A_1203 = vector.extract %slice3A_1202[0] : i32 from vector<1xi32>
      %and3A_1204 = arith.constant 127 : i32
      %and3A_1205 = arith.andi %squeeze3A_1203, %and3A_1204 : i32
      %broadcast_in_dim3A_1206 = vector.broadcast %and3A_1205 : i32 to vector<16xi32>
      %gather3A_1207 = arith.constant 6 : i32
      %gather3A_1208 = arith.constant 0 : i32
      %gather3A_1209 = arith.constant 0 : i32
      %gather3A_1210 = tpu.memref_slice %arg15[%gather3A_1207, %gather3A_1208, %gather3A_1209] : memref<8x32x128xf32, #tpu.memory_space<vmem>> -> memref<1x32x128xf32, #tpu.memory_space<vmem>>
      %gather3A_1211 = tpu.memref_squeeze %gather3A_1210 : memref<1x32x128xf32, #tpu.memory_space<vmem>> -> memref<32x128xf32, #tpu.memory_space<vmem>>
      %gather3A_1212 = tpu.vector_load_idx %gather3A_1211[%iota3A, %broadcast_in_dim3A_1206] : memref<32x128xf32, #tpu.memory_space<vmem>>[vector<16xi32>, vector<16xi32>], vector<16xf32>,
      %add3A_1213 = arith.constant 16 : i32
      %add3A_1214 = vector.broadcast %add3A_1213 : i32 to vector<16xi32>
      %add3A_1215 = arith.addi %iota3A, %add3A_1214 : vector<16xi32>
      %gather3A_1216 = arith.constant 6 : i32
      %gather3A_1217 = arith.constant 0 : i32
      %gather3A_1218 = arith.constant 0 : i32
      %gather3A_1219 = tpu.memref_slice %arg15[%gather3A_1216, %gather3A_1217, %gather3A_1218] : memref<8x32x128xf32, #tpu.memory_space<vmem>> -> memref<1x32x128xf32, #tpu.memory_space<vmem>>
      %gather3A_1220 = tpu.memref_squeeze %gather3A_1219 : memref<1x32x128xf32, #tpu.memory_space<vmem>> -> memref<32x128xf32, #tpu.memory_space<vmem>>
      %gather3A_1221 = tpu.vector_load_idx %gather3A_1220[%add3A_1215, %broadcast_in_dim3A_1206] : memref<32x128xf32, #tpu.memory_space<vmem>>[vector<16xi32>, vector<16xi32>], vector<16xf32>,
      %and3A_1222 = arith.constant 127 : i32
      %and3A_1223 = arith.andi %add3A_1201, %and3A_1222 : i32
      %swap3A_1224 = arith.index_cast %and3A_1223 : i32 to index
      %swap3A_1225 = arith.constant 96 : index
      %swap3A_1226 = tpu.vector_load %arg18[%swap3A_1224, %swap3A_1225] {strides = array<i32>} : memref<128x128xf32, #tpu.memory_space<vmem>>, vector<16xf32>,
      tpu.vector_store %arg18[%swap3A_1224, %swap3A_1225], %gather3A_1212 {strides = array<i32>} : memref<128x128xf32, #tpu.memory_space<vmem>>, vector<16xf32>,
      %swap3A_1227 = arith.index_cast %and3A_1223 : i32 to index
      %swap3A_1228 = arith.constant 112 : index
      %swap3A_1229 = tpu.vector_load %arg18[%swap3A_1227, %swap3A_1228] {strides = array<i32>} : memref<128x128xf32, #tpu.memory_space<vmem>>, vector<16xf32>,
      tpu.vector_store %arg18[%swap3A_1227, %swap3A_1228], %gather3A_1221 {strides = array<i32>} : memref<128x128xf32, #tpu.memory_space<vmem>>, vector<16xf32>,
      %mul3A_1230 = arith.constant 2 : i32
      %mul3A_1231 = arith.muli %mul3A_869, %mul3A_1230 : i32
      %add3A_1232 = arith.constant 1 : i32
      %add3A_1233 = arith.addi %mul3A_1231, %add3A_1232 : i32
      %slice3A_1234 = vector.extract_strided_slice %get3A_1197 {offsets = [1], sizes = [1], strides = [1]} : vector<16xi32> to vector<1xi32>
      %squeeze3A_1235 = vector.extract %slice3A_1234[0] : i32 from vector<1xi32>
      %and3A_1236 = arith.constant 127 : i32
      %and3A_1237 = arith.andi %squeeze3A_1235, %and3A_1236 : i32
      %broadcast_in_dim3A_1238 = vector.broadcast %and3A_1237 : i32 to vector<16xi32>
      %gather3A_1239 = arith.constant 7 : i32
      %gather3A_1240 = arith.constant 0 : i32
      %gather3A_1241 = arith.constant 0 : i32
      %gather3A_1242 = tpu.memref_slice %arg15[%gather3A_1239, %gather3A_1240, %gather3A_1241] : memref<8x32x128xf32, #tpu.memory_space<vmem>> -> memref<1x32x128xf32, #tpu.memory_space<vmem>>
      %gather3A_1243 = tpu.memref_squeeze %gather3A_1242 : memref<1x32x128xf32, #tpu.memory_space<vmem>> -> memref<32x128xf32, #tpu.memory_space<vmem>>
      %gather3A_1244 = tpu.vector_load_idx %gather3A_1243[%iota3A, %broadcast_in_dim3A_1238] : memref<32x128xf32, #tpu.memory_space<vmem>>[vector<16xi32>, vector<16xi32>], vector<16xf32>,
      %add3A_1245 = arith.constant 16 : i32
      %add3A_1246 = vector.broadcast %add3A_1245 : i32 to vector<16xi32>
      %add3A_1247 = arith.addi %iota3A, %add3A_1246 : vector<16xi32>
      %gather3A_1248 = arith.constant 7 : i32
      %gather3A_1249 = arith.constant 0 : i32
      %gather3A_1250 = arith.constant 0 : i32
      %gather3A_1251 = tpu.memref_slice %arg15[%gather3A_1248, %gather3A_1249, %gather3A_1250] : memref<8x32x128xf32, #tpu.memory_space<vmem>> -> memref<1x32x128xf32, #tpu.memory_space<vmem>>
      %gather3A_1252 = tpu.memref_squeeze %gather3A_1251 : memref<1x32x128xf32, #tpu.memory_space<vmem>> -> memref<32x128xf32, #tpu.memory_space<vmem>>
      %gather3A_1253 = tpu.vector_load_idx %gather3A_1252[%add3A_1247, %broadcast_in_dim3A_1238] : memref<32x128xf32, #tpu.memory_space<vmem>>[vector<16xi32>, vector<16xi32>], vector<16xf32>,
      %and3A_1254 = arith.constant 127 : i32
      %and3A_1255 = arith.andi %add3A_1233, %and3A_1254 : i32
      %swap3A_1256 = arith.index_cast %and3A_1255 : i32 to index
      %swap3A_1257 = arith.constant 96 : index
      %swap3A_1258 = tpu.vector_load %arg18[%swap3A_1256, %swap3A_1257] {strides = array<i32>} : memref<128x128xf32, #tpu.memory_space<vmem>>, vector<16xf32>,
      tpu.vector_store %arg18[%swap3A_1256, %swap3A_1257], %gather3A_1244 {strides = array<i32>} : memref<128x128xf32, #tpu.memory_space<vmem>>, vector<16xf32>,
      %swap3A_1259 = arith.index_cast %and3A_1255 : i32 to index
      %swap3A_1260 = arith.constant 112 : index
      %swap3A_1261 = tpu.vector_load %arg18[%swap3A_1259, %swap3A_1260] {strides = array<i32>} : memref<128x128xf32, #tpu.memory_space<vmem>>, vector<16xf32>,
      tpu.vector_store %arg18[%swap3A_1259, %swap3A_1260], %gather3A_1253 {strides = array<i32>} : memref<128x128xf32, #tpu.memory_space<vmem>>, vector<16xf32>,
      %and3A_1262 = arith.constant 63 : i32
      %and3A_1263 = arith.andi %mul3A_869, %and3A_1262 : i32
      %eq3A_1264 = arith.constant 63 : i32
      %eq3A_1265 = arith.cmpi eq, %and3A_1263, %eq3A_1264 : i32
      %convert_element_type3A_1266 = arith.extui %eq3A_1265 : i1 to i32
      %cond3A_1267 = arith.constant 0 : i32
      %cond3A_1268 = arith.cmpi ne, %convert_element_type3A_1266, %cond3A_1267 : i32
      scf.if %cond3A_1268 {
        %add3A_2091 = arith.constant 1 : i32
        %add3A_2092 = arith.addi %mul3A_869, %add3A_2091 : i32
        %mul3A_2093 = arith.constant 2 : i32
        %mul3A_2094 = arith.muli %mul3A_2093, %add3A_2092 : i32
        %sub3A = arith.constant 128 : i32
        %sub3A_2095 = arith.subi %mul3A_2094, %sub3A : i32
        %add3A_2096 = arith.addi %mul3A_2, %sub3A_2095 : i32
        %multiple_of3A_2097 = tpu.assume_multiple %add3A_2096, 128 : i32
        "tpu.region"() ({
          %run_scoped3A = tpu.sem_alloc : memref<!tpu.dma_semaphore, #tpu.memory_space<semaphore_mem>>
          %dma_start3A_2098 = arith.constant 0 : i32
          %dma_start3A_2099 = tpu.memref_slice %arg10[%multiple_of3A_2097, %dma_start3A_2098] : memref<16384x128xf32, #tpu.memory_space<hbm>> -> memref<128x128xf32, #tpu.memory_space<hbm>>
          %dma_start3A_2100 = arith.constant 0 : i32
          %dma_start3A_2101 = tpu.memref_slice %arg10[%multiple_of3A_2097, %dma_start3A_2100] : memref<16384x128xf32, #tpu.memory_space<hbm>> -> memref<128x128xf32, #tpu.memory_space<hbm>>
          tpu.enqueue_dma source(%arg18 : memref<128x128xf32, #tpu.memory_space<vmem>>) target(%dma_start3A_2101 : memref<128x128xf32, #tpu.memory_space<hbm>>) target_semaphore(%run_scoped3A : memref<!tpu.dma_semaphore, #tpu.memory_space<semaphore_mem>>)
          %dma_wait3A_2102 = arith.constant 0 : i32
          %dma_wait3A_2103 = tpu.memref_slice %arg10[%multiple_of3A_2097, %dma_wait3A_2102] : memref<16384x128xf32, #tpu.memory_space<hbm>> -> memref<128x128xf32, #tpu.memory_space<hbm>>
          %dma_wait3A_2104 = arith.constant 0 : i32
          %dma_wait3A_2105 = tpu.memref_slice %arg10[%multiple_of3A_2097, %dma_wait3A_2104] : memref<16384x128xf32, #tpu.memory_space<hbm>> -> memref<128x128xf32, #tpu.memory_space<hbm>>
          tpu.wait_dma2 semaphore(%run_scoped3A : memref<!tpu.dma_semaphore, #tpu.memory_space<semaphore_mem>>) src(%arg18 : memref<128x128xf32, #tpu.memory_space<vmem>>) dst(%dma_wait3A_2105 : memref<128x128xf32, #tpu.memory_space<hbm>>)
          tpu.yield
        }) : () -> ()
      } else {
      }
      %add3A_1269 = arith.constant 3 : i32
      %add3A_1270 = arith.addi %mul3A_869, %add3A_1269 : i32
      %lt3A = arith.constant 256 : i32
      %lt3A_1271 = arith.cmpi slt, %add3A_1270, %lt3A : i32
      %convert_element_type3A_1272 = arith.extui %lt3A_1271 : i1 to i32
      %cond3A_1273 = arith.constant 0 : i32
      %cond3A_1274 = arith.cmpi ne, %convert_element_type3A_1272, %cond3A_1273 : i32
      scf.if %cond3A_1274 {
        %add3A_2091 = arith.constant 3 : i32
        %add3A_2092 = arith.addi %mul3A_869, %add3A_2091 : i32
        %mul3A_2093 = arith.constant 2 : i32
        %mul3A_2094 = arith.muli %add3A_2092, %mul3A_2093 : i32
        %get3A_2095 = arith.index_cast %mul3A_2094 : i32 to index
        %get3A_2096 = tpu.vector_load %arg11[%get3A_2095] {strides = array<i32>} : memref<528xi32, #tpu.memory_space<vmem>>, vector<16xi32>,
        %slice3A_2097 = vector.extract_strided_slice %get3A_2096 {offsets = [0], sizes = [1], strides = [1]} : vector<16xi32> to vector<1xi32>
        %squeeze3A_2098 = vector.extract %slice3A_2097[0] : i32 from vector<1xi32>
        %and3A_2099 = arith.constant -128 : i32
        %and3A_2100 = arith.andi %squeeze3A_2098, %and3A_2099 : i32
        %multiple_of3A_2101 = tpu.assume_multiple %and3A_2100, 128 : i32
        %dma_start3A_2102 = arith.constant 0 : i32
        %dma_start3A_2103 = arith.constant 0 : i32
        %dma_start3A_2104 = arith.constant 0 : i32
        %dma_start3A_2105 = tpu.memref_slice %arg15[%dma_start3A_2102, %dma_start3A_2103, %dma_start3A_2104] : memref<8x32x128xf32, #tpu.memory_space<vmem>> -> memref<1x32x128xf32, #tpu.memory_space<vmem>>
        %dma_start3A_2106 = tpu.memref_squeeze %dma_start3A_2105 : memref<1x32x128xf32, #tpu.memory_space<vmem>> -> memref<32x128xf32, #tpu.memory_space<vmem>>
        %dma_start3A_2107 = arith.constant 0 : i32
        %dma_start3A_2108 = tpu.memref_slice %arg6[%dma_start3A_2107, %multiple_of3A_2101] : memref<32x1000000xf32, #tpu.memory_space<hbm>> -> memref<32x128xf32, #tpu.memory_space<hbm>>
        %dma_start3A_2109 = arith.constant 0 : i32
        %dma_start3A_2110 = arith.constant 0 : i32
        %dma_start3A_2111 = tpu.memref_slice %arg15[%dma_start3A_2102, %dma_start3A_2109, %dma_start3A_2110] : memref<8x32x128xf32, #tpu.memory_space<vmem>> -> memref<1x32x128xf32, #tpu.memory_space<vmem>>
        %dma_start3A_2112 = tpu.memref_squeeze %dma_start3A_2111 : memref<1x32x128xf32, #tpu.memory_space<vmem>> -> memref<32x128xf32, #tpu.memory_space<vmem>>
        %dma_start3A_2113 = arith.constant 0 : i32
        %dma_start3A_2114 = tpu.memref_slice %arg6[%dma_start3A_2113, %multiple_of3A_2101] : memref<32x1000000xf32, #tpu.memory_space<hbm>> -> memref<32x128xf32, #tpu.memory_space<hbm>>
        tpu.enqueue_dma source(%dma_start3A_2114 : memref<32x128xf32, #tpu.memory_space<hbm>>) target(%dma_start3A_2112 : memref<32x128xf32, #tpu.memory_space<vmem>>) target_semaphore(%arg19 : memref<!tpu.dma_semaphore, #tpu.memory_space<semaphore_mem>>)
        %slice3A_2115 = vector.extract_strided_slice %get3A_2096 {offsets = [1], sizes = [1], strides = [1]} : vector<16xi32> to vector<1xi32>
        %squeeze3A_2116 = vector.extract %slice3A_2115[0] : i32 from vector<1xi32>
        %and3A_2117 = arith.constant -128 : i32
        %and3A_2118 = arith.andi %squeeze3A_2116, %and3A_2117 : i32
        %multiple_of3A_2119 = tpu.assume_multiple %and3A_2118, 128 : i32
        %dma_start3A_2120 = arith.constant 1 : i32
        %dma_start3A_2121 = arith.constant 0 : i32
        %dma_start3A_2122 = arith.constant 0 : i32
        %dma_start3A_2123 = tpu.memref_slice %arg15[%dma_start3A_2120, %dma_start3A_2121, %dma_start3A_2122] : memref<8x32x128xf32, #tpu.memory_space<vmem>> -> memref<1x32x128xf32, #tpu.memory_space<vmem>>
        %dma_start3A_2124 = tpu.memref_squeeze %dma_start3A_2123 : memref<1x32x128xf32, #tpu.memory_space<vmem>> -> memref<32x128xf32, #tpu.memory_space<vmem>>
        %dma_start3A_2125 = arith.constant 0 : i32
        %dma_start3A_2126 = tpu.memref_slice %arg6[%dma_start3A_2125, %multiple_of3A_2119] : memref<32x1000000xf32, #tpu.memory_space<hbm>> -> memref<32x128xf32, #tpu.memory_space<hbm>>
        %dma_start3A_2127 = arith.constant 0 : i32
        %dma_start3A_2128 = arith.constant 0 : i32
        %dma_start3A_2129 = tpu.memref_slice %arg15[%dma_start3A_2120, %dma_start3A_2127, %dma_start3A_2128] : memref<8x32x128xf32, #tpu.memory_space<vmem>> -> memref<1x32x128xf32, #tpu.memory_space<vmem>>
        %dma_start3A_2130 = tpu.memref_squeeze %dma_start3A_2129 : memref<1x32x128xf32, #tpu.memory_space<vmem>> -> memref<32x128xf32, #tpu.memory_space<vmem>>
        %dma_start3A_2131 = arith.constant 0 : i32
        %dma_start3A_2132 = tpu.memref_slice %arg6[%dma_start3A_2131, %multiple_of3A_2119] : memref<32x1000000xf32, #tpu.memory_space<hbm>> -> memref<32x128xf32, #tpu.memory_space<hbm>>
        tpu.enqueue_dma source(%dma_start3A_2132 : memref<32x128xf32, #tpu.memory_space<hbm>>) target(%dma_start3A_2130 : memref<32x128xf32, #tpu.memory_space<vmem>>) target_semaphore(%arg19 : memref<!tpu.dma_semaphore, #tpu.memory_space<semaphore_mem>>)
        %mul3A_2133 = arith.constant 2 : i32
        %mul3A_2134 = arith.muli %add3A_2092, %mul3A_2133 : i32
        %get3A_2135 = arith.index_cast %mul3A_2134 : i32 to index
        %get3A_2136 = tpu.vector_load %arg12[%get3A_2135] {strides = array<i32>} : memref<528xi32, #tpu.memory_space<vmem>>, vector<16xi32>,
        %slice3A_2137 = vector.extract_strided_slice %get3A_2136 {offsets = [0], sizes = [1], strides = [1]} : vector<16xi32> to vector<1xi32>
        %squeeze3A_2138 = vector.extract %slice3A_2137[0] : i32 from vector<1xi32>
        %and3A_2139 = arith.constant -128 : i32
        %and3A_2140 = arith.andi %squeeze3A_2138, %and3A_2139 : i32
        %multiple_of3A_2141 = tpu.assume_multiple %and3A_2140, 128 : i32
        %dma_start3A_2142 = arith.constant 2 : i32
        %dma_start3A_2143 = arith.constant 0 : i32
        %dma_start3A_2144 = arith.constant 0 : i32
        %dma_start3A_2145 = tpu.memref_slice %arg15[%dma_start3A_2142, %dma_start3A_2143, %dma_start3A_2144] : memref<8x32x128xf32, #tpu.memory_space<vmem>> -> memref<1x32x128xf32, #tpu.memory_space<vmem>>
        %dma_start3A_2146 = tpu.memref_squeeze %dma_start3A_2145 : memref<1x32x128xf32, #tpu.memory_space<vmem>> -> memref<32x128xf32, #tpu.memory_space<vmem>>
        %dma_start3A_2147 = arith.constant 0 : i32
        %dma_start3A_2148 = tpu.memref_slice %arg7[%dma_start3A_2147, %multiple_of3A_2141] : memref<32x1000000xf32, #tpu.memory_space<hbm>> -> memref<32x128xf32, #tpu.memory_space<hbm>>
        %dma_start3A_2149 = arith.constant 0 : i32
        %dma_start3A_2150 = arith.constant 0 : i32
        %dma_start3A_2151 = tpu.memref_slice %arg15[%dma_start3A_2142, %dma_start3A_2149, %dma_start3A_2150] : memref<8x32x128xf32, #tpu.memory_space<vmem>> -> memref<1x32x128xf32, #tpu.memory_space<vmem>>
        %dma_start3A_2152 = tpu.memref_squeeze %dma_start3A_2151 : memref<1x32x128xf32, #tpu.memory_space<vmem>> -> memref<32x128xf32, #tpu.memory_space<vmem>>
        %dma_start3A_2153 = arith.constant 0 : i32
        %dma_start3A_2154 = tpu.memref_slice %arg7[%dma_start3A_2153, %multiple_of3A_2141] : memref<32x1000000xf32, #tpu.memory_space<hbm>> -> memref<32x128xf32, #tpu.memory_space<hbm>>
        tpu.enqueue_dma source(%dma_start3A_2154 : memref<32x128xf32, #tpu.memory_space<hbm>>) target(%dma_start3A_2152 : memref<32x128xf32, #tpu.memory_space<vmem>>) target_semaphore(%arg19 : memref<!tpu.dma_semaphore, #tpu.memory_space<semaphore_mem>>)
        %slice3A_2155 = vector.extract_strided_slice %get3A_2136 {offsets = [1], sizes = [1], strides = [1]} : vector<16xi32> to vector<1xi32>
        %squeeze3A_2156 = vector.extract %slice3A_2155[0] : i32 from vector<1xi32>
        %and3A_2157 = arith.constant -128 : i32
        %and3A_2158 = arith.andi %squeeze3A_2156, %and3A_2157 : i32
        %multiple_of3A_2159 = tpu.assume_multiple %and3A_2158, 128 : i32
        %dma_start3A_2160 = arith.constant 3 : i32
        %dma_start3A_2161 = arith.constant 0 : i32
        %dma_start3A_2162 = arith.constant 0 : i32
        %dma_start3A_2163 = tpu.memref_slice %arg15[%dma_start3A_2160, %dma_start3A_2161, %dma_start3A_2162] : memref<8x32x128xf32, #tpu.memory_space<vmem>> -> memref<1x32x128xf32, #tpu.memory_space<vmem>>
        %dma_start3A_2164 = tpu.memref_squeeze %dma_start3A_2163 : memref<1x32x128xf32, #tpu.memory_space<vmem>> -> memref<32x128xf32, #tpu.memory_space<vmem>>
        %dma_start3A_2165 = arith.constant 0 : i32
        %dma_start3A_2166 = tpu.memref_slice %arg7[%dma_start3A_2165, %multiple_of3A_2159] : memref<32x1000000xf32, #tpu.memory_space<hbm>> -> memref<32x128xf32, #tpu.memory_space<hbm>>
        %dma_start3A_2167 = arith.constant 0 : i32
        %dma_start3A_2168 = arith.constant 0 : i32
        %dma_start3A_2169 = tpu.memref_slice %arg15[%dma_start3A_2160, %dma_start3A_2167, %dma_start3A_2168] : memref<8x32x128xf32, #tpu.memory_space<vmem>> -> memref<1x32x128xf32, #tpu.memory_space<vmem>>
        %dma_start3A_2170 = tpu.memref_squeeze %dma_start3A_2169 : memref<1x32x128xf32, #tpu.memory_space<vmem>> -> memref<32x128xf32, #tpu.memory_space<vmem>>
        %dma_start3A_2171 = arith.constant 0 : i32
        %dma_start3A_2172 = tpu.memref_slice %arg7[%dma_start3A_2171, %multiple_of3A_2159] : memref<32x1000000xf32, #tpu.memory_space<hbm>> -> memref<32x128xf32, #tpu.memory_space<hbm>>
        tpu.enqueue_dma source(%dma_start3A_2172 : memref<32x128xf32, #tpu.memory_space<hbm>>) target(%dma_start3A_2170 : memref<32x128xf32, #tpu.memory_space<vmem>>) target_semaphore(%arg19 : memref<!tpu.dma_semaphore, #tpu.memory_space<semaphore_mem>>)
        %mul3A_2173 = arith.constant 2 : i32
        %mul3A_2174 = arith.muli %add3A_2092, %mul3A_2173 : i32
        %get3A_2175 = arith.index_cast %mul3A_2174 : i32 to index
        %get3A_2176 = tpu.vector_load %arg13[%get3A_2175] {strides = array<i32>} : memref<528xi32, #tpu.memory_space<vmem>>, vector<16xi32>,
        %slice3A_2177 = vector.extract_strided_slice %get3A_2176 {offsets = [0], sizes = [1], strides = [1]} : vector<16xi32> to vector<1xi32>
        %squeeze3A_2178 = vector.extract %slice3A_2177[0] : i32 from vector<1xi32>
        %and3A_2179 = arith.constant -128 : i32
        %and3A_2180 = arith.andi %squeeze3A_2178, %and3A_2179 : i32
        %multiple_of3A_2181 = tpu.assume_multiple %and3A_2180, 128 : i32
        %dma_start3A_2182 = arith.constant 4 : i32
        %dma_start3A_2183 = arith.constant 0 : i32
        %dma_start3A_2184 = arith.constant 0 : i32
        %dma_start3A_2185 = tpu.memref_slice %arg15[%dma_start3A_2182, %dma_start3A_2183, %dma_start3A_2184] : memref<8x32x128xf32, #tpu.memory_space<vmem>> -> memref<1x32x128xf32, #tpu.memory_space<vmem>>
        %dma_start3A_2186 = tpu.memref_squeeze %dma_start3A_2185 : memref<1x32x128xf32, #tpu.memory_space<vmem>> -> memref<32x128xf32, #tpu.memory_space<vmem>>
        %dma_start3A_2187 = arith.constant 0 : i32
        %dma_start3A_2188 = tpu.memref_slice %arg8[%dma_start3A_2187, %multiple_of3A_2181] : memref<32x1000000xf32, #tpu.memory_space<hbm>> -> memref<32x128xf32, #tpu.memory_space<hbm>>
        %dma_start3A_2189 = arith.constant 0 : i32
        %dma_start3A_2190 = arith.constant 0 : i32
        %dma_start3A_2191 = tpu.memref_slice %arg15[%dma_start3A_2182, %dma_start3A_2189, %dma_start3A_2190] : memref<8x32x128xf32, #tpu.memory_space<vmem>> -> memref<1x32x128xf32, #tpu.memory_space<vmem>>
        %dma_start3A_2192 = tpu.memref_squeeze %dma_start3A_2191 : memref<1x32x128xf32, #tpu.memory_space<vmem>> -> memref<32x128xf32, #tpu.memory_space<vmem>>
        %dma_start3A_2193 = arith.constant 0 : i32
        %dma_start3A_2194 = tpu.memref_slice %arg8[%dma_start3A_2193, %multiple_of3A_2181] : memref<32x1000000xf32, #tpu.memory_space<hbm>> -> memref<32x128xf32, #tpu.memory_space<hbm>>
        tpu.enqueue_dma source(%dma_start3A_2194 : memref<32x128xf32, #tpu.memory_space<hbm>>) target(%dma_start3A_2192 : memref<32x128xf32, #tpu.memory_space<vmem>>) target_semaphore(%arg19 : memref<!tpu.dma_semaphore, #tpu.memory_space<semaphore_mem>>)
        %slice3A_2195 = vector.extract_strided_slice %get3A_2176 {offsets = [1], sizes = [1], strides = [1]} : vector<16xi32> to vector<1xi32>
        %squeeze3A_2196 = vector.extract %slice3A_2195[0] : i32 from vector<1xi32>
        %and3A_2197 = arith.constant -128 : i32
        %and3A_2198 = arith.andi %squeeze3A_2196, %and3A_2197 : i32
        %multiple_of3A_2199 = tpu.assume_multiple %and3A_2198, 128 : i32
        %dma_start3A_2200 = arith.constant 5 : i32
        %dma_start3A_2201 = arith.constant 0 : i32
        %dma_start3A_2202 = arith.constant 0 : i32
        %dma_start3A_2203 = tpu.memref_slice %arg15[%dma_start3A_2200, %dma_start3A_2201, %dma_start3A_2202] : memref<8x32x128xf32, #tpu.memory_space<vmem>> -> memref<1x32x128xf32, #tpu.memory_space<vmem>>
        %dma_start3A_2204 = tpu.memref_squeeze %dma_start3A_2203 : memref<1x32x128xf32, #tpu.memory_space<vmem>> -> memref<32x128xf32, #tpu.memory_space<vmem>>
        %dma_start3A_2205 = arith.constant 0 : i32
        %dma_start3A_2206 = tpu.memref_slice %arg8[%dma_start3A_2205, %multiple_of3A_2199] : memref<32x1000000xf32, #tpu.memory_space<hbm>> -> memref<32x128xf32, #tpu.memory_space<hbm>>
        %dma_start3A_2207 = arith.constant 0 : i32
        %dma_start3A_2208 = arith.constant 0 : i32
        %dma_start3A_2209 = tpu.memref_slice %arg15[%dma_start3A_2200, %dma_start3A_2207, %dma_start3A_2208] : memref<8x32x128xf32, #tpu.memory_space<vmem>> -> memref<1x32x128xf32, #tpu.memory_space<vmem>>
        %dma_start3A_2210 = tpu.memref_squeeze %dma_start3A_2209 : memref<1x32x128xf32, #tpu.memory_space<vmem>> -> memref<32x128xf32, #tpu.memory_space<vmem>>
        %dma_start3A_2211 = arith.constant 0 : i32
        %dma_start3A_2212 = tpu.memref_slice %arg8[%dma_start3A_2211, %multiple_of3A_2199] : memref<32x1000000xf32, #tpu.memory_space<hbm>> -> memref<32x128xf32, #tpu.memory_space<hbm>>
        tpu.enqueue_dma source(%dma_start3A_2212 : memref<32x128xf32, #tpu.memory_space<hbm>>) target(%dma_start3A_2210 : memref<32x128xf32, #tpu.memory_space<vmem>>) target_semaphore(%arg19 : memref<!tpu.dma_semaphore, #tpu.memory_space<semaphore_mem>>)
        %mul3A_2213 = arith.constant 2 : i32
        %mul3A_2214 = arith.muli %add3A_2092, %mul3A_2213 : i32
        %get3A_2215 = arith.index_cast %mul3A_2214 : i32 to index
        %get3A_2216 = tpu.vector_load %arg14[%get3A_2215] {strides = array<i32>} : memref<528xi32, #tpu.memory_space<vmem>>, vector<16xi32>,
        %slice3A_2217 = vector.extract_strided_slice %get3A_2216 {offsets = [0], sizes = [1], strides = [1]} : vector<16xi32> to vector<1xi32>
        %squeeze3A_2218 = vector.extract %slice3A_2217[0] : i32 from vector<1xi32>
        %and3A_2219 = arith.constant -128 : i32
        %and3A_2220 = arith.andi %squeeze3A_2218, %and3A_2219 : i32
        %multiple_of3A_2221 = tpu.assume_multiple %and3A_2220, 128 : i32
        %dma_start3A_2222 = arith.constant 6 : i32
        %dma_start3A_2223 = arith.constant 0 : i32
        %dma_start3A_2224 = arith.constant 0 : i32
        %dma_start3A_2225 = tpu.memref_slice %arg15[%dma_start3A_2222, %dma_start3A_2223, %dma_start3A_2224] : memref<8x32x128xf32, #tpu.memory_space<vmem>> -> memref<1x32x128xf32, #tpu.memory_space<vmem>>
        %dma_start3A_2226 = tpu.memref_squeeze %dma_start3A_2225 : memref<1x32x128xf32, #tpu.memory_space<vmem>> -> memref<32x128xf32, #tpu.memory_space<vmem>>
        %dma_start3A_2227 = arith.constant 0 : i32
        %dma_start3A_2228 = tpu.memref_slice %arg9[%dma_start3A_2227, %multiple_of3A_2221] : memref<32x1000000xf32, #tpu.memory_space<hbm>> -> memref<32x128xf32, #tpu.memory_space<hbm>>
        %dma_start3A_2229 = arith.constant 0 : i32
        %dma_start3A_2230 = arith.constant 0 : i32
        %dma_start3A_2231 = tpu.memref_slice %arg15[%dma_start3A_2222, %dma_start3A_2229, %dma_start3A_2230] : memref<8x32x128xf32, #tpu.memory_space<vmem>> -> memref<1x32x128xf32, #tpu.memory_space<vmem>>
        %dma_start3A_2232 = tpu.memref_squeeze %dma_start3A_2231 : memref<1x32x128xf32, #tpu.memory_space<vmem>> -> memref<32x128xf32, #tpu.memory_space<vmem>>
        %dma_start3A_2233 = arith.constant 0 : i32
        %dma_start3A_2234 = tpu.memref_slice %arg9[%dma_start3A_2233, %multiple_of3A_2221] : memref<32x1000000xf32, #tpu.memory_space<hbm>> -> memref<32x128xf32, #tpu.memory_space<hbm>>
        tpu.enqueue_dma source(%dma_start3A_2234 : memref<32x128xf32, #tpu.memory_space<hbm>>) target(%dma_start3A_2232 : memref<32x128xf32, #tpu.memory_space<vmem>>) target_semaphore(%arg19 : memref<!tpu.dma_semaphore, #tpu.memory_space<semaphore_mem>>)
        %slice3A_2235 = vector.extract_strided_slice %get3A_2216 {offsets = [1], sizes = [1], strides = [1]} : vector<16xi32> to vector<1xi32>
        %squeeze3A_2236 = vector.extract %slice3A_2235[0] : i32 from vector<1xi32>
        %and3A_2237 = arith.constant -128 : i32
        %and3A_2238 = arith.andi %squeeze3A_2236, %and3A_2237 : i32
        %multiple_of3A_2239 = tpu.assume_multiple %and3A_2238, 128 : i32
        %dma_start3A_2240 = arith.constant 7 : i32
        %dma_start3A_2241 = arith.constant 0 : i32
        %dma_start3A_2242 = arith.constant 0 : i32
        %dma_start3A_2243 = tpu.memref_slice %arg15[%dma_start3A_2240, %dma_start3A_2241, %dma_start3A_2242] : memref<8x32x128xf32, #tpu.memory_space<vmem>> -> memref<1x32x128xf32, #tpu.memory_space<vmem>>
        %dma_start3A_2244 = tpu.memref_squeeze %dma_start3A_2243 : memref<1x32x128xf32, #tpu.memory_space<vmem>> -> memref<32x128xf32, #tpu.memory_space<vmem>>
        %dma_start3A_2245 = arith.constant 0 : i32
        %dma_start3A_2246 = tpu.memref_slice %arg9[%dma_start3A_2245, %multiple_of3A_2239] : memref<32x1000000xf32, #tpu.memory_space<hbm>> -> memref<32x128xf32, #tpu.memory_space<hbm>>
        %dma_start3A_2247 = arith.constant 0 : i32
        %dma_start3A_2248 = arith.constant 0 : i32
        %dma_start3A_2249 = tpu.memref_slice %arg15[%dma_start3A_2240, %dma_start3A_2247, %dma_start3A_2248] : memref<8x32x128xf32, #tpu.memory_space<vmem>> -> memref<1x32x128xf32, #tpu.memory_space<vmem>>
        %dma_start3A_2250 = tpu.memref_squeeze %dma_start3A_2249 : memref<1x32x128xf32, #tpu.memory_space<vmem>> -> memref<32x128xf32, #tpu.memory_space<vmem>>
        %dma_start3A_2251 = arith.constant 0 : i32
        %dma_start3A_2252 = tpu.memref_slice %arg9[%dma_start3A_2251, %multiple_of3A_2239] : memref<32x1000000xf32, #tpu.memory_space<hbm>> -> memref<32x128xf32, #tpu.memory_space<hbm>>
        tpu.enqueue_dma source(%dma_start3A_2252 : memref<32x128xf32, #tpu.memory_space<hbm>>) target(%dma_start3A_2250 : memref<32x128xf32, #tpu.memory_space<vmem>>) target_semaphore(%arg19 : memref<!tpu.dma_semaphore, #tpu.memory_space<semaphore_mem>>)
      } else {
      }
      %add3A_1275 = arith.constant 1 : i32
      %add3A_1276 = arith.addi %mul3A_869, %add3A_1275 : i32
      %dma_wait3A_1277 = arith.constant 0 : i32
      %dma_wait3A_1278 = arith.constant 0 : i32
      %dma_wait3A_1279 = arith.constant 0 : i32
      %dma_wait3A_1280 = tpu.memref_slice %arg16[%dma_wait3A_1277, %dma_wait3A_1278, %dma_wait3A_1279] : memref<8x32x128xf32, #tpu.memory_space<vmem>> -> memref<1x32x128xf32, #tpu.memory_space<vmem>>
      %dma_wait3A_1281 = tpu.memref_squeeze %dma_wait3A_1280 : memref<1x32x128xf32, #tpu.memory_space<vmem>> -> memref<32x128xf32, #tpu.memory_space<vmem>>
      %dma_wait3A_1282 = arith.constant 0 : i32
      %dma_wait3A_1283 = arith.constant 0 : i32
      %dma_wait3A_1284 = tpu.memref_slice %arg6[%dma_wait3A_1282, %dma_wait3A_1283] : memref<32x1000000xf32, #tpu.memory_space<hbm>> -> memref<32x128xf32, #tpu.memory_space<hbm>>
      %dma_wait3A_1285 = arith.constant 0 : i32
      %dma_wait3A_1286 = arith.constant 0 : i32
      %dma_wait3A_1287 = tpu.memref_slice %arg16[%dma_wait3A_1277, %dma_wait3A_1285, %dma_wait3A_1286] : memref<8x32x128xf32, #tpu.memory_space<vmem>> -> memref<1x32x128xf32, #tpu.memory_space<vmem>>
      %dma_wait3A_1288 = tpu.memref_squeeze %dma_wait3A_1287 : memref<1x32x128xf32, #tpu.memory_space<vmem>> -> memref<32x128xf32, #tpu.memory_space<vmem>>
      %dma_wait3A_1289 = arith.constant 0 : i32
      %dma_wait3A_1290 = arith.constant 0 : i32
      %dma_wait3A_1291 = tpu.memref_slice %arg6[%dma_wait3A_1289, %dma_wait3A_1290] : memref<32x1000000xf32, #tpu.memory_space<hbm>> -> memref<32x128xf32, #tpu.memory_space<hbm>>
      tpu.wait_dma2 semaphore(%arg20 : memref<!tpu.dma_semaphore, #tpu.memory_space<semaphore_mem>>) src(%dma_wait3A_1291 : memref<32x128xf32, #tpu.memory_space<hbm>>) dst(%dma_wait3A_1288 : memref<32x128xf32, #tpu.memory_space<vmem>>)
      %dma_wait3A_1292 = arith.constant 0 : i32
      %dma_wait3A_1293 = arith.constant 0 : i32
      %dma_wait3A_1294 = arith.constant 0 : i32
      %dma_wait3A_1295 = tpu.memref_slice %arg16[%dma_wait3A_1292, %dma_wait3A_1293, %dma_wait3A_1294] : memref<8x32x128xf32, #tpu.memory_space<vmem>> -> memref<1x32x128xf32, #tpu.memory_space<vmem>>
      %dma_wait3A_1296 = tpu.memref_squeeze %dma_wait3A_1295 : memref<1x32x128xf32, #tpu.memory_space<vmem>> -> memref<32x128xf32, #tpu.memory_space<vmem>>
      %dma_wait3A_1297 = arith.constant 0 : i32
      %dma_wait3A_1298 = arith.constant 0 : i32
      %dma_wait3A_1299 = tpu.memref_slice %arg6[%dma_wait3A_1297, %dma_wait3A_1298] : memref<32x1000000xf32, #tpu.memory_space<hbm>> -> memref<32x128xf32, #tpu.memory_space<hbm>>
      %dma_wait3A_1300 = arith.constant 0 : i32
      %dma_wait3A_1301 = arith.constant 0 : i32
      %dma_wait3A_1302 = tpu.memref_slice %arg16[%dma_wait3A_1292, %dma_wait3A_1300, %dma_wait3A_1301] : memref<8x32x128xf32, #tpu.memory_space<vmem>> -> memref<1x32x128xf32, #tpu.memory_space<vmem>>
      %dma_wait3A_1303 = tpu.memref_squeeze %dma_wait3A_1302 : memref<1x32x128xf32, #tpu.memory_space<vmem>> -> memref<32x128xf32, #tpu.memory_space<vmem>>
      %dma_wait3A_1304 = arith.constant 0 : i32
      %dma_wait3A_1305 = arith.constant 0 : i32
      %dma_wait3A_1306 = tpu.memref_slice %arg6[%dma_wait3A_1304, %dma_wait3A_1305] : memref<32x1000000xf32, #tpu.memory_space<hbm>> -> memref<32x128xf32, #tpu.memory_space<hbm>>
      tpu.wait_dma2 semaphore(%arg20 : memref<!tpu.dma_semaphore, #tpu.memory_space<semaphore_mem>>) src(%dma_wait3A_1306 : memref<32x128xf32, #tpu.memory_space<hbm>>) dst(%dma_wait3A_1303 : memref<32x128xf32, #tpu.memory_space<vmem>>)
      %dma_wait3A_1307 = arith.constant 0 : i32
      %dma_wait3A_1308 = arith.constant 0 : i32
      %dma_wait3A_1309 = arith.constant 0 : i32
      %dma_wait3A_1310 = tpu.memref_slice %arg16[%dma_wait3A_1307, %dma_wait3A_1308, %dma_wait3A_1309] : memref<8x32x128xf32, #tpu.memory_space<vmem>> -> memref<1x32x128xf32, #tpu.memory_space<vmem>>
      %dma_wait3A_1311 = tpu.memref_squeeze %dma_wait3A_1310 : memref<1x32x128xf32, #tpu.memory_space<vmem>> -> memref<32x128xf32, #tpu.memory_space<vmem>>
      %dma_wait3A_1312 = arith.constant 0 : i32
      %dma_wait3A_1313 = arith.constant 0 : i32
      %dma_wait3A_1314 = tpu.memref_slice %arg6[%dma_wait3A_1312, %dma_wait3A_1313] : memref<32x1000000xf32, #tpu.memory_space<hbm>> -> memref<32x128xf32, #tpu.memory_space<hbm>>
      %dma_wait3A_1315 = arith.constant 0 : i32
      %dma_wait3A_1316 = arith.constant 0 : i32
      %dma_wait3A_1317 = tpu.memref_slice %arg16[%dma_wait3A_1307, %dma_wait3A_1315, %dma_wait3A_1316] : memref<8x32x128xf32, #tpu.memory_space<vmem>> -> memref<1x32x128xf32, #tpu.memory_space<vmem>>
      %dma_wait3A_1318 = tpu.memref_squeeze %dma_wait3A_1317 : memref<1x32x128xf32, #tpu.memory_space<vmem>> -> memref<32x128xf32, #tpu.memory_space<vmem>>
      %dma_wait3A_1319 = arith.constant 0 : i32
      %dma_wait3A_1320 = arith.constant 0 : i32
      %dma_wait3A_1321 = tpu.memref_slice %arg6[%dma_wait3A_1319, %dma_wait3A_1320] : memref<32x1000000xf32, #tpu.memory_space<hbm>> -> memref<32x128xf32, #tpu.memory_space<hbm>>
      tpu.wait_dma2 semaphore(%arg20 : memref<!tpu.dma_semaphore, #tpu.memory_space<semaphore_mem>>) src(%dma_wait3A_1321 : memref<32x128xf32, #tpu.memory_space<hbm>>) dst(%dma_wait3A_1318 : memref<32x128xf32, #tpu.memory_space<vmem>>)
      %dma_wait3A_1322 = arith.constant 0 : i32
      %dma_wait3A_1323 = arith.constant 0 : i32
      %dma_wait3A_1324 = arith.constant 0 : i32
      %dma_wait3A_1325 = tpu.memref_slice %arg16[%dma_wait3A_1322, %dma_wait3A_1323, %dma_wait3A_1324] : memref<8x32x128xf32, #tpu.memory_space<vmem>> -> memref<1x32x128xf32, #tpu.memory_space<vmem>>
      %dma_wait3A_1326 = tpu.memref_squeeze %dma_wait3A_1325 : memref<1x32x128xf32, #tpu.memory_space<vmem>> -> memref<32x128xf32, #tpu.memory_space<vmem>>
      %dma_wait3A_1327 = arith.constant 0 : i32
      %dma_wait3A_1328 = arith.constant 0 : i32
      %dma_wait3A_1329 = tpu.memref_slice %arg6[%dma_wait3A_1327, %dma_wait3A_1328] : memref<32x1000000xf32, #tpu.memory_space<hbm>> -> memref<32x128xf32, #tpu.memory_space<hbm>>
      %dma_wait3A_1330 = arith.constant 0 : i32
      %dma_wait3A_1331 = arith.constant 0 : i32
      %dma_wait3A_1332 = tpu.memref_slice %arg16[%dma_wait3A_1322, %dma_wait3A_1330, %dma_wait3A_1331] : memref<8x32x128xf32, #tpu.memory_space<vmem>> -> memref<1x32x128xf32, #tpu.memory_space<vmem>>
      %dma_wait3A_1333 = tpu.memref_squeeze %dma_wait3A_1332 : memref<1x32x128xf32, #tpu.memory_space<vmem>> -> memref<32x128xf32, #tpu.memory_space<vmem>>
      %dma_wait3A_1334 = arith.constant 0 : i32
      %dma_wait3A_1335 = arith.constant 0 : i32
      %dma_wait3A_1336 = tpu.memref_slice %arg6[%dma_wait3A_1334, %dma_wait3A_1335] : memref<32x1000000xf32, #tpu.memory_space<hbm>> -> memref<32x128xf32, #tpu.memory_space<hbm>>
      tpu.wait_dma2 semaphore(%arg20 : memref<!tpu.dma_semaphore, #tpu.memory_space<semaphore_mem>>) src(%dma_wait3A_1336 : memref<32x128xf32, #tpu.memory_space<hbm>>) dst(%dma_wait3A_1333 : memref<32x128xf32, #tpu.memory_space<vmem>>)
      %dma_wait3A_1337 = arith.constant 0 : i32
      %dma_wait3A_1338 = arith.constant 0 : i32
      %dma_wait3A_1339 = arith.constant 0 : i32
      %dma_wait3A_1340 = tpu.memref_slice %arg16[%dma_wait3A_1337, %dma_wait3A_1338, %dma_wait3A_1339] : memref<8x32x128xf32, #tpu.memory_space<vmem>> -> memref<1x32x128xf32, #tpu.memory_space<vmem>>
      %dma_wait3A_1341 = tpu.memref_squeeze %dma_wait3A_1340 : memref<1x32x128xf32, #tpu.memory_space<vmem>> -> memref<32x128xf32, #tpu.memory_space<vmem>>
      %dma_wait3A_1342 = arith.constant 0 : i32
      %dma_wait3A_1343 = arith.constant 0 : i32
      %dma_wait3A_1344 = tpu.memref_slice %arg6[%dma_wait3A_1342, %dma_wait3A_1343] : memref<32x1000000xf32, #tpu.memory_space<hbm>> -> memref<32x128xf32, #tpu.memory_space<hbm>>
      %dma_wait3A_1345 = arith.constant 0 : i32
      %dma_wait3A_1346 = arith.constant 0 : i32
      %dma_wait3A_1347 = tpu.memref_slice %arg16[%dma_wait3A_1337, %dma_wait3A_1345, %dma_wait3A_1346] : memref<8x32x128xf32, #tpu.memory_space<vmem>> -> memref<1x32x128xf32, #tpu.memory_space<vmem>>
      %dma_wait3A_1348 = tpu.memref_squeeze %dma_wait3A_1347 : memref<1x32x128xf32, #tpu.memory_space<vmem>> -> memref<32x128xf32, #tpu.memory_space<vmem>>
      %dma_wait3A_1349 = arith.constant 0 : i32
      %dma_wait3A_1350 = arith.constant 0 : i32
      %dma_wait3A_1351 = tpu.memref_slice %arg6[%dma_wait3A_1349, %dma_wait3A_1350] : memref<32x1000000xf32, #tpu.memory_space<hbm>> -> memref<32x128xf32, #tpu.memory_space<hbm>>
      tpu.wait_dma2 semaphore(%arg20 : memref<!tpu.dma_semaphore, #tpu.memory_space<semaphore_mem>>) src(%dma_wait3A_1351 : memref<32x128xf32, #tpu.memory_space<hbm>>) dst(%dma_wait3A_1348 : memref<32x128xf32, #tpu.memory_space<vmem>>)
      %dma_wait3A_1352 = arith.constant 0 : i32
      %dma_wait3A_1353 = arith.constant 0 : i32
      %dma_wait3A_1354 = arith.constant 0 : i32
      %dma_wait3A_1355 = tpu.memref_slice %arg16[%dma_wait3A_1352, %dma_wait3A_1353, %dma_wait3A_1354] : memref<8x32x128xf32, #tpu.memory_space<vmem>> -> memref<1x32x128xf32, #tpu.memory_space<vmem>>
      %dma_wait3A_1356 = tpu.memref_squeeze %dma_wait3A_1355 : memref<1x32x128xf32, #tpu.memory_space<vmem>> -> memref<32x128xf32, #tpu.memory_space<vmem>>
      %dma_wait3A_1357 = arith.constant 0 : i32
      %dma_wait3A_1358 = arith.constant 0 : i32
      %dma_wait3A_1359 = tpu.memref_slice %arg6[%dma_wait3A_1357, %dma_wait3A_1358] : memref<32x1000000xf32, #tpu.memory_space<hbm>> -> memref<32x128xf32, #tpu.memory_space<hbm>>
      %dma_wait3A_1360 = arith.constant 0 : i32
      %dma_wait3A_1361 = arith.constant 0 : i32
      %dma_wait3A_1362 = tpu.memref_slice %arg16[%dma_wait3A_1352, %dma_wait3A_1360, %dma_wait3A_1361] : memref<8x32x128xf32, #tpu.memory_space<vmem>> -> memref<1x32x128xf32, #tpu.memory_space<vmem>>
      %dma_wait3A_1363 = tpu.memref_squeeze %dma_wait3A_1362 : memref<1x32x128xf32, #tpu.memory_space<vmem>> -> memref<32x128xf32, #tpu.memory_space<vmem>>
      %dma_wait3A_1364 = arith.constant 0 : i32
      %dma_wait3A_1365 = arith.constant 0 : i32
      %dma_wait3A_1366 = tpu.memref_slice %arg6[%dma_wait3A_1364, %dma_wait3A_1365] : memref<32x1000000xf32, #tpu.memory_space<hbm>> -> memref<32x128xf32, #tpu.memory_space<hbm>>
      tpu.wait_dma2 semaphore(%arg20 : memref<!tpu.dma_semaphore, #tpu.memory_space<semaphore_mem>>) src(%dma_wait3A_1366 : memref<32x128xf32, #tpu.memory_space<hbm>>) dst(%dma_wait3A_1363 : memref<32x128xf32, #tpu.memory_space<vmem>>)
      %dma_wait3A_1367 = arith.constant 0 : i32
      %dma_wait3A_1368 = arith.constant 0 : i32
      %dma_wait3A_1369 = arith.constant 0 : i32
      %dma_wait3A_1370 = tpu.memref_slice %arg16[%dma_wait3A_1367, %dma_wait3A_1368, %dma_wait3A_1369] : memref<8x32x128xf32, #tpu.memory_space<vmem>> -> memref<1x32x128xf32, #tpu.memory_space<vmem>>
      %dma_wait3A_1371 = tpu.memref_squeeze %dma_wait3A_1370 : memref<1x32x128xf32, #tpu.memory_space<vmem>> -> memref<32x128xf32, #tpu.memory_space<vmem>>
      %dma_wait3A_1372 = arith.constant 0 : i32
      %dma_wait3A_1373 = arith.constant 0 : i32
      %dma_wait3A_1374 = tpu.memref_slice %arg6[%dma_wait3A_1372, %dma_wait3A_1373] : memref<32x1000000xf32, #tpu.memory_space<hbm>> -> memref<32x128xf32, #tpu.memory_space<hbm>>
      %dma_wait3A_1375 = arith.constant 0 : i32
      %dma_wait3A_1376 = arith.constant 0 : i32
      %dma_wait3A_1377 = tpu.memref_slice %arg16[%dma_wait3A_1367, %dma_wait3A_1375, %dma_wait3A_1376] : memref<8x32x128xf32, #tpu.memory_space<vmem>> -> memref<1x32x128xf32, #tpu.memory_space<vmem>>
      %dma_wait3A_1378 = tpu.memref_squeeze %dma_wait3A_1377 : memref<1x32x128xf32, #tpu.memory_space<vmem>> -> memref<32x128xf32, #tpu.memory_space<vmem>>
      %dma_wait3A_1379 = arith.constant 0 : i32
      %dma_wait3A_1380 = arith.constant 0 : i32
      %dma_wait3A_1381 = tpu.memref_slice %arg6[%dma_wait3A_1379, %dma_wait3A_1380] : memref<32x1000000xf32, #tpu.memory_space<hbm>> -> memref<32x128xf32, #tpu.memory_space<hbm>>
      tpu.wait_dma2 semaphore(%arg20 : memref<!tpu.dma_semaphore, #tpu.memory_space<semaphore_mem>>) src(%dma_wait3A_1381 : memref<32x128xf32, #tpu.memory_space<hbm>>) dst(%dma_wait3A_1378 : memref<32x128xf32, #tpu.memory_space<vmem>>)
      %dma_wait3A_1382 = arith.constant 0 : i32
      %dma_wait3A_1383 = arith.constant 0 : i32
      %dma_wait3A_1384 = arith.constant 0 : i32
      %dma_wait3A_1385 = tpu.memref_slice %arg16[%dma_wait3A_1382, %dma_wait3A_1383, %dma_wait3A_1384] : memref<8x32x128xf32, #tpu.memory_space<vmem>> -> memref<1x32x128xf32, #tpu.memory_space<vmem>>
      %dma_wait3A_1386 = tpu.memref_squeeze %dma_wait3A_1385 : memref<1x32x128xf32, #tpu.memory_space<vmem>> -> memref<32x128xf32, #tpu.memory_space<vmem>>
      %dma_wait3A_1387 = arith.constant 0 : i32
      %dma_wait3A_1388 = arith.constant 0 : i32
      %dma_wait3A_1389 = tpu.memref_slice %arg6[%dma_wait3A_1387, %dma_wait3A_1388] : memref<32x1000000xf32, #tpu.memory_space<hbm>> -> memref<32x128xf32, #tpu.memory_space<hbm>>
      %dma_wait3A_1390 = arith.constant 0 : i32
      %dma_wait3A_1391 = arith.constant 0 : i32
      %dma_wait3A_1392 = tpu.memref_slice %arg16[%dma_wait3A_1382, %dma_wait3A_1390, %dma_wait3A_1391] : memref<8x32x128xf32, #tpu.memory_space<vmem>> -> memref<1x32x128xf32, #tpu.memory_space<vmem>>
      %dma_wait3A_1393 = tpu.memref_squeeze %dma_wait3A_1392 : memref<1x32x128xf32, #tpu.memory_space<vmem>> -> memref<32x128xf32, #tpu.memory_space<vmem>>
      %dma_wait3A_1394 = arith.constant 0 : i32
      %dma_wait3A_1395 = arith.constant 0 : i32
      %dma_wait3A_1396 = tpu.memref_slice %arg6[%dma_wait3A_1394, %dma_wait3A_1395] : memref<32x1000000xf32, #tpu.memory_space<hbm>> -> memref<32x128xf32, #tpu.memory_space<hbm>>
      tpu.wait_dma2 semaphore(%arg20 : memref<!tpu.dma_semaphore, #tpu.memory_space<semaphore_mem>>) src(%dma_wait3A_1396 : memref<32x128xf32, #tpu.memory_space<hbm>>) dst(%dma_wait3A_1393 : memref<32x128xf32, #tpu.memory_space<vmem>>)
      %mul3A_1397 = arith.constant 2 : i32
      %mul3A_1398 = arith.muli %add3A_1276, %mul3A_1397 : i32
      %get3A_1399 = arith.index_cast %mul3A_1398 : i32 to index
      %get3A_1400 = tpu.vector_load %arg11[%get3A_1399] {strides = array<i32>} : memref<528xi32, #tpu.memory_space<vmem>>, vector<16xi32>,
      %mul3A_1401 = arith.constant 2 : i32
      %mul3A_1402 = arith.muli %add3A_1276, %mul3A_1401 : i32
      %add3A_1403 = arith.constant 0 : i32
      %add3A_1404 = arith.addi %mul3A_1402, %add3A_1403 : i32
      %slice3A_1405 = vector.extract_strided_slice %get3A_1400 {offsets = [0], sizes = [1], strides = [1]} : vector<16xi32> to vector<1xi32>
      %squeeze3A_1406 = vector.extract %slice3A_1405[0] : i32 from vector<1xi32>
      %and3A_1407 = arith.constant 127 : i32
      %and3A_1408 = arith.andi %squeeze3A_1406, %and3A_1407 : i32
      %broadcast_in_dim3A_1409 = vector.broadcast %and3A_1408 : i32 to vector<16xi32>
      %gather3A_1410 = arith.constant 0 : i32
      %gather3A_1411 = arith.constant 0 : i32
      %gather3A_1412 = arith.constant 0 : i32
      %gather3A_1413 = tpu.memref_slice %arg16[%gather3A_1410, %gather3A_1411, %gather3A_1412] : memref<8x32x128xf32, #tpu.memory_space<vmem>> -> memref<1x32x128xf32, #tpu.memory_space<vmem>>
      %gather3A_1414 = tpu.memref_squeeze %gather3A_1413 : memref<1x32x128xf32, #tpu.memory_space<vmem>> -> memref<32x128xf32, #tpu.memory_space<vmem>>
      %gather3A_1415 = tpu.vector_load_idx %gather3A_1414[%iota3A, %broadcast_in_dim3A_1409] : memref<32x128xf32, #tpu.memory_space<vmem>>[vector<16xi32>, vector<16xi32>], vector<16xf32>,
      %add3A_1416 = arith.constant 16 : i32
      %add3A_1417 = vector.broadcast %add3A_1416 : i32 to vector<16xi32>
      %add3A_1418 = arith.addi %iota3A, %add3A_1417 : vector<16xi32>
      %gather3A_1419 = arith.constant 0 : i32
      %gather3A_1420 = arith.constant 0 : i32
      %gather3A_1421 = arith.constant 0 : i32
      %gather3A_1422 = tpu.memref_slice %arg16[%gather3A_1419, %gather3A_1420, %gather3A_1421] : memref<8x32x128xf32, #tpu.memory_space<vmem>> -> memref<1x32x128xf32, #tpu.memory_space<vmem>>
      %gather3A_1423 = tpu.memref_squeeze %gather3A_1422 : memref<1x32x128xf32, #tpu.memory_space<vmem>> -> memref<32x128xf32, #tpu.memory_space<vmem>>
      %gather3A_1424 = tpu.vector_load_idx %gather3A_1423[%add3A_1418, %broadcast_in_dim3A_1409] : memref<32x128xf32, #tpu.memory_space<vmem>>[vector<16xi32>, vector<16xi32>], vector<16xf32>,
      %and3A_1425 = arith.constant 127 : i32
      %and3A_1426 = arith.andi %add3A_1404, %and3A_1425 : i32
      %swap3A_1427 = arith.index_cast %and3A_1426 : i32 to index
      %swap3A_1428 = arith.constant 0 : index
      %swap3A_1429 = tpu.vector_load %arg18[%swap3A_1427, %swap3A_1428] {strides = array<i32>} : memref<128x128xf32, #tpu.memory_space<vmem>>, vector<16xf32>,
      tpu.vector_store %arg18[%swap3A_1427, %swap3A_1428], %gather3A_1415 {strides = array<i32>} : memref<128x128xf32, #tpu.memory_space<vmem>>, vector<16xf32>,
      %swap3A_1430 = arith.index_cast %and3A_1426 : i32 to index
      %swap3A_1431 = arith.constant 16 : index
      %swap3A_1432 = tpu.vector_load %arg18[%swap3A_1430, %swap3A_1431] {strides = array<i32>} : memref<128x128xf32, #tpu.memory_space<vmem>>, vector<16xf32>,
      tpu.vector_store %arg18[%swap3A_1430, %swap3A_1431], %gather3A_1424 {strides = array<i32>} : memref<128x128xf32, #tpu.memory_space<vmem>>, vector<16xf32>,
      %mul3A_1433 = arith.constant 2 : i32
      %mul3A_1434 = arith.muli %add3A_1276, %mul3A_1433 : i32
      %add3A_1435 = arith.constant 1 : i32
      %add3A_1436 = arith.addi %mul3A_1434, %add3A_1435 : i32
      %slice3A_1437 = vector.extract_strided_slice %get3A_1400 {offsets = [1], sizes = [1], strides = [1]} : vector<16xi32> to vector<1xi32>
      %squeeze3A_1438 = vector.extract %slice3A_1437[0] : i32 from vector<1xi32>
      %and3A_1439 = arith.constant 127 : i32
      %and3A_1440 = arith.andi %squeeze3A_1438, %and3A_1439 : i32
      %broadcast_in_dim3A_1441 = vector.broadcast %and3A_1440 : i32 to vector<16xi32>
      %gather3A_1442 = arith.constant 1 : i32
      %gather3A_1443 = arith.constant 0 : i32
      %gather3A_1444 = arith.constant 0 : i32
      %gather3A_1445 = tpu.memref_slice %arg16[%gather3A_1442, %gather3A_1443, %gather3A_1444] : memref<8x32x128xf32, #tpu.memory_space<vmem>> -> memref<1x32x128xf32, #tpu.memory_space<vmem>>
      %gather3A_1446 = tpu.memref_squeeze %gather3A_1445 : memref<1x32x128xf32, #tpu.memory_space<vmem>> -> memref<32x128xf32, #tpu.memory_space<vmem>>
      %gather3A_1447 = tpu.vector_load_idx %gather3A_1446[%iota3A, %broadcast_in_dim3A_1441] : memref<32x128xf32, #tpu.memory_space<vmem>>[vector<16xi32>, vector<16xi32>], vector<16xf32>,
      %add3A_1448 = arith.constant 16 : i32
      %add3A_1449 = vector.broadcast %add3A_1448 : i32 to vector<16xi32>
      %add3A_1450 = arith.addi %iota3A, %add3A_1449 : vector<16xi32>
      %gather3A_1451 = arith.constant 1 : i32
      %gather3A_1452 = arith.constant 0 : i32
      %gather3A_1453 = arith.constant 0 : i32
      %gather3A_1454 = tpu.memref_slice %arg16[%gather3A_1451, %gather3A_1452, %gather3A_1453] : memref<8x32x128xf32, #tpu.memory_space<vmem>> -> memref<1x32x128xf32, #tpu.memory_space<vmem>>
      %gather3A_1455 = tpu.memref_squeeze %gather3A_1454 : memref<1x32x128xf32, #tpu.memory_space<vmem>> -> memref<32x128xf32, #tpu.memory_space<vmem>>
      %gather3A_1456 = tpu.vector_load_idx %gather3A_1455[%add3A_1450, %broadcast_in_dim3A_1441] : memref<32x128xf32, #tpu.memory_space<vmem>>[vector<16xi32>, vector<16xi32>], vector<16xf32>,
      %and3A_1457 = arith.constant 127 : i32
      %and3A_1458 = arith.andi %add3A_1436, %and3A_1457 : i32
      %swap3A_1459 = arith.index_cast %and3A_1458 : i32 to index
      %swap3A_1460 = arith.constant 0 : index
      %swap3A_1461 = tpu.vector_load %arg18[%swap3A_1459, %swap3A_1460] {strides = array<i32>} : memref<128x128xf32, #tpu.memory_space<vmem>>, vector<16xf32>,
      tpu.vector_store %arg18[%swap3A_1459, %swap3A_1460], %gather3A_1447 {strides = array<i32>} : memref<128x128xf32, #tpu.memory_space<vmem>>, vector<16xf32>,
      %swap3A_1462 = arith.index_cast %and3A_1458 : i32 to index
      %swap3A_1463 = arith.constant 16 : index
      %swap3A_1464 = tpu.vector_load %arg18[%swap3A_1462, %swap3A_1463] {strides = array<i32>} : memref<128x128xf32, #tpu.memory_space<vmem>>, vector<16xf32>,
      tpu.vector_store %arg18[%swap3A_1462, %swap3A_1463], %gather3A_1456 {strides = array<i32>} : memref<128x128xf32, #tpu.memory_space<vmem>>, vector<16xf32>,
      %mul3A_1465 = arith.constant 2 : i32
      %mul3A_1466 = arith.muli %add3A_1276, %mul3A_1465 : i32
      %get3A_1467 = arith.index_cast %mul3A_1466 : i32 to index
      %get3A_1468 = tpu.vector_load %arg12[%get3A_1467] {strides = array<i32>} : memref<528xi32, #tpu.memory_space<vmem>>, vector<16xi32>,
      %mul3A_1469 = arith.constant 2 : i32
      %mul3A_1470 = arith.muli %add3A_1276, %mul3A_1469 : i32
      %add3A_1471 = arith.constant 0 : i32
      %add3A_1472 = arith.addi %mul3A_1470, %add3A_1471 : i32
      %slice3A_1473 = vector.extract_strided_slice %get3A_1468 {offsets = [0], sizes = [1], strides = [1]} : vector<16xi32> to vector<1xi32>
      %squeeze3A_1474 = vector.extract %slice3A_1473[0] : i32 from vector<1xi32>
      %and3A_1475 = arith.constant 127 : i32
      %and3A_1476 = arith.andi %squeeze3A_1474, %and3A_1475 : i32
      %broadcast_in_dim3A_1477 = vector.broadcast %and3A_1476 : i32 to vector<16xi32>
      %gather3A_1478 = arith.constant 2 : i32
      %gather3A_1479 = arith.constant 0 : i32
      %gather3A_1480 = arith.constant 0 : i32
      %gather3A_1481 = tpu.memref_slice %arg16[%gather3A_1478, %gather3A_1479, %gather3A_1480] : memref<8x32x128xf32, #tpu.memory_space<vmem>> -> memref<1x32x128xf32, #tpu.memory_space<vmem>>
      %gather3A_1482 = tpu.memref_squeeze %gather3A_1481 : memref<1x32x128xf32, #tpu.memory_space<vmem>> -> memref<32x128xf32, #tpu.memory_space<vmem>>
      %gather3A_1483 = tpu.vector_load_idx %gather3A_1482[%iota3A, %broadcast_in_dim3A_1477] : memref<32x128xf32, #tpu.memory_space<vmem>>[vector<16xi32>, vector<16xi32>], vector<16xf32>,
      %add3A_1484 = arith.constant 16 : i32
      %add3A_1485 = vector.broadcast %add3A_1484 : i32 to vector<16xi32>
      %add3A_1486 = arith.addi %iota3A, %add3A_1485 : vector<16xi32>
      %gather3A_1487 = arith.constant 2 : i32
      %gather3A_1488 = arith.constant 0 : i32
      %gather3A_1489 = arith.constant 0 : i32
      %gather3A_1490 = tpu.memref_slice %arg16[%gather3A_1487, %gather3A_1488, %gather3A_1489] : memref<8x32x128xf32, #tpu.memory_space<vmem>> -> memref<1x32x128xf32, #tpu.memory_space<vmem>>
      %gather3A_1491 = tpu.memref_squeeze %gather3A_1490 : memref<1x32x128xf32, #tpu.memory_space<vmem>> -> memref<32x128xf32, #tpu.memory_space<vmem>>
      %gather3A_1492 = tpu.vector_load_idx %gather3A_1491[%add3A_1486, %broadcast_in_dim3A_1477] : memref<32x128xf32, #tpu.memory_space<vmem>>[vector<16xi32>, vector<16xi32>], vector<16xf32>,
      %and3A_1493 = arith.constant 127 : i32
      %and3A_1494 = arith.andi %add3A_1472, %and3A_1493 : i32
      %swap3A_1495 = arith.index_cast %and3A_1494 : i32 to index
      %swap3A_1496 = arith.constant 32 : index
      %swap3A_1497 = tpu.vector_load %arg18[%swap3A_1495, %swap3A_1496] {strides = array<i32>} : memref<128x128xf32, #tpu.memory_space<vmem>>, vector<16xf32>,
      tpu.vector_store %arg18[%swap3A_1495, %swap3A_1496], %gather3A_1483 {strides = array<i32>} : memref<128x128xf32, #tpu.memory_space<vmem>>, vector<16xf32>,
      %swap3A_1498 = arith.index_cast %and3A_1494 : i32 to index
      %swap3A_1499 = arith.constant 48 : index
      %swap3A_1500 = tpu.vector_load %arg18[%swap3A_1498, %swap3A_1499] {strides = array<i32>} : memref<128x128xf32, #tpu.memory_space<vmem>>, vector<16xf32>,
      tpu.vector_store %arg18[%swap3A_1498, %swap3A_1499], %gather3A_1492 {strides = array<i32>} : memref<128x128xf32, #tpu.memory_space<vmem>>, vector<16xf32>,
      %mul3A_1501 = arith.constant 2 : i32
      %mul3A_1502 = arith.muli %add3A_1276, %mul3A_1501 : i32
      %add3A_1503 = arith.constant 1 : i32
      %add3A_1504 = arith.addi %mul3A_1502, %add3A_1503 : i32
      %slice3A_1505 = vector.extract_strided_slice %get3A_1468 {offsets = [1], sizes = [1], strides = [1]} : vector<16xi32> to vector<1xi32>
      %squeeze3A_1506 = vector.extract %slice3A_1505[0] : i32 from vector<1xi32>
      %and3A_1507 = arith.constant 127 : i32
      %and3A_1508 = arith.andi %squeeze3A_1506, %and3A_1507 : i32
      %broadcast_in_dim3A_1509 = vector.broadcast %and3A_1508 : i32 to vector<16xi32>
      %gather3A_1510 = arith.constant 3 : i32
      %gather3A_1511 = arith.constant 0 : i32
      %gather3A_1512 = arith.constant 0 : i32
      %gather3A_1513 = tpu.memref_slice %arg16[%gather3A_1510, %gather3A_1511, %gather3A_1512] : memref<8x32x128xf32, #tpu.memory_space<vmem>> -> memref<1x32x128xf32, #tpu.memory_space<vmem>>
      %gather3A_1514 = tpu.memref_squeeze %gather3A_1513 : memref<1x32x128xf32, #tpu.memory_space<vmem>> -> memref<32x128xf32, #tpu.memory_space<vmem>>
      %gather3A_1515 = tpu.vector_load_idx %gather3A_1514[%iota3A, %broadcast_in_dim3A_1509] : memref<32x128xf32, #tpu.memory_space<vmem>>[vector<16xi32>, vector<16xi32>], vector<16xf32>,
      %add3A_1516 = arith.constant 16 : i32
      %add3A_1517 = vector.broadcast %add3A_1516 : i32 to vector<16xi32>
      %add3A_1518 = arith.addi %iota3A, %add3A_1517 : vector<16xi32>
      %gather3A_1519 = arith.constant 3 : i32
      %gather3A_1520 = arith.constant 0 : i32
      %gather3A_1521 = arith.constant 0 : i32
      %gather3A_1522 = tpu.memref_slice %arg16[%gather3A_1519, %gather3A_1520, %gather3A_1521] : memref<8x32x128xf32, #tpu.memory_space<vmem>> -> memref<1x32x128xf32, #tpu.memory_space<vmem>>
      %gather3A_1523 = tpu.memref_squeeze %gather3A_1522 : memref<1x32x128xf32, #tpu.memory_space<vmem>> -> memref<32x128xf32, #tpu.memory_space<vmem>>
      %gather3A_1524 = tpu.vector_load_idx %gather3A_1523[%add3A_1518, %broadcast_in_dim3A_1509] : memref<32x128xf32, #tpu.memory_space<vmem>>[vector<16xi32>, vector<16xi32>], vector<16xf32>,
      %and3A_1525 = arith.constant 127 : i32
      %and3A_1526 = arith.andi %add3A_1504, %and3A_1525 : i32
      %swap3A_1527 = arith.index_cast %and3A_1526 : i32 to index
      %swap3A_1528 = arith.constant 32 : index
      %swap3A_1529 = tpu.vector_load %arg18[%swap3A_1527, %swap3A_1528] {strides = array<i32>} : memref<128x128xf32, #tpu.memory_space<vmem>>, vector<16xf32>,
      tpu.vector_store %arg18[%swap3A_1527, %swap3A_1528], %gather3A_1515 {strides = array<i32>} : memref<128x128xf32, #tpu.memory_space<vmem>>, vector<16xf32>,
      %swap3A_1530 = arith.index_cast %and3A_1526 : i32 to index
      %swap3A_1531 = arith.constant 48 : index
      %swap3A_1532 = tpu.vector_load %arg18[%swap3A_1530, %swap3A_1531] {strides = array<i32>} : memref<128x128xf32, #tpu.memory_space<vmem>>, vector<16xf32>,
      tpu.vector_store %arg18[%swap3A_1530, %swap3A_1531], %gather3A_1524 {strides = array<i32>} : memref<128x128xf32, #tpu.memory_space<vmem>>, vector<16xf32>,
      %mul3A_1533 = arith.constant 2 : i32
      %mul3A_1534 = arith.muli %add3A_1276, %mul3A_1533 : i32
      %get3A_1535 = arith.index_cast %mul3A_1534 : i32 to index
      %get3A_1536 = tpu.vector_load %arg13[%get3A_1535] {strides = array<i32>} : memref<528xi32, #tpu.memory_space<vmem>>, vector<16xi32>,
      %mul3A_1537 = arith.constant 2 : i32
      %mul3A_1538 = arith.muli %add3A_1276, %mul3A_1537 : i32
      %add3A_1539 = arith.constant 0 : i32
      %add3A_1540 = arith.addi %mul3A_1538, %add3A_1539 : i32
      %slice3A_1541 = vector.extract_strided_slice %get3A_1536 {offsets = [0], sizes = [1], strides = [1]} : vector<16xi32> to vector<1xi32>
      %squeeze3A_1542 = vector.extract %slice3A_1541[0] : i32 from vector<1xi32>
      %and3A_1543 = arith.constant 127 : i32
      %and3A_1544 = arith.andi %squeeze3A_1542, %and3A_1543 : i32
      %broadcast_in_dim3A_1545 = vector.broadcast %and3A_1544 : i32 to vector<16xi32>
      %gather3A_1546 = arith.constant 4 : i32
      %gather3A_1547 = arith.constant 0 : i32
      %gather3A_1548 = arith.constant 0 : i32
      %gather3A_1549 = tpu.memref_slice %arg16[%gather3A_1546, %gather3A_1547, %gather3A_1548] : memref<8x32x128xf32, #tpu.memory_space<vmem>> -> memref<1x32x128xf32, #tpu.memory_space<vmem>>
      %gather3A_1550 = tpu.memref_squeeze %gather3A_1549 : memref<1x32x128xf32, #tpu.memory_space<vmem>> -> memref<32x128xf32, #tpu.memory_space<vmem>>
      %gather3A_1551 = tpu.vector_load_idx %gather3A_1550[%iota3A, %broadcast_in_dim3A_1545] : memref<32x128xf32, #tpu.memory_space<vmem>>[vector<16xi32>, vector<16xi32>], vector<16xf32>,
      %add3A_1552 = arith.constant 16 : i32
      %add3A_1553 = vector.broadcast %add3A_1552 : i32 to vector<16xi32>
      %add3A_1554 = arith.addi %iota3A, %add3A_1553 : vector<16xi32>
      %gather3A_1555 = arith.constant 4 : i32
      %gather3A_1556 = arith.constant 0 : i32
      %gather3A_1557 = arith.constant 0 : i32
      %gather3A_1558 = tpu.memref_slice %arg16[%gather3A_1555, %gather3A_1556, %gather3A_1557] : memref<8x32x128xf32, #tpu.memory_space<vmem>> -> memref<1x32x128xf32, #tpu.memory_space<vmem>>
      %gather3A_1559 = tpu.memref_squeeze %gather3A_1558 : memref<1x32x128xf32, #tpu.memory_space<vmem>> -> memref<32x128xf32, #tpu.memory_space<vmem>>
      %gather3A_1560 = tpu.vector_load_idx %gather3A_1559[%add3A_1554, %broadcast_in_dim3A_1545] : memref<32x128xf32, #tpu.memory_space<vmem>>[vector<16xi32>, vector<16xi32>], vector<16xf32>,
      %and3A_1561 = arith.constant 127 : i32
      %and3A_1562 = arith.andi %add3A_1540, %and3A_1561 : i32
      %swap3A_1563 = arith.index_cast %and3A_1562 : i32 to index
      %swap3A_1564 = arith.constant 64 : index
      %swap3A_1565 = tpu.vector_load %arg18[%swap3A_1563, %swap3A_1564] {strides = array<i32>} : memref<128x128xf32, #tpu.memory_space<vmem>>, vector<16xf32>,
      tpu.vector_store %arg18[%swap3A_1563, %swap3A_1564], %gather3A_1551 {strides = array<i32>} : memref<128x128xf32, #tpu.memory_space<vmem>>, vector<16xf32>,
      %swap3A_1566 = arith.index_cast %and3A_1562 : i32 to index
      %swap3A_1567 = arith.constant 80 : index
      %swap3A_1568 = tpu.vector_load %arg18[%swap3A_1566, %swap3A_1567] {strides = array<i32>} : memref<128x128xf32, #tpu.memory_space<vmem>>, vector<16xf32>,
      tpu.vector_store %arg18[%swap3A_1566, %swap3A_1567], %gather3A_1560 {strides = array<i32>} : memref<128x128xf32, #tpu.memory_space<vmem>>, vector<16xf32>,
      %mul3A_1569 = arith.constant 2 : i32
      %mul3A_1570 = arith.muli %add3A_1276, %mul3A_1569 : i32
      %add3A_1571 = arith.constant 1 : i32
      %add3A_1572 = arith.addi %mul3A_1570, %add3A_1571 : i32
      %slice3A_1573 = vector.extract_strided_slice %get3A_1536 {offsets = [1], sizes = [1], strides = [1]} : vector<16xi32> to vector<1xi32>
      %squeeze3A_1574 = vector.extract %slice3A_1573[0] : i32 from vector<1xi32>
      %and3A_1575 = arith.constant 127 : i32
      %and3A_1576 = arith.andi %squeeze3A_1574, %and3A_1575 : i32
      %broadcast_in_dim3A_1577 = vector.broadcast %and3A_1576 : i32 to vector<16xi32>
      %gather3A_1578 = arith.constant 5 : i32
      %gather3A_1579 = arith.constant 0 : i32
      %gather3A_1580 = arith.constant 0 : i32
      %gather3A_1581 = tpu.memref_slice %arg16[%gather3A_1578, %gather3A_1579, %gather3A_1580] : memref<8x32x128xf32, #tpu.memory_space<vmem>> -> memref<1x32x128xf32, #tpu.memory_space<vmem>>
      %gather3A_1582 = tpu.memref_squeeze %gather3A_1581 : memref<1x32x128xf32, #tpu.memory_space<vmem>> -> memref<32x128xf32, #tpu.memory_space<vmem>>
      %gather3A_1583 = tpu.vector_load_idx %gather3A_1582[%iota3A, %broadcast_in_dim3A_1577] : memref<32x128xf32, #tpu.memory_space<vmem>>[vector<16xi32>, vector<16xi32>], vector<16xf32>,
      %add3A_1584 = arith.constant 16 : i32
      %add3A_1585 = vector.broadcast %add3A_1584 : i32 to vector<16xi32>
      %add3A_1586 = arith.addi %iota3A, %add3A_1585 : vector<16xi32>
      %gather3A_1587 = arith.constant 5 : i32
      %gather3A_1588 = arith.constant 0 : i32
      %gather3A_1589 = arith.constant 0 : i32
      %gather3A_1590 = tpu.memref_slice %arg16[%gather3A_1587, %gather3A_1588, %gather3A_1589] : memref<8x32x128xf32, #tpu.memory_space<vmem>> -> memref<1x32x128xf32, #tpu.memory_space<vmem>>
      %gather3A_1591 = tpu.memref_squeeze %gather3A_1590 : memref<1x32x128xf32, #tpu.memory_space<vmem>> -> memref<32x128xf32, #tpu.memory_space<vmem>>
      %gather3A_1592 = tpu.vector_load_idx %gather3A_1591[%add3A_1586, %broadcast_in_dim3A_1577] : memref<32x128xf32, #tpu.memory_space<vmem>>[vector<16xi32>, vector<16xi32>], vector<16xf32>,
      %and3A_1593 = arith.constant 127 : i32
      %and3A_1594 = arith.andi %add3A_1572, %and3A_1593 : i32
      %swap3A_1595 = arith.index_cast %and3A_1594 : i32 to index
      %swap3A_1596 = arith.constant 64 : index
      %swap3A_1597 = tpu.vector_load %arg18[%swap3A_1595, %swap3A_1596] {strides = array<i32>} : memref<128x128xf32, #tpu.memory_space<vmem>>, vector<16xf32>,
      tpu.vector_store %arg18[%swap3A_1595, %swap3A_1596], %gather3A_1583 {strides = array<i32>} : memref<128x128xf32, #tpu.memory_space<vmem>>, vector<16xf32>,
      %swap3A_1598 = arith.index_cast %and3A_1594 : i32 to index
      %swap3A_1599 = arith.constant 80 : index
      %swap3A_1600 = tpu.vector_load %arg18[%swap3A_1598, %swap3A_1599] {strides = array<i32>} : memref<128x128xf32, #tpu.memory_space<vmem>>, vector<16xf32>,
      tpu.vector_store %arg18[%swap3A_1598, %swap3A_1599], %gather3A_1592 {strides = array<i32>} : memref<128x128xf32, #tpu.memory_space<vmem>>, vector<16xf32>,
      %mul3A_1601 = arith.constant 2 : i32
      %mul3A_1602 = arith.muli %add3A_1276, %mul3A_1601 : i32
      %get3A_1603 = arith.index_cast %mul3A_1602 : i32 to index
      %get3A_1604 = tpu.vector_load %arg14[%get3A_1603] {strides = array<i32>} : memref<528xi32, #tpu.memory_space<vmem>>, vector<16xi32>,
      %mul3A_1605 = arith.constant 2 : i32
      %mul3A_1606 = arith.muli %add3A_1276, %mul3A_1605 : i32
      %add3A_1607 = arith.constant 0 : i32
      %add3A_1608 = arith.addi %mul3A_1606, %add3A_1607 : i32
      %slice3A_1609 = vector.extract_strided_slice %get3A_1604 {offsets = [0], sizes = [1], strides = [1]} : vector<16xi32> to vector<1xi32>
      %squeeze3A_1610 = vector.extract %slice3A_1609[0] : i32 from vector<1xi32>
      %and3A_1611 = arith.constant 127 : i32
      %and3A_1612 = arith.andi %squeeze3A_1610, %and3A_1611 : i32
      %broadcast_in_dim3A_1613 = vector.broadcast %and3A_1612 : i32 to vector<16xi32>
      %gather3A_1614 = arith.constant 6 : i32
      %gather3A_1615 = arith.constant 0 : i32
      %gather3A_1616 = arith.constant 0 : i32
      %gather3A_1617 = tpu.memref_slice %arg16[%gather3A_1614, %gather3A_1615, %gather3A_1616] : memref<8x32x128xf32, #tpu.memory_space<vmem>> -> memref<1x32x128xf32, #tpu.memory_space<vmem>>
      %gather3A_1618 = tpu.memref_squeeze %gather3A_1617 : memref<1x32x128xf32, #tpu.memory_space<vmem>> -> memref<32x128xf32, #tpu.memory_space<vmem>>
      %gather3A_1619 = tpu.vector_load_idx %gather3A_1618[%iota3A, %broadcast_in_dim3A_1613] : memref<32x128xf32, #tpu.memory_space<vmem>>[vector<16xi32>, vector<16xi32>], vector<16xf32>,
      %add3A_1620 = arith.constant 16 : i32
      %add3A_1621 = vector.broadcast %add3A_1620 : i32 to vector<16xi32>
      %add3A_1622 = arith.addi %iota3A, %add3A_1621 : vector<16xi32>
      %gather3A_1623 = arith.constant 6 : i32
      %gather3A_1624 = arith.constant 0 : i32
      %gather3A_1625 = arith.constant 0 : i32
      %gather3A_1626 = tpu.memref_slice %arg16[%gather3A_1623, %gather3A_1624, %gather3A_1625] : memref<8x32x128xf32, #tpu.memory_space<vmem>> -> memref<1x32x128xf32, #tpu.memory_space<vmem>>
      %gather3A_1627 = tpu.memref_squeeze %gather3A_1626 : memref<1x32x128xf32, #tpu.memory_space<vmem>> -> memref<32x128xf32, #tpu.memory_space<vmem>>
      %gather3A_1628 = tpu.vector_load_idx %gather3A_1627[%add3A_1622, %broadcast_in_dim3A_1613] : memref<32x128xf32, #tpu.memory_space<vmem>>[vector<16xi32>, vector<16xi32>], vector<16xf32>,
      %and3A_1629 = arith.constant 127 : i32
      %and3A_1630 = arith.andi %add3A_1608, %and3A_1629 : i32
      %swap3A_1631 = arith.index_cast %and3A_1630 : i32 to index
      %swap3A_1632 = arith.constant 96 : index
      %swap3A_1633 = tpu.vector_load %arg18[%swap3A_1631, %swap3A_1632] {strides = array<i32>} : memref<128x128xf32, #tpu.memory_space<vmem>>, vector<16xf32>,
      tpu.vector_store %arg18[%swap3A_1631, %swap3A_1632], %gather3A_1619 {strides = array<i32>} : memref<128x128xf32, #tpu.memory_space<vmem>>, vector<16xf32>,
      %swap3A_1634 = arith.index_cast %and3A_1630 : i32 to index
      %swap3A_1635 = arith.constant 112 : index
      %swap3A_1636 = tpu.vector_load %arg18[%swap3A_1634, %swap3A_1635] {strides = array<i32>} : memref<128x128xf32, #tpu.memory_space<vmem>>, vector<16xf32>,
      tpu.vector_store %arg18[%swap3A_1634, %swap3A_1635], %gather3A_1628 {strides = array<i32>} : memref<128x128xf32, #tpu.memory_space<vmem>>, vector<16xf32>,
      %mul3A_1637 = arith.constant 2 : i32
      %mul3A_1638 = arith.muli %add3A_1276, %mul3A_1637 : i32
      %add3A_1639 = arith.constant 1 : i32
      %add3A_1640 = arith.addi %mul3A_1638, %add3A_1639 : i32
      %slice3A_1641 = vector.extract_strided_slice %get3A_1604 {offsets = [1], sizes = [1], strides = [1]} : vector<16xi32> to vector<1xi32>
      %squeeze3A_1642 = vector.extract %slice3A_1641[0] : i32 from vector<1xi32>
      %and3A_1643 = arith.constant 127 : i32
      %and3A_1644 = arith.andi %squeeze3A_1642, %and3A_1643 : i32
      %broadcast_in_dim3A_1645 = vector.broadcast %and3A_1644 : i32 to vector<16xi32>
      %gather3A_1646 = arith.constant 7 : i32
      %gather3A_1647 = arith.constant 0 : i32
      %gather3A_1648 = arith.constant 0 : i32
      %gather3A_1649 = tpu.memref_slice %arg16[%gather3A_1646, %gather3A_1647, %gather3A_1648] : memref<8x32x128xf32, #tpu.memory_space<vmem>> -> memref<1x32x128xf32, #tpu.memory_space<vmem>>
      %gather3A_1650 = tpu.memref_squeeze %gather3A_1649 : memref<1x32x128xf32, #tpu.memory_space<vmem>> -> memref<32x128xf32, #tpu.memory_space<vmem>>
      %gather3A_1651 = tpu.vector_load_idx %gather3A_1650[%iota3A, %broadcast_in_dim3A_1645] : memref<32x128xf32, #tpu.memory_space<vmem>>[vector<16xi32>, vector<16xi32>], vector<16xf32>,
      %add3A_1652 = arith.constant 16 : i32
      %add3A_1653 = vector.broadcast %add3A_1652 : i32 to vector<16xi32>
      %add3A_1654 = arith.addi %iota3A, %add3A_1653 : vector<16xi32>
      %gather3A_1655 = arith.constant 7 : i32
      %gather3A_1656 = arith.constant 0 : i32
      %gather3A_1657 = arith.constant 0 : i32
      %gather3A_1658 = tpu.memref_slice %arg16[%gather3A_1655, %gather3A_1656, %gather3A_1657] : memref<8x32x128xf32, #tpu.memory_space<vmem>> -> memref<1x32x128xf32, #tpu.memory_space<vmem>>
      %gather3A_1659 = tpu.memref_squeeze %gather3A_1658 : memref<1x32x128xf32, #tpu.memory_space<vmem>> -> memref<32x128xf32, #tpu.memory_space<vmem>>
      %gather3A_1660 = tpu.vector_load_idx %gather3A_1659[%add3A_1654, %broadcast_in_dim3A_1645] : memref<32x128xf32, #tpu.memory_space<vmem>>[vector<16xi32>, vector<16xi32>], vector<16xf32>,
      %and3A_1661 = arith.constant 127 : i32
      %and3A_1662 = arith.andi %add3A_1640, %and3A_1661 : i32
      %swap3A_1663 = arith.index_cast %and3A_1662 : i32 to index
      %swap3A_1664 = arith.constant 96 : index
      %swap3A_1665 = tpu.vector_load %arg18[%swap3A_1663, %swap3A_1664] {strides = array<i32>} : memref<128x128xf32, #tpu.memory_space<vmem>>, vector<16xf32>,
      tpu.vector_store %arg18[%swap3A_1663, %swap3A_1664], %gather3A_1651 {strides = array<i32>} : memref<128x128xf32, #tpu.memory_space<vmem>>, vector<16xf32>,
      %swap3A_1666 = arith.index_cast %and3A_1662 : i32 to index
      %swap3A_1667 = arith.constant 112 : index
      %swap3A_1668 = tpu.vector_load %arg18[%swap3A_1666, %swap3A_1667] {strides = array<i32>} : memref<128x128xf32, #tpu.memory_space<vmem>>, vector<16xf32>,
      tpu.vector_store %arg18[%swap3A_1666, %swap3A_1667], %gather3A_1660 {strides = array<i32>} : memref<128x128xf32, #tpu.memory_space<vmem>>, vector<16xf32>,
      %and3A_1669 = arith.constant 63 : i32
      %and3A_1670 = arith.andi %add3A_1276, %and3A_1669 : i32
      %eq3A_1671 = arith.constant 63 : i32
      %eq3A_1672 = arith.cmpi eq, %and3A_1670, %eq3A_1671 : i32
      %convert_element_type3A_1673 = arith.extui %eq3A_1672 : i1 to i32
      %cond3A_1674 = arith.constant 0 : i32
      %cond3A_1675 = arith.cmpi ne, %convert_element_type3A_1673, %cond3A_1674 : i32
      scf.if %cond3A_1675 {
        %add3A_2091 = arith.constant 1 : i32
        %add3A_2092 = arith.addi %add3A_1276, %add3A_2091 : i32
        %mul3A_2093 = arith.constant 2 : i32
        %mul3A_2094 = arith.muli %mul3A_2093, %add3A_2092 : i32
        %sub3A = arith.constant 128 : i32
        %sub3A_2095 = arith.subi %mul3A_2094, %sub3A : i32
        %add3A_2096 = arith.addi %mul3A_2, %sub3A_2095 : i32
        %multiple_of3A_2097 = tpu.assume_multiple %add3A_2096, 128 : i32
        "tpu.region"() ({
          %run_scoped3A = tpu.sem_alloc : memref<!tpu.dma_semaphore, #tpu.memory_space<semaphore_mem>>
          %dma_start3A_2098 = arith.constant 0 : i32
          %dma_start3A_2099 = tpu.memref_slice %arg10[%multiple_of3A_2097, %dma_start3A_2098] : memref<16384x128xf32, #tpu.memory_space<hbm>> -> memref<128x128xf32, #tpu.memory_space<hbm>>
          %dma_start3A_2100 = arith.constant 0 : i32
          %dma_start3A_2101 = tpu.memref_slice %arg10[%multiple_of3A_2097, %dma_start3A_2100] : memref<16384x128xf32, #tpu.memory_space<hbm>> -> memref<128x128xf32, #tpu.memory_space<hbm>>
          tpu.enqueue_dma source(%arg18 : memref<128x128xf32, #tpu.memory_space<vmem>>) target(%dma_start3A_2101 : memref<128x128xf32, #tpu.memory_space<hbm>>) target_semaphore(%run_scoped3A : memref<!tpu.dma_semaphore, #tpu.memory_space<semaphore_mem>>)
          %dma_wait3A_2102 = arith.constant 0 : i32
          %dma_wait3A_2103 = tpu.memref_slice %arg10[%multiple_of3A_2097, %dma_wait3A_2102] : memref<16384x128xf32, #tpu.memory_space<hbm>> -> memref<128x128xf32, #tpu.memory_space<hbm>>
          %dma_wait3A_2104 = arith.constant 0 : i32
          %dma_wait3A_2105 = tpu.memref_slice %arg10[%multiple_of3A_2097, %dma_wait3A_2104] : memref<16384x128xf32, #tpu.memory_space<hbm>> -> memref<128x128xf32, #tpu.memory_space<hbm>>
          tpu.wait_dma2 semaphore(%run_scoped3A : memref<!tpu.dma_semaphore, #tpu.memory_space<semaphore_mem>>) src(%arg18 : memref<128x128xf32, #tpu.memory_space<vmem>>) dst(%dma_wait3A_2105 : memref<128x128xf32, #tpu.memory_space<hbm>>)
          tpu.yield
        }) : () -> ()
      } else {
      }
      %add3A_1676 = arith.constant 3 : i32
      %add3A_1677 = arith.addi %add3A_1276, %add3A_1676 : i32
      %lt3A_1678 = arith.constant 256 : i32
      %lt3A_1679 = arith.cmpi slt, %add3A_1677, %lt3A_1678 : i32
      %convert_element_type3A_1680 = arith.extui %lt3A_1679 : i1 to i32
      %cond3A_1681 = arith.constant 0 : i32
      %cond3A_1682 = arith.cmpi ne, %convert_element_type3A_1680, %cond3A_1681 : i32
      scf.if %cond3A_1682 {
        %add3A_2091 = arith.constant 3 : i32
        %add3A_2092 = arith.addi %add3A_1276, %add3A_2091 : i32
        %mul3A_2093 = arith.constant 2 : i32
        %mul3A_2094 = arith.muli %add3A_2092, %mul3A_2093 : i32
        %get3A_2095 = arith.index_cast %mul3A_2094 : i32 to index
        %get3A_2096 = tpu.vector_load %arg11[%get3A_2095] {strides = array<i32>} : memref<528xi32, #tpu.memory_space<vmem>>, vector<16xi32>,
        %slice3A_2097 = vector.extract_strided_slice %get3A_2096 {offsets = [0], sizes = [1], strides = [1]} : vector<16xi32> to vector<1xi32>
        %squeeze3A_2098 = vector.extract %slice3A_2097[0] : i32 from vector<1xi32>
        %and3A_2099 = arith.constant -128 : i32
        %and3A_2100 = arith.andi %squeeze3A_2098, %and3A_2099 : i32
        %multiple_of3A_2101 = tpu.assume_multiple %and3A_2100, 128 : i32
        %dma_start3A_2102 = arith.constant 0 : i32
        %dma_start3A_2103 = arith.constant 0 : i32
        %dma_start3A_2104 = arith.constant 0 : i32
        %dma_start3A_2105 = tpu.memref_slice %arg16[%dma_start3A_2102, %dma_start3A_2103, %dma_start3A_2104] : memref<8x32x128xf32, #tpu.memory_space<vmem>> -> memref<1x32x128xf32, #tpu.memory_space<vmem>>
        %dma_start3A_2106 = tpu.memref_squeeze %dma_start3A_2105 : memref<1x32x128xf32, #tpu.memory_space<vmem>> -> memref<32x128xf32, #tpu.memory_space<vmem>>
        %dma_start3A_2107 = arith.constant 0 : i32
        %dma_start3A_2108 = tpu.memref_slice %arg6[%dma_start3A_2107, %multiple_of3A_2101] : memref<32x1000000xf32, #tpu.memory_space<hbm>> -> memref<32x128xf32, #tpu.memory_space<hbm>>
        %dma_start3A_2109 = arith.constant 0 : i32
        %dma_start3A_2110 = arith.constant 0 : i32
        %dma_start3A_2111 = tpu.memref_slice %arg16[%dma_start3A_2102, %dma_start3A_2109, %dma_start3A_2110] : memref<8x32x128xf32, #tpu.memory_space<vmem>> -> memref<1x32x128xf32, #tpu.memory_space<vmem>>
        %dma_start3A_2112 = tpu.memref_squeeze %dma_start3A_2111 : memref<1x32x128xf32, #tpu.memory_space<vmem>> -> memref<32x128xf32, #tpu.memory_space<vmem>>
        %dma_start3A_2113 = arith.constant 0 : i32
        %dma_start3A_2114 = tpu.memref_slice %arg6[%dma_start3A_2113, %multiple_of3A_2101] : memref<32x1000000xf32, #tpu.memory_space<hbm>> -> memref<32x128xf32, #tpu.memory_space<hbm>>
        tpu.enqueue_dma source(%dma_start3A_2114 : memref<32x128xf32, #tpu.memory_space<hbm>>) target(%dma_start3A_2112 : memref<32x128xf32, #tpu.memory_space<vmem>>) target_semaphore(%arg20 : memref<!tpu.dma_semaphore, #tpu.memory_space<semaphore_mem>>)
        %slice3A_2115 = vector.extract_strided_slice %get3A_2096 {offsets = [1], sizes = [1], strides = [1]} : vector<16xi32> to vector<1xi32>
        %squeeze3A_2116 = vector.extract %slice3A_2115[0] : i32 from vector<1xi32>
        %and3A_2117 = arith.constant -128 : i32
        %and3A_2118 = arith.andi %squeeze3A_2116, %and3A_2117 : i32
        %multiple_of3A_2119 = tpu.assume_multiple %and3A_2118, 128 : i32
        %dma_start3A_2120 = arith.constant 1 : i32
        %dma_start3A_2121 = arith.constant 0 : i32
        %dma_start3A_2122 = arith.constant 0 : i32
        %dma_start3A_2123 = tpu.memref_slice %arg16[%dma_start3A_2120, %dma_start3A_2121, %dma_start3A_2122] : memref<8x32x128xf32, #tpu.memory_space<vmem>> -> memref<1x32x128xf32, #tpu.memory_space<vmem>>
        %dma_start3A_2124 = tpu.memref_squeeze %dma_start3A_2123 : memref<1x32x128xf32, #tpu.memory_space<vmem>> -> memref<32x128xf32, #tpu.memory_space<vmem>>
        %dma_start3A_2125 = arith.constant 0 : i32
        %dma_start3A_2126 = tpu.memref_slice %arg6[%dma_start3A_2125, %multiple_of3A_2119] : memref<32x1000000xf32, #tpu.memory_space<hbm>> -> memref<32x128xf32, #tpu.memory_space<hbm>>
        %dma_start3A_2127 = arith.constant 0 : i32
        %dma_start3A_2128 = arith.constant 0 : i32
        %dma_start3A_2129 = tpu.memref_slice %arg16[%dma_start3A_2120, %dma_start3A_2127, %dma_start3A_2128] : memref<8x32x128xf32, #tpu.memory_space<vmem>> -> memref<1x32x128xf32, #tpu.memory_space<vmem>>
        %dma_start3A_2130 = tpu.memref_squeeze %dma_start3A_2129 : memref<1x32x128xf32, #tpu.memory_space<vmem>> -> memref<32x128xf32, #tpu.memory_space<vmem>>
        %dma_start3A_2131 = arith.constant 0 : i32
        %dma_start3A_2132 = tpu.memref_slice %arg6[%dma_start3A_2131, %multiple_of3A_2119] : memref<32x1000000xf32, #tpu.memory_space<hbm>> -> memref<32x128xf32, #tpu.memory_space<hbm>>
        tpu.enqueue_dma source(%dma_start3A_2132 : memref<32x128xf32, #tpu.memory_space<hbm>>) target(%dma_start3A_2130 : memref<32x128xf32, #tpu.memory_space<vmem>>) target_semaphore(%arg20 : memref<!tpu.dma_semaphore, #tpu.memory_space<semaphore_mem>>)
        %mul3A_2133 = arith.constant 2 : i32
        %mul3A_2134 = arith.muli %add3A_2092, %mul3A_2133 : i32
        %get3A_2135 = arith.index_cast %mul3A_2134 : i32 to index
        %get3A_2136 = tpu.vector_load %arg12[%get3A_2135] {strides = array<i32>} : memref<528xi32, #tpu.memory_space<vmem>>, vector<16xi32>,
        %slice3A_2137 = vector.extract_strided_slice %get3A_2136 {offsets = [0], sizes = [1], strides = [1]} : vector<16xi32> to vector<1xi32>
        %squeeze3A_2138 = vector.extract %slice3A_2137[0] : i32 from vector<1xi32>
        %and3A_2139 = arith.constant -128 : i32
        %and3A_2140 = arith.andi %squeeze3A_2138, %and3A_2139 : i32
        %multiple_of3A_2141 = tpu.assume_multiple %and3A_2140, 128 : i32
        %dma_start3A_2142 = arith.constant 2 : i32
        %dma_start3A_2143 = arith.constant 0 : i32
        %dma_start3A_2144 = arith.constant 0 : i32
        %dma_start3A_2145 = tpu.memref_slice %arg16[%dma_start3A_2142, %dma_start3A_2143, %dma_start3A_2144] : memref<8x32x128xf32, #tpu.memory_space<vmem>> -> memref<1x32x128xf32, #tpu.memory_space<vmem>>
        %dma_start3A_2146 = tpu.memref_squeeze %dma_start3A_2145 : memref<1x32x128xf32, #tpu.memory_space<vmem>> -> memref<32x128xf32, #tpu.memory_space<vmem>>
        %dma_start3A_2147 = arith.constant 0 : i32
        %dma_start3A_2148 = tpu.memref_slice %arg7[%dma_start3A_2147, %multiple_of3A_2141] : memref<32x1000000xf32, #tpu.memory_space<hbm>> -> memref<32x128xf32, #tpu.memory_space<hbm>>
        %dma_start3A_2149 = arith.constant 0 : i32
        %dma_start3A_2150 = arith.constant 0 : i32
        %dma_start3A_2151 = tpu.memref_slice %arg16[%dma_start3A_2142, %dma_start3A_2149, %dma_start3A_2150] : memref<8x32x128xf32, #tpu.memory_space<vmem>> -> memref<1x32x128xf32, #tpu.memory_space<vmem>>
        %dma_start3A_2152 = tpu.memref_squeeze %dma_start3A_2151 : memref<1x32x128xf32, #tpu.memory_space<vmem>> -> memref<32x128xf32, #tpu.memory_space<vmem>>
        %dma_start3A_2153 = arith.constant 0 : i32
        %dma_start3A_2154 = tpu.memref_slice %arg7[%dma_start3A_2153, %multiple_of3A_2141] : memref<32x1000000xf32, #tpu.memory_space<hbm>> -> memref<32x128xf32, #tpu.memory_space<hbm>>
        tpu.enqueue_dma source(%dma_start3A_2154 : memref<32x128xf32, #tpu.memory_space<hbm>>) target(%dma_start3A_2152 : memref<32x128xf32, #tpu.memory_space<vmem>>) target_semaphore(%arg20 : memref<!tpu.dma_semaphore, #tpu.memory_space<semaphore_mem>>)
        %slice3A_2155 = vector.extract_strided_slice %get3A_2136 {offsets = [1], sizes = [1], strides = [1]} : vector<16xi32> to vector<1xi32>
        %squeeze3A_2156 = vector.extract %slice3A_2155[0] : i32 from vector<1xi32>
        %and3A_2157 = arith.constant -128 : i32
        %and3A_2158 = arith.andi %squeeze3A_2156, %and3A_2157 : i32
        %multiple_of3A_2159 = tpu.assume_multiple %and3A_2158, 128 : i32
        %dma_start3A_2160 = arith.constant 3 : i32
        %dma_start3A_2161 = arith.constant 0 : i32
        %dma_start3A_2162 = arith.constant 0 : i32
        %dma_start3A_2163 = tpu.memref_slice %arg16[%dma_start3A_2160, %dma_start3A_2161, %dma_start3A_2162] : memref<8x32x128xf32, #tpu.memory_space<vmem>> -> memref<1x32x128xf32, #tpu.memory_space<vmem>>
        %dma_start3A_2164 = tpu.memref_squeeze %dma_start3A_2163 : memref<1x32x128xf32, #tpu.memory_space<vmem>> -> memref<32x128xf32, #tpu.memory_space<vmem>>
        %dma_start3A_2165 = arith.constant 0 : i32
        %dma_start3A_2166 = tpu.memref_slice %arg7[%dma_start3A_2165, %multiple_of3A_2159] : memref<32x1000000xf32, #tpu.memory_space<hbm>> -> memref<32x128xf32, #tpu.memory_space<hbm>>
        %dma_start3A_2167 = arith.constant 0 : i32
        %dma_start3A_2168 = arith.constant 0 : i32
        %dma_start3A_2169 = tpu.memref_slice %arg16[%dma_start3A_2160, %dma_start3A_2167, %dma_start3A_2168] : memref<8x32x128xf32, #tpu.memory_space<vmem>> -> memref<1x32x128xf32, #tpu.memory_space<vmem>>
        %dma_start3A_2170 = tpu.memref_squeeze %dma_start3A_2169 : memref<1x32x128xf32, #tpu.memory_space<vmem>> -> memref<32x128xf32, #tpu.memory_space<vmem>>
        %dma_start3A_2171 = arith.constant 0 : i32
        %dma_start3A_2172 = tpu.memref_slice %arg7[%dma_start3A_2171, %multiple_of3A_2159] : memref<32x1000000xf32, #tpu.memory_space<hbm>> -> memref<32x128xf32, #tpu.memory_space<hbm>>
        tpu.enqueue_dma source(%dma_start3A_2172 : memref<32x128xf32, #tpu.memory_space<hbm>>) target(%dma_start3A_2170 : memref<32x128xf32, #tpu.memory_space<vmem>>) target_semaphore(%arg20 : memref<!tpu.dma_semaphore, #tpu.memory_space<semaphore_mem>>)
        %mul3A_2173 = arith.constant 2 : i32
        %mul3A_2174 = arith.muli %add3A_2092, %mul3A_2173 : i32
        %get3A_2175 = arith.index_cast %mul3A_2174 : i32 to index
        %get3A_2176 = tpu.vector_load %arg13[%get3A_2175] {strides = array<i32>} : memref<528xi32, #tpu.memory_space<vmem>>, vector<16xi32>,
        %slice3A_2177 = vector.extract_strided_slice %get3A_2176 {offsets = [0], sizes = [1], strides = [1]} : vector<16xi32> to vector<1xi32>
        %squeeze3A_2178 = vector.extract %slice3A_2177[0] : i32 from vector<1xi32>
        %and3A_2179 = arith.constant -128 : i32
        %and3A_2180 = arith.andi %squeeze3A_2178, %and3A_2179 : i32
        %multiple_of3A_2181 = tpu.assume_multiple %and3A_2180, 128 : i32
        %dma_start3A_2182 = arith.constant 4 : i32
        %dma_start3A_2183 = arith.constant 0 : i32
        %dma_start3A_2184 = arith.constant 0 : i32
        %dma_start3A_2185 = tpu.memref_slice %arg16[%dma_start3A_2182, %dma_start3A_2183, %dma_start3A_2184] : memref<8x32x128xf32, #tpu.memory_space<vmem>> -> memref<1x32x128xf32, #tpu.memory_space<vmem>>
        %dma_start3A_2186 = tpu.memref_squeeze %dma_start3A_2185 : memref<1x32x128xf32, #tpu.memory_space<vmem>> -> memref<32x128xf32, #tpu.memory_space<vmem>>
        %dma_start3A_2187 = arith.constant 0 : i32
        %dma_start3A_2188 = tpu.memref_slice %arg8[%dma_start3A_2187, %multiple_of3A_2181] : memref<32x1000000xf32, #tpu.memory_space<hbm>> -> memref<32x128xf32, #tpu.memory_space<hbm>>
        %dma_start3A_2189 = arith.constant 0 : i32
        %dma_start3A_2190 = arith.constant 0 : i32
        %dma_start3A_2191 = tpu.memref_slice %arg16[%dma_start3A_2182, %dma_start3A_2189, %dma_start3A_2190] : memref<8x32x128xf32, #tpu.memory_space<vmem>> -> memref<1x32x128xf32, #tpu.memory_space<vmem>>
        %dma_start3A_2192 = tpu.memref_squeeze %dma_start3A_2191 : memref<1x32x128xf32, #tpu.memory_space<vmem>> -> memref<32x128xf32, #tpu.memory_space<vmem>>
        %dma_start3A_2193 = arith.constant 0 : i32
        %dma_start3A_2194 = tpu.memref_slice %arg8[%dma_start3A_2193, %multiple_of3A_2181] : memref<32x1000000xf32, #tpu.memory_space<hbm>> -> memref<32x128xf32, #tpu.memory_space<hbm>>
        tpu.enqueue_dma source(%dma_start3A_2194 : memref<32x128xf32, #tpu.memory_space<hbm>>) target(%dma_start3A_2192 : memref<32x128xf32, #tpu.memory_space<vmem>>) target_semaphore(%arg20 : memref<!tpu.dma_semaphore, #tpu.memory_space<semaphore_mem>>)
        %slice3A_2195 = vector.extract_strided_slice %get3A_2176 {offsets = [1], sizes = [1], strides = [1]} : vector<16xi32> to vector<1xi32>
        %squeeze3A_2196 = vector.extract %slice3A_2195[0] : i32 from vector<1xi32>
        %and3A_2197 = arith.constant -128 : i32
        %and3A_2198 = arith.andi %squeeze3A_2196, %and3A_2197 : i32
        %multiple_of3A_2199 = tpu.assume_multiple %and3A_2198, 128 : i32
        %dma_start3A_2200 = arith.constant 5 : i32
        %dma_start3A_2201 = arith.constant 0 : i32
        %dma_start3A_2202 = arith.constant 0 : i32
        %dma_start3A_2203 = tpu.memref_slice %arg16[%dma_start3A_2200, %dma_start3A_2201, %dma_start3A_2202] : memref<8x32x128xf32, #tpu.memory_space<vmem>> -> memref<1x32x128xf32, #tpu.memory_space<vmem>>
        %dma_start3A_2204 = tpu.memref_squeeze %dma_start3A_2203 : memref<1x32x128xf32, #tpu.memory_space<vmem>> -> memref<32x128xf32, #tpu.memory_space<vmem>>
        %dma_start3A_2205 = arith.constant 0 : i32
        %dma_start3A_2206 = tpu.memref_slice %arg8[%dma_start3A_2205, %multiple_of3A_2199] : memref<32x1000000xf32, #tpu.memory_space<hbm>> -> memref<32x128xf32, #tpu.memory_space<hbm>>
        %dma_start3A_2207 = arith.constant 0 : i32
        %dma_start3A_2208 = arith.constant 0 : i32
        %dma_start3A_2209 = tpu.memref_slice %arg16[%dma_start3A_2200, %dma_start3A_2207, %dma_start3A_2208] : memref<8x32x128xf32, #tpu.memory_space<vmem>> -> memref<1x32x128xf32, #tpu.memory_space<vmem>>
        %dma_start3A_2210 = tpu.memref_squeeze %dma_start3A_2209 : memref<1x32x128xf32, #tpu.memory_space<vmem>> -> memref<32x128xf32, #tpu.memory_space<vmem>>
        %dma_start3A_2211 = arith.constant 0 : i32
        %dma_start3A_2212 = tpu.memref_slice %arg8[%dma_start3A_2211, %multiple_of3A_2199] : memref<32x1000000xf32, #tpu.memory_space<hbm>> -> memref<32x128xf32, #tpu.memory_space<hbm>>
        tpu.enqueue_dma source(%dma_start3A_2212 : memref<32x128xf32, #tpu.memory_space<hbm>>) target(%dma_start3A_2210 : memref<32x128xf32, #tpu.memory_space<vmem>>) target_semaphore(%arg20 : memref<!tpu.dma_semaphore, #tpu.memory_space<semaphore_mem>>)
        %mul3A_2213 = arith.constant 2 : i32
        %mul3A_2214 = arith.muli %add3A_2092, %mul3A_2213 : i32
        %get3A_2215 = arith.index_cast %mul3A_2214 : i32 to index
        %get3A_2216 = tpu.vector_load %arg14[%get3A_2215] {strides = array<i32>} : memref<528xi32, #tpu.memory_space<vmem>>, vector<16xi32>,
        %slice3A_2217 = vector.extract_strided_slice %get3A_2216 {offsets = [0], sizes = [1], strides = [1]} : vector<16xi32> to vector<1xi32>
        %squeeze3A_2218 = vector.extract %slice3A_2217[0] : i32 from vector<1xi32>
        %and3A_2219 = arith.constant -128 : i32
        %and3A_2220 = arith.andi %squeeze3A_2218, %and3A_2219 : i32
        %multiple_of3A_2221 = tpu.assume_multiple %and3A_2220, 128 : i32
        %dma_start3A_2222 = arith.constant 6 : i32
        %dma_start3A_2223 = arith.constant 0 : i32
        %dma_start3A_2224 = arith.constant 0 : i32
        %dma_start3A_2225 = tpu.memref_slice %arg16[%dma_start3A_2222, %dma_start3A_2223, %dma_start3A_2224] : memref<8x32x128xf32, #tpu.memory_space<vmem>> -> memref<1x32x128xf32, #tpu.memory_space<vmem>>
        %dma_start3A_2226 = tpu.memref_squeeze %dma_start3A_2225 : memref<1x32x128xf32, #tpu.memory_space<vmem>> -> memref<32x128xf32, #tpu.memory_space<vmem>>
        %dma_start3A_2227 = arith.constant 0 : i32
        %dma_start3A_2228 = tpu.memref_slice %arg9[%dma_start3A_2227, %multiple_of3A_2221] : memref<32x1000000xf32, #tpu.memory_space<hbm>> -> memref<32x128xf32, #tpu.memory_space<hbm>>
        %dma_start3A_2229 = arith.constant 0 : i32
        %dma_start3A_2230 = arith.constant 0 : i32
        %dma_start3A_2231 = tpu.memref_slice %arg16[%dma_start3A_2222, %dma_start3A_2229, %dma_start3A_2230] : memref<8x32x128xf32, #tpu.memory_space<vmem>> -> memref<1x32x128xf32, #tpu.memory_space<vmem>>
        %dma_start3A_2232 = tpu.memref_squeeze %dma_start3A_2231 : memref<1x32x128xf32, #tpu.memory_space<vmem>> -> memref<32x128xf32, #tpu.memory_space<vmem>>
        %dma_start3A_2233 = arith.constant 0 : i32
        %dma_start3A_2234 = tpu.memref_slice %arg9[%dma_start3A_2233, %multiple_of3A_2221] : memref<32x1000000xf32, #tpu.memory_space<hbm>> -> memref<32x128xf32, #tpu.memory_space<hbm>>
        tpu.enqueue_dma source(%dma_start3A_2234 : memref<32x128xf32, #tpu.memory_space<hbm>>) target(%dma_start3A_2232 : memref<32x128xf32, #tpu.memory_space<vmem>>) target_semaphore(%arg20 : memref<!tpu.dma_semaphore, #tpu.memory_space<semaphore_mem>>)
        %slice3A_2235 = vector.extract_strided_slice %get3A_2216 {offsets = [1], sizes = [1], strides = [1]} : vector<16xi32> to vector<1xi32>
        %squeeze3A_2236 = vector.extract %slice3A_2235[0] : i32 from vector<1xi32>
        %and3A_2237 = arith.constant -128 : i32
        %and3A_2238 = arith.andi %squeeze3A_2236, %and3A_2237 : i32
        %multiple_of3A_2239 = tpu.assume_multiple %and3A_2238, 128 : i32
        %dma_start3A_2240 = arith.constant 7 : i32
        %dma_start3A_2241 = arith.constant 0 : i32
        %dma_start3A_2242 = arith.constant 0 : i32
        %dma_start3A_2243 = tpu.memref_slice %arg16[%dma_start3A_2240, %dma_start3A_2241, %dma_start3A_2242] : memref<8x32x128xf32, #tpu.memory_space<vmem>> -> memref<1x32x128xf32, #tpu.memory_space<vmem>>
        %dma_start3A_2244 = tpu.memref_squeeze %dma_start3A_2243 : memref<1x32x128xf32, #tpu.memory_space<vmem>> -> memref<32x128xf32, #tpu.memory_space<vmem>>
        %dma_start3A_2245 = arith.constant 0 : i32
        %dma_start3A_2246 = tpu.memref_slice %arg9[%dma_start3A_2245, %multiple_of3A_2239] : memref<32x1000000xf32, #tpu.memory_space<hbm>> -> memref<32x128xf32, #tpu.memory_space<hbm>>
        %dma_start3A_2247 = arith.constant 0 : i32
        %dma_start3A_2248 = arith.constant 0 : i32
        %dma_start3A_2249 = tpu.memref_slice %arg16[%dma_start3A_2240, %dma_start3A_2247, %dma_start3A_2248] : memref<8x32x128xf32, #tpu.memory_space<vmem>> -> memref<1x32x128xf32, #tpu.memory_space<vmem>>
        %dma_start3A_2250 = tpu.memref_squeeze %dma_start3A_2249 : memref<1x32x128xf32, #tpu.memory_space<vmem>> -> memref<32x128xf32, #tpu.memory_space<vmem>>
        %dma_start3A_2251 = arith.constant 0 : i32
        %dma_start3A_2252 = tpu.memref_slice %arg9[%dma_start3A_2251, %multiple_of3A_2239] : memref<32x1000000xf32, #tpu.memory_space<hbm>> -> memref<32x128xf32, #tpu.memory_space<hbm>>
        tpu.enqueue_dma source(%dma_start3A_2252 : memref<32x128xf32, #tpu.memory_space<hbm>>) target(%dma_start3A_2250 : memref<32x128xf32, #tpu.memory_space<vmem>>) target_semaphore(%arg20 : memref<!tpu.dma_semaphore, #tpu.memory_space<semaphore_mem>>)
      } else {
      }
      %add3A_1683 = arith.constant 2 : i32
      %add3A_1684 = arith.addi %mul3A_869, %add3A_1683 : i32
      %dma_wait3A_1685 = arith.constant 0 : i32
      %dma_wait3A_1686 = arith.constant 0 : i32
      %dma_wait3A_1687 = arith.constant 0 : i32
      %dma_wait3A_1688 = tpu.memref_slice %arg17[%dma_wait3A_1685, %dma_wait3A_1686, %dma_wait3A_1687] : memref<8x32x128xf32, #tpu.memory_space<vmem>> -> memref<1x32x128xf32, #tpu.memory_space<vmem>>
      %dma_wait3A_1689 = tpu.memref_squeeze %dma_wait3A_1688 : memref<1x32x128xf32, #tpu.memory_space<vmem>> -> memref<32x128xf32, #tpu.memory_space<vmem>>
      %dma_wait3A_1690 = arith.constant 0 : i32
      %dma_wait3A_1691 = arith.constant 0 : i32
      %dma_wait3A_1692 = tpu.memref_slice %arg6[%dma_wait3A_1690, %dma_wait3A_1691] : memref<32x1000000xf32, #tpu.memory_space<hbm>> -> memref<32x128xf32, #tpu.memory_space<hbm>>
      %dma_wait3A_1693 = arith.constant 0 : i32
      %dma_wait3A_1694 = arith.constant 0 : i32
      %dma_wait3A_1695 = tpu.memref_slice %arg17[%dma_wait3A_1685, %dma_wait3A_1693, %dma_wait3A_1694] : memref<8x32x128xf32, #tpu.memory_space<vmem>> -> memref<1x32x128xf32, #tpu.memory_space<vmem>>
      %dma_wait3A_1696 = tpu.memref_squeeze %dma_wait3A_1695 : memref<1x32x128xf32, #tpu.memory_space<vmem>> -> memref<32x128xf32, #tpu.memory_space<vmem>>
      %dma_wait3A_1697 = arith.constant 0 : i32
      %dma_wait3A_1698 = arith.constant 0 : i32
      %dma_wait3A_1699 = tpu.memref_slice %arg6[%dma_wait3A_1697, %dma_wait3A_1698] : memref<32x1000000xf32, #tpu.memory_space<hbm>> -> memref<32x128xf32, #tpu.memory_space<hbm>>
      tpu.wait_dma2 semaphore(%arg21 : memref<!tpu.dma_semaphore, #tpu.memory_space<semaphore_mem>>) src(%dma_wait3A_1699 : memref<32x128xf32, #tpu.memory_space<hbm>>) dst(%dma_wait3A_1696 : memref<32x128xf32, #tpu.memory_space<vmem>>)
      %dma_wait3A_1700 = arith.constant 0 : i32
      %dma_wait3A_1701 = arith.constant 0 : i32
      %dma_wait3A_1702 = arith.constant 0 : i32
      %dma_wait3A_1703 = tpu.memref_slice %arg17[%dma_wait3A_1700, %dma_wait3A_1701, %dma_wait3A_1702] : memref<8x32x128xf32, #tpu.memory_space<vmem>> -> memref<1x32x128xf32, #tpu.memory_space<vmem>>
      %dma_wait3A_1704 = tpu.memref_squeeze %dma_wait3A_1703 : memref<1x32x128xf32, #tpu.memory_space<vmem>> -> memref<32x128xf32, #tpu.memory_space<vmem>>
      %dma_wait3A_1705 = arith.constant 0 : i32
      %dma_wait3A_1706 = arith.constant 0 : i32
      %dma_wait3A_1707 = tpu.memref_slice %arg6[%dma_wait3A_1705, %dma_wait3A_1706] : memref<32x1000000xf32, #tpu.memory_space<hbm>> -> memref<32x128xf32, #tpu.memory_space<hbm>>
      %dma_wait3A_1708 = arith.constant 0 : i32
      %dma_wait3A_1709 = arith.constant 0 : i32
      %dma_wait3A_1710 = tpu.memref_slice %arg17[%dma_wait3A_1700, %dma_wait3A_1708, %dma_wait3A_1709] : memref<8x32x128xf32, #tpu.memory_space<vmem>> -> memref<1x32x128xf32, #tpu.memory_space<vmem>>
      %dma_wait3A_1711 = tpu.memref_squeeze %dma_wait3A_1710 : memref<1x32x128xf32, #tpu.memory_space<vmem>> -> memref<32x128xf32, #tpu.memory_space<vmem>>
      %dma_wait3A_1712 = arith.constant 0 : i32
      %dma_wait3A_1713 = arith.constant 0 : i32
      %dma_wait3A_1714 = tpu.memref_slice %arg6[%dma_wait3A_1712, %dma_wait3A_1713] : memref<32x1000000xf32, #tpu.memory_space<hbm>> -> memref<32x128xf32, #tpu.memory_space<hbm>>
      tpu.wait_dma2 semaphore(%arg21 : memref<!tpu.dma_semaphore, #tpu.memory_space<semaphore_mem>>) src(%dma_wait3A_1714 : memref<32x128xf32, #tpu.memory_space<hbm>>) dst(%dma_wait3A_1711 : memref<32x128xf32, #tpu.memory_space<vmem>>)
      %dma_wait3A_1715 = arith.constant 0 : i32
      %dma_wait3A_1716 = arith.constant 0 : i32
      %dma_wait3A_1717 = arith.constant 0 : i32
      %dma_wait3A_1718 = tpu.memref_slice %arg17[%dma_wait3A_1715, %dma_wait3A_1716, %dma_wait3A_1717] : memref<8x32x128xf32, #tpu.memory_space<vmem>> -> memref<1x32x128xf32, #tpu.memory_space<vmem>>
      %dma_wait3A_1719 = tpu.memref_squeeze %dma_wait3A_1718 : memref<1x32x128xf32, #tpu.memory_space<vmem>> -> memref<32x128xf32, #tpu.memory_space<vmem>>
      %dma_wait3A_1720 = arith.constant 0 : i32
      %dma_wait3A_1721 = arith.constant 0 : i32
      %dma_wait3A_1722 = tpu.memref_slice %arg6[%dma_wait3A_1720, %dma_wait3A_1721] : memref<32x1000000xf32, #tpu.memory_space<hbm>> -> memref<32x128xf32, #tpu.memory_space<hbm>>
      %dma_wait3A_1723 = arith.constant 0 : i32
      %dma_wait3A_1724 = arith.constant 0 : i32
      %dma_wait3A_1725 = tpu.memref_slice %arg17[%dma_wait3A_1715, %dma_wait3A_1723, %dma_wait3A_1724] : memref<8x32x128xf32, #tpu.memory_space<vmem>> -> memref<1x32x128xf32, #tpu.memory_space<vmem>>
      %dma_wait3A_1726 = tpu.memref_squeeze %dma_wait3A_1725 : memref<1x32x128xf32, #tpu.memory_space<vmem>> -> memref<32x128xf32, #tpu.memory_space<vmem>>
      %dma_wait3A_1727 = arith.constant 0 : i32
      %dma_wait3A_1728 = arith.constant 0 : i32
      %dma_wait3A_1729 = tpu.memref_slice %arg6[%dma_wait3A_1727, %dma_wait3A_1728] : memref<32x1000000xf32, #tpu.memory_space<hbm>> -> memref<32x128xf32, #tpu.memory_space<hbm>>
      tpu.wait_dma2 semaphore(%arg21 : memref<!tpu.dma_semaphore, #tpu.memory_space<semaphore_mem>>) src(%dma_wait3A_1729 : memref<32x128xf32, #tpu.memory_space<hbm>>) dst(%dma_wait3A_1726 : memref<32x128xf32, #tpu.memory_space<vmem>>)
      %dma_wait3A_1730 = arith.constant 0 : i32
      %dma_wait3A_1731 = arith.constant 0 : i32
      %dma_wait3A_1732 = arith.constant 0 : i32
      %dma_wait3A_1733 = tpu.memref_slice %arg17[%dma_wait3A_1730, %dma_wait3A_1731, %dma_wait3A_1732] : memref<8x32x128xf32, #tpu.memory_space<vmem>> -> memref<1x32x128xf32, #tpu.memory_space<vmem>>
      %dma_wait3A_1734 = tpu.memref_squeeze %dma_wait3A_1733 : memref<1x32x128xf32, #tpu.memory_space<vmem>> -> memref<32x128xf32, #tpu.memory_space<vmem>>
      %dma_wait3A_1735 = arith.constant 0 : i32
      %dma_wait3A_1736 = arith.constant 0 : i32
      %dma_wait3A_1737 = tpu.memref_slice %arg6[%dma_wait3A_1735, %dma_wait3A_1736] : memref<32x1000000xf32, #tpu.memory_space<hbm>> -> memref<32x128xf32, #tpu.memory_space<hbm>>
      %dma_wait3A_1738 = arith.constant 0 : i32
      %dma_wait3A_1739 = arith.constant 0 : i32
      %dma_wait3A_1740 = tpu.memref_slice %arg17[%dma_wait3A_1730, %dma_wait3A_1738, %dma_wait3A_1739] : memref<8x32x128xf32, #tpu.memory_space<vmem>> -> memref<1x32x128xf32, #tpu.memory_space<vmem>>
      %dma_wait3A_1741 = tpu.memref_squeeze %dma_wait3A_1740 : memref<1x32x128xf32, #tpu.memory_space<vmem>> -> memref<32x128xf32, #tpu.memory_space<vmem>>
      %dma_wait3A_1742 = arith.constant 0 : i32
      %dma_wait3A_1743 = arith.constant 0 : i32
      %dma_wait3A_1744 = tpu.memref_slice %arg6[%dma_wait3A_1742, %dma_wait3A_1743] : memref<32x1000000xf32, #tpu.memory_space<hbm>> -> memref<32x128xf32, #tpu.memory_space<hbm>>
      tpu.wait_dma2 semaphore(%arg21 : memref<!tpu.dma_semaphore, #tpu.memory_space<semaphore_mem>>) src(%dma_wait3A_1744 : memref<32x128xf32, #tpu.memory_space<hbm>>) dst(%dma_wait3A_1741 : memref<32x128xf32, #tpu.memory_space<vmem>>)
      %dma_wait3A_1745 = arith.constant 0 : i32
      %dma_wait3A_1746 = arith.constant 0 : i32
      %dma_wait3A_1747 = arith.constant 0 : i32
      %dma_wait3A_1748 = tpu.memref_slice %arg17[%dma_wait3A_1745, %dma_wait3A_1746, %dma_wait3A_1747] : memref<8x32x128xf32, #tpu.memory_space<vmem>> -> memref<1x32x128xf32, #tpu.memory_space<vmem>>
      %dma_wait3A_1749 = tpu.memref_squeeze %dma_wait3A_1748 : memref<1x32x128xf32, #tpu.memory_space<vmem>> -> memref<32x128xf32, #tpu.memory_space<vmem>>
      %dma_wait3A_1750 = arith.constant 0 : i32
      %dma_wait3A_1751 = arith.constant 0 : i32
      %dma_wait3A_1752 = tpu.memref_slice %arg6[%dma_wait3A_1750, %dma_wait3A_1751] : memref<32x1000000xf32, #tpu.memory_space<hbm>> -> memref<32x128xf32, #tpu.memory_space<hbm>>
      %dma_wait3A_1753 = arith.constant 0 : i32
      %dma_wait3A_1754 = arith.constant 0 : i32
      %dma_wait3A_1755 = tpu.memref_slice %arg17[%dma_wait3A_1745, %dma_wait3A_1753, %dma_wait3A_1754] : memref<8x32x128xf32, #tpu.memory_space<vmem>> -> memref<1x32x128xf32, #tpu.memory_space<vmem>>
      %dma_wait3A_1756 = tpu.memref_squeeze %dma_wait3A_1755 : memref<1x32x128xf32, #tpu.memory_space<vmem>> -> memref<32x128xf32, #tpu.memory_space<vmem>>
      %dma_wait3A_1757 = arith.constant 0 : i32
      %dma_wait3A_1758 = arith.constant 0 : i32
      %dma_wait3A_1759 = tpu.memref_slice %arg6[%dma_wait3A_1757, %dma_wait3A_1758] : memref<32x1000000xf32, #tpu.memory_space<hbm>> -> memref<32x128xf32, #tpu.memory_space<hbm>>
      tpu.wait_dma2 semaphore(%arg21 : memref<!tpu.dma_semaphore, #tpu.memory_space<semaphore_mem>>) src(%dma_wait3A_1759 : memref<32x128xf32, #tpu.memory_space<hbm>>) dst(%dma_wait3A_1756 : memref<32x128xf32, #tpu.memory_space<vmem>>)
      %dma_wait3A_1760 = arith.constant 0 : i32
      %dma_wait3A_1761 = arith.constant 0 : i32
      %dma_wait3A_1762 = arith.constant 0 : i32
      %dma_wait3A_1763 = tpu.memref_slice %arg17[%dma_wait3A_1760, %dma_wait3A_1761, %dma_wait3A_1762] : memref<8x32x128xf32, #tpu.memory_space<vmem>> -> memref<1x32x128xf32, #tpu.memory_space<vmem>>
      %dma_wait3A_1764 = tpu.memref_squeeze %dma_wait3A_1763 : memref<1x32x128xf32, #tpu.memory_space<vmem>> -> memref<32x128xf32, #tpu.memory_space<vmem>>
      %dma_wait3A_1765 = arith.constant 0 : i32
      %dma_wait3A_1766 = arith.constant 0 : i32
      %dma_wait3A_1767 = tpu.memref_slice %arg6[%dma_wait3A_1765, %dma_wait3A_1766] : memref<32x1000000xf32, #tpu.memory_space<hbm>> -> memref<32x128xf32, #tpu.memory_space<hbm>>
      %dma_wait3A_1768 = arith.constant 0 : i32
      %dma_wait3A_1769 = arith.constant 0 : i32
      %dma_wait3A_1770 = tpu.memref_slice %arg17[%dma_wait3A_1760, %dma_wait3A_1768, %dma_wait3A_1769] : memref<8x32x128xf32, #tpu.memory_space<vmem>> -> memref<1x32x128xf32, #tpu.memory_space<vmem>>
      %dma_wait3A_1771 = tpu.memref_squeeze %dma_wait3A_1770 : memref<1x32x128xf32, #tpu.memory_space<vmem>> -> memref<32x128xf32, #tpu.memory_space<vmem>>
      %dma_wait3A_1772 = arith.constant 0 : i32
      %dma_wait3A_1773 = arith.constant 0 : i32
      %dma_wait3A_1774 = tpu.memref_slice %arg6[%dma_wait3A_1772, %dma_wait3A_1773] : memref<32x1000000xf32, #tpu.memory_space<hbm>> -> memref<32x128xf32, #tpu.memory_space<hbm>>
      tpu.wait_dma2 semaphore(%arg21 : memref<!tpu.dma_semaphore, #tpu.memory_space<semaphore_mem>>) src(%dma_wait3A_1774 : memref<32x128xf32, #tpu.memory_space<hbm>>) dst(%dma_wait3A_1771 : memref<32x128xf32, #tpu.memory_space<vmem>>)
      %dma_wait3A_1775 = arith.constant 0 : i32
      %dma_wait3A_1776 = arith.constant 0 : i32
      %dma_wait3A_1777 = arith.constant 0 : i32
      %dma_wait3A_1778 = tpu.memref_slice %arg17[%dma_wait3A_1775, %dma_wait3A_1776, %dma_wait3A_1777] : memref<8x32x128xf32, #tpu.memory_space<vmem>> -> memref<1x32x128xf32, #tpu.memory_space<vmem>>
      %dma_wait3A_1779 = tpu.memref_squeeze %dma_wait3A_1778 : memref<1x32x128xf32, #tpu.memory_space<vmem>> -> memref<32x128xf32, #tpu.memory_space<vmem>>
      %dma_wait3A_1780 = arith.constant 0 : i32
      %dma_wait3A_1781 = arith.constant 0 : i32
      %dma_wait3A_1782 = tpu.memref_slice %arg6[%dma_wait3A_1780, %dma_wait3A_1781] : memref<32x1000000xf32, #tpu.memory_space<hbm>> -> memref<32x128xf32, #tpu.memory_space<hbm>>
      %dma_wait3A_1783 = arith.constant 0 : i32
      %dma_wait3A_1784 = arith.constant 0 : i32
      %dma_wait3A_1785 = tpu.memref_slice %arg17[%dma_wait3A_1775, %dma_wait3A_1783, %dma_wait3A_1784] : memref<8x32x128xf32, #tpu.memory_space<vmem>> -> memref<1x32x128xf32, #tpu.memory_space<vmem>>
      %dma_wait3A_1786 = tpu.memref_squeeze %dma_wait3A_1785 : memref<1x32x128xf32, #tpu.memory_space<vmem>> -> memref<32x128xf32, #tpu.memory_space<vmem>>
      %dma_wait3A_1787 = arith.constant 0 : i32
      %dma_wait3A_1788 = arith.constant 0 : i32
      %dma_wait3A_1789 = tpu.memref_slice %arg6[%dma_wait3A_1787, %dma_wait3A_1788] : memref<32x1000000xf32, #tpu.memory_space<hbm>> -> memref<32x128xf32, #tpu.memory_space<hbm>>
      tpu.wait_dma2 semaphore(%arg21 : memref<!tpu.dma_semaphore, #tpu.memory_space<semaphore_mem>>) src(%dma_wait3A_1789 : memref<32x128xf32, #tpu.memory_space<hbm>>) dst(%dma_wait3A_1786 : memref<32x128xf32, #tpu.memory_space<vmem>>)
      %dma_wait3A_1790 = arith.constant 0 : i32
      %dma_wait3A_1791 = arith.constant 0 : i32
      %dma_wait3A_1792 = arith.constant 0 : i32
      %dma_wait3A_1793 = tpu.memref_slice %arg17[%dma_wait3A_1790, %dma_wait3A_1791, %dma_wait3A_1792] : memref<8x32x128xf32, #tpu.memory_space<vmem>> -> memref<1x32x128xf32, #tpu.memory_space<vmem>>
      %dma_wait3A_1794 = tpu.memref_squeeze %dma_wait3A_1793 : memref<1x32x128xf32, #tpu.memory_space<vmem>> -> memref<32x128xf32, #tpu.memory_space<vmem>>
      %dma_wait3A_1795 = arith.constant 0 : i32
      %dma_wait3A_1796 = arith.constant 0 : i32
      %dma_wait3A_1797 = tpu.memref_slice %arg6[%dma_wait3A_1795, %dma_wait3A_1796] : memref<32x1000000xf32, #tpu.memory_space<hbm>> -> memref<32x128xf32, #tpu.memory_space<hbm>>
      %dma_wait3A_1798 = arith.constant 0 : i32
      %dma_wait3A_1799 = arith.constant 0 : i32
      %dma_wait3A_1800 = tpu.memref_slice %arg17[%dma_wait3A_1790, %dma_wait3A_1798, %dma_wait3A_1799] : memref<8x32x128xf32, #tpu.memory_space<vmem>> -> memref<1x32x128xf32, #tpu.memory_space<vmem>>
      %dma_wait3A_1801 = tpu.memref_squeeze %dma_wait3A_1800 : memref<1x32x128xf32, #tpu.memory_space<vmem>> -> memref<32x128xf32, #tpu.memory_space<vmem>>
      %dma_wait3A_1802 = arith.constant 0 : i32
      %dma_wait3A_1803 = arith.constant 0 : i32
      %dma_wait3A_1804 = tpu.memref_slice %arg6[%dma_wait3A_1802, %dma_wait3A_1803] : memref<32x1000000xf32, #tpu.memory_space<hbm>> -> memref<32x128xf32, #tpu.memory_space<hbm>>
      tpu.wait_dma2 semaphore(%arg21 : memref<!tpu.dma_semaphore, #tpu.memory_space<semaphore_mem>>) src(%dma_wait3A_1804 : memref<32x128xf32, #tpu.memory_space<hbm>>) dst(%dma_wait3A_1801 : memref<32x128xf32, #tpu.memory_space<vmem>>)
      %mul3A_1805 = arith.constant 2 : i32
      %mul3A_1806 = arith.muli %add3A_1684, %mul3A_1805 : i32
      %get3A_1807 = arith.index_cast %mul3A_1806 : i32 to index
      %get3A_1808 = tpu.vector_load %arg11[%get3A_1807] {strides = array<i32>} : memref<528xi32, #tpu.memory_space<vmem>>, vector<16xi32>,
      %mul3A_1809 = arith.constant 2 : i32
      %mul3A_1810 = arith.muli %add3A_1684, %mul3A_1809 : i32
      %add3A_1811 = arith.constant 0 : i32
      %add3A_1812 = arith.addi %mul3A_1810, %add3A_1811 : i32
      %slice3A_1813 = vector.extract_strided_slice %get3A_1808 {offsets = [0], sizes = [1], strides = [1]} : vector<16xi32> to vector<1xi32>
      %squeeze3A_1814 = vector.extract %slice3A_1813[0] : i32 from vector<1xi32>
      %and3A_1815 = arith.constant 127 : i32
      %and3A_1816 = arith.andi %squeeze3A_1814, %and3A_1815 : i32
      %broadcast_in_dim3A_1817 = vector.broadcast %and3A_1816 : i32 to vector<16xi32>
      %gather3A_1818 = arith.constant 0 : i32
      %gather3A_1819 = arith.constant 0 : i32
      %gather3A_1820 = arith.constant 0 : i32
      %gather3A_1821 = tpu.memref_slice %arg17[%gather3A_1818, %gather3A_1819, %gather3A_1820] : memref<8x32x128xf32, #tpu.memory_space<vmem>> -> memref<1x32x128xf32, #tpu.memory_space<vmem>>
      %gather3A_1822 = tpu.memref_squeeze %gather3A_1821 : memref<1x32x128xf32, #tpu.memory_space<vmem>> -> memref<32x128xf32, #tpu.memory_space<vmem>>
      %gather3A_1823 = tpu.vector_load_idx %gather3A_1822[%iota3A, %broadcast_in_dim3A_1817] : memref<32x128xf32, #tpu.memory_space<vmem>>[vector<16xi32>, vector<16xi32>], vector<16xf32>,
      %add3A_1824 = arith.constant 16 : i32
      %add3A_1825 = vector.broadcast %add3A_1824 : i32 to vector<16xi32>
      %add3A_1826 = arith.addi %iota3A, %add3A_1825 : vector<16xi32>
      %gather3A_1827 = arith.constant 0 : i32
      %gather3A_1828 = arith.constant 0 : i32
      %gather3A_1829 = arith.constant 0 : i32
      %gather3A_1830 = tpu.memref_slice %arg17[%gather3A_1827, %gather3A_1828, %gather3A_1829] : memref<8x32x128xf32, #tpu.memory_space<vmem>> -> memref<1x32x128xf32, #tpu.memory_space<vmem>>
      %gather3A_1831 = tpu.memref_squeeze %gather3A_1830 : memref<1x32x128xf32, #tpu.memory_space<vmem>> -> memref<32x128xf32, #tpu.memory_space<vmem>>
      %gather3A_1832 = tpu.vector_load_idx %gather3A_1831[%add3A_1826, %broadcast_in_dim3A_1817] : memref<32x128xf32, #tpu.memory_space<vmem>>[vector<16xi32>, vector<16xi32>], vector<16xf32>,
      %and3A_1833 = arith.constant 127 : i32
      %and3A_1834 = arith.andi %add3A_1812, %and3A_1833 : i32
      %swap3A_1835 = arith.index_cast %and3A_1834 : i32 to index
      %swap3A_1836 = arith.constant 0 : index
      %swap3A_1837 = tpu.vector_load %arg18[%swap3A_1835, %swap3A_1836] {strides = array<i32>} : memref<128x128xf32, #tpu.memory_space<vmem>>, vector<16xf32>,
      tpu.vector_store %arg18[%swap3A_1835, %swap3A_1836], %gather3A_1823 {strides = array<i32>} : memref<128x128xf32, #tpu.memory_space<vmem>>, vector<16xf32>,
      %swap3A_1838 = arith.index_cast %and3A_1834 : i32 to index
      %swap3A_1839 = arith.constant 16 : index
      %swap3A_1840 = tpu.vector_load %arg18[%swap3A_1838, %swap3A_1839] {strides = array<i32>} : memref<128x128xf32, #tpu.memory_space<vmem>>, vector<16xf32>,
      tpu.vector_store %arg18[%swap3A_1838, %swap3A_1839], %gather3A_1832 {strides = array<i32>} : memref<128x128xf32, #tpu.memory_space<vmem>>, vector<16xf32>,
      %mul3A_1841 = arith.constant 2 : i32
      %mul3A_1842 = arith.muli %add3A_1684, %mul3A_1841 : i32
      %add3A_1843 = arith.constant 1 : i32
      %add3A_1844 = arith.addi %mul3A_1842, %add3A_1843 : i32
      %slice3A_1845 = vector.extract_strided_slice %get3A_1808 {offsets = [1], sizes = [1], strides = [1]} : vector<16xi32> to vector<1xi32>
      %squeeze3A_1846 = vector.extract %slice3A_1845[0] : i32 from vector<1xi32>
      %and3A_1847 = arith.constant 127 : i32
      %and3A_1848 = arith.andi %squeeze3A_1846, %and3A_1847 : i32
      %broadcast_in_dim3A_1849 = vector.broadcast %and3A_1848 : i32 to vector<16xi32>
      %gather3A_1850 = arith.constant 1 : i32
      %gather3A_1851 = arith.constant 0 : i32
      %gather3A_1852 = arith.constant 0 : i32
      %gather3A_1853 = tpu.memref_slice %arg17[%gather3A_1850, %gather3A_1851, %gather3A_1852] : memref<8x32x128xf32, #tpu.memory_space<vmem>> -> memref<1x32x128xf32, #tpu.memory_space<vmem>>
      %gather3A_1854 = tpu.memref_squeeze %gather3A_1853 : memref<1x32x128xf32, #tpu.memory_space<vmem>> -> memref<32x128xf32, #tpu.memory_space<vmem>>
      %gather3A_1855 = tpu.vector_load_idx %gather3A_1854[%iota3A, %broadcast_in_dim3A_1849] : memref<32x128xf32, #tpu.memory_space<vmem>>[vector<16xi32>, vector<16xi32>], vector<16xf32>,
      %add3A_1856 = arith.constant 16 : i32
      %add3A_1857 = vector.broadcast %add3A_1856 : i32 to vector<16xi32>
      %add3A_1858 = arith.addi %iota3A, %add3A_1857 : vector<16xi32>
      %gather3A_1859 = arith.constant 1 : i32
      %gather3A_1860 = arith.constant 0 : i32
      %gather3A_1861 = arith.constant 0 : i32
      %gather3A_1862 = tpu.memref_slice %arg17[%gather3A_1859, %gather3A_1860, %gather3A_1861] : memref<8x32x128xf32, #tpu.memory_space<vmem>> -> memref<1x32x128xf32, #tpu.memory_space<vmem>>
      %gather3A_1863 = tpu.memref_squeeze %gather3A_1862 : memref<1x32x128xf32, #tpu.memory_space<vmem>> -> memref<32x128xf32, #tpu.memory_space<vmem>>
      %gather3A_1864 = tpu.vector_load_idx %gather3A_1863[%add3A_1858, %broadcast_in_dim3A_1849] : memref<32x128xf32, #tpu.memory_space<vmem>>[vector<16xi32>, vector<16xi32>], vector<16xf32>,
      %and3A_1865 = arith.constant 127 : i32
      %and3A_1866 = arith.andi %add3A_1844, %and3A_1865 : i32
      %swap3A_1867 = arith.index_cast %and3A_1866 : i32 to index
      %swap3A_1868 = arith.constant 0 : index
      %swap3A_1869 = tpu.vector_load %arg18[%swap3A_1867, %swap3A_1868] {strides = array<i32>} : memref<128x128xf32, #tpu.memory_space<vmem>>, vector<16xf32>,
      tpu.vector_store %arg18[%swap3A_1867, %swap3A_1868], %gather3A_1855 {strides = array<i32>} : memref<128x128xf32, #tpu.memory_space<vmem>>, vector<16xf32>,
      %swap3A_1870 = arith.index_cast %and3A_1866 : i32 to index
      %swap3A_1871 = arith.constant 16 : index
      %swap3A_1872 = tpu.vector_load %arg18[%swap3A_1870, %swap3A_1871] {strides = array<i32>} : memref<128x128xf32, #tpu.memory_space<vmem>>, vector<16xf32>,
      tpu.vector_store %arg18[%swap3A_1870, %swap3A_1871], %gather3A_1864 {strides = array<i32>} : memref<128x128xf32, #tpu.memory_space<vmem>>, vector<16xf32>,
      %mul3A_1873 = arith.constant 2 : i32
      %mul3A_1874 = arith.muli %add3A_1684, %mul3A_1873 : i32
      %get3A_1875 = arith.index_cast %mul3A_1874 : i32 to index
      %get3A_1876 = tpu.vector_load %arg12[%get3A_1875] {strides = array<i32>} : memref<528xi32, #tpu.memory_space<vmem>>, vector<16xi32>,
      %mul3A_1877 = arith.constant 2 : i32
      %mul3A_1878 = arith.muli %add3A_1684, %mul3A_1877 : i32
      %add3A_1879 = arith.constant 0 : i32
      %add3A_1880 = arith.addi %mul3A_1878, %add3A_1879 : i32
      %slice3A_1881 = vector.extract_strided_slice %get3A_1876 {offsets = [0], sizes = [1], strides = [1]} : vector<16xi32> to vector<1xi32>
      %squeeze3A_1882 = vector.extract %slice3A_1881[0] : i32 from vector<1xi32>
      %and3A_1883 = arith.constant 127 : i32
      %and3A_1884 = arith.andi %squeeze3A_1882, %and3A_1883 : i32
      %broadcast_in_dim3A_1885 = vector.broadcast %and3A_1884 : i32 to vector<16xi32>
      %gather3A_1886 = arith.constant 2 : i32
      %gather3A_1887 = arith.constant 0 : i32
      %gather3A_1888 = arith.constant 0 : i32
      %gather3A_1889 = tpu.memref_slice %arg17[%gather3A_1886, %gather3A_1887, %gather3A_1888] : memref<8x32x128xf32, #tpu.memory_space<vmem>> -> memref<1x32x128xf32, #tpu.memory_space<vmem>>
      %gather3A_1890 = tpu.memref_squeeze %gather3A_1889 : memref<1x32x128xf32, #tpu.memory_space<vmem>> -> memref<32x128xf32, #tpu.memory_space<vmem>>
      %gather3A_1891 = tpu.vector_load_idx %gather3A_1890[%iota3A, %broadcast_in_dim3A_1885] : memref<32x128xf32, #tpu.memory_space<vmem>>[vector<16xi32>, vector<16xi32>], vector<16xf32>,
      %add3A_1892 = arith.constant 16 : i32
      %add3A_1893 = vector.broadcast %add3A_1892 : i32 to vector<16xi32>
      %add3A_1894 = arith.addi %iota3A, %add3A_1893 : vector<16xi32>
      %gather3A_1895 = arith.constant 2 : i32
      %gather3A_1896 = arith.constant 0 : i32
      %gather3A_1897 = arith.constant 0 : i32
      %gather3A_1898 = tpu.memref_slice %arg17[%gather3A_1895, %gather3A_1896, %gather3A_1897] : memref<8x32x128xf32, #tpu.memory_space<vmem>> -> memref<1x32x128xf32, #tpu.memory_space<vmem>>
      %gather3A_1899 = tpu.memref_squeeze %gather3A_1898 : memref<1x32x128xf32, #tpu.memory_space<vmem>> -> memref<32x128xf32, #tpu.memory_space<vmem>>
      %gather3A_1900 = tpu.vector_load_idx %gather3A_1899[%add3A_1894, %broadcast_in_dim3A_1885] : memref<32x128xf32, #tpu.memory_space<vmem>>[vector<16xi32>, vector<16xi32>], vector<16xf32>,
      %and3A_1901 = arith.constant 127 : i32
      %and3A_1902 = arith.andi %add3A_1880, %and3A_1901 : i32
      %swap3A_1903 = arith.index_cast %and3A_1902 : i32 to index
      %swap3A_1904 = arith.constant 32 : index
      %swap3A_1905 = tpu.vector_load %arg18[%swap3A_1903, %swap3A_1904] {strides = array<i32>} : memref<128x128xf32, #tpu.memory_space<vmem>>, vector<16xf32>,
      tpu.vector_store %arg18[%swap3A_1903, %swap3A_1904], %gather3A_1891 {strides = array<i32>} : memref<128x128xf32, #tpu.memory_space<vmem>>, vector<16xf32>,
      %swap3A_1906 = arith.index_cast %and3A_1902 : i32 to index
      %swap3A_1907 = arith.constant 48 : index
      %swap3A_1908 = tpu.vector_load %arg18[%swap3A_1906, %swap3A_1907] {strides = array<i32>} : memref<128x128xf32, #tpu.memory_space<vmem>>, vector<16xf32>,
      tpu.vector_store %arg18[%swap3A_1906, %swap3A_1907], %gather3A_1900 {strides = array<i32>} : memref<128x128xf32, #tpu.memory_space<vmem>>, vector<16xf32>,
      %mul3A_1909 = arith.constant 2 : i32
      %mul3A_1910 = arith.muli %add3A_1684, %mul3A_1909 : i32
      %add3A_1911 = arith.constant 1 : i32
      %add3A_1912 = arith.addi %mul3A_1910, %add3A_1911 : i32
      %slice3A_1913 = vector.extract_strided_slice %get3A_1876 {offsets = [1], sizes = [1], strides = [1]} : vector<16xi32> to vector<1xi32>
      %squeeze3A_1914 = vector.extract %slice3A_1913[0] : i32 from vector<1xi32>
      %and3A_1915 = arith.constant 127 : i32
      %and3A_1916 = arith.andi %squeeze3A_1914, %and3A_1915 : i32
      %broadcast_in_dim3A_1917 = vector.broadcast %and3A_1916 : i32 to vector<16xi32>
      %gather3A_1918 = arith.constant 3 : i32
      %gather3A_1919 = arith.constant 0 : i32
      %gather3A_1920 = arith.constant 0 : i32
      %gather3A_1921 = tpu.memref_slice %arg17[%gather3A_1918, %gather3A_1919, %gather3A_1920] : memref<8x32x128xf32, #tpu.memory_space<vmem>> -> memref<1x32x128xf32, #tpu.memory_space<vmem>>
      %gather3A_1922 = tpu.memref_squeeze %gather3A_1921 : memref<1x32x128xf32, #tpu.memory_space<vmem>> -> memref<32x128xf32, #tpu.memory_space<vmem>>
      %gather3A_1923 = tpu.vector_load_idx %gather3A_1922[%iota3A, %broadcast_in_dim3A_1917] : memref<32x128xf32, #tpu.memory_space<vmem>>[vector<16xi32>, vector<16xi32>], vector<16xf32>,
      %add3A_1924 = arith.constant 16 : i32
      %add3A_1925 = vector.broadcast %add3A_1924 : i32 to vector<16xi32>
      %add3A_1926 = arith.addi %iota3A, %add3A_1925 : vector<16xi32>
      %gather3A_1927 = arith.constant 3 : i32
      %gather3A_1928 = arith.constant 0 : i32
      %gather3A_1929 = arith.constant 0 : i32
      %gather3A_1930 = tpu.memref_slice %arg17[%gather3A_1927, %gather3A_1928, %gather3A_1929] : memref<8x32x128xf32, #tpu.memory_space<vmem>> -> memref<1x32x128xf32, #tpu.memory_space<vmem>>
      %gather3A_1931 = tpu.memref_squeeze %gather3A_1930 : memref<1x32x128xf32, #tpu.memory_space<vmem>> -> memref<32x128xf32, #tpu.memory_space<vmem>>
      %gather3A_1932 = tpu.vector_load_idx %gather3A_1931[%add3A_1926, %broadcast_in_dim3A_1917] : memref<32x128xf32, #tpu.memory_space<vmem>>[vector<16xi32>, vector<16xi32>], vector<16xf32>,
      %and3A_1933 = arith.constant 127 : i32
      %and3A_1934 = arith.andi %add3A_1912, %and3A_1933 : i32
      %swap3A_1935 = arith.index_cast %and3A_1934 : i32 to index
      %swap3A_1936 = arith.constant 32 : index
      %swap3A_1937 = tpu.vector_load %arg18[%swap3A_1935, %swap3A_1936] {strides = array<i32>} : memref<128x128xf32, #tpu.memory_space<vmem>>, vector<16xf32>,
      tpu.vector_store %arg18[%swap3A_1935, %swap3A_1936], %gather3A_1923 {strides = array<i32>} : memref<128x128xf32, #tpu.memory_space<vmem>>, vector<16xf32>,
      %swap3A_1938 = arith.index_cast %and3A_1934 : i32 to index
      %swap3A_1939 = arith.constant 48 : index
      %swap3A_1940 = tpu.vector_load %arg18[%swap3A_1938, %swap3A_1939] {strides = array<i32>} : memref<128x128xf32, #tpu.memory_space<vmem>>, vector<16xf32>,
      tpu.vector_store %arg18[%swap3A_1938, %swap3A_1939], %gather3A_1932 {strides = array<i32>} : memref<128x128xf32, #tpu.memory_space<vmem>>, vector<16xf32>,
      %mul3A_1941 = arith.constant 2 : i32
      %mul3A_1942 = arith.muli %add3A_1684, %mul3A_1941 : i32
      %get3A_1943 = arith.index_cast %mul3A_1942 : i32 to index
      %get3A_1944 = tpu.vector_load %arg13[%get3A_1943] {strides = array<i32>} : memref<528xi32, #tpu.memory_space<vmem>>, vector<16xi32>,
      %mul3A_1945 = arith.constant 2 : i32
      %mul3A_1946 = arith.muli %add3A_1684, %mul3A_1945 : i32
      %add3A_1947 = arith.constant 0 : i32
      %add3A_1948 = arith.addi %mul3A_1946, %add3A_1947 : i32
      %slice3A_1949 = vector.extract_strided_slice %get3A_1944 {offsets = [0], sizes = [1], strides = [1]} : vector<16xi32> to vector<1xi32>
      %squeeze3A_1950 = vector.extract %slice3A_1949[0] : i32 from vector<1xi32>
      %and3A_1951 = arith.constant 127 : i32
      %and3A_1952 = arith.andi %squeeze3A_1950, %and3A_1951 : i32
      %broadcast_in_dim3A_1953 = vector.broadcast %and3A_1952 : i32 to vector<16xi32>
      %gather3A_1954 = arith.constant 4 : i32
      %gather3A_1955 = arith.constant 0 : i32
      %gather3A_1956 = arith.constant 0 : i32
      %gather3A_1957 = tpu.memref_slice %arg17[%gather3A_1954, %gather3A_1955, %gather3A_1956] : memref<8x32x128xf32, #tpu.memory_space<vmem>> -> memref<1x32x128xf32, #tpu.memory_space<vmem>>
      %gather3A_1958 = tpu.memref_squeeze %gather3A_1957 : memref<1x32x128xf32, #tpu.memory_space<vmem>> -> memref<32x128xf32, #tpu.memory_space<vmem>>
      %gather3A_1959 = tpu.vector_load_idx %gather3A_1958[%iota3A, %broadcast_in_dim3A_1953] : memref<32x128xf32, #tpu.memory_space<vmem>>[vector<16xi32>, vector<16xi32>], vector<16xf32>,
      %add3A_1960 = arith.constant 16 : i32
      %add3A_1961 = vector.broadcast %add3A_1960 : i32 to vector<16xi32>
      %add3A_1962 = arith.addi %iota3A, %add3A_1961 : vector<16xi32>
      %gather3A_1963 = arith.constant 4 : i32
      %gather3A_1964 = arith.constant 0 : i32
      %gather3A_1965 = arith.constant 0 : i32
      %gather3A_1966 = tpu.memref_slice %arg17[%gather3A_1963, %gather3A_1964, %gather3A_1965] : memref<8x32x128xf32, #tpu.memory_space<vmem>> -> memref<1x32x128xf32, #tpu.memory_space<vmem>>
      %gather3A_1967 = tpu.memref_squeeze %gather3A_1966 : memref<1x32x128xf32, #tpu.memory_space<vmem>> -> memref<32x128xf32, #tpu.memory_space<vmem>>
      %gather3A_1968 = tpu.vector_load_idx %gather3A_1967[%add3A_1962, %broadcast_in_dim3A_1953] : memref<32x128xf32, #tpu.memory_space<vmem>>[vector<16xi32>, vector<16xi32>], vector<16xf32>,
      %and3A_1969 = arith.constant 127 : i32
      %and3A_1970 = arith.andi %add3A_1948, %and3A_1969 : i32
      %swap3A_1971 = arith.index_cast %and3A_1970 : i32 to index
      %swap3A_1972 = arith.constant 64 : index
      %swap3A_1973 = tpu.vector_load %arg18[%swap3A_1971, %swap3A_1972] {strides = array<i32>} : memref<128x128xf32, #tpu.memory_space<vmem>>, vector<16xf32>,
      tpu.vector_store %arg18[%swap3A_1971, %swap3A_1972], %gather3A_1959 {strides = array<i32>} : memref<128x128xf32, #tpu.memory_space<vmem>>, vector<16xf32>,
      %swap3A_1974 = arith.index_cast %and3A_1970 : i32 to index
      %swap3A_1975 = arith.constant 80 : index
      %swap3A_1976 = tpu.vector_load %arg18[%swap3A_1974, %swap3A_1975] {strides = array<i32>} : memref<128x128xf32, #tpu.memory_space<vmem>>, vector<16xf32>,
      tpu.vector_store %arg18[%swap3A_1974, %swap3A_1975], %gather3A_1968 {strides = array<i32>} : memref<128x128xf32, #tpu.memory_space<vmem>>, vector<16xf32>,
      %mul3A_1977 = arith.constant 2 : i32
      %mul3A_1978 = arith.muli %add3A_1684, %mul3A_1977 : i32
      %add3A_1979 = arith.constant 1 : i32
      %add3A_1980 = arith.addi %mul3A_1978, %add3A_1979 : i32
      %slice3A_1981 = vector.extract_strided_slice %get3A_1944 {offsets = [1], sizes = [1], strides = [1]} : vector<16xi32> to vector<1xi32>
      %squeeze3A_1982 = vector.extract %slice3A_1981[0] : i32 from vector<1xi32>
      %and3A_1983 = arith.constant 127 : i32
      %and3A_1984 = arith.andi %squeeze3A_1982, %and3A_1983 : i32
      %broadcast_in_dim3A_1985 = vector.broadcast %and3A_1984 : i32 to vector<16xi32>
      %gather3A_1986 = arith.constant 5 : i32
      %gather3A_1987 = arith.constant 0 : i32
      %gather3A_1988 = arith.constant 0 : i32
      %gather3A_1989 = tpu.memref_slice %arg17[%gather3A_1986, %gather3A_1987, %gather3A_1988] : memref<8x32x128xf32, #tpu.memory_space<vmem>> -> memref<1x32x128xf32, #tpu.memory_space<vmem>>
      %gather3A_1990 = tpu.memref_squeeze %gather3A_1989 : memref<1x32x128xf32, #tpu.memory_space<vmem>> -> memref<32x128xf32, #tpu.memory_space<vmem>>
      %gather3A_1991 = tpu.vector_load_idx %gather3A_1990[%iota3A, %broadcast_in_dim3A_1985] : memref<32x128xf32, #tpu.memory_space<vmem>>[vector<16xi32>, vector<16xi32>], vector<16xf32>,
      %add3A_1992 = arith.constant 16 : i32
      %add3A_1993 = vector.broadcast %add3A_1992 : i32 to vector<16xi32>
      %add3A_1994 = arith.addi %iota3A, %add3A_1993 : vector<16xi32>
      %gather3A_1995 = arith.constant 5 : i32
      %gather3A_1996 = arith.constant 0 : i32
      %gather3A_1997 = arith.constant 0 : i32
      %gather3A_1998 = tpu.memref_slice %arg17[%gather3A_1995, %gather3A_1996, %gather3A_1997] : memref<8x32x128xf32, #tpu.memory_space<vmem>> -> memref<1x32x128xf32, #tpu.memory_space<vmem>>
      %gather3A_1999 = tpu.memref_squeeze %gather3A_1998 : memref<1x32x128xf32, #tpu.memory_space<vmem>> -> memref<32x128xf32, #tpu.memory_space<vmem>>
      %gather3A_2000 = tpu.vector_load_idx %gather3A_1999[%add3A_1994, %broadcast_in_dim3A_1985] : memref<32x128xf32, #tpu.memory_space<vmem>>[vector<16xi32>, vector<16xi32>], vector<16xf32>,
      %and3A_2001 = arith.constant 127 : i32
      %and3A_2002 = arith.andi %add3A_1980, %and3A_2001 : i32
      %swap3A_2003 = arith.index_cast %and3A_2002 : i32 to index
      %swap3A_2004 = arith.constant 64 : index
      %swap3A_2005 = tpu.vector_load %arg18[%swap3A_2003, %swap3A_2004] {strides = array<i32>} : memref<128x128xf32, #tpu.memory_space<vmem>>, vector<16xf32>,
      tpu.vector_store %arg18[%swap3A_2003, %swap3A_2004], %gather3A_1991 {strides = array<i32>} : memref<128x128xf32, #tpu.memory_space<vmem>>, vector<16xf32>,
      %swap3A_2006 = arith.index_cast %and3A_2002 : i32 to index
      %swap3A_2007 = arith.constant 80 : index
      %swap3A_2008 = tpu.vector_load %arg18[%swap3A_2006, %swap3A_2007] {strides = array<i32>} : memref<128x128xf32, #tpu.memory_space<vmem>>, vector<16xf32>,
      tpu.vector_store %arg18[%swap3A_2006, %swap3A_2007], %gather3A_2000 {strides = array<i32>} : memref<128x128xf32, #tpu.memory_space<vmem>>, vector<16xf32>,
      %mul3A_2009 = arith.constant 2 : i32
      %mul3A_2010 = arith.muli %add3A_1684, %mul3A_2009 : i32
      %get3A_2011 = arith.index_cast %mul3A_2010 : i32 to index
      %get3A_2012 = tpu.vector_load %arg14[%get3A_2011] {strides = array<i32>} : memref<528xi32, #tpu.memory_space<vmem>>, vector<16xi32>,
      %mul3A_2013 = arith.constant 2 : i32
      %mul3A_2014 = arith.muli %add3A_1684, %mul3A_2013 : i32
      %add3A_2015 = arith.constant 0 : i32
      %add3A_2016 = arith.addi %mul3A_2014, %add3A_2015 : i32
      %slice3A_2017 = vector.extract_strided_slice %get3A_2012 {offsets = [0], sizes = [1], strides = [1]} : vector<16xi32> to vector<1xi32>
      %squeeze3A_2018 = vector.extract %slice3A_2017[0] : i32 from vector<1xi32>
      %and3A_2019 = arith.constant 127 : i32
      %and3A_2020 = arith.andi %squeeze3A_2018, %and3A_2019 : i32
      %broadcast_in_dim3A_2021 = vector.broadcast %and3A_2020 : i32 to vector<16xi32>
      %gather3A_2022 = arith.constant 6 : i32
      %gather3A_2023 = arith.constant 0 : i32
      %gather3A_2024 = arith.constant 0 : i32
      %gather3A_2025 = tpu.memref_slice %arg17[%gather3A_2022, %gather3A_2023, %gather3A_2024] : memref<8x32x128xf32, #tpu.memory_space<vmem>> -> memref<1x32x128xf32, #tpu.memory_space<vmem>>
      %gather3A_2026 = tpu.memref_squeeze %gather3A_2025 : memref<1x32x128xf32, #tpu.memory_space<vmem>> -> memref<32x128xf32, #tpu.memory_space<vmem>>
      %gather3A_2027 = tpu.vector_load_idx %gather3A_2026[%iota3A, %broadcast_in_dim3A_2021] : memref<32x128xf32, #tpu.memory_space<vmem>>[vector<16xi32>, vector<16xi32>], vector<16xf32>,
      %add3A_2028 = arith.constant 16 : i32
      %add3A_2029 = vector.broadcast %add3A_2028 : i32 to vector<16xi32>
      %add3A_2030 = arith.addi %iota3A, %add3A_2029 : vector<16xi32>
      %gather3A_2031 = arith.constant 6 : i32
      %gather3A_2032 = arith.constant 0 : i32
      %gather3A_2033 = arith.constant 0 : i32
      %gather3A_2034 = tpu.memref_slice %arg17[%gather3A_2031, %gather3A_2032, %gather3A_2033] : memref<8x32x128xf32, #tpu.memory_space<vmem>> -> memref<1x32x128xf32, #tpu.memory_space<vmem>>
      %gather3A_2035 = tpu.memref_squeeze %gather3A_2034 : memref<1x32x128xf32, #tpu.memory_space<vmem>> -> memref<32x128xf32, #tpu.memory_space<vmem>>
      %gather3A_2036 = tpu.vector_load_idx %gather3A_2035[%add3A_2030, %broadcast_in_dim3A_2021] : memref<32x128xf32, #tpu.memory_space<vmem>>[vector<16xi32>, vector<16xi32>], vector<16xf32>,
      %and3A_2037 = arith.constant 127 : i32
      %and3A_2038 = arith.andi %add3A_2016, %and3A_2037 : i32
      %swap3A_2039 = arith.index_cast %and3A_2038 : i32 to index
      %swap3A_2040 = arith.constant 96 : index
      %swap3A_2041 = tpu.vector_load %arg18[%swap3A_2039, %swap3A_2040] {strides = array<i32>} : memref<128x128xf32, #tpu.memory_space<vmem>>, vector<16xf32>,
      tpu.vector_store %arg18[%swap3A_2039, %swap3A_2040], %gather3A_2027 {strides = array<i32>} : memref<128x128xf32, #tpu.memory_space<vmem>>, vector<16xf32>,
      %swap3A_2042 = arith.index_cast %and3A_2038 : i32 to index
      %swap3A_2043 = arith.constant 112 : index
      %swap3A_2044 = tpu.vector_load %arg18[%swap3A_2042, %swap3A_2043] {strides = array<i32>} : memref<128x128xf32, #tpu.memory_space<vmem>>, vector<16xf32>,
      tpu.vector_store %arg18[%swap3A_2042, %swap3A_2043], %gather3A_2036 {strides = array<i32>} : memref<128x128xf32, #tpu.memory_space<vmem>>, vector<16xf32>,
      %mul3A_2045 = arith.constant 2 : i32
      %mul3A_2046 = arith.muli %add3A_1684, %mul3A_2045 : i32
      %add3A_2047 = arith.constant 1 : i32
      %add3A_2048 = arith.addi %mul3A_2046, %add3A_2047 : i32
      %slice3A_2049 = vector.extract_strided_slice %get3A_2012 {offsets = [1], sizes = [1], strides = [1]} : vector<16xi32> to vector<1xi32>
      %squeeze3A_2050 = vector.extract %slice3A_2049[0] : i32 from vector<1xi32>
      %and3A_2051 = arith.constant 127 : i32
      %and3A_2052 = arith.andi %squeeze3A_2050, %and3A_2051 : i32
      %broadcast_in_dim3A_2053 = vector.broadcast %and3A_2052 : i32 to vector<16xi32>
      %gather3A_2054 = arith.constant 7 : i32
      %gather3A_2055 = arith.constant 0 : i32
      %gather3A_2056 = arith.constant 0 : i32
      %gather3A_2057 = tpu.memref_slice %arg17[%gather3A_2054, %gather3A_2055, %gather3A_2056] : memref<8x32x128xf32, #tpu.memory_space<vmem>> -> memref<1x32x128xf32, #tpu.memory_space<vmem>>
      %gather3A_2058 = tpu.memref_squeeze %gather3A_2057 : memref<1x32x128xf32, #tpu.memory_space<vmem>> -> memref<32x128xf32, #tpu.memory_space<vmem>>
      %gather3A_2059 = tpu.vector_load_idx %gather3A_2058[%iota3A, %broadcast_in_dim3A_2053] : memref<32x128xf32, #tpu.memory_space<vmem>>[vector<16xi32>, vector<16xi32>], vector<16xf32>,
      %add3A_2060 = arith.constant 16 : i32
      %add3A_2061 = vector.broadcast %add3A_2060 : i32 to vector<16xi32>
      %add3A_2062 = arith.addi %iota3A, %add3A_2061 : vector<16xi32>
      %gather3A_2063 = arith.constant 7 : i32
      %gather3A_2064 = arith.constant 0 : i32
      %gather3A_2065 = arith.constant 0 : i32
      %gather3A_2066 = tpu.memref_slice %arg17[%gather3A_2063, %gather3A_2064, %gather3A_2065] : memref<8x32x128xf32, #tpu.memory_space<vmem>> -> memref<1x32x128xf32, #tpu.memory_space<vmem>>
      %gather3A_2067 = tpu.memref_squeeze %gather3A_2066 : memref<1x32x128xf32, #tpu.memory_space<vmem>> -> memref<32x128xf32, #tpu.memory_space<vmem>>
      %gather3A_2068 = tpu.vector_load_idx %gather3A_2067[%add3A_2062, %broadcast_in_dim3A_2053] : memref<32x128xf32, #tpu.memory_space<vmem>>[vector<16xi32>, vector<16xi32>], vector<16xf32>,
      %and3A_2069 = arith.constant 127 : i32
      %and3A_2070 = arith.andi %add3A_2048, %and3A_2069 : i32
      %swap3A_2071 = arith.index_cast %and3A_2070 : i32 to index
      %swap3A_2072 = arith.constant 96 : index
      %swap3A_2073 = tpu.vector_load %arg18[%swap3A_2071, %swap3A_2072] {strides = array<i32>} : memref<128x128xf32, #tpu.memory_space<vmem>>, vector<16xf32>,
      tpu.vector_store %arg18[%swap3A_2071, %swap3A_2072], %gather3A_2059 {strides = array<i32>} : memref<128x128xf32, #tpu.memory_space<vmem>>, vector<16xf32>,
      %swap3A_2074 = arith.index_cast %and3A_2070 : i32 to index
      %swap3A_2075 = arith.constant 112 : index
      %swap3A_2076 = tpu.vector_load %arg18[%swap3A_2074, %swap3A_2075] {strides = array<i32>} : memref<128x128xf32, #tpu.memory_space<vmem>>, vector<16xf32>,
      tpu.vector_store %arg18[%swap3A_2074, %swap3A_2075], %gather3A_2068 {strides = array<i32>} : memref<128x128xf32, #tpu.memory_space<vmem>>, vector<16xf32>,
      %and3A_2077 = arith.constant 63 : i32
      %and3A_2078 = arith.andi %add3A_1684, %and3A_2077 : i32
      %eq3A_2079 = arith.constant 63 : i32
      %eq3A_2080 = arith.cmpi eq, %and3A_2078, %eq3A_2079 : i32
      %convert_element_type3A_2081 = arith.extui %eq3A_2080 : i1 to i32
      %cond3A_2082 = arith.constant 0 : i32
      %cond3A_2083 = arith.cmpi ne, %convert_element_type3A_2081, %cond3A_2082 : i32
      scf.if %cond3A_2083 {
        %add3A_2091 = arith.constant 1 : i32
        %add3A_2092 = arith.addi %add3A_1684, %add3A_2091 : i32
        %mul3A_2093 = arith.constant 2 : i32
        %mul3A_2094 = arith.muli %mul3A_2093, %add3A_2092 : i32
        %sub3A = arith.constant 128 : i32
        %sub3A_2095 = arith.subi %mul3A_2094, %sub3A : i32
        %add3A_2096 = arith.addi %mul3A_2, %sub3A_2095 : i32
        %multiple_of3A_2097 = tpu.assume_multiple %add3A_2096, 128 : i32
        "tpu.region"() ({
          %run_scoped3A = tpu.sem_alloc : memref<!tpu.dma_semaphore, #tpu.memory_space<semaphore_mem>>
          %dma_start3A_2098 = arith.constant 0 : i32
          %dma_start3A_2099 = tpu.memref_slice %arg10[%multiple_of3A_2097, %dma_start3A_2098] : memref<16384x128xf32, #tpu.memory_space<hbm>> -> memref<128x128xf32, #tpu.memory_space<hbm>>
          %dma_start3A_2100 = arith.constant 0 : i32
          %dma_start3A_2101 = tpu.memref_slice %arg10[%multiple_of3A_2097, %dma_start3A_2100] : memref<16384x128xf32, #tpu.memory_space<hbm>> -> memref<128x128xf32, #tpu.memory_space<hbm>>
          tpu.enqueue_dma source(%arg18 : memref<128x128xf32, #tpu.memory_space<vmem>>) target(%dma_start3A_2101 : memref<128x128xf32, #tpu.memory_space<hbm>>) target_semaphore(%run_scoped3A : memref<!tpu.dma_semaphore, #tpu.memory_space<semaphore_mem>>)
          %dma_wait3A_2102 = arith.constant 0 : i32
          %dma_wait3A_2103 = tpu.memref_slice %arg10[%multiple_of3A_2097, %dma_wait3A_2102] : memref<16384x128xf32, #tpu.memory_space<hbm>> -> memref<128x128xf32, #tpu.memory_space<hbm>>
          %dma_wait3A_2104 = arith.constant 0 : i32
          %dma_wait3A_2105 = tpu.memref_slice %arg10[%multiple_of3A_2097, %dma_wait3A_2104] : memref<16384x128xf32, #tpu.memory_space<hbm>> -> memref<128x128xf32, #tpu.memory_space<hbm>>
          tpu.wait_dma2 semaphore(%run_scoped3A : memref<!tpu.dma_semaphore, #tpu.memory_space<semaphore_mem>>) src(%arg18 : memref<128x128xf32, #tpu.memory_space<vmem>>) dst(%dma_wait3A_2105 : memref<128x128xf32, #tpu.memory_space<hbm>>)
          tpu.yield
        }) : () -> ()
      } else {
      }
      %add3A_2084 = arith.constant 3 : i32
      %add3A_2085 = arith.addi %add3A_1684, %add3A_2084 : i32
      %lt3A_2086 = arith.constant 256 : i32
      %lt3A_2087 = arith.cmpi slt, %add3A_2085, %lt3A_2086 : i32
      %convert_element_type3A_2088 = arith.extui %lt3A_2087 : i1 to i32
      %cond3A_2089 = arith.constant 0 : i32
      %cond3A_2090 = arith.cmpi ne, %convert_element_type3A_2088, %cond3A_2089 : i32
      scf.if %cond3A_2090 {
        %add3A_2091 = arith.constant 3 : i32
        %add3A_2092 = arith.addi %add3A_1684, %add3A_2091 : i32
        %mul3A_2093 = arith.constant 2 : i32
        %mul3A_2094 = arith.muli %add3A_2092, %mul3A_2093 : i32
        %get3A_2095 = arith.index_cast %mul3A_2094 : i32 to index
        %get3A_2096 = tpu.vector_load %arg11[%get3A_2095] {strides = array<i32>} : memref<528xi32, #tpu.memory_space<vmem>>, vector<16xi32>,
        %slice3A_2097 = vector.extract_strided_slice %get3A_2096 {offsets = [0], sizes = [1], strides = [1]} : vector<16xi32> to vector<1xi32>
        %squeeze3A_2098 = vector.extract %slice3A_2097[0] : i32 from vector<1xi32>
        %and3A_2099 = arith.constant -128 : i32
        %and3A_2100 = arith.andi %squeeze3A_2098, %and3A_2099 : i32
        %multiple_of3A_2101 = tpu.assume_multiple %and3A_2100, 128 : i32
        %dma_start3A_2102 = arith.constant 0 : i32
        %dma_start3A_2103 = arith.constant 0 : i32
        %dma_start3A_2104 = arith.constant 0 : i32
        %dma_start3A_2105 = tpu.memref_slice %arg17[%dma_start3A_2102, %dma_start3A_2103, %dma_start3A_2104] : memref<8x32x128xf32, #tpu.memory_space<vmem>> -> memref<1x32x128xf32, #tpu.memory_space<vmem>>
        %dma_start3A_2106 = tpu.memref_squeeze %dma_start3A_2105 : memref<1x32x128xf32, #tpu.memory_space<vmem>> -> memref<32x128xf32, #tpu.memory_space<vmem>>
        %dma_start3A_2107 = arith.constant 0 : i32
        %dma_start3A_2108 = tpu.memref_slice %arg6[%dma_start3A_2107, %multiple_of3A_2101] : memref<32x1000000xf32, #tpu.memory_space<hbm>> -> memref<32x128xf32, #tpu.memory_space<hbm>>
        %dma_start3A_2109 = arith.constant 0 : i32
        %dma_start3A_2110 = arith.constant 0 : i32
        %dma_start3A_2111 = tpu.memref_slice %arg17[%dma_start3A_2102, %dma_start3A_2109, %dma_start3A_2110] : memref<8x32x128xf32, #tpu.memory_space<vmem>> -> memref<1x32x128xf32, #tpu.memory_space<vmem>>
        %dma_start3A_2112 = tpu.memref_squeeze %dma_start3A_2111 : memref<1x32x128xf32, #tpu.memory_space<vmem>> -> memref<32x128xf32, #tpu.memory_space<vmem>>
        %dma_start3A_2113 = arith.constant 0 : i32
        %dma_start3A_2114 = tpu.memref_slice %arg6[%dma_start3A_2113, %multiple_of3A_2101] : memref<32x1000000xf32, #tpu.memory_space<hbm>> -> memref<32x128xf32, #tpu.memory_space<hbm>>
        tpu.enqueue_dma source(%dma_start3A_2114 : memref<32x128xf32, #tpu.memory_space<hbm>>) target(%dma_start3A_2112 : memref<32x128xf32, #tpu.memory_space<vmem>>) target_semaphore(%arg21 : memref<!tpu.dma_semaphore, #tpu.memory_space<semaphore_mem>>)
        %slice3A_2115 = vector.extract_strided_slice %get3A_2096 {offsets = [1], sizes = [1], strides = [1]} : vector<16xi32> to vector<1xi32>
        %squeeze3A_2116 = vector.extract %slice3A_2115[0] : i32 from vector<1xi32>
        %and3A_2117 = arith.constant -128 : i32
        %and3A_2118 = arith.andi %squeeze3A_2116, %and3A_2117 : i32
        %multiple_of3A_2119 = tpu.assume_multiple %and3A_2118, 128 : i32
        %dma_start3A_2120 = arith.constant 1 : i32
        %dma_start3A_2121 = arith.constant 0 : i32
        %dma_start3A_2122 = arith.constant 0 : i32
        %dma_start3A_2123 = tpu.memref_slice %arg17[%dma_start3A_2120, %dma_start3A_2121, %dma_start3A_2122] : memref<8x32x128xf32, #tpu.memory_space<vmem>> -> memref<1x32x128xf32, #tpu.memory_space<vmem>>
        %dma_start3A_2124 = tpu.memref_squeeze %dma_start3A_2123 : memref<1x32x128xf32, #tpu.memory_space<vmem>> -> memref<32x128xf32, #tpu.memory_space<vmem>>
        %dma_start3A_2125 = arith.constant 0 : i32
        %dma_start3A_2126 = tpu.memref_slice %arg6[%dma_start3A_2125, %multiple_of3A_2119] : memref<32x1000000xf32, #tpu.memory_space<hbm>> -> memref<32x128xf32, #tpu.memory_space<hbm>>
        %dma_start3A_2127 = arith.constant 0 : i32
        %dma_start3A_2128 = arith.constant 0 : i32
        %dma_start3A_2129 = tpu.memref_slice %arg17[%dma_start3A_2120, %dma_start3A_2127, %dma_start3A_2128] : memref<8x32x128xf32, #tpu.memory_space<vmem>> -> memref<1x32x128xf32, #tpu.memory_space<vmem>>
        %dma_start3A_2130 = tpu.memref_squeeze %dma_start3A_2129 : memref<1x32x128xf32, #tpu.memory_space<vmem>> -> memref<32x128xf32, #tpu.memory_space<vmem>>
        %dma_start3A_2131 = arith.constant 0 : i32
        %dma_start3A_2132 = tpu.memref_slice %arg6[%dma_start3A_2131, %multiple_of3A_2119] : memref<32x1000000xf32, #tpu.memory_space<hbm>> -> memref<32x128xf32, #tpu.memory_space<hbm>>
        tpu.enqueue_dma source(%dma_start3A_2132 : memref<32x128xf32, #tpu.memory_space<hbm>>) target(%dma_start3A_2130 : memref<32x128xf32, #tpu.memory_space<vmem>>) target_semaphore(%arg21 : memref<!tpu.dma_semaphore, #tpu.memory_space<semaphore_mem>>)
        %mul3A_2133 = arith.constant 2 : i32
        %mul3A_2134 = arith.muli %add3A_2092, %mul3A_2133 : i32
        %get3A_2135 = arith.index_cast %mul3A_2134 : i32 to index
        %get3A_2136 = tpu.vector_load %arg12[%get3A_2135] {strides = array<i32>} : memref<528xi32, #tpu.memory_space<vmem>>, vector<16xi32>,
        %slice3A_2137 = vector.extract_strided_slice %get3A_2136 {offsets = [0], sizes = [1], strides = [1]} : vector<16xi32> to vector<1xi32>
        %squeeze3A_2138 = vector.extract %slice3A_2137[0] : i32 from vector<1xi32>
        %and3A_2139 = arith.constant -128 : i32
        %and3A_2140 = arith.andi %squeeze3A_2138, %and3A_2139 : i32
        %multiple_of3A_2141 = tpu.assume_multiple %and3A_2140, 128 : i32
        %dma_start3A_2142 = arith.constant 2 : i32
        %dma_start3A_2143 = arith.constant 0 : i32
        %dma_start3A_2144 = arith.constant 0 : i32
        %dma_start3A_2145 = tpu.memref_slice %arg17[%dma_start3A_2142, %dma_start3A_2143, %dma_start3A_2144] : memref<8x32x128xf32, #tpu.memory_space<vmem>> -> memref<1x32x128xf32, #tpu.memory_space<vmem>>
        %dma_start3A_2146 = tpu.memref_squeeze %dma_start3A_2145 : memref<1x32x128xf32, #tpu.memory_space<vmem>> -> memref<32x128xf32, #tpu.memory_space<vmem>>
        %dma_start3A_2147 = arith.constant 0 : i32
        %dma_start3A_2148 = tpu.memref_slice %arg7[%dma_start3A_2147, %multiple_of3A_2141] : memref<32x1000000xf32, #tpu.memory_space<hbm>> -> memref<32x128xf32, #tpu.memory_space<hbm>>
        %dma_start3A_2149 = arith.constant 0 : i32
        %dma_start3A_2150 = arith.constant 0 : i32
        %dma_start3A_2151 = tpu.memref_slice %arg17[%dma_start3A_2142, %dma_start3A_2149, %dma_start3A_2150] : memref<8x32x128xf32, #tpu.memory_space<vmem>> -> memref<1x32x128xf32, #tpu.memory_space<vmem>>
        %dma_start3A_2152 = tpu.memref_squeeze %dma_start3A_2151 : memref<1x32x128xf32, #tpu.memory_space<vmem>> -> memref<32x128xf32, #tpu.memory_space<vmem>>
        %dma_start3A_2153 = arith.constant 0 : i32
        %dma_start3A_2154 = tpu.memref_slice %arg7[%dma_start3A_2153, %multiple_of3A_2141] : memref<32x1000000xf32, #tpu.memory_space<hbm>> -> memref<32x128xf32, #tpu.memory_space<hbm>>
        tpu.enqueue_dma source(%dma_start3A_2154 : memref<32x128xf32, #tpu.memory_space<hbm>>) target(%dma_start3A_2152 : memref<32x128xf32, #tpu.memory_space<vmem>>) target_semaphore(%arg21 : memref<!tpu.dma_semaphore, #tpu.memory_space<semaphore_mem>>)
        %slice3A_2155 = vector.extract_strided_slice %get3A_2136 {offsets = [1], sizes = [1], strides = [1]} : vector<16xi32> to vector<1xi32>
        %squeeze3A_2156 = vector.extract %slice3A_2155[0] : i32 from vector<1xi32>
        %and3A_2157 = arith.constant -128 : i32
        %and3A_2158 = arith.andi %squeeze3A_2156, %and3A_2157 : i32
        %multiple_of3A_2159 = tpu.assume_multiple %and3A_2158, 128 : i32
        %dma_start3A_2160 = arith.constant 3 : i32
        %dma_start3A_2161 = arith.constant 0 : i32
        %dma_start3A_2162 = arith.constant 0 : i32
        %dma_start3A_2163 = tpu.memref_slice %arg17[%dma_start3A_2160, %dma_start3A_2161, %dma_start3A_2162] : memref<8x32x128xf32, #tpu.memory_space<vmem>> -> memref<1x32x128xf32, #tpu.memory_space<vmem>>
        %dma_start3A_2164 = tpu.memref_squeeze %dma_start3A_2163 : memref<1x32x128xf32, #tpu.memory_space<vmem>> -> memref<32x128xf32, #tpu.memory_space<vmem>>
        %dma_start3A_2165 = arith.constant 0 : i32
        %dma_start3A_2166 = tpu.memref_slice %arg7[%dma_start3A_2165, %multiple_of3A_2159] : memref<32x1000000xf32, #tpu.memory_space<hbm>> -> memref<32x128xf32, #tpu.memory_space<hbm>>
        %dma_start3A_2167 = arith.constant 0 : i32
        %dma_start3A_2168 = arith.constant 0 : i32
        %dma_start3A_2169 = tpu.memref_slice %arg17[%dma_start3A_2160, %dma_start3A_2167, %dma_start3A_2168] : memref<8x32x128xf32, #tpu.memory_space<vmem>> -> memref<1x32x128xf32, #tpu.memory_space<vmem>>
        %dma_start3A_2170 = tpu.memref_squeeze %dma_start3A_2169 : memref<1x32x128xf32, #tpu.memory_space<vmem>> -> memref<32x128xf32, #tpu.memory_space<vmem>>
        %dma_start3A_2171 = arith.constant 0 : i32
        %dma_start3A_2172 = tpu.memref_slice %arg7[%dma_start3A_2171, %multiple_of3A_2159] : memref<32x1000000xf32, #tpu.memory_space<hbm>> -> memref<32x128xf32, #tpu.memory_space<hbm>>
        tpu.enqueue_dma source(%dma_start3A_2172 : memref<32x128xf32, #tpu.memory_space<hbm>>) target(%dma_start3A_2170 : memref<32x128xf32, #tpu.memory_space<vmem>>) target_semaphore(%arg21 : memref<!tpu.dma_semaphore, #tpu.memory_space<semaphore_mem>>)
        %mul3A_2173 = arith.constant 2 : i32
        %mul3A_2174 = arith.muli %add3A_2092, %mul3A_2173 : i32
        %get3A_2175 = arith.index_cast %mul3A_2174 : i32 to index
        %get3A_2176 = tpu.vector_load %arg13[%get3A_2175] {strides = array<i32>} : memref<528xi32, #tpu.memory_space<vmem>>, vector<16xi32>,
        %slice3A_2177 = vector.extract_strided_slice %get3A_2176 {offsets = [0], sizes = [1], strides = [1]} : vector<16xi32> to vector<1xi32>
        %squeeze3A_2178 = vector.extract %slice3A_2177[0] : i32 from vector<1xi32>
        %and3A_2179 = arith.constant -128 : i32
        %and3A_2180 = arith.andi %squeeze3A_2178, %and3A_2179 : i32
        %multiple_of3A_2181 = tpu.assume_multiple %and3A_2180, 128 : i32
        %dma_start3A_2182 = arith.constant 4 : i32
        %dma_start3A_2183 = arith.constant 0 : i32
        %dma_start3A_2184 = arith.constant 0 : i32
        %dma_start3A_2185 = tpu.memref_slice %arg17[%dma_start3A_2182, %dma_start3A_2183, %dma_start3A_2184] : memref<8x32x128xf32, #tpu.memory_space<vmem>> -> memref<1x32x128xf32, #tpu.memory_space<vmem>>
        %dma_start3A_2186 = tpu.memref_squeeze %dma_start3A_2185 : memref<1x32x128xf32, #tpu.memory_space<vmem>> -> memref<32x128xf32, #tpu.memory_space<vmem>>
        %dma_start3A_2187 = arith.constant 0 : i32
        %dma_start3A_2188 = tpu.memref_slice %arg8[%dma_start3A_2187, %multiple_of3A_2181] : memref<32x1000000xf32, #tpu.memory_space<hbm>> -> memref<32x128xf32, #tpu.memory_space<hbm>>
        %dma_start3A_2189 = arith.constant 0 : i32
        %dma_start3A_2190 = arith.constant 0 : i32
        %dma_start3A_2191 = tpu.memref_slice %arg17[%dma_start3A_2182, %dma_start3A_2189, %dma_start3A_2190] : memref<8x32x128xf32, #tpu.memory_space<vmem>> -> memref<1x32x128xf32, #tpu.memory_space<vmem>>
        %dma_start3A_2192 = tpu.memref_squeeze %dma_start3A_2191 : memref<1x32x128xf32, #tpu.memory_space<vmem>> -> memref<32x128xf32, #tpu.memory_space<vmem>>
        %dma_start3A_2193 = arith.constant 0 : i32
        %dma_start3A_2194 = tpu.memref_slice %arg8[%dma_start3A_2193, %multiple_of3A_2181] : memref<32x1000000xf32, #tpu.memory_space<hbm>> -> memref<32x128xf32, #tpu.memory_space<hbm>>
        tpu.enqueue_dma source(%dma_start3A_2194 : memref<32x128xf32, #tpu.memory_space<hbm>>) target(%dma_start3A_2192 : memref<32x128xf32, #tpu.memory_space<vmem>>) target_semaphore(%arg21 : memref<!tpu.dma_semaphore, #tpu.memory_space<semaphore_mem>>)
        %slice3A_2195 = vector.extract_strided_slice %get3A_2176 {offsets = [1], sizes = [1], strides = [1]} : vector<16xi32> to vector<1xi32>
        %squeeze3A_2196 = vector.extract %slice3A_2195[0] : i32 from vector<1xi32>
        %and3A_2197 = arith.constant -128 : i32
        %and3A_2198 = arith.andi %squeeze3A_2196, %and3A_2197 : i32
        %multiple_of3A_2199 = tpu.assume_multiple %and3A_2198, 128 : i32
        %dma_start3A_2200 = arith.constant 5 : i32
        %dma_start3A_2201 = arith.constant 0 : i32
        %dma_start3A_2202 = arith.constant 0 : i32
        %dma_start3A_2203 = tpu.memref_slice %arg17[%dma_start3A_2200, %dma_start3A_2201, %dma_start3A_2202] : memref<8x32x128xf32, #tpu.memory_space<vmem>> -> memref<1x32x128xf32, #tpu.memory_space<vmem>>
        %dma_start3A_2204 = tpu.memref_squeeze %dma_start3A_2203 : memref<1x32x128xf32, #tpu.memory_space<vmem>> -> memref<32x128xf32, #tpu.memory_space<vmem>>
        %dma_start3A_2205 = arith.constant 0 : i32
        %dma_start3A_2206 = tpu.memref_slice %arg8[%dma_start3A_2205, %multiple_of3A_2199] : memref<32x1000000xf32, #tpu.memory_space<hbm>> -> memref<32x128xf32, #tpu.memory_space<hbm>>
        %dma_start3A_2207 = arith.constant 0 : i32
        %dma_start3A_2208 = arith.constant 0 : i32
        %dma_start3A_2209 = tpu.memref_slice %arg17[%dma_start3A_2200, %dma_start3A_2207, %dma_start3A_2208] : memref<8x32x128xf32, #tpu.memory_space<vmem>> -> memref<1x32x128xf32, #tpu.memory_space<vmem>>
        %dma_start3A_2210 = tpu.memref_squeeze %dma_start3A_2209 : memref<1x32x128xf32, #tpu.memory_space<vmem>> -> memref<32x128xf32, #tpu.memory_space<vmem>>
        %dma_start3A_2211 = arith.constant 0 : i32
        %dma_start3A_2212 = tpu.memref_slice %arg8[%dma_start3A_2211, %multiple_of3A_2199] : memref<32x1000000xf32, #tpu.memory_space<hbm>> -> memref<32x128xf32, #tpu.memory_space<hbm>>
        tpu.enqueue_dma source(%dma_start3A_2212 : memref<32x128xf32, #tpu.memory_space<hbm>>) target(%dma_start3A_2210 : memref<32x128xf32, #tpu.memory_space<vmem>>) target_semaphore(%arg21 : memref<!tpu.dma_semaphore, #tpu.memory_space<semaphore_mem>>)
        %mul3A_2213 = arith.constant 2 : i32
        %mul3A_2214 = arith.muli %add3A_2092, %mul3A_2213 : i32
        %get3A_2215 = arith.index_cast %mul3A_2214 : i32 to index
        %get3A_2216 = tpu.vector_load %arg14[%get3A_2215] {strides = array<i32>} : memref<528xi32, #tpu.memory_space<vmem>>, vector<16xi32>,
        %slice3A_2217 = vector.extract_strided_slice %get3A_2216 {offsets = [0], sizes = [1], strides = [1]} : vector<16xi32> to vector<1xi32>
        %squeeze3A_2218 = vector.extract %slice3A_2217[0] : i32 from vector<1xi32>
        %and3A_2219 = arith.constant -128 : i32
        %and3A_2220 = arith.andi %squeeze3A_2218, %and3A_2219 : i32
        %multiple_of3A_2221 = tpu.assume_multiple %and3A_2220, 128 : i32
        %dma_start3A_2222 = arith.constant 6 : i32
        %dma_start3A_2223 = arith.constant 0 : i32
        %dma_start3A_2224 = arith.constant 0 : i32
        %dma_start3A_2225 = tpu.memref_slice %arg17[%dma_start3A_2222, %dma_start3A_2223, %dma_start3A_2224] : memref<8x32x128xf32, #tpu.memory_space<vmem>> -> memref<1x32x128xf32, #tpu.memory_space<vmem>>
        %dma_start3A_2226 = tpu.memref_squeeze %dma_start3A_2225 : memref<1x32x128xf32, #tpu.memory_space<vmem>> -> memref<32x128xf32, #tpu.memory_space<vmem>>
        %dma_start3A_2227 = arith.constant 0 : i32
        %dma_start3A_2228 = tpu.memref_slice %arg9[%dma_start3A_2227, %multiple_of3A_2221] : memref<32x1000000xf32, #tpu.memory_space<hbm>> -> memref<32x128xf32, #tpu.memory_space<hbm>>
        %dma_start3A_2229 = arith.constant 0 : i32
        %dma_start3A_2230 = arith.constant 0 : i32
        %dma_start3A_2231 = tpu.memref_slice %arg17[%dma_start3A_2222, %dma_start3A_2229, %dma_start3A_2230] : memref<8x32x128xf32, #tpu.memory_space<vmem>> -> memref<1x32x128xf32, #tpu.memory_space<vmem>>
        %dma_start3A_2232 = tpu.memref_squeeze %dma_start3A_2231 : memref<1x32x128xf32, #tpu.memory_space<vmem>> -> memref<32x128xf32, #tpu.memory_space<vmem>>
        %dma_start3A_2233 = arith.constant 0 : i32
        %dma_start3A_2234 = tpu.memref_slice %arg9[%dma_start3A_2233, %multiple_of3A_2221] : memref<32x1000000xf32, #tpu.memory_space<hbm>> -> memref<32x128xf32, #tpu.memory_space<hbm>>
        tpu.enqueue_dma source(%dma_start3A_2234 : memref<32x128xf32, #tpu.memory_space<hbm>>) target(%dma_start3A_2232 : memref<32x128xf32, #tpu.memory_space<vmem>>) target_semaphore(%arg21 : memref<!tpu.dma_semaphore, #tpu.memory_space<semaphore_mem>>)
        %slice3A_2235 = vector.extract_strided_slice %get3A_2216 {offsets = [1], sizes = [1], strides = [1]} : vector<16xi32> to vector<1xi32>
        %squeeze3A_2236 = vector.extract %slice3A_2235[0] : i32 from vector<1xi32>
        %and3A_2237 = arith.constant -128 : i32
        %and3A_2238 = arith.andi %squeeze3A_2236, %and3A_2237 : i32
        %multiple_of3A_2239 = tpu.assume_multiple %and3A_2238, 128 : i32
        %dma_start3A_2240 = arith.constant 7 : i32
        %dma_start3A_2241 = arith.constant 0 : i32
        %dma_start3A_2242 = arith.constant 0 : i32
        %dma_start3A_2243 = tpu.memref_slice %arg17[%dma_start3A_2240, %dma_start3A_2241, %dma_start3A_2242] : memref<8x32x128xf32, #tpu.memory_space<vmem>> -> memref<1x32x128xf32, #tpu.memory_space<vmem>>
        %dma_start3A_2244 = tpu.memref_squeeze %dma_start3A_2243 : memref<1x32x128xf32, #tpu.memory_space<vmem>> -> memref<32x128xf32, #tpu.memory_space<vmem>>
        %dma_start3A_2245 = arith.constant 0 : i32
        %dma_start3A_2246 = tpu.memref_slice %arg9[%dma_start3A_2245, %multiple_of3A_2239] : memref<32x1000000xf32, #tpu.memory_space<hbm>> -> memref<32x128xf32, #tpu.memory_space<hbm>>
        %dma_start3A_2247 = arith.constant 0 : i32
        %dma_start3A_2248 = arith.constant 0 : i32
        %dma_start3A_2249 = tpu.memref_slice %arg17[%dma_start3A_2240, %dma_start3A_2247, %dma_start3A_2248] : memref<8x32x128xf32, #tpu.memory_space<vmem>> -> memref<1x32x128xf32, #tpu.memory_space<vmem>>
        %dma_start3A_2250 = tpu.memref_squeeze %dma_start3A_2249 : memref<1x32x128xf32, #tpu.memory_space<vmem>> -> memref<32x128xf32, #tpu.memory_space<vmem>>
        %dma_start3A_2251 = arith.constant 0 : i32
        %dma_start3A_2252 = tpu.memref_slice %arg9[%dma_start3A_2251, %multiple_of3A_2239] : memref<32x1000000xf32, #tpu.memory_space<hbm>> -> memref<32x128xf32, #tpu.memory_space<hbm>>
        tpu.enqueue_dma source(%dma_start3A_2252 : memref<32x128xf32, #tpu.memory_space<hbm>>) target(%dma_start3A_2250 : memref<32x128xf32, #tpu.memory_space<vmem>>) target_semaphore(%arg21 : memref<!tpu.dma_semaphore, #tpu.memory_space<semaphore_mem>>)
      } else {
      }
    }
    %scan3A_504 = arith.constant 85 : i32
    %dma_wait3A_505 = arith.constant 0 : i32
    %dma_wait3A_506 = arith.constant 0 : i32
    %dma_wait3A_507 = arith.constant 0 : i32
    %dma_wait3A_508 = tpu.memref_slice %arg15[%dma_wait3A_505, %dma_wait3A_506, %dma_wait3A_507] : memref<8x32x128xf32, #tpu.memory_space<vmem>> -> memref<1x32x128xf32, #tpu.memory_space<vmem>>
    %dma_wait3A_509 = tpu.memref_squeeze %dma_wait3A_508 : memref<1x32x128xf32, #tpu.memory_space<vmem>> -> memref<32x128xf32, #tpu.memory_space<vmem>>
    %dma_wait3A_510 = arith.constant 0 : i32
    %dma_wait3A_511 = arith.constant 0 : i32
    %dma_wait3A_512 = tpu.memref_slice %arg6[%dma_wait3A_510, %dma_wait3A_511] : memref<32x1000000xf32, #tpu.memory_space<hbm>> -> memref<32x128xf32, #tpu.memory_space<hbm>>
    %dma_wait3A_513 = arith.constant 0 : i32
    %dma_wait3A_514 = arith.constant 0 : i32
    %dma_wait3A_515 = tpu.memref_slice %arg15[%dma_wait3A_505, %dma_wait3A_513, %dma_wait3A_514] : memref<8x32x128xf32, #tpu.memory_space<vmem>> -> memref<1x32x128xf32, #tpu.memory_space<vmem>>
    %dma_wait3A_516 = tpu.memref_squeeze %dma_wait3A_515 : memref<1x32x128xf32, #tpu.memory_space<vmem>> -> memref<32x128xf32, #tpu.memory_space<vmem>>
    %dma_wait3A_517 = arith.constant 0 : i32
    %dma_wait3A_518 = arith.constant 0 : i32
    %dma_wait3A_519 = tpu.memref_slice %arg6[%dma_wait3A_517, %dma_wait3A_518] : memref<32x1000000xf32, #tpu.memory_space<hbm>> -> memref<32x128xf32, #tpu.memory_space<hbm>>
    tpu.wait_dma2 semaphore(%arg19 : memref<!tpu.dma_semaphore, #tpu.memory_space<semaphore_mem>>) src(%dma_wait3A_519 : memref<32x128xf32, #tpu.memory_space<hbm>>) dst(%dma_wait3A_516 : memref<32x128xf32, #tpu.memory_space<vmem>>)
    %dma_wait3A_520 = arith.constant 0 : i32
    %dma_wait3A_521 = arith.constant 0 : i32
    %dma_wait3A_522 = arith.constant 0 : i32
    %dma_wait3A_523 = tpu.memref_slice %arg15[%dma_wait3A_520, %dma_wait3A_521, %dma_wait3A_522] : memref<8x32x128xf32, #tpu.memory_space<vmem>> -> memref<1x32x128xf32, #tpu.memory_space<vmem>>
    %dma_wait3A_524 = tpu.memref_squeeze %dma_wait3A_523 : memref<1x32x128xf32, #tpu.memory_space<vmem>> -> memref<32x128xf32, #tpu.memory_space<vmem>>
    %dma_wait3A_525 = arith.constant 0 : i32
    %dma_wait3A_526 = arith.constant 0 : i32
    %dma_wait3A_527 = tpu.memref_slice %arg6[%dma_wait3A_525, %dma_wait3A_526] : memref<32x1000000xf32, #tpu.memory_space<hbm>> -> memref<32x128xf32, #tpu.memory_space<hbm>>
    %dma_wait3A_528 = arith.constant 0 : i32
    %dma_wait3A_529 = arith.constant 0 : i32
    %dma_wait3A_530 = tpu.memref_slice %arg15[%dma_wait3A_520, %dma_wait3A_528, %dma_wait3A_529] : memref<8x32x128xf32, #tpu.memory_space<vmem>> -> memref<1x32x128xf32, #tpu.memory_space<vmem>>
    %dma_wait3A_531 = tpu.memref_squeeze %dma_wait3A_530 : memref<1x32x128xf32, #tpu.memory_space<vmem>> -> memref<32x128xf32, #tpu.memory_space<vmem>>
    %dma_wait3A_532 = arith.constant 0 : i32
    %dma_wait3A_533 = arith.constant 0 : i32
    %dma_wait3A_534 = tpu.memref_slice %arg6[%dma_wait3A_532, %dma_wait3A_533] : memref<32x1000000xf32, #tpu.memory_space<hbm>> -> memref<32x128xf32, #tpu.memory_space<hbm>>
    tpu.wait_dma2 semaphore(%arg19 : memref<!tpu.dma_semaphore, #tpu.memory_space<semaphore_mem>>) src(%dma_wait3A_534 : memref<32x128xf32, #tpu.memory_space<hbm>>) dst(%dma_wait3A_531 : memref<32x128xf32, #tpu.memory_space<vmem>>)
    %dma_wait3A_535 = arith.constant 0 : i32
    %dma_wait3A_536 = arith.constant 0 : i32
    %dma_wait3A_537 = arith.constant 0 : i32
    %dma_wait3A_538 = tpu.memref_slice %arg15[%dma_wait3A_535, %dma_wait3A_536, %dma_wait3A_537] : memref<8x32x128xf32, #tpu.memory_space<vmem>> -> memref<1x32x128xf32, #tpu.memory_space<vmem>>
    %dma_wait3A_539 = tpu.memref_squeeze %dma_wait3A_538 : memref<1x32x128xf32, #tpu.memory_space<vmem>> -> memref<32x128xf32, #tpu.memory_space<vmem>>
    %dma_wait3A_540 = arith.constant 0 : i32
    %dma_wait3A_541 = arith.constant 0 : i32
    %dma_wait3A_542 = tpu.memref_slice %arg6[%dma_wait3A_540, %dma_wait3A_541] : memref<32x1000000xf32, #tpu.memory_space<hbm>> -> memref<32x128xf32, #tpu.memory_space<hbm>>
    %dma_wait3A_543 = arith.constant 0 : i32
    %dma_wait3A_544 = arith.constant 0 : i32
    %dma_wait3A_545 = tpu.memref_slice %arg15[%dma_wait3A_535, %dma_wait3A_543, %dma_wait3A_544] : memref<8x32x128xf32, #tpu.memory_space<vmem>> -> memref<1x32x128xf32, #tpu.memory_space<vmem>>
    %dma_wait3A_546 = tpu.memref_squeeze %dma_wait3A_545 : memref<1x32x128xf32, #tpu.memory_space<vmem>> -> memref<32x128xf32, #tpu.memory_space<vmem>>
    %dma_wait3A_547 = arith.constant 0 : i32
    %dma_wait3A_548 = arith.constant 0 : i32
    %dma_wait3A_549 = tpu.memref_slice %arg6[%dma_wait3A_547, %dma_wait3A_548] : memref<32x1000000xf32, #tpu.memory_space<hbm>> -> memref<32x128xf32, #tpu.memory_space<hbm>>
    tpu.wait_dma2 semaphore(%arg19 : memref<!tpu.dma_semaphore, #tpu.memory_space<semaphore_mem>>) src(%dma_wait3A_549 : memref<32x128xf32, #tpu.memory_space<hbm>>) dst(%dma_wait3A_546 : memref<32x128xf32, #tpu.memory_space<vmem>>)
    %dma_wait3A_550 = arith.constant 0 : i32
    %dma_wait3A_551 = arith.constant 0 : i32
    %dma_wait3A_552 = arith.constant 0 : i32
    %dma_wait3A_553 = tpu.memref_slice %arg15[%dma_wait3A_550, %dma_wait3A_551, %dma_wait3A_552] : memref<8x32x128xf32, #tpu.memory_space<vmem>> -> memref<1x32x128xf32, #tpu.memory_space<vmem>>
    %dma_wait3A_554 = tpu.memref_squeeze %dma_wait3A_553 : memref<1x32x128xf32, #tpu.memory_space<vmem>> -> memref<32x128xf32, #tpu.memory_space<vmem>>
    %dma_wait3A_555 = arith.constant 0 : i32
    %dma_wait3A_556 = arith.constant 0 : i32
    %dma_wait3A_557 = tpu.memref_slice %arg6[%dma_wait3A_555, %dma_wait3A_556] : memref<32x1000000xf32, #tpu.memory_space<hbm>> -> memref<32x128xf32, #tpu.memory_space<hbm>>
    %dma_wait3A_558 = arith.constant 0 : i32
    %dma_wait3A_559 = arith.constant 0 : i32
    %dma_wait3A_560 = tpu.memref_slice %arg15[%dma_wait3A_550, %dma_wait3A_558, %dma_wait3A_559] : memref<8x32x128xf32, #tpu.memory_space<vmem>> -> memref<1x32x128xf32, #tpu.memory_space<vmem>>
    %dma_wait3A_561 = tpu.memref_squeeze %dma_wait3A_560 : memref<1x32x128xf32, #tpu.memory_space<vmem>> -> memref<32x128xf32, #tpu.memory_space<vmem>>
    %dma_wait3A_562 = arith.constant 0 : i32
    %dma_wait3A_563 = arith.constant 0 : i32
    %dma_wait3A_564 = tpu.memref_slice %arg6[%dma_wait3A_562, %dma_wait3A_563] : memref<32x1000000xf32, #tpu.memory_space<hbm>> -> memref<32x128xf32, #tpu.memory_space<hbm>>
    tpu.wait_dma2 semaphore(%arg19 : memref<!tpu.dma_semaphore, #tpu.memory_space<semaphore_mem>>) src(%dma_wait3A_564 : memref<32x128xf32, #tpu.memory_space<hbm>>) dst(%dma_wait3A_561 : memref<32x128xf32, #tpu.memory_space<vmem>>)
    %dma_wait3A_565 = arith.constant 0 : i32
    %dma_wait3A_566 = arith.constant 0 : i32
    %dma_wait3A_567 = arith.constant 0 : i32
    %dma_wait3A_568 = tpu.memref_slice %arg15[%dma_wait3A_565, %dma_wait3A_566, %dma_wait3A_567] : memref<8x32x128xf32, #tpu.memory_space<vmem>> -> memref<1x32x128xf32, #tpu.memory_space<vmem>>
    %dma_wait3A_569 = tpu.memref_squeeze %dma_wait3A_568 : memref<1x32x128xf32, #tpu.memory_space<vmem>> -> memref<32x128xf32, #tpu.memory_space<vmem>>
    %dma_wait3A_570 = arith.constant 0 : i32
    %dma_wait3A_571 = arith.constant 0 : i32
    %dma_wait3A_572 = tpu.memref_slice %arg6[%dma_wait3A_570, %dma_wait3A_571] : memref<32x1000000xf32, #tpu.memory_space<hbm>> -> memref<32x128xf32, #tpu.memory_space<hbm>>
    %dma_wait3A_573 = arith.constant 0 : i32
    %dma_wait3A_574 = arith.constant 0 : i32
    %dma_wait3A_575 = tpu.memref_slice %arg15[%dma_wait3A_565, %dma_wait3A_573, %dma_wait3A_574] : memref<8x32x128xf32, #tpu.memory_space<vmem>> -> memref<1x32x128xf32, #tpu.memory_space<vmem>>
    %dma_wait3A_576 = tpu.memref_squeeze %dma_wait3A_575 : memref<1x32x128xf32, #tpu.memory_space<vmem>> -> memref<32x128xf32, #tpu.memory_space<vmem>>
    %dma_wait3A_577 = arith.constant 0 : i32
    %dma_wait3A_578 = arith.constant 0 : i32
    %dma_wait3A_579 = tpu.memref_slice %arg6[%dma_wait3A_577, %dma_wait3A_578] : memref<32x1000000xf32, #tpu.memory_space<hbm>> -> memref<32x128xf32, #tpu.memory_space<hbm>>
    tpu.wait_dma2 semaphore(%arg19 : memref<!tpu.dma_semaphore, #tpu.memory_space<semaphore_mem>>) src(%dma_wait3A_579 : memref<32x128xf32, #tpu.memory_space<hbm>>) dst(%dma_wait3A_576 : memref<32x128xf32, #tpu.memory_space<vmem>>)
    %dma_wait3A_580 = arith.constant 0 : i32
    %dma_wait3A_581 = arith.constant 0 : i32
    %dma_wait3A_582 = arith.constant 0 : i32
    %dma_wait3A_583 = tpu.memref_slice %arg15[%dma_wait3A_580, %dma_wait3A_581, %dma_wait3A_582] : memref<8x32x128xf32, #tpu.memory_space<vmem>> -> memref<1x32x128xf32, #tpu.memory_space<vmem>>
    %dma_wait3A_584 = tpu.memref_squeeze %dma_wait3A_583 : memref<1x32x128xf32, #tpu.memory_space<vmem>> -> memref<32x128xf32, #tpu.memory_space<vmem>>
    %dma_wait3A_585 = arith.constant 0 : i32
    %dma_wait3A_586 = arith.constant 0 : i32
    %dma_wait3A_587 = tpu.memref_slice %arg6[%dma_wait3A_585, %dma_wait3A_586] : memref<32x1000000xf32, #tpu.memory_space<hbm>> -> memref<32x128xf32, #tpu.memory_space<hbm>>
    %dma_wait3A_588 = arith.constant 0 : i32
    %dma_wait3A_589 = arith.constant 0 : i32
    %dma_wait3A_590 = tpu.memref_slice %arg15[%dma_wait3A_580, %dma_wait3A_588, %dma_wait3A_589] : memref<8x32x128xf32, #tpu.memory_space<vmem>> -> memref<1x32x128xf32, #tpu.memory_space<vmem>>
    %dma_wait3A_591 = tpu.memref_squeeze %dma_wait3A_590 : memref<1x32x128xf32, #tpu.memory_space<vmem>> -> memref<32x128xf32, #tpu.memory_space<vmem>>
    %dma_wait3A_592 = arith.constant 0 : i32
    %dma_wait3A_593 = arith.constant 0 : i32
    %dma_wait3A_594 = tpu.memref_slice %arg6[%dma_wait3A_592, %dma_wait3A_593] : memref<32x1000000xf32, #tpu.memory_space<hbm>> -> memref<32x128xf32, #tpu.memory_space<hbm>>
    tpu.wait_dma2 semaphore(%arg19 : memref<!tpu.dma_semaphore, #tpu.memory_space<semaphore_mem>>) src(%dma_wait3A_594 : memref<32x128xf32, #tpu.memory_space<hbm>>) dst(%dma_wait3A_591 : memref<32x128xf32, #tpu.memory_space<vmem>>)
    %dma_wait3A_595 = arith.constant 0 : i32
    %dma_wait3A_596 = arith.constant 0 : i32
    %dma_wait3A_597 = arith.constant 0 : i32
    %dma_wait3A_598 = tpu.memref_slice %arg15[%dma_wait3A_595, %dma_wait3A_596, %dma_wait3A_597] : memref<8x32x128xf32, #tpu.memory_space<vmem>> -> memref<1x32x128xf32, #tpu.memory_space<vmem>>
    %dma_wait3A_599 = tpu.memref_squeeze %dma_wait3A_598 : memref<1x32x128xf32, #tpu.memory_space<vmem>> -> memref<32x128xf32, #tpu.memory_space<vmem>>
    %dma_wait3A_600 = arith.constant 0 : i32
    %dma_wait3A_601 = arith.constant 0 : i32
    %dma_wait3A_602 = tpu.memref_slice %arg6[%dma_wait3A_600, %dma_wait3A_601] : memref<32x1000000xf32, #tpu.memory_space<hbm>> -> memref<32x128xf32, #tpu.memory_space<hbm>>
    %dma_wait3A_603 = arith.constant 0 : i32
    %dma_wait3A_604 = arith.constant 0 : i32
    %dma_wait3A_605 = tpu.memref_slice %arg15[%dma_wait3A_595, %dma_wait3A_603, %dma_wait3A_604] : memref<8x32x128xf32, #tpu.memory_space<vmem>> -> memref<1x32x128xf32, #tpu.memory_space<vmem>>
    %dma_wait3A_606 = tpu.memref_squeeze %dma_wait3A_605 : memref<1x32x128xf32, #tpu.memory_space<vmem>> -> memref<32x128xf32, #tpu.memory_space<vmem>>
    %dma_wait3A_607 = arith.constant 0 : i32
    %dma_wait3A_608 = arith.constant 0 : i32
    %dma_wait3A_609 = tpu.memref_slice %arg6[%dma_wait3A_607, %dma_wait3A_608] : memref<32x1000000xf32, #tpu.memory_space<hbm>> -> memref<32x128xf32, #tpu.memory_space<hbm>>
    tpu.wait_dma2 semaphore(%arg19 : memref<!tpu.dma_semaphore, #tpu.memory_space<semaphore_mem>>) src(%dma_wait3A_609 : memref<32x128xf32, #tpu.memory_space<hbm>>) dst(%dma_wait3A_606 : memref<32x128xf32, #tpu.memory_space<vmem>>)
    %dma_wait3A_610 = arith.constant 0 : i32
    %dma_wait3A_611 = arith.constant 0 : i32
    %dma_wait3A_612 = arith.constant 0 : i32
    %dma_wait3A_613 = tpu.memref_slice %arg15[%dma_wait3A_610, %dma_wait3A_611, %dma_wait3A_612] : memref<8x32x128xf32, #tpu.memory_space<vmem>> -> memref<1x32x128xf32, #tpu.memory_space<vmem>>
    %dma_wait3A_614 = tpu.memref_squeeze %dma_wait3A_613 : memref<1x32x128xf32, #tpu.memory_space<vmem>> -> memref<32x128xf32, #tpu.memory_space<vmem>>
    %dma_wait3A_615 = arith.constant 0 : i32
    %dma_wait3A_616 = arith.constant 0 : i32
    %dma_wait3A_617 = tpu.memref_slice %arg6[%dma_wait3A_615, %dma_wait3A_616] : memref<32x1000000xf32, #tpu.memory_space<hbm>> -> memref<32x128xf32, #tpu.memory_space<hbm>>
    %dma_wait3A_618 = arith.constant 0 : i32
    %dma_wait3A_619 = arith.constant 0 : i32
    %dma_wait3A_620 = tpu.memref_slice %arg15[%dma_wait3A_610, %dma_wait3A_618, %dma_wait3A_619] : memref<8x32x128xf32, #tpu.memory_space<vmem>> -> memref<1x32x128xf32, #tpu.memory_space<vmem>>
    %dma_wait3A_621 = tpu.memref_squeeze %dma_wait3A_620 : memref<1x32x128xf32, #tpu.memory_space<vmem>> -> memref<32x128xf32, #tpu.memory_space<vmem>>
    %dma_wait3A_622 = arith.constant 0 : i32
    %dma_wait3A_623 = arith.constant 0 : i32
    %dma_wait3A_624 = tpu.memref_slice %arg6[%dma_wait3A_622, %dma_wait3A_623] : memref<32x1000000xf32, #tpu.memory_space<hbm>> -> memref<32x128xf32, #tpu.memory_space<hbm>>
    tpu.wait_dma2 semaphore(%arg19 : memref<!tpu.dma_semaphore, #tpu.memory_space<semaphore_mem>>) src(%dma_wait3A_624 : memref<32x128xf32, #tpu.memory_space<hbm>>) dst(%dma_wait3A_621 : memref<32x128xf32, #tpu.memory_space<vmem>>)
    %get3A_625 = arith.constant 510 : index
    %get3A_626 = tpu.vector_load %arg11[%get3A_625] {strides = array<i32>} : memref<528xi32, #tpu.memory_space<vmem>>, vector<16xi32>,
    %slice3A_627 = vector.extract_strided_slice %get3A_626 {offsets = [0], sizes = [1], strides = [1]} : vector<16xi32> to vector<1xi32>
    %squeeze3A_628 = vector.extract %slice3A_627[0] : i32 from vector<1xi32>
    %and3A_629 = arith.constant 127 : i32
    %and3A_630 = arith.andi %squeeze3A_628, %and3A_629 : i32
    %broadcast_in_dim3A = vector.broadcast %and3A_630 : i32 to vector<16xi32>
    %gather3A = arith.constant 0 : i32
    %gather3A_631 = arith.constant 0 : i32
    %gather3A_632 = arith.constant 0 : i32
    %gather3A_633 = tpu.memref_slice %arg15[%gather3A, %gather3A_631, %gather3A_632] : memref<8x32x128xf32, #tpu.memory_space<vmem>> -> memref<1x32x128xf32, #tpu.memory_space<vmem>>
    %gather3A_634 = tpu.memref_squeeze %gather3A_633 : memref<1x32x128xf32, #tpu.memory_space<vmem>> -> memref<32x128xf32, #tpu.memory_space<vmem>>
    %gather3A_635 = tpu.vector_load_idx %gather3A_634[%iota3A, %broadcast_in_dim3A] : memref<32x128xf32, #tpu.memory_space<vmem>>[vector<16xi32>, vector<16xi32>], vector<16xf32>,
    %add3A_636 = arith.constant 16 : i32
    %add3A_637 = vector.broadcast %add3A_636 : i32 to vector<16xi32>
    %add3A_638 = arith.addi %iota3A, %add3A_637 : vector<16xi32>
    %gather3A_639 = arith.constant 0 : i32
    %gather3A_640 = arith.constant 0 : i32
    %gather3A_641 = arith.constant 0 : i32
    %gather3A_642 = tpu.memref_slice %arg15[%gather3A_639, %gather3A_640, %gather3A_641] : memref<8x32x128xf32, #tpu.memory_space<vmem>> -> memref<1x32x128xf32, #tpu.memory_space<vmem>>
    %gather3A_643 = tpu.memref_squeeze %gather3A_642 : memref<1x32x128xf32, #tpu.memory_space<vmem>> -> memref<32x128xf32, #tpu.memory_space<vmem>>
    %gather3A_644 = tpu.vector_load_idx %gather3A_643[%add3A_638, %broadcast_in_dim3A] : memref<32x128xf32, #tpu.memory_space<vmem>>[vector<16xi32>, vector<16xi32>], vector<16xf32>,
    %and3A_645 = arith.constant 510 : i32
    %and3A_646 = arith.constant 127 : i32
    %and3A_647 = arith.andi %and3A_645, %and3A_646 : i32
    %swap3A = arith.index_cast %and3A_647 : i32 to index
    %swap3A_648 = arith.constant 0 : index
    %swap3A_649 = tpu.vector_load %arg18[%swap3A, %swap3A_648] {strides = array<i32>} : memref<128x128xf32, #tpu.memory_space<vmem>>, vector<16xf32>,
    tpu.vector_store %arg18[%swap3A, %swap3A_648], %gather3A_635 {strides = array<i32>} : memref<128x128xf32, #tpu.memory_space<vmem>>, vector<16xf32>,
    %swap3A_650 = arith.index_cast %and3A_647 : i32 to index
    %swap3A_651 = arith.constant 16 : index
    %swap3A_652 = tpu.vector_load %arg18[%swap3A_650, %swap3A_651] {strides = array<i32>} : memref<128x128xf32, #tpu.memory_space<vmem>>, vector<16xf32>,
    tpu.vector_store %arg18[%swap3A_650, %swap3A_651], %gather3A_644 {strides = array<i32>} : memref<128x128xf32, #tpu.memory_space<vmem>>, vector<16xf32>,
    %slice3A_653 = vector.extract_strided_slice %get3A_626 {offsets = [1], sizes = [1], strides = [1]} : vector<16xi32> to vector<1xi32>
    %squeeze3A_654 = vector.extract %slice3A_653[0] : i32 from vector<1xi32>
    %and3A_655 = arith.constant 127 : i32
    %and3A_656 = arith.andi %squeeze3A_654, %and3A_655 : i32
    %broadcast_in_dim3A_657 = vector.broadcast %and3A_656 : i32 to vector<16xi32>
    %gather3A_658 = arith.constant 1 : i32
    %gather3A_659 = arith.constant 0 : i32
    %gather3A_660 = arith.constant 0 : i32
    %gather3A_661 = tpu.memref_slice %arg15[%gather3A_658, %gather3A_659, %gather3A_660] : memref<8x32x128xf32, #tpu.memory_space<vmem>> -> memref<1x32x128xf32, #tpu.memory_space<vmem>>
    %gather3A_662 = tpu.memref_squeeze %gather3A_661 : memref<1x32x128xf32, #tpu.memory_space<vmem>> -> memref<32x128xf32, #tpu.memory_space<vmem>>
    %gather3A_663 = tpu.vector_load_idx %gather3A_662[%iota3A, %broadcast_in_dim3A_657] : memref<32x128xf32, #tpu.memory_space<vmem>>[vector<16xi32>, vector<16xi32>], vector<16xf32>,
    %add3A_664 = arith.constant 16 : i32
    %add3A_665 = vector.broadcast %add3A_664 : i32 to vector<16xi32>
    %add3A_666 = arith.addi %iota3A, %add3A_665 : vector<16xi32>
    %gather3A_667 = arith.constant 1 : i32
    %gather3A_668 = arith.constant 0 : i32
    %gather3A_669 = arith.constant 0 : i32
    %gather3A_670 = tpu.memref_slice %arg15[%gather3A_667, %gather3A_668, %gather3A_669] : memref<8x32x128xf32, #tpu.memory_space<vmem>> -> memref<1x32x128xf32, #tpu.memory_space<vmem>>
    %gather3A_671 = tpu.memref_squeeze %gather3A_670 : memref<1x32x128xf32, #tpu.memory_space<vmem>> -> memref<32x128xf32, #tpu.memory_space<vmem>>
    %gather3A_672 = tpu.vector_load_idx %gather3A_671[%add3A_666, %broadcast_in_dim3A_657] : memref<32x128xf32, #tpu.memory_space<vmem>>[vector<16xi32>, vector<16xi32>], vector<16xf32>,
    %and3A_673 = arith.constant 511 : i32
    %and3A_674 = arith.constant 127 : i32
    %and3A_675 = arith.andi %and3A_673, %and3A_674 : i32
    %swap3A_676 = arith.index_cast %and3A_675 : i32 to index
    %swap3A_677 = arith.constant 0 : index
    %swap3A_678 = tpu.vector_load %arg18[%swap3A_676, %swap3A_677] {strides = array<i32>} : memref<128x128xf32, #tpu.memory_space<vmem>>, vector<16xf32>,
    tpu.vector_store %arg18[%swap3A_676, %swap3A_677], %gather3A_663 {strides = array<i32>} : memref<128x128xf32, #tpu.memory_space<vmem>>, vector<16xf32>,
    %swap3A_679 = arith.index_cast %and3A_675 : i32 to index
    %swap3A_680 = arith.constant 16 : index
    %swap3A_681 = tpu.vector_load %arg18[%swap3A_679, %swap3A_680] {strides = array<i32>} : memref<128x128xf32, #tpu.memory_space<vmem>>, vector<16xf32>,
    tpu.vector_store %arg18[%swap3A_679, %swap3A_680], %gather3A_672 {strides = array<i32>} : memref<128x128xf32, #tpu.memory_space<vmem>>, vector<16xf32>,
    %get3A_682 = arith.constant 510 : index
    %get3A_683 = tpu.vector_load %arg12[%get3A_682] {strides = array<i32>} : memref<528xi32, #tpu.memory_space<vmem>>, vector<16xi32>,
    %slice3A_684 = vector.extract_strided_slice %get3A_683 {offsets = [0], sizes = [1], strides = [1]} : vector<16xi32> to vector<1xi32>
    %squeeze3A_685 = vector.extract %slice3A_684[0] : i32 from vector<1xi32>
    %and3A_686 = arith.constant 127 : i32
    %and3A_687 = arith.andi %squeeze3A_685, %and3A_686 : i32
    %broadcast_in_dim3A_688 = vector.broadcast %and3A_687 : i32 to vector<16xi32>
    %gather3A_689 = arith.constant 2 : i32
    %gather3A_690 = arith.constant 0 : i32
    %gather3A_691 = arith.constant 0 : i32
    %gather3A_692 = tpu.memref_slice %arg15[%gather3A_689, %gather3A_690, %gather3A_691] : memref<8x32x128xf32, #tpu.memory_space<vmem>> -> memref<1x32x128xf32, #tpu.memory_space<vmem>>
    %gather3A_693 = tpu.memref_squeeze %gather3A_692 : memref<1x32x128xf32, #tpu.memory_space<vmem>> -> memref<32x128xf32, #tpu.memory_space<vmem>>
    %gather3A_694 = tpu.vector_load_idx %gather3A_693[%iota3A, %broadcast_in_dim3A_688] : memref<32x128xf32, #tpu.memory_space<vmem>>[vector<16xi32>, vector<16xi32>], vector<16xf32>,
    %add3A_695 = arith.constant 16 : i32
    %add3A_696 = vector.broadcast %add3A_695 : i32 to vector<16xi32>
    %add3A_697 = arith.addi %iota3A, %add3A_696 : vector<16xi32>
    %gather3A_698 = arith.constant 2 : i32
    %gather3A_699 = arith.constant 0 : i32
    %gather3A_700 = arith.constant 0 : i32
    %gather3A_701 = tpu.memref_slice %arg15[%gather3A_698, %gather3A_699, %gather3A_700] : memref<8x32x128xf32, #tpu.memory_space<vmem>> -> memref<1x32x128xf32, #tpu.memory_space<vmem>>
    %gather3A_702 = tpu.memref_squeeze %gather3A_701 : memref<1x32x128xf32, #tpu.memory_space<vmem>> -> memref<32x128xf32, #tpu.memory_space<vmem>>
    %gather3A_703 = tpu.vector_load_idx %gather3A_702[%add3A_697, %broadcast_in_dim3A_688] : memref<32x128xf32, #tpu.memory_space<vmem>>[vector<16xi32>, vector<16xi32>], vector<16xf32>,
    %and3A_704 = arith.constant 510 : i32
    %and3A_705 = arith.constant 127 : i32
    %and3A_706 = arith.andi %and3A_704, %and3A_705 : i32
    %swap3A_707 = arith.index_cast %and3A_706 : i32 to index
    %swap3A_708 = arith.constant 32 : index
    %swap3A_709 = tpu.vector_load %arg18[%swap3A_707, %swap3A_708] {strides = array<i32>} : memref<128x128xf32, #tpu.memory_space<vmem>>, vector<16xf32>,
    tpu.vector_store %arg18[%swap3A_707, %swap3A_708], %gather3A_694 {strides = array<i32>} : memref<128x128xf32, #tpu.memory_space<vmem>>, vector<16xf32>,
    %swap3A_710 = arith.index_cast %and3A_706 : i32 to index
    %swap3A_711 = arith.constant 48 : index
    %swap3A_712 = tpu.vector_load %arg18[%swap3A_710, %swap3A_711] {strides = array<i32>} : memref<128x128xf32, #tpu.memory_space<vmem>>, vector<16xf32>,
    tpu.vector_store %arg18[%swap3A_710, %swap3A_711], %gather3A_703 {strides = array<i32>} : memref<128x128xf32, #tpu.memory_space<vmem>>, vector<16xf32>,
    %slice3A_713 = vector.extract_strided_slice %get3A_683 {offsets = [1], sizes = [1], strides = [1]} : vector<16xi32> to vector<1xi32>
    %squeeze3A_714 = vector.extract %slice3A_713[0] : i32 from vector<1xi32>
    %and3A_715 = arith.constant 127 : i32
    %and3A_716 = arith.andi %squeeze3A_714, %and3A_715 : i32
    %broadcast_in_dim3A_717 = vector.broadcast %and3A_716 : i32 to vector<16xi32>
    %gather3A_718 = arith.constant 3 : i32
    %gather3A_719 = arith.constant 0 : i32
    %gather3A_720 = arith.constant 0 : i32
    %gather3A_721 = tpu.memref_slice %arg15[%gather3A_718, %gather3A_719, %gather3A_720] : memref<8x32x128xf32, #tpu.memory_space<vmem>> -> memref<1x32x128xf32, #tpu.memory_space<vmem>>
    %gather3A_722 = tpu.memref_squeeze %gather3A_721 : memref<1x32x128xf32, #tpu.memory_space<vmem>> -> memref<32x128xf32, #tpu.memory_space<vmem>>
    %gather3A_723 = tpu.vector_load_idx %gather3A_722[%iota3A, %broadcast_in_dim3A_717] : memref<32x128xf32, #tpu.memory_space<vmem>>[vector<16xi32>, vector<16xi32>], vector<16xf32>,
    %add3A_724 = arith.constant 16 : i32
    %add3A_725 = vector.broadcast %add3A_724 : i32 to vector<16xi32>
    %add3A_726 = arith.addi %iota3A, %add3A_725 : vector<16xi32>
    %gather3A_727 = arith.constant 3 : i32
    %gather3A_728 = arith.constant 0 : i32
    %gather3A_729 = arith.constant 0 : i32
    %gather3A_730 = tpu.memref_slice %arg15[%gather3A_727, %gather3A_728, %gather3A_729] : memref<8x32x128xf32, #tpu.memory_space<vmem>> -> memref<1x32x128xf32, #tpu.memory_space<vmem>>
    %gather3A_731 = tpu.memref_squeeze %gather3A_730 : memref<1x32x128xf32, #tpu.memory_space<vmem>> -> memref<32x128xf32, #tpu.memory_space<vmem>>
    %gather3A_732 = tpu.vector_load_idx %gather3A_731[%add3A_726, %broadcast_in_dim3A_717] : memref<32x128xf32, #tpu.memory_space<vmem>>[vector<16xi32>, vector<16xi32>], vector<16xf32>,
    %and3A_733 = arith.constant 511 : i32
    %and3A_734 = arith.constant 127 : i32
    %and3A_735 = arith.andi %and3A_733, %and3A_734 : i32
    %swap3A_736 = arith.index_cast %and3A_735 : i32 to index
    %swap3A_737 = arith.constant 32 : index
    %swap3A_738 = tpu.vector_load %arg18[%swap3A_736, %swap3A_737] {strides = array<i32>} : memref<128x128xf32, #tpu.memory_space<vmem>>, vector<16xf32>,
    tpu.vector_store %arg18[%swap3A_736, %swap3A_737], %gather3A_723 {strides = array<i32>} : memref<128x128xf32, #tpu.memory_space<vmem>>, vector<16xf32>,
    %swap3A_739 = arith.index_cast %and3A_735 : i32 to index
    %swap3A_740 = arith.constant 48 : index
    %swap3A_741 = tpu.vector_load %arg18[%swap3A_739, %swap3A_740] {strides = array<i32>} : memref<128x128xf32, #tpu.memory_space<vmem>>, vector<16xf32>,
    tpu.vector_store %arg18[%swap3A_739, %swap3A_740], %gather3A_732 {strides = array<i32>} : memref<128x128xf32, #tpu.memory_space<vmem>>, vector<16xf32>,
    %get3A_742 = arith.constant 510 : index
    %get3A_743 = tpu.vector_load %arg13[%get3A_742] {strides = array<i32>} : memref<528xi32, #tpu.memory_space<vmem>>, vector<16xi32>,
    %slice3A_744 = vector.extract_strided_slice %get3A_743 {offsets = [0], sizes = [1], strides = [1]} : vector<16xi32> to vector<1xi32>
    %squeeze3A_745 = vector.extract %slice3A_744[0] : i32 from vector<1xi32>
    %and3A_746 = arith.constant 127 : i32
    %and3A_747 = arith.andi %squeeze3A_745, %and3A_746 : i32
    %broadcast_in_dim3A_748 = vector.broadcast %and3A_747 : i32 to vector<16xi32>
    %gather3A_749 = arith.constant 4 : i32
    %gather3A_750 = arith.constant 0 : i32
    %gather3A_751 = arith.constant 0 : i32
    %gather3A_752 = tpu.memref_slice %arg15[%gather3A_749, %gather3A_750, %gather3A_751] : memref<8x32x128xf32, #tpu.memory_space<vmem>> -> memref<1x32x128xf32, #tpu.memory_space<vmem>>
    %gather3A_753 = tpu.memref_squeeze %gather3A_752 : memref<1x32x128xf32, #tpu.memory_space<vmem>> -> memref<32x128xf32, #tpu.memory_space<vmem>>
    %gather3A_754 = tpu.vector_load_idx %gather3A_753[%iota3A, %broadcast_in_dim3A_748] : memref<32x128xf32, #tpu.memory_space<vmem>>[vector<16xi32>, vector<16xi32>], vector<16xf32>,
    %add3A_755 = arith.constant 16 : i32
    %add3A_756 = vector.broadcast %add3A_755 : i32 to vector<16xi32>
    %add3A_757 = arith.addi %iota3A, %add3A_756 : vector<16xi32>
    %gather3A_758 = arith.constant 4 : i32
    %gather3A_759 = arith.constant 0 : i32
    %gather3A_760 = arith.constant 0 : i32
    %gather3A_761 = tpu.memref_slice %arg15[%gather3A_758, %gather3A_759, %gather3A_760] : memref<8x32x128xf32, #tpu.memory_space<vmem>> -> memref<1x32x128xf32, #tpu.memory_space<vmem>>
    %gather3A_762 = tpu.memref_squeeze %gather3A_761 : memref<1x32x128xf32, #tpu.memory_space<vmem>> -> memref<32x128xf32, #tpu.memory_space<vmem>>
    %gather3A_763 = tpu.vector_load_idx %gather3A_762[%add3A_757, %broadcast_in_dim3A_748] : memref<32x128xf32, #tpu.memory_space<vmem>>[vector<16xi32>, vector<16xi32>], vector<16xf32>,
    %and3A_764 = arith.constant 510 : i32
    %and3A_765 = arith.constant 127 : i32
    %and3A_766 = arith.andi %and3A_764, %and3A_765 : i32
    %swap3A_767 = arith.index_cast %and3A_766 : i32 to index
    %swap3A_768 = arith.constant 64 : index
    %swap3A_769 = tpu.vector_load %arg18[%swap3A_767, %swap3A_768] {strides = array<i32>} : memref<128x128xf32, #tpu.memory_space<vmem>>, vector<16xf32>,
    tpu.vector_store %arg18[%swap3A_767, %swap3A_768], %gather3A_754 {strides = array<i32>} : memref<128x128xf32, #tpu.memory_space<vmem>>, vector<16xf32>,
    %swap3A_770 = arith.index_cast %and3A_766 : i32 to index
    %swap3A_771 = arith.constant 80 : index
    %swap3A_772 = tpu.vector_load %arg18[%swap3A_770, %swap3A_771] {strides = array<i32>} : memref<128x128xf32, #tpu.memory_space<vmem>>, vector<16xf32>,
    tpu.vector_store %arg18[%swap3A_770, %swap3A_771], %gather3A_763 {strides = array<i32>} : memref<128x128xf32, #tpu.memory_space<vmem>>, vector<16xf32>,
    %slice3A_773 = vector.extract_strided_slice %get3A_743 {offsets = [1], sizes = [1], strides = [1]} : vector<16xi32> to vector<1xi32>
    %squeeze3A_774 = vector.extract %slice3A_773[0] : i32 from vector<1xi32>
    %and3A_775 = arith.constant 127 : i32
    %and3A_776 = arith.andi %squeeze3A_774, %and3A_775 : i32
    %broadcast_in_dim3A_777 = vector.broadcast %and3A_776 : i32 to vector<16xi32>
    %gather3A_778 = arith.constant 5 : i32
    %gather3A_779 = arith.constant 0 : i32
    %gather3A_780 = arith.constant 0 : i32
    %gather3A_781 = tpu.memref_slice %arg15[%gather3A_778, %gather3A_779, %gather3A_780] : memref<8x32x128xf32, #tpu.memory_space<vmem>> -> memref<1x32x128xf32, #tpu.memory_space<vmem>>
    %gather3A_782 = tpu.memref_squeeze %gather3A_781 : memref<1x32x128xf32, #tpu.memory_space<vmem>> -> memref<32x128xf32, #tpu.memory_space<vmem>>
    %gather3A_783 = tpu.vector_load_idx %gather3A_782[%iota3A, %broadcast_in_dim3A_777] : memref<32x128xf32, #tpu.memory_space<vmem>>[vector<16xi32>, vector<16xi32>], vector<16xf32>,
    %add3A_784 = arith.constant 16 : i32
    %add3A_785 = vector.broadcast %add3A_784 : i32 to vector<16xi32>
    %add3A_786 = arith.addi %iota3A, %add3A_785 : vector<16xi32>
    %gather3A_787 = arith.constant 5 : i32
    %gather3A_788 = arith.constant 0 : i32
    %gather3A_789 = arith.constant 0 : i32
    %gather3A_790 = tpu.memref_slice %arg15[%gather3A_787, %gather3A_788, %gather3A_789] : memref<8x32x128xf32, #tpu.memory_space<vmem>> -> memref<1x32x128xf32, #tpu.memory_space<vmem>>
    %gather3A_791 = tpu.memref_squeeze %gather3A_790 : memref<1x32x128xf32, #tpu.memory_space<vmem>> -> memref<32x128xf32, #tpu.memory_space<vmem>>
    %gather3A_792 = tpu.vector_load_idx %gather3A_791[%add3A_786, %broadcast_in_dim3A_777] : memref<32x128xf32, #tpu.memory_space<vmem>>[vector<16xi32>, vector<16xi32>], vector<16xf32>,
    %and3A_793 = arith.constant 511 : i32
    %and3A_794 = arith.constant 127 : i32
    %and3A_795 = arith.andi %and3A_793, %and3A_794 : i32
    %swap3A_796 = arith.index_cast %and3A_795 : i32 to index
    %swap3A_797 = arith.constant 64 : index
    %swap3A_798 = tpu.vector_load %arg18[%swap3A_796, %swap3A_797] {strides = array<i32>} : memref<128x128xf32, #tpu.memory_space<vmem>>, vector<16xf32>,
    tpu.vector_store %arg18[%swap3A_796, %swap3A_797], %gather3A_783 {strides = array<i32>} : memref<128x128xf32, #tpu.memory_space<vmem>>, vector<16xf32>,
    %swap3A_799 = arith.index_cast %and3A_795 : i32 to index
    %swap3A_800 = arith.constant 80 : index
    %swap3A_801 = tpu.vector_load %arg18[%swap3A_799, %swap3A_800] {strides = array<i32>} : memref<128x128xf32, #tpu.memory_space<vmem>>, vector<16xf32>,
    tpu.vector_store %arg18[%swap3A_799, %swap3A_800], %gather3A_792 {strides = array<i32>} : memref<128x128xf32, #tpu.memory_space<vmem>>, vector<16xf32>,
    %get3A_802 = arith.constant 510 : index
    %get3A_803 = tpu.vector_load %arg14[%get3A_802] {strides = array<i32>} : memref<528xi32, #tpu.memory_space<vmem>>, vector<16xi32>,
    %slice3A_804 = vector.extract_strided_slice %get3A_803 {offsets = [0], sizes = [1], strides = [1]} : vector<16xi32> to vector<1xi32>
    %squeeze3A_805 = vector.extract %slice3A_804[0] : i32 from vector<1xi32>
    %and3A_806 = arith.constant 127 : i32
    %and3A_807 = arith.andi %squeeze3A_805, %and3A_806 : i32
    %broadcast_in_dim3A_808 = vector.broadcast %and3A_807 : i32 to vector<16xi32>
    %gather3A_809 = arith.constant 6 : i32
    %gather3A_810 = arith.constant 0 : i32
    %gather3A_811 = arith.constant 0 : i32
    %gather3A_812 = tpu.memref_slice %arg15[%gather3A_809, %gather3A_810, %gather3A_811] : memref<8x32x128xf32, #tpu.memory_space<vmem>> -> memref<1x32x128xf32, #tpu.memory_space<vmem>>
    %gather3A_813 = tpu.memref_squeeze %gather3A_812 : memref<1x32x128xf32, #tpu.memory_space<vmem>> -> memref<32x128xf32, #tpu.memory_space<vmem>>
    %gather3A_814 = tpu.vector_load_idx %gather3A_813[%iota3A, %broadcast_in_dim3A_808] : memref<32x128xf32, #tpu.memory_space<vmem>>[vector<16xi32>, vector<16xi32>], vector<16xf32>,
    %add3A_815 = arith.constant 16 : i32
    %add3A_816 = vector.broadcast %add3A_815 : i32 to vector<16xi32>
    %add3A_817 = arith.addi %iota3A, %add3A_816 : vector<16xi32>
    %gather3A_818 = arith.constant 6 : i32
    %gather3A_819 = arith.constant 0 : i32
    %gather3A_820 = arith.constant 0 : i32
    %gather3A_821 = tpu.memref_slice %arg15[%gather3A_818, %gather3A_819, %gather3A_820] : memref<8x32x128xf32, #tpu.memory_space<vmem>> -> memref<1x32x128xf32, #tpu.memory_space<vmem>>
    %gather3A_822 = tpu.memref_squeeze %gather3A_821 : memref<1x32x128xf32, #tpu.memory_space<vmem>> -> memref<32x128xf32, #tpu.memory_space<vmem>>
    %gather3A_823 = tpu.vector_load_idx %gather3A_822[%add3A_817, %broadcast_in_dim3A_808] : memref<32x128xf32, #tpu.memory_space<vmem>>[vector<16xi32>, vector<16xi32>], vector<16xf32>,
    %and3A_824 = arith.constant 510 : i32
    %and3A_825 = arith.constant 127 : i32
    %and3A_826 = arith.andi %and3A_824, %and3A_825 : i32
    %swap3A_827 = arith.index_cast %and3A_826 : i32 to index
    %swap3A_828 = arith.constant 96 : index
    %swap3A_829 = tpu.vector_load %arg18[%swap3A_827, %swap3A_828] {strides = array<i32>} : memref<128x128xf32, #tpu.memory_space<vmem>>, vector<16xf32>,
    tpu.vector_store %arg18[%swap3A_827, %swap3A_828], %gather3A_814 {strides = array<i32>} : memref<128x128xf32, #tpu.memory_space<vmem>>, vector<16xf32>,
    %swap3A_830 = arith.index_cast %and3A_826 : i32 to index
    %swap3A_831 = arith.constant 112 : index
    %swap3A_832 = tpu.vector_load %arg18[%swap3A_830, %swap3A_831] {strides = array<i32>} : memref<128x128xf32, #tpu.memory_space<vmem>>, vector<16xf32>,
    tpu.vector_store %arg18[%swap3A_830, %swap3A_831], %gather3A_823 {strides = array<i32>} : memref<128x128xf32, #tpu.memory_space<vmem>>, vector<16xf32>,
    %slice3A_833 = vector.extract_strided_slice %get3A_803 {offsets = [1], sizes = [1], strides = [1]} : vector<16xi32> to vector<1xi32>
    %squeeze3A_834 = vector.extract %slice3A_833[0] : i32 from vector<1xi32>
    %and3A_835 = arith.constant 127 : i32
    %and3A_836 = arith.andi %squeeze3A_834, %and3A_835 : i32
    %broadcast_in_dim3A_837 = vector.broadcast %and3A_836 : i32 to vector<16xi32>
    %gather3A_838 = arith.constant 7 : i32
    %gather3A_839 = arith.constant 0 : i32
    %gather3A_840 = arith.constant 0 : i32
    %gather3A_841 = tpu.memref_slice %arg15[%gather3A_838, %gather3A_839, %gather3A_840] : memref<8x32x128xf32, #tpu.memory_space<vmem>> -> memref<1x32x128xf32, #tpu.memory_space<vmem>>
    %gather3A_842 = tpu.memref_squeeze %gather3A_841 : memref<1x32x128xf32, #tpu.memory_space<vmem>> -> memref<32x128xf32, #tpu.memory_space<vmem>>
    %gather3A_843 = tpu.vector_load_idx %gather3A_842[%iota3A, %broadcast_in_dim3A_837] : memref<32x128xf32, #tpu.memory_space<vmem>>[vector<16xi32>, vector<16xi32>], vector<16xf32>,
    %add3A_844 = arith.constant 16 : i32
    %add3A_845 = vector.broadcast %add3A_844 : i32 to vector<16xi32>
    %add3A_846 = arith.addi %iota3A, %add3A_845 : vector<16xi32>
    %gather3A_847 = arith.constant 7 : i32
    %gather3A_848 = arith.constant 0 : i32
    %gather3A_849 = arith.constant 0 : i32
    %gather3A_850 = tpu.memref_slice %arg15[%gather3A_847, %gather3A_848, %gather3A_849] : memref<8x32x128xf32, #tpu.memory_space<vmem>> -> memref<1x32x128xf32, #tpu.memory_space<vmem>>
    %gather3A_851 = tpu.memref_squeeze %gather3A_850 : memref<1x32x128xf32, #tpu.memory_space<vmem>> -> memref<32x128xf32, #tpu.memory_space<vmem>>
    %gather3A_852 = tpu.vector_load_idx %gather3A_851[%add3A_846, %broadcast_in_dim3A_837] : memref<32x128xf32, #tpu.memory_space<vmem>>[vector<16xi32>, vector<16xi32>], vector<16xf32>,
    %and3A_853 = arith.constant 511 : i32
    %and3A_854 = arith.constant 127 : i32
    %and3A_855 = arith.andi %and3A_853, %and3A_854 : i32
    %swap3A_856 = arith.index_cast %and3A_855 : i32 to index
    %swap3A_857 = arith.constant 96 : index
    %swap3A_858 = tpu.vector_load %arg18[%swap3A_856, %swap3A_857] {strides = array<i32>} : memref<128x128xf32, #tpu.memory_space<vmem>>, vector<16xf32>,
    tpu.vector_store %arg18[%swap3A_856, %swap3A_857], %gather3A_843 {strides = array<i32>} : memref<128x128xf32, #tpu.memory_space<vmem>>, vector<16xf32>,
    %swap3A_859 = arith.index_cast %and3A_855 : i32 to index
    %swap3A_860 = arith.constant 112 : index
    %swap3A_861 = tpu.vector_load %arg18[%swap3A_859, %swap3A_860] {strides = array<i32>} : memref<128x128xf32, #tpu.memory_space<vmem>>, vector<16xf32>,
    tpu.vector_store %arg18[%swap3A_859, %swap3A_860], %gather3A_852 {strides = array<i32>} : memref<128x128xf32, #tpu.memory_space<vmem>>, vector<16xf32>,
    %and3A_862 = arith.constant 255 : i32
    %and3A_863 = arith.constant 63 : i32
    %and3A_864 = arith.andi %and3A_862, %and3A_863 : i32
    %eq3A = arith.constant 63 : i32
    %eq3A_865 = arith.cmpi eq, %and3A_864, %eq3A : i32
    %convert_element_type3A = arith.extui %eq3A_865 : i1 to i32
    %cond3A = arith.constant 0 : i32
    %cond3A_866 = arith.cmpi ne, %convert_element_type3A, %cond3A : i32
    scf.if %cond3A_866 {
      %add3A_867 = arith.constant 384 : i32
      %add3A_868 = arith.addi %mul3A_2, %add3A_867 : i32
      %multiple_of3A_869 = tpu.assume_multiple %add3A_868, 128 : i32
      "tpu.region"() ({
        %run_scoped3A = tpu.sem_alloc : memref<!tpu.dma_semaphore, #tpu.memory_space<semaphore_mem>>
        %dma_start3A_870 = arith.constant 0 : i32
        %dma_start3A_871 = tpu.memref_slice %arg10[%multiple_of3A_869, %dma_start3A_870] : memref<16384x128xf32, #tpu.memory_space<hbm>> -> memref<128x128xf32, #tpu.memory_space<hbm>>
        %dma_start3A_872 = arith.constant 0 : i32
        %dma_start3A_873 = tpu.memref_slice %arg10[%multiple_of3A_869, %dma_start3A_872] : memref<16384x128xf32, #tpu.memory_space<hbm>> -> memref<128x128xf32, #tpu.memory_space<hbm>>
        tpu.enqueue_dma source(%arg18 : memref<128x128xf32, #tpu.memory_space<vmem>>) target(%dma_start3A_873 : memref<128x128xf32, #tpu.memory_space<hbm>>) target_semaphore(%run_scoped3A : memref<!tpu.dma_semaphore, #tpu.memory_space<semaphore_mem>>)
        %dma_wait3A_874 = arith.constant 0 : i32
        %dma_wait3A_875 = tpu.memref_slice %arg10[%multiple_of3A_869, %dma_wait3A_874] : memref<16384x128xf32, #tpu.memory_space<hbm>> -> memref<128x128xf32, #tpu.memory_space<hbm>>
        %dma_wait3A_876 = arith.constant 0 : i32
        %dma_wait3A_877 = tpu.memref_slice %arg10[%multiple_of3A_869, %dma_wait3A_876] : memref<16384x128xf32, #tpu.memory_space<hbm>> -> memref<128x128xf32, #tpu.memory_space<hbm>>
        tpu.wait_dma2 semaphore(%run_scoped3A : memref<!tpu.dma_semaphore, #tpu.memory_space<semaphore_mem>>) src(%arg18 : memref<128x128xf32, #tpu.memory_space<vmem>>) dst(%dma_wait3A_877 : memref<128x128xf32, #tpu.memory_space<hbm>>)
        tpu.yield
      }) : () -> ()
    } else {
    }
    return
  }
}

module attributes {stable_mosaic.version = 14 : i64} {
  func.func @_mlp_body(%arg0: i32, %arg1: memref<4096x128xf32, #tpu.memory_space<vmem>>, %arg2: memref<128x512xf32, #tpu.memory_space<vmem>>, %arg3: memref<1x512xf32, #tpu.memory_space<vmem>>, %arg4: memref<4096x512xf32, #tpu.memory_space<vmem>>) attributes {dimension_semantics = [#tpu.dimension_semantics<arbitrary>], iteration_bounds = array<i64: 4>, scalar_prefetch = 0 : i64, scratch_operands = 0 : i64, tpu.core_type = #tpu.core_type<tc>, window_params = [{transform_indices = @transform_0, window_bounds = array<i64: 4096, 128>}, {pipeline_mode = #tpu.pipeline_mode<synchronous>, transform_indices = @transform_1, window_bounds = array<i64: 128, 512>}, {pipeline_mode = #tpu.pipeline_mode<synchronous>, transform_indices = @transform_2, window_bounds = array<i64: 1, 512>}, {transform_indices = @transform_3, window_bounds = array<i64: 4096, 512>}]} {
    %get3A = arith.constant 0 : index
    %get3A_0 = arith.constant 0 : index
    %get3A_1 = vector.load %arg1[%get3A, %get3A_0] : memref<4096x128xf32, #tpu.memory_space<vmem>>, vector<4096x128xf32>
    %get3A_2 = arith.constant 0 : index
    %get3A_3 = arith.constant 0 : index
    %get3A_4 = vector.load %arg2[%get3A_2, %get3A_3] : memref<128x512xf32, #tpu.memory_space<vmem>>, vector<128x512xf32>
    %dot_general3A = arith.constant dense<0.000000e+00> : vector<4096x512xf32>
    %dot_general3A_5 = tpu.matmul %get3A_1, %get3A_4, %dot_general3A {dimension_numbers = #tpu.dot_dimension_numbers<[1], [0], [0], [1], [0, 0, 1, 1], [], []>, transpose_lhs_hint = false} : vector<4096x128xf32>, vector<128x512xf32>, vector<4096x512xf32> -> vector<4096x512xf32>
    %get3A_6 = arith.constant 0 : index
    %get3A_7 = arith.constant 0 : index
    %get3A_8 = vector.load %arg3[%get3A_6, %get3A_7] : memref<1x512xf32, #tpu.memory_space<vmem>>, vector<1x512xf32>
    %add3A = vector.broadcast %get3A_8 : vector<1x512xf32> to vector<4096x512xf32>
    %add3A_9 = arith.addf %dot_general3A_5, %add3A : vector<4096x512xf32>
    %logistic3A = arith.negf %add3A_9 : vector<4096x512xf32>
    %logistic3A_10 = math.exp %logistic3A : vector<4096x512xf32>
    %logistic3A_11 = arith.constant 1.000000e+00 : f32
    %logistic3A_12 = vector.broadcast %logistic3A_11 : f32 to vector<4096x512xf32>
    %logistic3A_13 = arith.addf %logistic3A_12, %logistic3A_10 : vector<4096x512xf32>
    %logistic3A_14 = arith.divf %logistic3A_12, %logistic3A_13 : vector<4096x512xf32>
    %mul3A = arith.mulf %add3A_9, %logistic3A_14 : vector<4096x512xf32>
    %swap3A = arith.constant 0 : index
    %swap3A_15 = arith.constant 0 : index
    %swap3A_16 = vector.load %arg4[%swap3A, %swap3A_15] : memref<4096x512xf32, #tpu.memory_space<vmem>>, vector<4096x512xf32>
    tpu.vector_store %arg4[%swap3A, %swap3A_15], %mul3A {strides = array<i32>} : memref<4096x512xf32, #tpu.memory_space<vmem>>, vector<4096x512xf32>,
    return
  }
  func.func @transform_0(%arg0: i32) -> (i32, i32) {
    %c0_i32 = arith.constant 0 : i32
    %c0_i32_0 = arith.constant 0 : i32
    return %arg0, %c0_i32 : i32, i32
  }
  func.func @transform_1(%arg0: i32) -> (i32, i32) {
    %c0_i32 = arith.constant 0 : i32
    %c0_i32_0 = arith.constant 0 : i32
    %c0_i32_1 = arith.constant 0 : i32
    return %c0_i32, %c0_i32_0 : i32, i32
  }
  func.func @transform_2(%arg0: i32) -> (i32, i32) {
    %c0_i32 = arith.constant 0 : i32
    %c0_i32_0 = arith.constant 0 : i32
    %c0_i32_1 = arith.constant 0 : i32
    return %c0_i32, %c0_i32_0 : i32, i32
  }
  func.func @transform_3(%arg0: i32) -> (i32, i32) {
    %c0_i32 = arith.constant 0 : i32
    %c0_i32_0 = arith.constant 0 : i32
    return %arg0, %c0_i32 : i32, i32
  }
}

</mosaic_0001>

<sc_bundles>
// kernel: kernel.4.cloned.1.call-start
scs
__scs_entry_jumppad:
0x0: {  	(pc) =	sbr.rel $0x88, $3  }
0x1: {  	(tag) =	ssettag $0x0;
	lr =	simm.s32 $0x1  }
0x2: {  	[smem:$0x3F9A] =	sst lr;
	_ =	strace $0xD0000000  }
0x3: {  	_ = 	snop  }
0x4: {  	_ = 	snop  }
0x5: {  	_ = 	snop  }
0x6: {  	_ = 	snop  }
0x7: {  	_ = 	snop  }
__scs_overlays_trampoline_lowered:
0x8: {  	[smem:$0x3FA9] =	sst s0  }
0x9: {  	[smem:$0x3FAA] =	sst s1  }
0xa: {  	[smem:$0x3FAB] =	sst s2  }
0xb: {  	[smem:$0x3FAC] =	sst s3  }
0xc: {  	[smem:$0x3FAD] =	sst s4  }
0xd: {  	[smem:$0x3FAE] =	sst s5  }
0xe: {  	[smem:$0x3FAF] =	sst s6  }
0xf: {  	[smem:$0x3FB0] =	sst s7  }
0x10: {  	[smem:$0x3FB1] =	sst s8  }
0x11: {  	[smem:$0x3FB2] =	sst s9;
	s0 =	simm.s32 @!p0 $0x0  }
0x12: {  	s1 =	sld [smem:$0x3F98];
	s0 =	simm.s32 @p0 $0x1  }
0x13: {  	[smem:$0x3FB3] =	sst s0;
	s0 =	simm.s32 @!p1 $0x0  }
0x14: {  	s2 =	sld [smem:$0x3F97];
	s0 =	simm.s32 @p1 $0x1  }
0x15: {  	[smem:$0x3FB4] =	sst s0;
	s0 =	simm.s32 @!p2 $0x0  }
0x16: {  	s3 =	sld [smem:$0x3FDB];
	s0 =	simm.s32 @p2 $0x1  }
0x17: {  	s4 =	simm.s32 $0x1BF5;
	[smem:$0x3FB6] =	sst s0  }
0x18: {  	s0 =	sld [smem:$0x3F99];
	_ =	swait.ge [sflag:s4], $0x0  }
0x19: {  	s7 =	sld [smem:$0x3F9A]  }
0x1a: {  	s8 =	sadd.s32 $0xFFFFE003, lr  }
0x1b: {  	s9 =	sadd.s32 $0xFFFFFEF7, lr;
	s5 =	simm.s32 $0xFFFFFFFF;
	p2 =	slt.u32 s8, $0xFFFFF086  }
0x1c: {  	p1 =	slt.u32 s9, $0xF7A;
	s5 =	simm.s32 @!p2 $0x0  }
0x1d: {  	s5 =	simm.s32 @p1 $0x1;
	p0 =	seq.s32 s7, s2  }
0x1e: {  	s7 =	smul.u32 @!p0 $0xF7A, s2;
	p2 =	seq.s32 @!p0 s5, $0x0  }
0x1f: {  	s9 =	smul.u32 $0xF7A, s1;
	s8 =	simm.s32 @!p0 $0x1BF5;
	p2 =	por !p2, p0  }
0x20: {  	[sflag:s8] =	ssyncset.s32 @!p0 $0xFFFFF086;
	s6 =	sadd.s32 @!p0 s3, s7;
	s7 =	simm.s32 @!p0 $0x108  }
0x21: {  	s3 =	sadd.s32 s3, s9;
	s6 =	sadd.s32 @!p0 $0x88, s6;
	s7 =	simm.s32 @p2 $0x1082  }
0x22: {  	[simem:s7], [sflag:s8] =	dma.local @!p0 [hbm:s6], $0xF7A  }
0x23: {  	s9 =	sor.u32 $0xD0000000, s2;
	s6 =	simm.s32 $0x108;
	_ =	swait.ge @!p0 [sflag:s8], $0x0  }
0x24: {  	s3 =	sadd.s32 $0x88, s3;
	s6 =	simm.s32 @!p1 $0x1082;
	[sflag:s4] =	ssyncset.s32 $0xFFFFF086  }
0x25: {  	[simem:s6], [sflag:s4] =	dma.local [hbm:s3], $0xF7A  }
0x26: {  	[smem:$0x3F9A] =	sst s1;
	(tag) =	ssettag s2;
	_ =	strace s9  }
0x27: {  	s1 =	sld [smem:$0x3FAA]  }
0x28: {  	s2 =	sld [smem:$0x3FAB]  }
0x29: {  	s4 =	sld [smem:$0x3FAD]  }
0x2a: {  	p0 =	seq.s32 s5, $0x0;
	s5 =	sld [smem:$0x3FAE]  }
0x2b: {  	s6 =	sld [smem:$0x3FAF]  }
0x2c: {  	s7 =	sld [smem:$0x3FB0]  }
0x2d: {  	s3 =	simm.s32 $0x108;
	s8 =	sld [smem:$0x3FB1]  }
0x2e: {  	s3 =	simm.s32 @!p0 $0x1082;
	s9 =	sld [smem:$0x3FB2]  }
0x2f: {  	lr =	sadd.s32 s0, s3;
	s0 =	sld [smem:$0x3FA9]  }
0x30: {  	s3 =	sld [smem:$0x3FAC]  }
0x31: {  	[smem:$0x3FB5] =	sst s10  }
0x32: {  	s10 =	sld [smem:$0x3FB3];
	_ =	sdelay $0x3  }
0x33: {  	p0 =	seq.s32 s10, $0x1;
	s10 =	sld [smem:$0x3FB5];
	_ =	sdelay $0x3  }
0x34: {  	[smem:$0x3FB5] =	sst s10  }
0x35: {  	s10 =	sld [smem:$0x3FB4];
	_ =	sdelay $0x3  }
0x36: {  	p1 =	seq.s32 s10, $0x1;
	s10 =	sld [smem:$0x3FB5];
	_ =	sdelay $0x3  }
0x37: {  	[smem:$0x3FB5] =	sst s10  }
0x38: {  	s10 =	sld [smem:$0x3FB6]  }
0x39: {  	_ = 	snop;
	(pc) =	sbr.ind lr, $3  }
0x3a: {  	_ = 	snop  }
0x3b: {  	_ = 	snop  }
0x3c: {  	p2 =	seq.s32 s10, $0x1;
	s10 =	sld [smem:$0x3FB5]  }
0x3d: {  	_ =	shalt  }
0x3e: {  	_ =	shalt  }
0x3f: {  	_ =	shalt  }
0x40: {  	_ =	shalt  }
0x41: {  	_ =	shalt  }
0x42: {  	_ =	shalt  }
0x43: {  	_ =	shalt  }
0x44: {  	_ =	shalt  }
0x45: {  	_ =	shalt  }
0x46: {  	_ =	shalt  }
0x47: {  	_ =	shalt  }
0x48: {  	_ =	shalt  }
0x49: {  	_ =	shalt  }
0x4a: {  	_ =	shalt  }
0x4b: {  	_ =	shalt  }
0x4c: {  	_ =	shalt  }
0x4d: {  	_ =	shalt  }
0x4e: {  	_ =	shalt  }
0x4f: {  	_ =	shalt  }
0x50: {  	_ =	shalt  }
0x51: {  	_ =	shalt  }
0x52: {  	_ =	shalt  }
0x53: {  	_ =	shalt  }
0x54: {  	_ =	shalt  }
0x55: {  	_ =	shalt  }
0x56: {  	_ =	shalt  }
0x57: {  	_ =	shalt  }
0x58: {  	_ =	shalt  }
0x59: {  	_ =	shalt  }
0x5a: {  	_ =	shalt  }
0x5b: {  	_ =	shalt  }
0x5c: {  	_ =	shalt  }
0x5d: {  	_ =	shalt  }
0x5e: {  	_ =	shalt  }
0x5f: {  	_ =	shalt  }
0x60: {  	_ =	shalt  }
0x61: {  	_ =	shalt  }
0x62: {  	_ =	shalt  }
0x63: {  	_ =	shalt  }
0x64: {  	_ =	shalt  }
0x65: {  	_ =	shalt  }
0x66: {  	_ =	shalt  }
0x67: {  	_ =	shalt  }
0x68: {  	_ =	shalt  }
0x69: {  	_ =	shalt  }
0x6a: {  	_ =	shalt  }
0x6b: {  	_ =	shalt  }
0x6c: {  	_ =	shalt  }
0x6d: {  	_ =	shalt  }
0x6e: {  	_ =	shalt  }
0x6f: {  	_ =	shalt  }
0x70: {  	_ =	shalt  }
0x71: {  	_ =	shalt  }
0x72: {  	_ =	shalt  }
0x73: {  	_ =	shalt  }
0x74: {  	_ =	shalt  }
0x75: {  	_ =	shalt  }
0x76: {  	_ =	shalt  }
0x77: {  	_ =	shalt  }
0x78: {  	_ =	shalt  }
0x79: {  	_ =	shalt  }
0x7a: {  	_ =	shalt  }
0x7b: {  	_ =	shalt  }
0x7c: {  	_ =	shalt  }
0x7d: {  	_ =	shalt  }
0x7e: {  	_ =	shalt  }
0x7f: {  	_ =	shalt  }
0x80: {  	_ =	shalt  }
0x81: {  	_ =	shalt  }
0x82: {  	_ =	shalt  }
0x83: {  	_ =	shalt  }
0x84: {  	_ =	shalt  }
0x85: {  	_ =	shalt  }
0x86: {  	_ =	shalt  }
0x87: {  	_ =	shalt  }
.Lfunc_end0:
.L_simem_size_0:
called_computation_lowered:
.L_overlay_start_0:
0x88: {  	s2 =	sld [smem:$0x3FD9]  }
0x89: {  	s3 =	sld [smem:$0x3FFE];
	_ =	sdelay $0x1  }
0x8a: {  	s1 =	srdreg.scid  }
0x8b: {  	s0 =	sand.u32 $0x1, s1  }
0x8c: {  	s17 =	sshll.u32 s0, $0xA;
	s2 =	sadd.s32 s3, s2  }
0x8d: {  	s2 =	sadd.s32 s2, s17  }
0x8e: {  	[smem:$0x3FC1] =	sst s2  }
0x8f: {  	_ = 	snop  }
0x90: {  	s2 =	sld [smem:$0x3FC8]  }
0x91: {  	s18 =	sld [smem:$0x3FC7]  }
0x92: {  	s4 =	sld [smem:$0x3FC6]  }
0x93: {  	s5 =	sld [smem:$0x3FC5]  }
0x94: {  	s6 =	sld [smem:$0x3FD0];
	(tm) =	ssettm $0x1  }
0x95: {  	s7 =	sld [smem:$0x3FFB];
	_ =	sdelay $0x3  }
0x96: {  	_ =	strace s7  }
0x97: {  	s7 =	sld [smem:$0x3FFC];
	_ =	sdelay $0x3  }
0x98: {  	_ =	strace s7  }
0x99: {  	s7 =	sld [smem:$0x3FFD];
	_ =	sdelay $0x3  }
0x9a: {  	_ =	strace s7  }
0x9b: {  	_ =	strace $0x8FFFFFFF  }
0x9c: {  	s19 =	sld [smem:$0x3FDB];
	_ =	sdelay $0x1  }
0x9d: {  	s8 =	simm.s32 $_scs_section_size  }
0x9e: {  	s9 =	simm.s32 $_size__tile_overlayer_lowered;
	s10 =	simm.s32 $_tile_overlayer_lowered  }
0x9f: {  	s22 =	simm.s32 $0x1BFF;
	s21 =	sshll.u32 s10, $0x1;
	s7 =	sadd.s32 s8, s19  }
0xa0: {  	s11 =	simm.s32 $0x0;
	s20 =	sshll.u32 s9, $0x1;
	s9 =	sadd.s32 s21, s7  }
0xa1: {  	[timem:s11], [sflag:s22] =	dma.local [hbm:s9], s20  }
0xa2: {  	_ =	swait.ge [sflag:s22], s20  }
0xa3: {  	s8 =	ssub.s32 $0x0, s20;
	[sflag:s22] =	ssyncset.done $0x0  }
0xa4: {  	[sflag:s22] =	ssyncadd.s32 s8;
	_ =	sdelay $0x1  }
0xa5: {  	s23 =	simm.s32 $0x1B8B  }
0xa6: {  	_ =	swait.ge [sflag:s23], $0x1  }
0xa7: {  	[sflag:s23] =	ssyncset.done $0x0  }
0xa8: {  	s25 =	simm.s32 $0x1B8E;
	s24 =	sld [smem:$0x3FFE];
	[sflag:s23] =	ssyncadd.s32 $0xFFFFFFFF  }
0xa9: {  	s26 =	simm.s32 $execute0_lowered;
	[smem:$0x3FD2] =	sst s25  }
0xaa: {  	s9 =	sshll.u32 s26, $0x1;
	_ =	strace $0x80000046;
	[dreg:$0x1] =	wrdreg $0xFFFFFFFF  }
0xab: {  	s28 =	simm.s32 $_size_execute0_lowered;
	s7 =	sadd.s32 s7, s9;
	[dreg:$0x0] =	wrdreg $0x0  }
0xac: {  	s9 =	sshll.u32 s28, $0x1;
	[dreg:$0x2] =	wrdreg s7  }
0xad: {  	[dreg:$0x3] =	wrdreg s9  }
0xae: {  	[dreg:$0x4] =	wrdreg $0xC0  }
0xaf: {  	_ =	task [dreg:s11], $0x5FFFF  }
0xb0: {  	[dreg:$0x1] =	wrdreg $0xFFFFFFFF  }
0xb1: {  	[dreg:$0x0] =	wrdreg $0x60  }
0xb2: {  	[dreg:$0x2] =	wrdreg s24  }
0xb3: {  	[dreg:$0x3] =	wrdreg s2  }
0xb4: {  	[dreg:$0x4] =	wrdreg s18  }
0xb5: {  	[dreg:$0x5] =	wrdreg s4  }
0xb6: {  	[dreg:$0x6] =	wrdreg s5  }
0xb7: {  	[dreg:$0x7] =	wrdreg s6  }
0xb8: {  	[dreg:$0x8] =	wrdreg $0x9  }
0xb9: {  	_ =	task.clear_ibuf [dreg:s11], $0x9FFFF;
	_ =	strace $0x90000046  }
0xba: {  	s29 =	simm.s32 $0x9;
	_ =	strace $0x80000048  }
0xbb: {  	_ =	swait.ge [sflag:s29], $0x1  }
0xbc: {  	[sflag:s29] =	ssyncadd.s32 $0xFFFFFFFF  }
0xbd: {  	_ =	strace $0x90000048  }
0xbe: {  	_ =	sfence  }
0xbf: {  	s30 =	sld [smem:$0x0];
	_ =	sdelay $0x2  }
0xc0: {  	s31 =	sshll.u32 s1, $0xD;
	s1 =	sshrl.u32 s1, $0x2  }
0xc1: {  	s3 =	sand.u32 $0x4000, s31;
	s1 =	sadd.s32 s1, s30  }
0xc2: {  	s0 =	sor.u32 s3, s0;
	s1 =	sshll.u32 s1, $0x11  }
0xc3: {  	s0 =	sor.u32 s1, s0  }
0xc4: {  	s0 =	sadd.s32 $0x8F2B, s0  }
0xc5: {  	[sflag:s0] =	ssyncadd.remote.s32 $0x1  }
0xc6: {  	_ =	sfence.sel $0xFFFF  }
0xc7: {  	[dreg:$0x0] =	wrdreg $0xFFFFFFFF;
	(pc) =	sbr.abs _section_cstart, $3  }
0xc8: {  	[dreg:$0x1] =	wrdreg $0xFFFFFFFF  }
0xc9: {  	_ =	task.clear_ibuf [dreg:s11], $0x2FFFF;
	_ =	strace $0x9FFFFFFF  }
0xca: {  	(tm) =	ssettm $0x7FFFFFFF  }
0xcb: {  	_ =	shalt  }
tec
execute0_lowered:
.L_overlay_start_1:
0x0: {  	(tag) =	ssettag $0x1  }
0x1: {  	s2 =	rddreg [dreg:$0x0];
	s3 =	srdreg.scid  }
0x2: {  	s6 =	rddreg [dreg:$0x5];
	s11 =	stileid.u32  }
0x3: {  	s14 =	simm.s32 $0x0;
	s17 =	simm.s32 $0x1;
	s18 =	simm.s32 $0x400  }
0x4: {  	s19 =	simm.s32 $0x7A1400;
	s15 =	simm.s32 $0x4A00;
	s16 =	simm.s32 $0x5A00  }
0x5: {  	s12 =	simm.s32 $0x9A00;
	s13 =	simm.s32 $0xAA00;
	s20 =	simm.s32 $0xBA00  }
0x6: {  	s29 =	simm.s32 $0x2;
	s30 =	simm.s32 $0x3;
	s1 =	simm.s32 $0x0  }
0x7: {  	s3 =	sand.u32 $0x1, s3;
	s7 =	sshll.u32 s11, $0xA;
	[smem:$0x7FF] =	sst s14  }
0x8: {  	s26 =	sshll.u32 s11, $0xE;
	s8 =	sshll.u32 s3, $0x9;
	s22 =	ssub.s32 $0x2, s3  }
0x9: {  	s11 =	simm.s32 $0xDA00;
	s7 =	sor.u32 s8, s7;
	s10 =	sshrl.u32 s22, $0x1  }
0xa: {  	_ =	strace $0x80000047;
	s9 =	sshrl.u32 s7, $0x3;
	s8 =	ssub.s32 s22, s10  }
0xb: {  	s3 =	sshll.u32 s3, $0xD;
	s2 =	sadd.s32 s9, s2;
	s28 =	smax.u32 s8, $0x1  }
0xc: {  	s25 =	sshll.u32 s7, $0x4;
	s9 =	sadd.s32 $0x2400, s2;
	[dreg:$0xc] =	wrdreg s28  }
0xd: {  	s10 =	simm.s32 $0x2A00;
	s23 =	sadd.s32 $0x1C00, s2;
	[dreg:$0x7] =	wrdreg s9  }
0xe: {  	s7 =	simm.s32 $0x3A00;
	s24 =	sadd.s32 $0x1400, s2;
	[dreg:$0x8] =	wrdreg s23  }
0xf: {  	s22 =	simm.s32 $0xEA00;
	s2 =	sadd.s32 $0xC00, s2;
	[dreg:$0x9] =	wrdreg s24  }
.Ltmp0:
0x10: {  	s8 =	simm.s32 $0xA00;
	[dreg:$0xa] =	wrdreg s2;
	(pc) =	sbr.rel .LBB2_1-.Ltmp0, $4  }
0x11: {  	v0 =	vlaneseq.u32;
	s2 =	sadd.s32 s25, s6;
	s6 =	sadd.s32 s26, s6;
	s9 =	simm.s32 $0x1A00  }
0x12: {  	v0 =	vmul.u32 $0x80, v0;
	s24 =	simm.s32 $0x6A00;
	s2 =	sadd.s32 $0x1800, s2;
	s31 =	sadd.s32 s3, s6  }
0x13: {  	s25 =	simm.s32 $0x7A00;
	[dreg:$0xb] =	wrdreg s2;
	s2 =	sadd.s32 $0xFFFFF820, s31  }
0x14: {  	v1 =	vor.u32 $0x800, v0;
	s23 =	simm.s32 $0xFA00;
	s6 =	simm.s32 $0xCA00;
	[dreg:$0xd] =	wrdreg s2  }
.LBB2_4:
0x15: {  	_ =	swait.ge [sflag:s17], $0x1000  }
0x16: {  	[sflag:s17] =	ssyncset.done $0x0  }
0x17: {  	[sflag:s17] =	ssyncadd.s32 $0xFFFFF000  }
0x18: {  	_ =	swait.ge [sflag:s17], $0x1000  }
0x19: {  	[sflag:s17] =	ssyncset.done $0x0  }
0x1a: {  	[sflag:s17] =	ssyncadd.s32 $0xFFFFF000  }
0x1b: {  	_ =	swait.ge [sflag:s17], $0x1000  }
0x1c: {  	[sflag:s17] =	ssyncset.done $0x0  }
0x1d: {  	[sflag:s17] =	ssyncadd.s32 $0xFFFFF000  }
0x1e: {  	_ =	swait.ge [sflag:s17], $0x1000  }
0x1f: {  	[sflag:s17] =	ssyncset.done $0x0  }
0x20: {  	[sflag:s17] =	ssyncadd.s32 $0xFFFFF000  }
0x21: {  	_ =	swait.ge [sflag:s17], $0x1000  }
0x22: {  	[sflag:s17] =	ssyncset.done $0x0  }
0x23: {  	[sflag:s17] =	ssyncadd.s32 $0xFFFFF000  }
0x24: {  	_ =	swait.ge [sflag:s17], $0x1000  }
0x25: {  	[sflag:s17] =	ssyncset.done $0x0  }
0x26: {  	[sflag:s17] =	ssyncadd.s32 $0xFFFFF000  }
0x27: {  	_ =	swait.ge [sflag:s17], $0x1000  }
0x28: {  	[sflag:s17] =	ssyncset.done $0x0  }
0x29: {  	[sflag:s17] =	ssyncadd.s32 $0xFFFFF000  }
0x2a: {  	_ =	swait.ge [sflag:s17], $0x1000  }
0x2b: {  	[sflag:s17] =	ssyncset.done $0x0  }
0x2c: {  	[sflag:s17] =	ssyncadd.s32 $0xFFFFF000  }
0x2d: {  	v2 =	vld [tilespmem:$0x1FE];
	_ =	sdelay $0x4  }
0x2e: {  	(v2sf) =	vpush v2, $0x0;
	_ =	sdelay $0x6  }
0x2f: {  	(v2sf) =	vpush v2, $0x1;
	_ =	sdelay $0x1  }
0x30: {  	v2 =	vld [tilespmem:$0x47E];
	_ =	sdelay $0x4  }
0x31: {  	(v2sf) =	vpush v2, $0x0  }
0x32: {  	s2 =	spop (v2sf)  }
0x33: {  	s2 =	sand.u32 $0x7F, s2  }
0x34: {  	v3 =	vor.u32 s2, v0  }
0x35: {  	v4 =	vor.u32 s2, v1;
	_ =	sdelay $0x2  }
0x36: {  	s8 =	simm.s32 $0xA00;
	v5 =	vld [tilespmem:$0x6FE];
	(v2sf) =	vpush v2, $0x1  }
0x37: {  	s10 =	spop (v2sf);
	v3 =	vld.idx.msk [tilespmem:v3+s8+$0x0], $0xffff  }
0x38: {  	s2 =	sand.u32 $0x7F, s10;
	v2 =	vld.idx.msk [tilespmem:v4+s8+$0x0], $0xffff  }
0x39: {  	v50 =	vor.u32 s2, v0  }
0x3a: {  	v6 =	vor.u32 s2, v1;
	_ =	sdelay $0x1  }
0x3b: {  	[tilespmem:$0x1C900] =	vst v3  }
0x3c: {  	s9 =	simm.s32 $0x1A00;
	(v2sf) =	vpush v5, $0x0;
	[tilespmem:$0x1C910] =	vst v2  }
0x3d: {  	s14 =	spop (v2sf);
	v2 =	vld.idx.msk [tilespmem:v50+s9+$0x0], $0xffff  }
0x3e: {  	s2 =	sand.u32 $0x7F, s14;
	v3 =	vld.idx.msk [tilespmem:v6+s9+$0x0], $0xffff  }
0x3f: {  	v51 =	vor.u32 s2, v0  }
0x40: {  	v52 =	vor.u32 s2, v1;
	_ =	sdelay $0x1  }
0x41: {  	[tilespmem:$0x1C980] =	vst v2  }
0x42: {  	v53 =	vld [tilespmem:$0x97E];
	s10 =	simm.s32 $0x2A00;
	(v2sf) =	vpush v5, $0x1;
	[tilespmem:$0x1C990] =	vst v3  }
0x43: {  	s15 =	spop (v2sf);
	v2 =	vld.idx.msk [tilespmem:v51+s10+$0x0], $0xffff  }
0x44: {  	s2 =	sand.u32 $0x7F, s15;
	v3 =	vld.idx.msk [tilespmem:v52+s10+$0x0], $0xffff  }
0x45: {  	v54 =	vor.u32 s2, v0  }
0x46: {  	v55 =	vor.u32 s2, v1;
	_ =	sdelay $0x1  }
0x47: {  	[tilespmem:$0x1C920] =	vst v2  }
0x48: {  	s7 =	simm.s32 $0x3A00;
	(v2sf) =	vpush v53, $0x0;
	[tilespmem:$0x1C930] =	vst v3  }
0x49: {  	s16 =	spop (v2sf);
	v2 =	vld.idx.msk [tilespmem:v54+s7+$0x0], $0xffff  }
0x4a: {  	s2 =	sand.u32 $0x7F, s16;
	v3 =	vld.idx.msk [tilespmem:v55+s7+$0x0], $0xffff  }
0x4b: {  	v56 =	vor.u32 s2, v0  }
0x4c: {  	v57 =	vor.u32 s2, v1;
	_ =	sdelay $0x1  }
0x4d: {  	[tilespmem:$0x1C9A0] =	vst v2  }
0x4e: {  	(v2sf) =	vpush v53, $0x1;
	s15 =	simm.s32 $0x4A00;
	[tilespmem:$0x1C9B0] =	vst v3  }
0x4f: {  	s21 =	spop (v2sf);
	v2 =	vld.idx.msk [tilespmem:v56+s15+$0x0], $0xffff  }
0x50: {  	s2 =	sand.u32 $0x7F, s21;
	v3 =	vld.idx.msk [tilespmem:v57+s15+$0x0], $0xffff  }
0x51: {  	v58 =	vor.u32 s2, v0  }
0x52: {  	v59 =	vor.u32 s2, v1;
	_ =	sdelay $0x1  }
0x53: {  	[tilespmem:$0x1C940] =	vst v2  }
0x54: {  	s16 =	simm.s32 $0x5A00;
	[tilespmem:$0x1C950] =	vst v3  }
0x55: {  	s24 =	spop (v2sf);
	v2 =	vld.idx.msk [tilespmem:v58+s16+$0x0], $0xffff  }
0x56: {  	s2 =	sand.u32 $0x7F, s24;
	v3 =	vld.idx.msk [tilespmem:v59+s16+$0x0], $0xffff  }
0x57: {  	v60 =	vor.u32 s2, v0  }
0x58: {  	v61 =	vor.u32 s2, v1;
	_ =	sdelay $0x1  }
0x59: {  	[tilespmem:$0x1C9C0] =	vst v2  }
0x5a: {  	s24 =	simm.s32 $0x6A00;
	[tilespmem:$0x1C9D0] =	vst v3  }
0x5b: {  	s25 =	spop (v2sf);
	v2 =	vld.idx.msk [tilespmem:v60+s24+$0x0], $0xffff  }
0x5c: {  	s2 =	sand.u32 $0x7F, s25;
	v3 =	vld.idx.msk [tilespmem:v61+s24+$0x0], $0xffff  }
0x5d: {  	v62 =	vor.u32 s2, v0  }
0x5e: {  	v63 =	vor.u32 s2, v1;
	_ =	sdelay $0x1  }
0x5f: {  	[tilespmem:$0x1C960] =	vst v2  }
0x60: {  	s25 =	simm.s32 $0x7A00;
	[tilespmem:$0x1C970] =	vst v3  }
0x61: {  	v2 =	vld.idx.msk [tilespmem:v62+s25+$0x0], $0xffff  }
0x62: {  	v3 =	vld.idx.msk [tilespmem:v63+s25+$0x0], $0xffff;
	_ =	sdelay $0x3  }
0x63: {  	s0 =	simm.s32 $0x18A00;
	[tilespmem:$0x1C9E0] =	vst v2  }
0x64: {  	s28 =	simm.s32 $0x4;
	s26 =	rddreg [dreg:$0xb];
	s14 =	simm.s32 $0x0;
	[tilespmem:$0x1C9F0] =	vst v3  }
0x65: {  	[hbm4b:s26+s14] =	stream.linear.scatter [tilespmem:s0], [sflag:$0x4], $0x4000, $0x38;
	[tilespmem:$0x1CA00] =	vst v63  }
0x66: {  	_ =	swait.ge [sflag:s28], $0x4000  }
0x67: {  	s1 =	rddreg [dreg:$0xe]  }
0x68: {  	s31 =	rddreg [dreg:$0xc];
	s1 =	sadd.s32 $0x1, s1  }
0x69: {  	p0 =	sne.s32 s1, s31  }
.Ltmp1:
0x6a: {  	_ = 	snop;
	(pc) =	sbr.rel @!p0 .LBB2_5-.Ltmp1, $3  }
0x6b: {  	_ =	sdelay $0x1  }
0x6c: {  	[sflag:s28] =	ssyncset.done $0x0  }
0x6d: {  	[sflag:s28] =	ssyncadd.s32 $0xFFFFC000  }
.LBB2_1:
0x6e: {  	[dreg:$0xe] =	wrdreg s1  }
0x6f: {  	s2 =	rddreg [dreg:$0x7]  }
0x70: {  	[tilespmem:s14], [sflag:$0x1] =	stream.linear.gather [hbm4b:s2+s14], $0x200, $0x38;
	[tilespmem:$0x1CA00] =	vst v63  }
0x71: {  	s4 =	rddreg [dreg:$0x8];
	s3 =	simm.s32 $0x280  }
0x72: {  	[tilespmem:s3], [sflag:$0x1] =	stream.linear.gather [hbm4b:s4+s14], $0x200, $0x38;
	[tilespmem:$0x1CA00] =	vst v63  }
0x73: {  	s5 =	rddreg [dreg:$0x9];
	s21 =	simm.s32 $0x500  }
0x74: {  	[tilespmem:s21], [sflag:$0x1] =	stream.linear.gather [hbm4b:s5+s14], $0x200, $0x38;
	[tilespmem:$0x1CA00] =	vst v63  }
0x75: {  	s26 =	rddreg [dreg:$0xa];
	s0 =	simm.s32 $0x780  }
0x76: {  	[tilespmem:s0], [sflag:$0x1] =	stream.linear.gather [hbm4b:s26+s14], $0x200, $0x38;
	[tilespmem:$0x1CA00] =	vst v63  }
0x77: {  	_ =	swait.ge [sflag:s17], $0x200  }
0x78: {  	[sflag:s17] =	ssyncset.done $0x0  }
0x79: {  	[sflag:s17] =	ssyncadd.s32 $0xFFFFFE00  }
0x7a: {  	_ =	swait.ge [sflag:s17], $0x200  }
0x7b: {  	[sflag:s17] =	ssyncset.done $0x0  }
0x7c: {  	[sflag:s17] =	ssyncadd.s32 $0xFFFFFE00  }
0x7d: {  	_ =	swait.ge [sflag:s17], $0x200  }
0x7e: {  	[sflag:s17] =	ssyncset.done $0x0  }
0x7f: {  	[sflag:s17] =	ssyncadd.s32 $0xFFFFFE00  }
0x80: {  	_ =	swait.ge [sflag:s17], $0x200  }
0x81: {  	[sflag:s17] =	ssyncset.done $0x0  }
0x82: {  	[sflag:s17] =	ssyncadd.s32 $0xFFFFFE00  }
0x83: {  	v2 =	vld [tilespmem:$0x0];
	_ =	sdelay $0x4  }
0x84: {  	(v2sf) =	vpush v2, $0x0;
	_ =	sdelay $0x1  }
0x85: {  	(v2sf) =	vpush v2, $0x1;
	_ =	sdelay $0xc  }
0x86: {  	s1 =	spop (v2sf)  }
0x87: {  	s21 =	rddreg [dreg:$0x1];
	s2 =	sand.u32 $0xFFFFF80, s1  }
0x88: {  	s3 =	spop (v2sf);
	s2 =	sadd.s32 s21, s2  }
0x89: {  	[tilespmem:s8], [sflag:$0x1] =	stream.strided.gather [hbm4b:s2+s18], $0x1000, s19, s18, $0x38;
	[tilespmem:$0x1CA00] =	vst v63  }
0x8a: {  	s2 =	sand.u32 $0xFFFFF80, s3  }
0x8b: {  	s2 =	sadd.s32 s21, s2  }
0x8c: {  	[tilespmem:s9], [sflag:$0x1] =	stream.strided.gather [hbm4b:s2+s18], $0x1000, s19, s18, $0x38;
	[tilespmem:$0x1CA00] =	vst v63  }
0x8d: {  	v2 =	vld [tilespmem:$0x280];
	_ =	sdelay $0x4  }
0x8e: {  	(v2sf) =	vpush v2, $0x0;
	_ =	sdelay $0x1  }
0x8f: {  	(v2sf) =	vpush v2, $0x1;
	_ =	sdelay $0xc  }
0x90: {  	s4 =	spop (v2sf)  }
0x91: {  	s1 =	rddreg [dreg:$0x2];
	s2 =	sand.u32 $0xFFFFF80, s4  }
0x92: {  	s5 =	spop (v2sf);
	s2 =	sadd.s32 s1, s2  }
0x93: {  	[tilespmem:s10], [sflag:$0x1] =	stream.strided.gather [hbm4b:s2+s18], $0x1000, s19, s18, $0x38;
	[tilespmem:$0x1CA00] =	vst v63  }
0x94: {  	s2 =	sand.u32 $0xFFFFF80, s5  }
0x95: {  	s2 =	sadd.s32 s1, s2  }
0x96: {  	[tilespmem:s7], [sflag:$0x1] =	stream.strided.gather [hbm4b:s2+s18], $0x1000, s19, s18, $0x38;
	[tilespmem:$0x1CA00] =	vst v63  }
0x97: {  	v2 =	vld [tilespmem:$0x500];
	_ =	sdelay $0x4  }
0x98: {  	(v2sf) =	vpush v2, $0x0;
	_ =	sdelay $0x1  }
0x99: {  	(v2sf) =	vpush v2, $0x1;
	_ =	sdelay $0xc  }
0x9a: {  	s14 =	spop (v2sf)  }
0x9b: {  	s4 =	rddreg [dreg:$0x3];
	s2 =	sand.u32 $0xFFFFF80, s14  }
0x9c: {  	s26 =	spop (v2sf);
	s2 =	sadd.s32 s4, s2  }
0x9d: {  	[tilespmem:s15], [sflag:$0x1] =	stream.strided.gather [hbm4b:s2+s18], $0x1000, s19, s18, $0x38;
	[tilespmem:$0x1CA00] =	vst v63  }
0x9e: {  	s2 =	sand.u32 $0xFFFFF80, s26  }
0x9f: {  	s2 =	sadd.s32 s4, s2  }
0xa0: {  	[tilespmem:s16], [sflag:$0x1] =	stream.strided.gather [hbm4b:s2+s18], $0x1000, s19, s18, $0x38;
	[tilespmem:$0x1CA00] =	vst v63  }
0xa1: {  	v2 =	vld [tilespmem:$0x780];
	_ =	sdelay $0x4  }
0xa2: {  	(v2sf) =	vpush v2, $0x0;
	_ =	sdelay $0x1  }
0xa3: {  	(v2sf) =	vpush v2, $0x1;
	_ =	sdelay $0xc  }
0xa4: {  	s0 =	spop (v2sf)  }
0xa5: {  	s5 =	rddreg [dreg:$0x4];
	s2 =	sand.u32 $0xFFFFF80, s0  }
0xa6: {  	s3 =	spop (v2sf);
	s2 =	sadd.s32 s5, s2  }
0xa7: {  	[tilespmem:s24], [sflag:$0x1] =	stream.strided.gather [hbm4b:s2+s18], $0x1000, s19, s18, $0x38;
	[tilespmem:$0x1CA00] =	vst v63  }
0xa8: {  	s2 =	sand.u32 $0xFFFFF80, s3  }
0xa9: {  	s2 =	sadd.s32 s5, s2  }
0xaa: {  	[tilespmem:s25], [sflag:$0x1] =	stream.strided.gather [hbm4b:s2+s18], $0x1000, s19, s18, $0x38;
	[tilespmem:$0x1CA00] =	vst v63  }
0xab: {  	v2 =	vld [tilespmem:$0x2];
	_ =	sdelay $0x4  }
0xac: {  	(v2sf) =	vpush v2, $0x0;
	_ =	sdelay $0x1  }
0xad: {  	(v2sf) =	vpush v2, $0x1;
	_ =	sdelay $0xc  }
0xae: {  	s7 =	spop (v2sf)  }
0xaf: {  	s2 =	sand.u32 $0xFFFFF80, s7  }
0xb0: {  	s0 =	simm.s32 $0x8A00;
	s14 =	spop (v2sf);
	s2 =	sadd.s32 s21, s2  }
0xb1: {  	[tilespmem:s0], [sflag:$0x2] =	stream.strided.gather [hbm4b:s2+s18], $0x1000, s19, s18, $0x38;
	[tilespmem:$0x1CA00] =	vst v63  }
0xb2: {  	s2 =	sand.u32 $0xFFFFF80, s14  }
0xb3: {  	s2 =	sadd.s32 s21, s2  }
0xb4: {  	[tilespmem:s12], [sflag:$0x2] =	stream.strided.gather [hbm4b:s2+s18], $0x1000, s19, s18, $0x38;
	[tilespmem:$0x1CA00] =	vst v63  }
0xb5: {  	v2 =	vld [tilespmem:$0x282];
	_ =	sdelay $0x4  }
0xb6: {  	(v2sf) =	vpush v2, $0x0;
	_ =	sdelay $0x1  }
0xb7: {  	(v2sf) =	vpush v2, $0x1;
	_ =	sdelay $0xc  }
0xb8: {  	s15 =	spop (v2sf)  }
0xb9: {  	s2 =	sand.u32 $0xFFFFF80, s15  }
0xba: {  	s16 =	spop (v2sf);
	s2 =	sadd.s32 s1, s2  }
0xbb: {  	[tilespmem:s13], [sflag:$0x2] =	stream.strided.gather [hbm4b:s2+s18], $0x1000, s19, s18, $0x38;
	[tilespmem:$0x1CA00] =	vst v63  }
0xbc: {  	s2 =	sand.u32 $0xFFFFF80, s16  }
0xbd: {  	s2 =	sadd.s32 s1, s2  }
0xbe: {  	[tilespmem:s20], [sflag:$0x2] =	stream.strided.gather [hbm4b:s2+s18], $0x1000, s19, s18, $0x38;
	[tilespmem:$0x1CA00] =	vst v63  }
0xbf: {  	v2 =	vld [tilespmem:$0x502];
	_ =	sdelay $0x4  }
0xc0: {  	(v2sf) =	vpush v2, $0x0;
	_ =	sdelay $0x1  }
0xc1: {  	(v2sf) =	vpush v2, $0x1;
	_ =	sdelay $0xc  }
0xc2: {  	s24 =	spop (v2sf)  }
0xc3: {  	s2 =	sand.u32 $0xFFFFF80, s24  }
0xc4: {  	s25 =	spop (v2sf);
	s2 =	sadd.s32 s4, s2  }
0xc5: {  	[tilespmem:s6], [sflag:$0x2] =	stream.strided.gather [hbm4b:s2+s18], $0x1000, s19, s18, $0x38;
	[tilespmem:$0x1CA00] =	vst v63  }
0xc6: {  	s2 =	sand.u32 $0xFFFFF80, s25  }
0xc7: {  	s2 =	sadd.s32 s4, s2  }
0xc8: {  	[tilespmem:s11], [sflag:$0x2] =	stream.strided.gather [hbm4b:s2+s18], $0x1000, s19, s18, $0x38;
	[tilespmem:$0x1CA00] =	vst v63  }
0xc9: {  	v2 =	vld [tilespmem:$0x782];
	_ =	sdelay $0x4  }
0xca: {  	(v2sf) =	vpush v2, $0x0;
	_ =	sdelay $0x1  }
0xcb: {  	(v2sf) =	vpush v2, $0x1;
	_ =	sdelay $0xc  }
0xcc: {  	s26 =	spop (v2sf)  }
0xcd: {  	s2 =	sand.u32 $0xFFFFF80, s26  }
0xce: {  	s0 =	spop (v2sf);
	s2 =	sadd.s32 s5, s2  }
0xcf: {  	[tilespmem:s22], [sflag:$0x2] =	stream.strided.gather [hbm4b:s2+s18], $0x1000, s19, s18, $0x38;
	[tilespmem:$0x1CA00] =	vst v63  }
0xd0: {  	s2 =	sand.u32 $0xFFFFF80, s0  }
0xd1: {  	s2 =	sadd.s32 s5, s2  }
0xd2: {  	[tilespmem:s23], [sflag:$0x2] =	stream.strided.gather [hbm4b:s2+s18], $0x1000, s19, s18, $0x38;
	[tilespmem:$0x1CA00] =	vst v63  }
0xd3: {  	v2 =	vld [tilespmem:$0x4];
	_ =	sdelay $0x4  }
0xd4: {  	(v2sf) =	vpush v2, $0x0;
	_ =	sdelay $0x1  }
0xd5: {  	(v2sf) =	vpush v2, $0x1;
	_ =	sdelay $0xc  }
0xd6: {  	s3 =	spop (v2sf)  }
0xd7: {  	s2 =	sand.u32 $0xFFFFF80, s3  }
0xd8: {  	s24 =	simm.s32 $0x10A00;
	s13 =	spop (v2sf);
	s2 =	sadd.s32 s21, s2  }
0xd9: {  	[tilespmem:s24], [sflag:$0x3] =	stream.strided.gather [hbm4b:s2+s18], $0x1000, s19, s18, $0x38;
	[tilespmem:$0x1CA00] =	vst v63  }
0xda: {  	s2 =	sand.u32 $0xFFFFF80, s13  }
0xdb: {  	s25 =	simm.s32 $0x11A00;
	s2 =	sadd.s32 s21, s2  }
0xdc: {  	[tilespmem:s25], [sflag:$0x3] =	stream.strided.gather [hbm4b:s2+s18], $0x1000, s19, s18, $0x38;
	[tilespmem:$0x1CA00] =	vst v63  }
0xdd: {  	v2 =	vld [tilespmem:$0x284];
	_ =	sdelay $0x4  }
0xde: {  	(v2sf) =	vpush v2, $0x0;
	_ =	sdelay $0x1  }
0xdf: {  	(v2sf) =	vpush v2, $0x1;
	_ =	sdelay $0xc  }
0xe0: {  	s14 =	spop (v2sf)  }
0xe1: {  	s2 =	sand.u32 $0xFFFFF80, s14  }
0xe2: {  	s26 =	simm.s32 $0x12A00;
	s15 =	spop (v2sf);
	s2 =	sadd.s32 s1, s2  }
0xe3: {  	[tilespmem:s26], [sflag:$0x3] =	stream.strided.gather [hbm4b:s2+s18], $0x1000, s19, s18, $0x38;
	[tilespmem:$0x1CA00] =	vst v63  }
0xe4: {  	s2 =	sand.u32 $0xFFFFF80, s15  }
0xe5: {  	s28 =	simm.s32 $0x13A00;
	s2 =	sadd.s32 s1, s2  }
0xe6: {  	[tilespmem:s28], [sflag:$0x3] =	stream.strided.gather [hbm4b:s2+s18], $0x1000, s19, s18, $0x38;
	[tilespmem:$0x1CA00] =	vst v63  }
0xe7: {  	v2 =	vld [tilespmem:$0x504];
	_ =	sdelay $0x4  }
0xe8: {  	(v2sf) =	vpush v2, $0x0;
	_ =	sdelay $0x1  }
0xe9: {  	(v2sf) =	vpush v2, $0x1;
	_ =	sdelay $0xc  }
0xea: {  	s16 =	spop (v2sf)  }
0xeb: {  	s2 =	sand.u32 $0xFFFFF80, s16  }
0xec: {  	s0 =	simm.s32 $0x14A00;
	s20 =	spop (v2sf);
	s2 =	sadd.s32 s4, s2  }
0xed: {  	[tilespmem:s0], [sflag:$0x3] =	stream.strided.gather [hbm4b:s2+s18], $0x1000, s19, s18, $0x38;
	[tilespmem:$0x1CA00] =	vst v63  }
0xee: {  	s2 =	sand.u32 $0xFFFFF80, s20  }
0xef: {  	s6 =	simm.s32 $0x15A00;
	s2 =	sadd.s32 s4, s2  }
0xf0: {  	[tilespmem:s6], [sflag:$0x3] =	stream.strided.gather [hbm4b:s2+s18], $0x1000, s19, s18, $0x38;
	[tilespmem:$0x1CA00] =	vst v63  }
0xf1: {  	v2 =	vld [tilespmem:$0x784];
	_ =	sdelay $0x4  }
0xf2: {  	(v2sf) =	vpush v2, $0x0;
	_ =	sdelay $0x1  }
0xf3: {  	(v2sf) =	vpush v2, $0x1;
	_ =	sdelay $0xc  }
0xf4: {  	s22 =	spop (v2sf)  }
0xf5: {  	s2 =	sand.u32 $0xFFFFF80, s22  }
0xf6: {  	s11 =	simm.s32 $0x16A00;
	s23 =	spop (v2sf);
	s2 =	sadd.s32 s5, s2  }
0xf7: {  	[tilespmem:s11], [sflag:$0x3] =	stream.strided.gather [hbm4b:s2+s18], $0x1000, s19, s18, $0x38;
	[tilespmem:$0x1CA00] =	vst v63  }
0xf8: {  	s2 =	sand.u32 $0xFFFFF80, s23  }
0xf9: {  	s31 =	simm.s32 $0x0;
	s12 =	simm.s32 $0x17A00;
	s2 =	sadd.s32 s5, s2  }
0xfa: {  	[tilespmem:s12], [sflag:$0x3] =	stream.strided.gather [hbm4b:s2+s18], $0x1000, s19, s18, $0x38;
	[tilespmem:$0x1CA00] =	vst v63  }
0xfb: {  	s3 =	simm.s32 $0x3;
	s14 =	simm.s32 $0x0;
	s2 =	rddreg [dreg:$0xd]  }
.LBB2_2:
0xfc: {  	_ =	swait.ge [sflag:s17], $0x1000  }
0xfd: {  	[sflag:s17] =	ssyncset.done $0x0  }
0xfe: {  	[sflag:s17] =	ssyncadd.s32 $0xFFFFF000  }
0xff: {  	_ =	swait.ge [sflag:s17], $0x1000  }
0x100: {  	[sflag:s17] =	ssyncset.done $0x0  }
0x101: {  	[sflag:s17] =	ssyncadd.s32 $0xFFFFF000  }
0x102: {  	_ =	swait.ge [sflag:s17], $0x1000  }
0x103: {  	[sflag:s17] =	ssyncset.done $0x0  }
0x104: {  	[sflag:s17] =	ssyncadd.s32 $0xFFFFF000  }
0x105: {  	_ =	swait.ge [sflag:s17], $0x1000  }
0x106: {  	[sflag:s17] =	ssyncset.done $0x0  }
0x107: {  	[sflag:s17] =	ssyncadd.s32 $0xFFFFF000  }
0x108: {  	_ =	swait.ge [sflag:s17], $0x1000  }
0x109: {  	[sflag:s17] =	ssyncset.done $0x0  }
0x10a: {  	[sflag:s17] =	ssyncadd.s32 $0xFFFFF000  }
0x10b: {  	_ =	swait.ge [sflag:s17], $0x1000  }
0x10c: {  	[sflag:s17] =	ssyncset.done $0x0  }
0x10d: {  	[sflag:s17] =	ssyncadd.s32 $0xFFFFF000  }
0x10e: {  	_ =	swait.ge [sflag:s17], $0x1000  }
0x10f: {  	[sflag:s17] =	ssyncset.done $0x0  }
0x110: {  	[sflag:s17] =	ssyncadd.s32 $0xFFFFF000  }
0x111: {  	_ =	swait.ge [sflag:s17], $0x1000  }
0x112: {  	[sflag:s17] =	ssyncset.done $0x0  }
0x113: {  	s15 =	sshra.s32 s31, $0x2;
	[sflag:s17] =	ssyncadd.s32 $0xFFFFF000  }
0x114: {  	v2 =	vld [tilespmem:s15+$0x0];
	_ =	sdelay $0x4  }
0x115: {  	(v2sf) =	vpush v2, $0x0;
	_ =	sdelay $0x6  }
0x116: {  	(v2sf) =	vpush v2, $0x1;
	_ =	sdelay $0x7  }
0x117: {  	s16 =	spop (v2sf)  }
0x118: {  	s16 =	sand.u32 $0x7F, s16  }
0x119: {  	v2 =	vor.u32 s16, v0  }
0x11a: {  	v3 =	vor.u32 s16, v1;
	_ =	sdelay $0x3  }
0x11b: {  	s22 =	spop (v2sf);
	v2 =	vld.idx.msk [tilespmem:v2+s8+$0x0], $0xffff  }
0x11c: {  	s16 =	sand.u32 $0x7F, s22;
	v3 =	vld.idx.msk [tilespmem:v3+s8+$0x0], $0xffff  }
0x11d: {  	v4 =	vor.u32 s16, v0  }
0x11e: {  	v5 =	vor.u32 s16, v1  }
0x11f: {  	s23 =	sand.u32 $0x3F00, s14  }
0x120: {  	[tilespmem:s23+$0x18A00] =	vst v2  }
0x121: {  	[tilespmem:s23+$0x18A10] =	vst v3  }
0x122: {  	v2 =	vld.idx.msk [tilespmem:v4+s9+$0x0], $0xffff  }
0x123: {  	v3 =	vld.idx.msk [tilespmem:v5+s9+$0x0], $0xffff;
	_ =	sdelay $0x3  }
0x124: {  	[tilespmem:s23+$0x18A80] =	vst v2  }
0x125: {  	[tilespmem:s23+$0x18A90] =	vst v3  }
0x126: {  	v2 =	vld [tilespmem:s15+$0x280];
	_ =	sdelay $0x4  }
0x127: {  	(v2sf) =	vpush v2, $0x0;
	_ =	sdelay $0x6  }
0x128: {  	(v2sf) =	vpush v2, $0x1;
	_ =	sdelay $0x7  }
0x129: {  	s7 =	spop (v2sf)  }
0x12a: {  	s7 =	sand.u32 $0x7F, s7  }
0x12b: {  	v2 =	vor.u32 s7, v0  }
0x12c: {  	v3 =	vor.u32 s7, v1;
	_ =	sdelay $0x3  }
0x12d: {  	s6 =	spop (v2sf);
	v2 =	vld.idx.msk [tilespmem:v2+s10+$0x0], $0xffff  }
0x12e: {  	s7 =	sand.u32 $0x7F, s6;
	v3 =	vld.idx.msk [tilespmem:v3+s10+$0x0], $0xffff  }
0x12f: {  	v42 =	vor.u32 s7, v0  }
0x130: {  	v43 =	vor.u32 s7, v1;
	_ =	sdelay $0x1  }
0x131: {  	[tilespmem:s23+$0x18A20] =	vst v2  }
0x132: {  	s6 =	simm.s32 $0x3A00;
	[tilespmem:s23+$0x18A30] =	vst v3  }
0x133: {  	v2 =	vld.idx.msk [tilespmem:v42+s6+$0x0], $0xffff  }
0x134: {  	v3 =	vld.idx.msk [tilespmem:v43+s6+$0x0], $0xffff;
	_ =	sdelay $0x3  }
0x135: {  	[tilespmem:s23+$0x18AA0] =	vst v2  }
0x136: {  	[tilespmem:s23+$0x18AB0] =	vst v3  }
0x137: {  	v2 =	vld [tilespmem:s15+$0x500];
	_ =	sdelay $0x4  }
0x138: {  	(v2sf) =	vpush v2, $0x0;
	_ =	sdelay $0x6  }
0x139: {  	(v2sf) =	vpush v2, $0x1;
	_ =	sdelay $0x7  }
0x13a: {  	s11 =	spop (v2sf)  }
0x13b: {  	s7 =	sand.u32 $0x7F, s11  }
0x13c: {  	v2 =	vor.u32 s7, v0  }
0x13d: {  	v3 =	vor.u32 s7, v1;
	_ =	sdelay $0x2  }
0x13e: {  	s11 =	simm.s32 $0x4A00  }
0x13f: {  	s12 =	spop (v2sf);
	v2 =	vld.idx.msk [tilespmem:v2+s11+$0x0], $0xffff  }
0x140: {  	s7 =	sand.u32 $0x7F, s12;
	v3 =	vld.idx.msk [tilespmem:v3+s11+$0x0], $0xffff  }
0x141: {  	v44 =	vor.u32 s7, v0  }
0x142: {  	v45 =	vor.u32 s7, v1;
	_ =	sdelay $0x1  }
0x143: {  	[tilespmem:s23+$0x18A40] =	vst v2  }
0x144: {  	s12 =	simm.s32 $0x5A00;
	[tilespmem:s23+$0x18A50] =	vst v3  }
0x145: {  	v2 =	vld.idx.msk [tilespmem:v44+s12+$0x0], $0xffff  }
0x146: {  	v3 =	vld.idx.msk [tilespmem:v45+s12+$0x0], $0xffff;
	_ =	sdelay $0x3  }
0x147: {  	[tilespmem:s23+$0x18AC0] =	vst v2  }
0x148: {  	[tilespmem:s23+$0x18AD0] =	vst v3  }
0x149: {  	v2 =	vld [tilespmem:s15+$0x780];
	_ =	sdelay $0x4  }
0x14a: {  	(v2sf) =	vpush v2, $0x0;
	_ =	sdelay $0x6  }
0x14b: {  	(v2sf) =	vpush v2, $0x1;
	_ =	sdelay $0x7  }
0x14c: {  	s13 =	spop (v2sf)  }
0x14d: {  	s7 =	sand.u32 $0x7F, s13  }
0x14e: {  	v2 =	vor.u32 s7, v0  }
0x14f: {  	v3 =	vor.u32 s7, v1;
	_ =	sdelay $0x2  }
0x150: {  	s13 =	simm.s32 $0x6A00  }
0x151: {  	s20 =	spop (v2sf);
	v2 =	vld.idx.msk [tilespmem:v2+s13+$0x0], $0xffff  }
0x152: {  	s7 =	sand.u32 $0x7F, s20;
	v3 =	vld.idx.msk [tilespmem:v3+s13+$0x0], $0xffff  }
0x153: {  	v46 =	vor.u32 s7, v0  }
0x154: {  	v47 =	vor.u32 s7, v1;
	_ =	sdelay $0x1  }
0x155: {  	[tilespmem:s23+$0x18A60] =	vst v2  }
0x156: {  	s20 =	simm.s32 $0x7A00;
	[tilespmem:s23+$0x18A70] =	vst v3  }
0x157: {  	v2 =	vld.idx.msk [tilespmem:v46+s20+$0x0], $0xffff  }
0x158: {  	v3 =	vld.idx.msk [tilespmem:v47+s20+$0x0], $0xffff;
	_ =	sdelay $0x1  }
0x159: {  	s22 =	sadd.s32 $0xFFFFFFFD, s3  }
0x15a: {  	s7 =	sand.u32 $0x3F, s22  }
0x15b: {  	p0 =	sne.s32 s7, $0x3F;
	[tilespmem:s23+$0x18AE0] =	vst v2  }
0x15c: {  	s7 =	simm.s32 @!p0 $0x0;
	s16 =	simm.s32 @!p0 $0x18A00;
	[tilespmem:s23+$0x18AF0] =	vst v3  }
0x15d: {  	[hbm4b:s2+s7] =	stream.linear.scatter @!p0 [tilespmem:s16], [sflag:$0x4], $0x4000, $0x38;
	[tilespmem:$0x1CA00] =	vst v63  }
0x15e: {  	s7 =	simm.s32 @!p0 $0x4  }
0x15f: {  	_ =	swait.ge @!p0 [sflag:s7], $0x4000  }
0x160: {  	[sflag:s7] =	ssyncset.done @!p0 $0x0  }
0x161: {  	[sflag:s7] =	ssyncadd.s32 @!p0 $0xFFFFC000  }
0x162: {  	v2 =	vld [tilespmem:s15+$0x6];
	_ =	sdelay $0x4  }
0x163: {  	(v2sf) =	vpush v2, $0x0;
	_ =	sdelay $0x3  }
0x164: {  	(v2sf) =	vpush v2, $0x1;
	_ =	sdelay $0xa  }
0x165: {  	s23 =	spop (v2sf)  }
0x166: {  	s7 =	sand.u32 $0xFFFFF80, s23  }
0x167: {  	s7 =	sadd.s32 s21, s7  }
0x168: {  	[tilespmem:s8], [sflag:$0x1] =	stream.strided.gather [hbm4b:s7+s18], $0x1000, s19, s18, $0x38;
	[tilespmem:$0x1CA00] =	vst v63  }
0x169: {  	s8 =	spop (v2sf)  }
0x16a: {  	s7 =	sand.u32 $0xFFFFF80, s8  }
0x16b: {  	s7 =	sadd.s32 s21, s7  }
0x16c: {  	[tilespmem:s9], [sflag:$0x1] =	stream.strided.gather [hbm4b:s7+s18], $0x1000, s19, s18, $0x38;
	[tilespmem:$0x1CA00] =	vst v63  }
0x16d: {  	v2 =	vld [tilespmem:s15+$0x286];
	_ =	sdelay $0x4  }
0x16e: {  	(v2sf) =	vpush v2, $0x0;
	_ =	sdelay $0x1  }
0x16f: {  	(v2sf) =	vpush v2, $0x1;
	_ =	sdelay $0xc  }
0x170: {  	s16 =	spop (v2sf)  }
0x171: {  	s7 =	sand.u32 $0xFFFFF80, s16  }
0x172: {  	s22 =	spop (v2sf);
	s7 =	sadd.s32 s1, s7  }
0x173: {  	[tilespmem:s10], [sflag:$0x1] =	stream.strided.gather [hbm4b:s7+s18], $0x1000, s19, s18, $0x38;
	[tilespmem:$0x1CA00] =	vst v63  }
0x174: {  	s7 =	sand.u32 $0xFFFFF80, s22  }
0x175: {  	s7 =	sadd.s32 s1, s7  }
0x176: {  	[tilespmem:s6], [sflag:$0x1] =	stream.strided.gather [hbm4b:s7+s18], $0x1000, s19, s18, $0x38;
	[tilespmem:$0x1CA00] =	vst v63  }
0x177: {  	v2 =	vld [tilespmem:s15+$0x506];
	_ =	sdelay $0x4  }
0x178: {  	(v2sf) =	vpush v2, $0x0;
	_ =	sdelay $0x1  }
0x179: {  	(v2sf) =	vpush v2, $0x1;
	_ =	sdelay $0xc  }
0x17a: {  	s23 =	spop (v2sf)  }
0x17b: {  	s7 =	sand.u32 $0xFFFFF80, s23  }
0x17c: {  	s6 =	spop (v2sf);
	s7 =	sadd.s32 s4, s7  }
0x17d: {  	[tilespmem:s11], [sflag:$0x1] =	stream.strided.gather [hbm4b:s7+s18], $0x1000, s19, s18, $0x38;
	[tilespmem:$0x1CA00] =	vst v63  }
0x17e: {  	s7 =	sand.u32 $0xFFFFF80, s6  }
0x17f: {  	s7 =	sadd.s32 s4, s7  }
0x180: {  	[tilespmem:s12], [sflag:$0x1] =	stream.strided.gather [hbm4b:s7+s18], $0x1000, s19, s18, $0x38;
	[tilespmem:$0x1CA00] =	vst v63  }
0x181: {  	v2 =	vld [tilespmem:s15+$0x786];
	_ =	sdelay $0x4  }
0x182: {  	(v2sf) =	vpush v2, $0x0;
	_ =	sdelay $0x1  }
0x183: {  	(v2sf) =	vpush v2, $0x1;
	_ =	sdelay $0xc  }
0x184: {  	s8 =	spop (v2sf)  }
0x185: {  	s7 =	sand.u32 $0xFFFFF80, s8  }
0x186: {  	s9 =	spop (v2sf);
	s7 =	sadd.s32 s5, s7  }
0x187: {  	[tilespmem:s13], [sflag:$0x1] =	stream.strided.gather [hbm4b:s7+s18], $0x1000, s19, s18, $0x38;
	[tilespmem:$0x1CA00] =	vst v63  }
0x188: {  	s7 =	sand.u32 $0xFFFFF80, s9  }
0x189: {  	s7 =	sadd.s32 s5, s7  }
0x18a: {  	[tilespmem:s20], [sflag:$0x1] =	stream.strided.gather [hbm4b:s7+s18], $0x1000, s19, s18, $0x38;
	[tilespmem:$0x1CA00] =	vst v63  }
0x18b: {  	_ =	swait.ge [sflag:s29], $0x1000  }
0x18c: {  	[sflag:s29] =	ssyncset.done $0x0  }
0x18d: {  	[sflag:s29] =	ssyncadd.s32 $0xFFFFF000  }
0x18e: {  	_ =	swait.ge [sflag:s29], $0x1000  }
0x18f: {  	[sflag:s29] =	ssyncset.done $0x0  }
0x190: {  	[sflag:s29] =	ssyncadd.s32 $0xFFFFF000  }
0x191: {  	_ =	swait.ge [sflag:s29], $0x1000  }
0x192: {  	[sflag:s29] =	ssyncset.done $0x0  }
0x193: {  	[sflag:s29] =	ssyncadd.s32 $0xFFFFF000  }
0x194: {  	_ =	swait.ge [sflag:s29], $0x1000  }
0x195: {  	[sflag:s29] =	ssyncset.done $0x0  }
0x196: {  	[sflag:s29] =	ssyncadd.s32 $0xFFFFF000  }
0x197: {  	_ =	swait.ge [sflag:s29], $0x1000  }
0x198: {  	[sflag:s29] =	ssyncset.done $0x0  }
0x199: {  	[sflag:s29] =	ssyncadd.s32 $0xFFFFF000  }
0x19a: {  	_ =	swait.ge [sflag:s29], $0x1000  }
0x19b: {  	[sflag:s29] =	ssyncset.done $0x0  }
0x19c: {  	[sflag:s29] =	ssyncadd.s32 $0xFFFFF000  }
0x19d: {  	_ =	swait.ge [sflag:s29], $0x1000  }
0x19e: {  	[sflag:s29] =	ssyncset.done $0x0  }
0x19f: {  	[sflag:s29] =	ssyncadd.s32 $0xFFFFF000  }
0x1a0: {  	_ =	swait.ge [sflag:s29], $0x1000  }
0x1a1: {  	[sflag:s29] =	ssyncset.done $0x0  }
0x1a2: {  	[sflag:s29] =	ssyncadd.s32 $0xFFFFF000  }
0x1a3: {  	v2 =	vld [tilespmem:s15+$0x2];
	_ =	sdelay $0x4  }
0x1a4: {  	(v2sf) =	vpush v2, $0x0;
	_ =	sdelay $0x6  }
0x1a5: {  	(v2sf) =	vpush v2, $0x1;
	_ =	sdelay $0x7  }
0x1a6: {  	s10 =	spop (v2sf)  }
0x1a7: {  	s7 =	sand.u32 $0x7F, s10  }
0x1a8: {  	v2 =	vor.u32 s7, v0  }
0x1a9: {  	v3 =	vor.u32 s7, v1;
	_ =	sdelay $0x2  }
0x1aa: {  	s11 =	simm.s32 $0x8A00  }
0x1ab: {  	s12 =	spop (v2sf);
	v2 =	vld.idx.msk [tilespmem:v2+s11+$0x0], $0xffff  }
0x1ac: {  	s7 =	sand.u32 $0x7F, s12;
	v3 =	vld.idx.msk [tilespmem:v3+s11+$0x0], $0xffff  }
0x1ad: {  	v48 =	vor.u32 s7, v0  }
0x1ae: {  	s13 =	sadd.s32 $0x100, s14;
	v49 =	vor.u32 s7, v1  }
0x1af: {  	s16 =	sand.u32 $0x3F00, s13  }
0x1b0: {  	[tilespmem:s16+$0x18A00] =	vst v2  }
0x1b1: {  	s20 =	simm.s32 $0x9A00;
	[tilespmem:s16+$0x18A10] =	vst v3  }
0x1b2: {  	v2 =	vld.idx.msk [tilespmem:v48+s20+$0x0], $0xffff  }
0x1b3: {  	v3 =	vld.idx.msk [tilespmem:v49+s20+$0x0], $0xffff;
	_ =	sdelay $0x3  }
0x1b4: {  	[tilespmem:s16+$0x18A80] =	vst v2  }
0x1b5: {  	[tilespmem:s16+$0x18A90] =	vst v3  }
0x1b6: {  	v2 =	vld [tilespmem:s15+$0x282];
	_ =	sdelay $0x4  }
0x1b7: {  	(v2sf) =	vpush v2, $0x0;
	_ =	sdelay $0x6  }
0x1b8: {  	(v2sf) =	vpush v2, $0x1;
	_ =	sdelay $0x7  }
0x1b9: {  	s22 =	spop (v2sf)  }
0x1ba: {  	s7 =	sand.u32 $0x7F, s22  }
0x1bb: {  	v2 =	vor.u32 s7, v0  }
0x1bc: {  	v3 =	vor.u32 s7, v1;
	_ =	sdelay $0x2  }
0x1bd: {  	s23 =	simm.s32 $0xAA00  }
0x1be: {  	s6 =	spop (v2sf);
	v2 =	vld.idx.msk [tilespmem:v2+s23+$0x0], $0xffff  }
0x1bf: {  	s7 =	sand.u32 $0x7F, s6;
	v3 =	vld.idx.msk [tilespmem:v3+s23+$0x0], $0xffff  }
0x1c0: {  	v50 =	vor.u32 s7, v0  }
0x1c1: {  	v51 =	vor.u32 s7, v1;
	_ =	sdelay $0x1  }
0x1c2: {  	[tilespmem:s16+$0x18A20] =	vst v2  }
0x1c3: {  	s8 =	simm.s32 $0xBA00;
	[tilespmem:s16+$0x18A30] =	vst v3  }
0x1c4: {  	v2 =	vld.idx.msk [tilespmem:v50+s8+$0x0], $0xffff  }
0x1c5: {  	v3 =	vld.idx.msk [tilespmem:v51+s8+$0x0], $0xffff;
	_ =	sdelay $0x3  }
0x1c6: {  	[tilespmem:s16+$0x18AA0] =	vst v2  }
0x1c7: {  	[tilespmem:s16+$0x18AB0] =	vst v3  }
0x1c8: {  	v2 =	vld [tilespmem:s15+$0x502];
	_ =	sdelay $0x4  }
0x1c9: {  	(v2sf) =	vpush v2, $0x0;
	_ =	sdelay $0x6  }
0x1ca: {  	(v2sf) =	vpush v2, $0x1;
	_ =	sdelay $0x7  }
0x1cb: {  	s9 =	spop (v2sf)  }
0x1cc: {  	s7 =	sand.u32 $0x7F, s9  }
0x1cd: {  	v2 =	vor.u32 s7, v0  }
0x1ce: {  	v3 =	vor.u32 s7, v1;
	_ =	sdelay $0x2  }
0x1cf: {  	s10 =	simm.s32 $0xCA00  }
0x1d0: {  	s11 =	spop (v2sf);
	v2 =	vld.idx.msk [tilespmem:v2+s10+$0x0], $0xffff  }
0x1d1: {  	s7 =	sand.u32 $0x7F, s11;
	v3 =	vld.idx.msk [tilespmem:v3+s10+$0x0], $0xffff  }
0x1d2: {  	v52 =	vor.u32 s7, v0  }
0x1d3: {  	v53 =	vor.u32 s7, v1;
	_ =	sdelay $0x1  }
0x1d4: {  	[tilespmem:s16+$0x18A40] =	vst v2  }
0x1d5: {  	s22 =	simm.s32 $0xDA00;
	[tilespmem:s16+$0x18A50] =	vst v3  }
0x1d6: {  	v2 =	vld.idx.msk [tilespmem:v52+s22+$0x0], $0xffff  }
0x1d7: {  	v3 =	vld.idx.msk [tilespmem:v53+s22+$0x0], $0xffff;
	_ =	sdelay $0x3  }
0x1d8: {  	[tilespmem:s16+$0x18AC0] =	vst v2  }
0x1d9: {  	[tilespmem:s16+$0x18AD0] =	vst v3  }
0x1da: {  	v2 =	vld [tilespmem:s15+$0x782];
	_ =	sdelay $0x4  }
0x1db: {  	(v2sf) =	vpush v2, $0x0;
	_ =	sdelay $0x6  }
0x1dc: {  	(v2sf) =	vpush v2, $0x1;
	_ =	sdelay $0x7  }
0x1dd: {  	s23 =	spop (v2sf)  }
0x1de: {  	s7 =	sand.u32 $0x7F, s23  }
0x1df: {  	v2 =	vor.u32 s7, v0  }
0x1e0: {  	v3 =	vor.u32 s7, v1;
	_ =	sdelay $0x2  }
0x1e1: {  	s7 =	simm.s32 $0xEA00  }
0x1e2: {  	s9 =	spop (v2sf);
	v2 =	vld.idx.msk [tilespmem:v2+s7+$0x0], $0xffff  }
0x1e3: {  	v3 =	vld.idx.msk [tilespmem:v3+s7+$0x0], $0xffff;
	s7 =	sand.u32 $0x7F, s9  }
0x1e4: {  	v54 =	vor.u32 s7, v0  }
0x1e5: {  	v55 =	vor.u32 s7, v1;
	_ =	sdelay $0x1  }
0x1e6: {  	[tilespmem:s16+$0x18A60] =	vst v2  }
0x1e7: {  	s10 =	simm.s32 $0xFA00;
	[tilespmem:s16+$0x18A70] =	vst v3  }
0x1e8: {  	v2 =	vld.idx.msk [tilespmem:v54+s10+$0x0], $0xffff  }
0x1e9: {  	v3 =	vld.idx.msk [tilespmem:v55+s10+$0x0], $0xffff;
	_ =	sdelay $0x1  }
0x1ea: {  	s8 =	sadd.s32 $0xFFFFFFFE, s3  }
0x1eb: {  	s7 =	sand.u32 $0x3F, s8  }
0x1ec: {  	p1 =	sne.s32 s7, $0x3F;
	[tilespmem:s16+$0x18AE0] =	vst v2  }
0x1ed: {  	s7 =	sadd.s32 @!p1 $0x20, s2;
	s8 =	simm.s32 @!p1 $0x18A00;
	[tilespmem:s16+$0x18AF0] =	vst v3;
	s16 =	simm.s32 @!p1 $0x0  }
0x1ee: {  	[hbm4b:s7+s16] =	stream.linear.scatter @!p1 [tilespmem:s8], [sflag:$0x4], $0x4000, $0x38;
	[tilespmem:$0x1CA00] =	vst v63  }
0x1ef: {  	s7 =	simm.s32 @!p1 $0x4  }
0x1f0: {  	_ =	swait.ge @!p1 [sflag:s7], $0x4000  }
0x1f1: {  	p0 =	seq.s32 s3, $0xFF;
	[sflag:s7] =	ssyncset.done @!p1 $0x0  }
0x1f2: {  	[sflag:s7] =	ssyncadd.s32 @!p1 $0xFFFFC000;
	s7 =	sshra.s32 @!p0 s31, $0x2  }
0x1f3: {  	v2 =	vld @!p0 [tilespmem:s7+$0x8];
	_ =	sdelay $0x4  }
0x1f4: {  	(v2sf) =	vpush @!p0 v2, $0x0;
	_ =	sdelay $0x3  }
0x1f5: {  	(v2sf) =	vpush @!p0 v2, $0x1;
	_ =	sdelay $0xa  }
0x1f6: {  	s8 =	spop @!p0 (v2sf)  }
0x1f7: {  	s9 =	simm.s32 @!p0 $0x7A1400;
	s8 =	sand.u32 @!p0 $0xFFFFF80, s8  }
0x1f8: {  	s10 =	simm.s32 @!p0 $0x8A00;
	s16 =	simm.s32 @!p0 $0x400;
	s8 =	sadd.s32 @!p0 s21, s8  }
0x1f9: {  	[tilespmem:s10], [sflag:$0x2] =	stream.strided.gather @!p0 [hbm4b:s8+s16], $0x1000, s9, s16, $0x38;
	[tilespmem:$0x1CA00] =	vst v63  }
0x1fa: {  	s8 =	spop @!p0 (v2sf)  }
0x1fb: {  	s8 =	sand.u32 @!p0 $0xFFFFF80, s8  }
0x1fc: {  	s10 =	simm.s32 @!p0 $0x9A00;
	s8 =	sadd.s32 @!p0 s21, s8  }
0x1fd: {  	[tilespmem:s10], [sflag:$0x2] =	stream.strided.gather @!p0 [hbm4b:s8+s16], $0x1000, s9, s16, $0x38;
	[tilespmem:$0x1CA00] =	vst v63  }
0x1fe: {  	v2 =	vld @!p0 [tilespmem:s7+$0x288];
	_ =	sdelay $0x4  }
0x1ff: {  	(v2sf) =	vpush @!p0 v2, $0x0;
	_ =	sdelay $0x3  }
0x200: {  	(v2sf) =	vpush @!p0 v2, $0x1;
	_ =	sdelay $0xa  }
0x201: {  	s8 =	spop @!p0 (v2sf)  }
0x202: {  	s8 =	sand.u32 @!p0 $0xFFFFF80, s8  }
0x203: {  	s10 =	simm.s32 @!p0 $0xAA00;
	s8 =	sadd.s32 @!p0 s1, s8  }
0x204: {  	[tilespmem:s10], [sflag:$0x2] =	stream.strided.gather @!p0 [hbm4b:s8+s16], $0x1000, s9, s16, $0x38;
	[tilespmem:$0x1CA00] =	vst v63  }
0x205: {  	s8 =	spop @!p0 (v2sf)  }
0x206: {  	s8 =	sand.u32 @!p0 $0xFFFFF80, s8  }
0x207: {  	s10 =	simm.s32 @!p0 $0xBA00;
	s8 =	sadd.s32 @!p0 s1, s8  }
0x208: {  	[tilespmem:s10], [sflag:$0x2] =	stream.strided.gather @!p0 [hbm4b:s8+s16], $0x1000, s9, s16, $0x38;
	[tilespmem:$0x1CA00] =	vst v63  }
0x209: {  	v2 =	vld @!p0 [tilespmem:s7+$0x508];
	_ =	sdelay $0x4  }
0x20a: {  	(v2sf) =	vpush @!p0 v2, $0x0;
	_ =	sdelay $0x3  }
0x20b: {  	(v2sf) =	vpush @!p0 v2, $0x1;
	_ =	sdelay $0xa  }
0x20c: {  	s8 =	spop @!p0 (v2sf)  }
0x20d: {  	s8 =	sand.u32 @!p0 $0xFFFFF80, s8  }
0x20e: {  	s10 =	simm.s32 @!p0 $0xCA00;
	s8 =	sadd.s32 @!p0 s4, s8  }
0x20f: {  	[tilespmem:s10], [sflag:$0x2] =	stream.strided.gather @!p0 [hbm4b:s8+s16], $0x1000, s9, s16, $0x38;
	[tilespmem:$0x1CA00] =	vst v63  }
0x210: {  	s8 =	spop @!p0 (v2sf)  }
0x211: {  	s8 =	sand.u32 @!p0 $0xFFFFF80, s8  }
0x212: {  	s10 =	simm.s32 @!p0 $0xDA00;
	s8 =	sadd.s32 @!p0 s4, s8  }
0x213: {  	[tilespmem:s10], [sflag:$0x2] =	stream.strided.gather @!p0 [hbm4b:s8+s16], $0x1000, s9, s16, $0x38;
	[tilespmem:$0x1CA00] =	vst v63  }
0x214: {  	v2 =	vld @!p0 [tilespmem:s7+$0x788];
	_ =	sdelay $0x4  }
0x215: {  	(v2sf) =	vpush @!p0 v2, $0x0;
	_ =	sdelay $0x3  }
0x216: {  	(v2sf) =	vpush @!p0 v2, $0x1;
	_ =	sdelay $0xa  }
0x217: {  	s7 =	spop @!p0 (v2sf)  }
0x218: {  	s7 =	sand.u32 @!p0 $0xFFFFF80, s7  }
0x219: {  	s8 =	simm.s32 @!p0 $0xEA00;
	s7 =	sadd.s32 @!p0 s5, s7  }
0x21a: {  	[tilespmem:s8], [sflag:$0x2] =	stream.strided.gather @!p0 [hbm4b:s7+s16], $0x1000, s9, s16, $0x38;
	[tilespmem:$0x1CA00] =	vst v63  }
0x21b: {  	s7 =	spop @!p0 (v2sf)  }
0x21c: {  	s7 =	sand.u32 @!p0 $0xFFFFF80, s7  }
0x21d: {  	s8 =	simm.s32 @!p0 $0xFA00;
	s7 =	sadd.s32 @!p0 s5, s7  }
0x21e: {  	[tilespmem:s8], [sflag:$0x2] =	stream.strided.gather @!p0 [hbm4b:s7+s16], $0x1000, s9, s16, $0x38;
	[tilespmem:$0x1CA00] =	vst v63  }
0x21f: {  	_ =	swait.ge [sflag:s30], $0x1000  }
0x220: {  	[sflag:s30] =	ssyncset.done $0x0  }
0x221: {  	[sflag:s30] =	ssyncadd.s32 $0xFFFFF000  }
0x222: {  	_ =	swait.ge [sflag:s30], $0x1000  }
0x223: {  	[sflag:s30] =	ssyncset.done $0x0  }
0x224: {  	[sflag:s30] =	ssyncadd.s32 $0xFFFFF000  }
0x225: {  	_ =	swait.ge [sflag:s30], $0x1000  }
0x226: {  	[sflag:s30] =	ssyncset.done $0x0  }
0x227: {  	[sflag:s30] =	ssyncadd.s32 $0xFFFFF000  }
0x228: {  	_ =	swait.ge [sflag:s30], $0x1000  }
0x229: {  	[sflag:s30] =	ssyncset.done $0x0  }
0x22a: {  	[sflag:s30] =	ssyncadd.s32 $0xFFFFF000  }
0x22b: {  	_ =	swait.ge [sflag:s30], $0x1000  }
0x22c: {  	[sflag:s30] =	ssyncset.done $0x0  }
0x22d: {  	[sflag:s30] =	ssyncadd.s32 $0xFFFFF000  }
0x22e: {  	_ =	swait.ge [sflag:s30], $0x1000  }
0x22f: {  	[sflag:s30] =	ssyncset.done $0x0  }
0x230: {  	[sflag:s30] =	ssyncadd.s32 $0xFFFFF000  }
0x231: {  	_ =	swait.ge [sflag:s30], $0x1000  }
0x232: {  	[sflag:s30] =	ssyncset.done $0x0  }
0x233: {  	[sflag:s30] =	ssyncadd.s32 $0xFFFFF000  }
0x234: {  	_ =	swait.ge [sflag:s30], $0x1000  }
0x235: {  	[sflag:s30] =	ssyncset.done $0x0  }
0x236: {  	[sflag:s30] =	ssyncadd.s32 $0xFFFFF000  }
0x237: {  	v2 =	vld [tilespmem:s15+$0x4];
	_ =	sdelay $0x4  }
0x238: {  	(v2sf) =	vpush v2, $0x0;
	_ =	sdelay $0x6  }
0x239: {  	(v2sf) =	vpush v2, $0x1;
	_ =	sdelay $0x7  }
0x23a: {  	s9 =	spop (v2sf)  }
0x23b: {  	s7 =	sand.u32 $0x7F, s9  }
0x23c: {  	v2 =	vor.u32 s7, v0  }
0x23d: {  	v3 =	vor.u32 s7, v1;
	_ =	sdelay $0x3  }
0x23e: {  	s10 =	spop (v2sf);
	v2 =	vld.idx.msk [tilespmem:v2+s24+$0x0], $0xffff  }
0x23f: {  	s7 =	sand.u32 $0x7F, s10;
	v3 =	vld.idx.msk [tilespmem:v3+s24+$0x0], $0xffff  }
0x240: {  	v56 =	vor.u32 s7, v0  }
0x241: {  	s16 =	sadd.s32 $0x200, s14;
	v57 =	vor.u32 s7, v1  }
0x242: {  	s16 =	sand.u32 $0x3F00, s16  }
0x243: {  	[tilespmem:s16+$0x18A00] =	vst v2  }
0x244: {  	[tilespmem:s16+$0x18A10] =	vst v3  }
0x245: {  	v2 =	vld.idx.msk [tilespmem:v56+s25+$0x0], $0xffff  }
0x246: {  	v3 =	vld.idx.msk [tilespmem:v57+s25+$0x0], $0xffff;
	_ =	sdelay $0x3  }
0x247: {  	[tilespmem:s16+$0x18A80] =	vst v2  }
0x248: {  	[tilespmem:s16+$0x18A90] =	vst v3  }
0x249: {  	v2 =	vld [tilespmem:s15+$0x284];
	_ =	sdelay $0x4  }
0x24a: {  	(v2sf) =	vpush v2, $0x0;
	_ =	sdelay $0x6  }
0x24b: {  	(v2sf) =	vpush v2, $0x1;
	_ =	sdelay $0x7  }
0x24c: {  	s24 =	spop (v2sf)  }
0x24d: {  	s7 =	sand.u32 $0x7F, s24  }
0x24e: {  	v2 =	vor.u32 s7, v0  }
0x24f: {  	v3 =	vor.u32 s7, v1;
	_ =	sdelay $0x3  }
0x250: {  	s25 =	spop (v2sf);
	v2 =	vld.idx.msk [tilespmem:v2+s26+$0x0], $0xffff  }
0x251: {  	s7 =	sand.u32 $0x7F, s25;
	v3 =	vld.idx.msk [tilespmem:v3+s26+$0x0], $0xffff  }
0x252: {  	v58 =	vor.u32 s7, v0  }
0x253: {  	v59 =	vor.u32 s7, v1;
	_ =	sdelay $0x1  }
0x254: {  	[tilespmem:s16+$0x18A20] =	vst v2  }
0x255: {  	[tilespmem:s16+$0x18A30] =	vst v3  }
0x256: {  	v2 =	vld.idx.msk [tilespmem:v58+s28+$0x0], $0xffff  }
0x257: {  	v3 =	vld.idx.msk [tilespmem:v59+s28+$0x0], $0xffff;
	_ =	sdelay $0x3  }
0x258: {  	[tilespmem:s16+$0x18AA0] =	vst v2  }
0x259: {  	[tilespmem:s16+$0x18AB0] =	vst v3  }
0x25a: {  	v2 =	vld [tilespmem:s15+$0x504];
	_ =	sdelay $0x4  }
0x25b: {  	(v2sf) =	vpush v2, $0x0;
	_ =	sdelay $0x6  }
0x25c: {  	(v2sf) =	vpush v2, $0x1;
	_ =	sdelay $0x7  }
0x25d: {  	s28 =	spop (v2sf)  }
0x25e: {  	s7 =	sand.u32 $0x7F, s28  }
0x25f: {  	v2 =	vor.u32 s7, v0  }
0x260: {  	v3 =	vor.u32 s7, v1;
	_ =	sdelay $0x3  }
0x261: {  	s8 =	spop (v2sf);
	v2 =	vld.idx.msk [tilespmem:v2+s0+$0x0], $0xffff  }
0x262: {  	s7 =	sand.u32 $0x7F, s8;
	v3 =	vld.idx.msk [tilespmem:v3+s0+$0x0], $0xffff  }
0x263: {  	v60 =	vor.u32 s7, v0  }
0x264: {  	v61 =	vor.u32 s7, v1;
	_ =	sdelay $0x1  }
0x265: {  	[tilespmem:s16+$0x18A40] =	vst v2  }
0x266: {  	s9 =	simm.s32 $0x15A00;
	[tilespmem:s16+$0x18A50] =	vst v3  }
0x267: {  	v2 =	vld.idx.msk [tilespmem:v60+s9+$0x0], $0xffff  }
0x268: {  	v3 =	vld.idx.msk [tilespmem:v61+s9+$0x0], $0xffff;
	_ =	sdelay $0x3  }
0x269: {  	[tilespmem:s16+$0x18AC0] =	vst v2  }
0x26a: {  	[tilespmem:s16+$0x18AD0] =	vst v3  }
0x26b: {  	v2 =	vld [tilespmem:s15+$0x784];
	_ =	sdelay $0x4  }
0x26c: {  	(v2sf) =	vpush v2, $0x0;
	_ =	sdelay $0x6  }
0x26d: {  	(v2sf) =	vpush v2, $0x1;
	_ =	sdelay $0x7  }
0x26e: {  	s10 =	spop (v2sf)  }
0x26f: {  	s7 =	sand.u32 $0x7F, s10  }
0x270: {  	v2 =	vor.u32 s7, v0  }
0x271: {  	v3 =	vor.u32 s7, v1;
	_ =	sdelay $0x2  }
0x272: {  	s24 =	simm.s32 $0x16A00  }
0x273: {  	s25 =	spop (v2sf);
	v2 =	vld.idx.msk [tilespmem:v2+s24+$0x0], $0xffff  }
0x274: {  	s7 =	sand.u32 $0x7F, s25;
	v3 =	vld.idx.msk [tilespmem:v3+s24+$0x0], $0xffff  }
0x275: {  	v62 =	vor.u32 s7, v0  }
0x276: {  	v63 =	vor.u32 s7, v1;
	_ =	sdelay $0x1  }
0x277: {  	[tilespmem:s16+$0x18A60] =	vst v2  }
0x278: {  	s26 =	simm.s32 $0x17A00;
	[tilespmem:s16+$0x18A70] =	vst v3  }
0x279: {  	v2 =	vld.idx.msk [tilespmem:v62+s26+$0x0], $0xffff  }
0x27a: {  	v3 =	vld.idx.msk [tilespmem:v63+s26+$0x0], $0xffff;
	_ =	sdelay $0x1  }
0x27b: {  	s13 =	simm.s32 $0xAA00;
	s28 =	sadd.s32 $0xFFFFFFFF, s3  }
0x27c: {  	s12 =	simm.s32 $0x9A00;
	s20 =	simm.s32 $0xBA00;
	s7 =	sand.u32 $0x3F, s28  }
0x27d: {  	s6 =	simm.s32 $0xCA00;
	s11 =	simm.s32 $0xDA00;
	p1 =	sne.s32 s7, $0x3F;
	[tilespmem:s16+$0x18AE0] =	vst v2  }
0x27e: {  	s7 =	sadd.s32 @!p1 $0x40, s2;
	s8 =	simm.s32 @!p1 $0x0;
	s9 =	simm.s32 @!p1 $0x18A00;
	[tilespmem:s16+$0x18AF0] =	vst v3  }
0x27f: {  	[hbm4b:s7+s8] =	stream.linear.scatter @!p1 [tilespmem:s9], [sflag:$0x4], $0x4000, $0x38;
	[tilespmem:$0x1CA00] =	vst v63  }
.Ltmp2:
0x280: {  	s22 =	simm.s32 $0xEA00;
	s23 =	simm.s32 $0xFA00;
	(pc) =	sbr.rel @p0 .LBB2_4-.Ltmp2, $4  }
0x281: {  	s0 =	simm.s32 $0x14A00;
	s10 =	simm.s32 $0x12A00;
	s7 =	simm.s32 @!p1 $0x4  }
0x282: {  	s25 =	simm.s32 $0x16A00;
	s24 =	simm.s32 $0x15A00;
	_ =	swait.ge @!p1 [sflag:s7], $0x4000  }
0x283: {  	s26 =	simm.s32 $0x17A00;
	s16 =	simm.s32 $0x13A00;
	[sflag:s7] =	ssyncset.done @!p1 $0x0  }
0x284: {  	s8 =	simm.s32 $0x10A00;
	s9 =	simm.s32 $0x11A00;
	[sflag:s7] =	ssyncadd.s32 @!p1 $0xFFFFC000  }
0x285: {  	v2 =	vld [tilespmem:s15+$0xA];
	_ =	sdelay $0x4  }
0x286: {  	(v2sf) =	vpush v2, $0x0;
	_ =	sdelay $0x1  }
0x287: {  	(v2sf) =	vpush v2, $0x1;
	_ =	sdelay $0xc  }
0x288: {  	s7 =	spop (v2sf)  }
0x289: {  	s7 =	sand.u32 $0xFFFFF80, s7  }
0x28a: {  	s12 =	spop (v2sf);
	s7 =	sadd.s32 s21, s7  }
0x28b: {  	[tilespmem:s8], [sflag:$0x3] =	stream.strided.gather [hbm4b:s7+s18], $0x1000, s19, s18, $0x38;
	[tilespmem:$0x1CA00] =	vst v63  }
0x28c: {  	s7 =	sand.u32 $0xFFFFF80, s12  }
0x28d: {  	s7 =	sadd.s32 s21, s7  }
0x28e: {  	[tilespmem:s9], [sflag:$0x3] =	stream.strided.gather [hbm4b:s7+s18], $0x1000, s19, s18, $0x38;
	[tilespmem:$0x1CA00] =	vst v63  }
0x28f: {  	v2 =	vld [tilespmem:s15+$0x28A];
	_ =	sdelay $0x4  }
0x290: {  	(v2sf) =	vpush v2, $0x0;
	_ =	sdelay $0x1  }
0x291: {  	(v2sf) =	vpush v2, $0x1;
	_ =	sdelay $0xc  }
0x292: {  	s13 =	spop (v2sf)  }
0x293: {  	s7 =	sand.u32 $0xFFFFF80, s13  }
0x294: {  	s20 =	spop (v2sf);
	s7 =	sadd.s32 s1, s7  }
0x295: {  	[tilespmem:s10], [sflag:$0x3] =	stream.strided.gather [hbm4b:s7+s18], $0x1000, s19, s18, $0x38;
	[tilespmem:$0x1CA00] =	vst v63  }
0x296: {  	s7 =	sand.u32 $0xFFFFF80, s20  }
0x297: {  	s7 =	sadd.s32 s1, s7  }
0x298: {  	[tilespmem:s16], [sflag:$0x3] =	stream.strided.gather [hbm4b:s7+s18], $0x1000, s19, s18, $0x38;
	[tilespmem:$0x1CA00] =	vst v63  }
0x299: {  	v2 =	vld [tilespmem:s15+$0x50A];
	_ =	sdelay $0x4  }
0x29a: {  	(v2sf) =	vpush v2, $0x0;
	_ =	sdelay $0x1  }
0x29b: {  	(v2sf) =	vpush v2, $0x1;
	_ =	sdelay $0xc  }
0x29c: {  	s22 =	spop (v2sf)  }
0x29d: {  	s7 =	sand.u32 $0xFFFFF80, s22  }
0x29e: {  	s23 =	spop (v2sf);
	s7 =	sadd.s32 s4, s7  }
0x29f: {  	[tilespmem:s0], [sflag:$0x3] =	stream.strided.gather [hbm4b:s7+s18], $0x1000, s19, s18, $0x38;
	[tilespmem:$0x1CA00] =	vst v63  }
0x2a0: {  	s7 =	sand.u32 $0xFFFFF80, s23  }
0x2a1: {  	s7 =	sadd.s32 s4, s7  }
0x2a2: {  	[tilespmem:s24], [sflag:$0x3] =	stream.strided.gather [hbm4b:s7+s18], $0x1000, s19, s18, $0x38;
	[tilespmem:$0x1CA00] =	vst v63  }
0x2a3: {  	v2 =	vld [tilespmem:s15+$0x78A];
	_ =	sdelay $0x4  }
0x2a4: {  	(v2sf) =	vpush v2, $0x0;
	_ =	sdelay $0x3  }
0x2a5: {  	(v2sf) =	vpush v2, $0x1;
	_ =	sdelay $0xa  }
0x2a6: {  	s24 =	spop (v2sf)  }
0x2a7: {  	s14 =	sadd.s32 $0x300, s14;
	s3 =	sadd.s32 $0x3, s3;
	s7 =	sand.u32 $0xFFFFF80, s24  }
0x2a8: {  	s2 =	sadd.s32 $0x60, s2;
	s31 =	sadd.s32 $0x18, s31;
	s7 =	sadd.s32 s5, s7  }
0x2a9: {  	[tilespmem:s25], [sflag:$0x3] =	stream.strided.gather [hbm4b:s7+s18], $0x1000, s19, s18, $0x38;
	[tilespmem:$0x1CA00] =	vst v63  }
.Ltmp3:
0x2aa: {  	s28 =	simm.s32 $0x13A00;
	s25 =	spop (v2sf);
	(pc) =	sbr.rel .LBB2_2-.Ltmp3, $4  }
0x2ab: {  	s8 =	simm.s32 $0xA00;
	s9 =	simm.s32 $0x1A00;
	s7 =	sand.u32 $0xFFFFF80, s25  }
0x2ac: {  	s10 =	simm.s32 $0x2A00;
	s0 =	simm.s32 $0x14A00;
	s7 =	sadd.s32 s5, s7  }
0x2ad: {  	[tilespmem:s26], [sflag:$0x3] =	stream.strided.gather [hbm4b:s7+s18], $0x1000, s19, s18, $0x38;
	[tilespmem:$0x1CA00] =	vst v63  }
0x2ae: {  	s24 =	simm.s32 $0x10A00;
	s25 =	simm.s32 $0x11A00;
	s26 =	simm.s32 $0x12A00  }
.LBB2_5:
0x2af: {  	_ =	sfence.sel $0x180000  }
0x2b0: {  	[bflag:$0x0] =	sbarrier.arrive $0xFFFF  }
0x2b1: {  	_ =	strace $0x90000047  }
0x2b2: {  	s0 =	stileid.u32;
	[bflag:$0x2] =	sbarrier.arrive $0xFFFF  }
0x2b3: {  	p0 =	sne.s32 s0, $0x0;
	s0 =	rddreg [dreg:$0x6]  }
0x2b4: {  	s0 =	sadd.s32 @!p0 $0x100000, s0  }
0x2b5: {  	[sflag:s0] =	ssyncadd.tile.s32 @!p0 $0x1;
	_ =	shalt  }
.Lfunc_end2:
_tile_overlayer_lowered:
.L_overlay_start_2:
0x2b6: {  	(tag) =	ssettag $0x2  }
0x2b7: {  	s0 =	rddreg [dreg:$0x0];
	s2 =	stileid.u32  }
0x2b8: {  	s1 =	rddreg [dreg:$0x1];
	p0 =	sne.s32 s2, $0x0  }
0x2b9: {  	s3 =	rddreg [dreg:$0x2];
	[bflag:$0x3] =	sbarrier.arrive $0xFFFF;
	s2 =	simm.s32 @!p0 $0x1C04  }
0x2ba: {  	[timem:s3], [sflag:s2] =	dma.local @!p0 [hbm:s0], s1  }
0x2bb: {  	s0 =	simm.s32 @!p0 $0x4  }
0x2bc: {  	_ =	swait.ge @!p0 [sflag:s0], s1  }
0x2bd: {  	s1 =	ssub.s32 @!p0 $0x0, s1;
	[sflag:s0] =	ssyncset.done @!p0 $0x0  }
0x2be: {  	[sflag:s0] =	ssyncadd.s32 @!p0 s1  }
0x2bf: {  	[bflag:$0x3] =	sbarrier.arrive $0xFFFF  }
0x2c0: {  	_ =	shalt  }

</sc_bundles>
